<compile_context>
chip_gen: v7x
topology: tpu7x:2x2x1
jax: 0.10.2.dev20260603
libtpu: 0.0.44.dev20260713+nightly
codegen_flags: <defaults>
</compile_context>

<pallas_src>
import functools

import jax
import jax.numpy as jnp
from jax import lax
from jax.experimental import pallas as pl
from jax.experimental.pallas import tpu as pltpu
from jax.experimental.pallas import tpu_sc as plsc

N = 10000
E = 320000
D_IN = 128
D_HID = 256

NC = 2
NS = 16
NW = NC * NS

CH = 128
NCH = E // CH
SS = 16
SST = (NCH + SS - 1) // SS
SPW = SST // NW
EXTRA = SST % NW
NCH_PAD = SST * SS

NP = 10240
RPT = NP // NS

_mesh = plsc.VectorSubcoreMesh(core_axis_name="c", subcore_axis_name="s")


def _worker_id():
    c = lax.axis_index("c")
    s = lax.axis_index("s")
    return c, s, s * NC + c


SPW1 = SST // NS
EXTRA1 = SST % NS


def _zero_rows(rows):
    def body(i, _):
        rows[i // 8, pl.ds((i % 8) * 16, 16)] = jnp.zeros((16,), jnp.float32)
        return 0
    lax.fori_loop(0, CH * 8, body, 0)


def _fill_ones(ones):
    def body(i, _):
        ones[i // 8, pl.ds((i % 8) * 16, 16)] = jnp.ones((16,), jnp.float32)
        return 0
    lax.fori_loop(0, CH * 8, body, 0)


def _zero_acc(rows, acc, t):
    for k in range(RPT // CH):
        pltpu.sync_copy(rows, acc.at[pl.ds(t * RPT + k * CH, CH)])


def _edge_loop(tab_hbm, srcp_hbm, dstp_hbm, src_idx, dst_idx,
               rows_a, rows_b, acc, sem_a, sem_b, w):
    start_ss = w * SPW + jnp.minimum(w, EXTRA)
    n_ss = jnp.where(w < EXTRA, SPW + 1, SPW)

    def _wait(buf, sem):
        pltpu.make_async_copy(tab_hbm.at[src_idx.at[0]], buf, sem).wait()

    def ss_body(si, _):
        ssi = start_ss + si
        pltpu.sync_copy(srcp_hbm.at[ssi], src_idx)
        pltpu.sync_copy(dstp_hbm.at[ssi], dst_idx)
        pltpu.async_copy(tab_hbm.at[src_idx.at[0]], rows_a, sem_a)

        def pair_body(jj, _):
            j0 = 2 * jj
            _wait(rows_a, sem_a)
            pltpu.async_copy(tab_hbm.at[src_idx.at[j0 + 1]], rows_b, sem_b)
            pltpu.sync_copy(rows_a, acc.at[dst_idx.at[j0]], add=True)
            _wait(rows_b, sem_b)
            nxt = jnp.minimum(j0 + 2, SS - 1)
            pltpu.async_copy(tab_hbm.at[src_idx.at[nxt]], rows_a, sem_a)
            pltpu.sync_copy(rows_b, acc.at[dst_idx.at[j0 + 1]], add=True)
            return 0

        lax.fori_loop(0, SS // 2, pair_body, 0)
        _wait(rows_a, sem_a)
        return 0

    lax.fori_loop(0, n_ss, ss_body, 0)


def _write_out(acc, out_hbm, base, t):
    pltpu.sync_copy(acc.at[pl.ds(t * RPT, RPT)],
                    out_hbm.at[pl.ds(base + t * RPT, RPT)])


def _cnt_loop(dstp_hbm, dst_idx, rows, acc, w):
    start_ss = w * SPW + jnp.minimum(w, EXTRA)
    n_ss = jnp.where(w < EXTRA, SPW + 1, SPW)

    def ss_body(si, _):
        ssi = start_ss + si
        pltpu.sync_copy(dstp_hbm.at[ssi], dst_idx)

        def ch_body(j, _):
            pltpu.sync_copy(rows, acc.at[dst_idx.at[j]], add=True)
            return 0

        lax.fori_loop(0, SS, ch_body, 0)
        return 0

    lax.fori_loop(0, n_ss, ss_body, 0)


@functools.partial(
    pl.kernel,
    mesh=_mesh,
    out_type=[
        jax.ShapeDtypeStruct((NC * NP, D_IN), jnp.float32),
        jax.ShapeDtypeStruct((NC * NP, D_IN), jnp.float32),
    ],
    scratch_types=[
        pltpu.VMEM((SS, CH), jnp.int32),
        pltpu.VMEM((SS, CH), jnp.int32),
        pltpu.VMEM((CH, D_IN), jnp.float32),
        pltpu.VMEM((CH, D_IN), jnp.float32),
        pltpu.VMEM_SHARED((NP, D_IN), jnp.float32),
        pltpu.SemaphoreType.DMA,
        pltpu.SemaphoreType.DMA,
    ],
)
def _sc_layer1(x_hbm, srcp_hbm, dstp_hbm, agg_out, cnt_out,
               src_idx, dst_idx, rows_a, rows_b, acc, sem_a, sem_b):
    c, t, w = _worker_id()
    _zero_rows(rows_a)
    _zero_acc(rows_a, acc, t)
    plsc.subcore_barrier()
    _edge_loop(x_hbm, srcp_hbm, dstp_hbm, src_idx, dst_idx,
               rows_a, rows_b, acc, sem_a, sem_b, w)
    plsc.subcore_barrier()
    _write_out(acc, agg_out, c * NP, t)
    plsc.subcore_barrier()
    _zero_rows(rows_a)
    _zero_acc(rows_a, acc, t)
    _fill_ones(rows_a)
    plsc.subcore_barrier()
    _cnt_loop(dstp_hbm, dst_idx, rows_a, acc, w)
    plsc.subcore_barrier()
    _write_out(acc, cnt_out, c * NP, t)


@functools.partial(
    pl.kernel,
    mesh=_mesh,
    out_type=jax.ShapeDtypeStruct((2 * NC * NP, D_IN), jnp.float32),
    scratch_types=[
        pltpu.VMEM((SS, CH), jnp.int32),
        pltpu.VMEM((SS, CH), jnp.int32),
        pltpu.VMEM((CH, D_IN), jnp.float32),
        pltpu.VMEM((CH, D_IN), jnp.float32),
        pltpu.VMEM_SHARED((NP, D_IN), jnp.float32),
        pltpu.SemaphoreType.DMA,
        pltpu.SemaphoreType.DMA,
    ],
)
def _sc_layer2(h0_hbm, h1_hbm, srcp_hbm, dstp_hbm, agg_out,
               src_idx, dst_idx, rows_a, rows_b, acc, sem_a, sem_b):
    c, t, w = _worker_id()
    for half, tab in ((0, h0_hbm), (1, h1_hbm)):
        _zero_rows(rows_a)
        _zero_acc(rows_a, acc, t)
        plsc.subcore_barrier()
        _edge_loop(tab, srcp_hbm, dstp_hbm, src_idx, dst_idx,
                   rows_a, rows_b, acc, sem_a, sem_b, w)
        plsc.subcore_barrier()
        _write_out(acc, agg_out, (half * NC + c) * NP, t)
        plsc.subcore_barrier()


def _dg_t(a, w):
    return lax.dot_general(a, w, (((1,), (1,)), ((), ())),
                           preferred_element_type=jnp.float32)


M_BLK = 1000
M_GRID = N // M_BLK


def _tc1_body(agg_ref, cnt_ref, x_ref, wl_ref, b_ref, wr_ref, o_ref):
    cnt = jnp.maximum(cnt_ref[0, :, 0:1] + cnt_ref[1, :, 0:1], 1.0)
    mean = (agg_ref[0] + agg_ref[1]) / cnt
    out = _dg_t(mean, wl_ref[...]) + _dg_t(x_ref[...], wr_ref[...])
    o_ref[0] = jnp.maximum(out + b_ref[0], 0.0)


def _tc_dense1(agg, cnt, x, W1_l, b1, W1_r):
    return pl.pallas_call(
        _tc1_body,
        grid=(M_GRID, 2),
        in_specs=[
            pl.BlockSpec((2, M_BLK, D_IN), lambda i, j: (0, i, 0)),
            pl.BlockSpec((2, M_BLK, D_IN), lambda i, j: (0, i, 0)),
            pl.BlockSpec((M_BLK, D_IN), lambda i, j: (i, 0)),
            pl.BlockSpec((128, D_IN), lambda i, j: (j, 0)),
            pl.BlockSpec((1, 1, 128), lambda i, j: (j, 0, 0)),
            pl.BlockSpec((128, D_IN), lambda i, j: (j, 0)),
        ],
        out_specs=pl.BlockSpec((1, M_BLK, 128), lambda i, j: (j, i, 0)),
        out_shape=jax.ShapeDtypeStruct((2, N, 128), jnp.float32),
    )(agg, cnt, x, W1_l, b1, W1_r)


def _tc2_body(agg_ref, cnt_ref, h_ref, wl_ref, b_ref, wr_ref, o_ref):
    cnt = jnp.maximum(cnt_ref[0, :, 0:1] + cnt_ref[1, :, 0:1], 1.0)
    m0 = (agg_ref[0, 0] + agg_ref[0, 1]) / cnt
    m1 = (agg_ref[1, 0] + agg_ref[1, 1]) / cnt
    out = (_dg_t(m0, wl_ref[:, 0:128]) + _dg_t(m1, wl_ref[:, 128:256])
           + _dg_t(h_ref[0], wr_ref[:, 0:128]) + _dg_t(h_ref[1], wr_ref[:, 128:256]))
    o_ref[...] = out + b_ref[...]


def _tc_dense2(agg2, cnt, h, W2_l, b2, W2_r):
    return pl.pallas_call(
        _tc2_body,
        grid=(M_GRID,),
        in_specs=[
            pl.BlockSpec((2, 2, M_BLK, D_IN), lambda i: (0, 0, i, 0)),
            pl.BlockSpec((2, M_BLK, D_IN), lambda i: (0, i, 0)),
            pl.BlockSpec((2, M_BLK, 128), lambda i: (0, i, 0)),
            pl.BlockSpec((D_HID, D_HID), lambda i: (0, 0)),
            pl.BlockSpec((1, D_HID), lambda i: (0, 0)),
            pl.BlockSpec((D_HID, D_HID), lambda i: (0, 0)),
        ],
        out_specs=pl.BlockSpec((M_BLK, D_HID), lambda i: (i, 0)),
        out_shape=jax.ShapeDtypeStruct((N, D_HID), jnp.float32),
    )(agg2, cnt, h, W2_l, b2, W2_r)


def kernel(x, edge_index, W1_l, b1_l, W1_r, W2_l, b2_l, W2_r):
    src = edge_index[0].astype(jnp.int32)
    dst = edge_index[1].astype(jnp.int32)
    npad = NCH_PAD * CH - E
    pad_i = jnp.arange(npad, dtype=jnp.int32)
    srcp = jnp.concatenate([src, (pad_i * 97) % N]).reshape(SST, SS, CH)
    dstp = jnp.concatenate([dst, N + pad_i % (NP - N)]).reshape(SST, SS, CH)

    agg1_f, cnt_f = _sc_layer1(x, srcp, dstp)
    agg1 = agg1_f.reshape(NC, NP, D_IN)
    cnt = cnt_f.reshape(NC, NP, D_IN)

    h = _tc_dense1(agg1, cnt, x, W1_l, b1_l.reshape(2, 1, 128), W1_r)

    agg2_f = _sc_layer2(h[0], h[1], srcp, dstp)
    agg2 = agg2_f.reshape(2, NC, NP, D_IN)

    return _tc_dense2(agg2, cnt, h, W2_l, b2_l.reshape(1, D_HID), W2_r)

# --- scband reference (transcript-rebuilt; emitter-appended) ---
"""Pipeline reference for scband-graph-sageencoder-11338713662166 (READ-ONLY COPY).

The authoritative reference and input builder live on the scoring server;
editing this copy changes nothing except your own understanding.
"""

import jax, jax.numpy as jnp
import numpy as np

N_NODES = 10000
N_EDGES = 320000
D_IN = 128
D_HID = 256


def _glorot(key, shape):
    fan_in, fan_out = shape[1], shape[0]
    limit = np.sqrt(6.0 / (fan_in + fan_out))
    return jax.random.uniform(key, shape, dtype=jnp.float32, minval=-limit, maxval=limit)


def setup_inputs(seed: int = 0) -> dict:
    key = jax.random.key(seed)
    ks = jax.random.split(key, 8)
    x = jax.random.normal(ks[0], (N_NODES, D_IN), dtype=jnp.float32)
    edge_index = jax.random.randint(ks[1], (2, N_EDGES), 0, N_NODES, dtype=jnp.int64)
    # SAGEConv layer 1: lin_l (neighbor, with bias), lin_r (root, no bias)
    W1_l = _glorot(ks[2], (D_HID, D_IN))
    b1_l = jnp.zeros((D_HID,), dtype=jnp.float32)
    W1_r = _glorot(ks[3], (D_HID, D_IN))
    # SAGEConv layer 2
    W2_l = _glorot(ks[4], (D_HID, D_HID))
    b2_l = jnp.zeros((D_HID,), dtype=jnp.float32)
    W2_r = _glorot(ks[5], (D_HID, D_HID))
    return {"x": x, "edge_index": edge_index, "W1_l": W1_l, "b1_l": b1_l,
            "W1_r": W1_r, "W2_l": W2_l, "b2_l": b2_l, "W2_r": W2_r}


def _sage_conv(x, edge_index, W_l, b_l, W_r):
    # PyG SAGEConv with mean aggregation:
    # out_i = W_l @ mean_{j in N(i)} x_j + b_l + W_r @ x_i
    src = edge_index[0]
    dst = edge_index[1]
    msgs = jnp.take(x, src, axis=0)                      # gather source features
    agg = jax.ops.segment_sum(msgs, dst, num_segments=N_NODES)
    cnt = jax.ops.segment_sum(jnp.ones((msgs.shape[0],), dtype=x.dtype), dst,
                              num_segments=N_NODES)
    mean = agg / jnp.clip(cnt, 1.0, None)[:, None]
    return mean @ W_l.T + b_l + x @ W_r.T


def reference(x, edge_index, W1_l, b1_l, W1_r, W2_l, b2_l, W2_r):
    h = _sage_conv(x, edge_index, W1_l, b1_l, W1_r)
    h = jax.nn.relu(h)
    out = _sage_conv(h, edge_index, W2_l, b2_l, W2_r)
    return out

if __name__ == "__main__":
    import jax
    _d = setup_inputs()
    print(jax.jit(kernel)(*tuple(_d.values())))

</pallas_src>

<mosaic_0001>
#map = affine_map<(d0, d1) -> (0, 0)>
#map1 = affine_map<(d0, d1) -> (0, 0, 0)>
module attributes {stable_mosaic.version = 14 : i64} {
  func.func @_sc_layer1(%arg0: i32, %arg1: i32, %arg2: memref<10000x128xf32, #tpu.memory_space<hbm>>, %arg3: memref<157x16x128xi32, #tpu.memory_space<hbm>>, %arg4: memref<157x16x128xi32, #tpu.memory_space<hbm>>, %arg5: memref<20480x128xf32, #tpu.memory_space<hbm>>, %arg6: memref<20480x128xf32, #tpu.memory_space<hbm>>, %arg7: memref<16x128xi32, #tpu.memory_space<vmem>>, %arg8: memref<16x128xi32, #tpu.memory_space<vmem>>, %arg9: memref<128x128xf32, #tpu.memory_space<vmem>>, %arg10: memref<128x128xf32, #tpu.memory_space<vmem>>, %arg11: memref<10240x128xf32, #tpu.memory_space<vmem_shared>>, %arg12: memref<!tpu.dma_semaphore, #tpu.memory_space<semaphore_mem>>, %arg13: memref<!tpu.dma_semaphore, #tpu.memory_space<semaphore_mem>>) attributes {dimension_semantics = [#tpu.dimension_semantics<core_parallel>, #tpu.dimension_semantics<subcore_parallel>], iteration_bounds = array<i64: 2, 16>, scalar_prefetch = 0 : i64, scratch_operands = 7 : i64, tpu.core_type = #tpu.core_type<sc_vector_subcore>, window_params = [{transform_indices = #map}, {transform_indices = #map1}, {transform_indices = #map1}, {transform_indices = #map}, {transform_indices = #map}]} {
    %mul3A = arith.constant 2 : i32
    %mul3A_0 = arith.muli %arg1, %mul3A : i32
    %add3A = arith.addi %mul3A_0, %arg0 : i32
    %scan3A = arith.constant 0 : i32
    %scan3A_1 = arith.constant 0 : i32
    %scan3A_2 = arith.constant 1024 : i32
    %scan3A_3 = arith.addi %scan3A_1, %scan3A_2 : i32
    %scan3A_4 = arith.constant 1 : i32
    %scan3A_5 = scf.for %scan3A_118 = %scan3A_1 to %scan3A_3 step %scan3A_4 iter_args(%scan3A_119 = %scan3A) -> (i32)  : i32 {
      %broadcast_in_dim3A = arith.constant 0.000000e+00 : f32
      %broadcast_in_dim3A_120 = vector.broadcast %broadcast_in_dim3A : f32 to vector<16xf32>
      %jit3A_121 = arith.constant 8 : i32
      %div3A = arith.divsi %scan3A_118, %jit3A_121 : i32
      %sign3A = arith.constant 0 : i32
      %sign3A_122 = arith.cmpi sgt, %scan3A_118, %sign3A : i32
      %sign3A_123 = arith.extui %sign3A_122 : i1 to i32
      %sign3A_124 = arith.constant 0 : i32
      %sign3A_125 = arith.cmpi slt, %scan3A_118, %sign3A_124 : i32
      %sign3A_126 = arith.extui %sign3A_125 : i1 to i32
      %sign3A_127 = arith.subi %sign3A_123, %sign3A_126 : i32
      %sign3A_128 = arith.constant 0 : i32
      %sign3A_129 = arith.cmpi sgt, %jit3A_121, %sign3A_128 : i32
      %sign3A_130 = arith.extui %sign3A_129 : i1 to i32
      %sign3A_131 = arith.constant 0 : i32
      %sign3A_132 = arith.cmpi slt, %jit3A_121, %sign3A_131 : i32
      %sign3A_133 = arith.extui %sign3A_132 : i1 to i32
      %sign3A_134 = arith.subi %sign3A_130, %sign3A_133 : i32
      %ne3A = arith.cmpi ne, %sign3A_127, %sign3A_134 : i32
      %rem3A = arith.remsi %scan3A_118, %jit3A_121 : i32
      %ne3A_135 = arith.constant 0 : i32
      %ne3A_136 = arith.cmpi ne, %rem3A, %ne3A_135 : i32
      %and3A = arith.andi %ne3A, %ne3A_136 : i1
      %sub3A = arith.constant 1 : i32
      %sub3A_137 = arith.subi %div3A, %sub3A : i32
      %select_n3A_138 = arith.select %and3A, %sub3A_137, %div3A : i32
      %jit3A_139 = arith.constant 8 : i32
      %eq3A = arith.constant 0 : i32
      %eq3A_140 = arith.cmpi eq, %jit3A_139, %eq3A : i32
      %jit3A_141 = arith.constant 1 : i32
      %select_n3A_142 = arith.select %eq3A_140, %jit3A_141, %jit3A_139 : i32
      %rem3A_143 = arith.remsi %scan3A_118, %select_n3A_142 : i32
      %ne3A_144 = arith.constant 0 : i32
      %ne3A_145 = arith.cmpi ne, %rem3A_143, %ne3A_144 : i32
      %lt3A_146 = arith.constant 0 : i32
      %lt3A_147 = arith.cmpi slt, %rem3A_143, %lt3A_146 : i32
      %lt3A_148 = arith.constant 0 : i32
      %lt3A_149 = arith.cmpi slt, %select_n3A_142, %lt3A_148 : i32
      %ne3A_150 = arith.xori %lt3A_147, %lt3A_149 : i1
      %and3A_151 = arith.andi %ne3A_150, %ne3A_145 : i1
      %add3A_152 = arith.addi %rem3A_143, %select_n3A_142 : i32
      %select_n3A_153 = arith.select %and3A_151, %add3A_152, %rem3A_143 : i32
      %mul3A_154 = arith.constant 16 : i32
      %mul3A_155 = arith.muli %select_n3A_153, %mul3A_154 : i32
      %swap3A = arith.index_cast %select_n3A_138 : i32 to index
      %swap3A_156 = arith.index_cast %mul3A_155 : i32 to index
      %swap3A_157 = tpu.vector_load %arg9[%swap3A, %swap3A_156] {strides = array<i32>} : memref<128x128xf32, #tpu.memory_space<vmem>>, vector<1x16xf32>,
      %swap3A_158 = vector.shape_cast %swap3A_157 : vector<1x16xf32> to vector<16xf32>
      %swap3A_159 = vector.shape_cast %broadcast_in_dim3A_120 : vector<16xf32> to vector<1x16xf32>
      tpu.vector_store %arg9[%swap3A, %swap3A_156], %swap3A_159 {strides = array<i32>} : memref<128x128xf32, #tpu.memory_space<vmem>>, vector<1x16xf32>,
      %scan3A_160 = arith.constant 0 : i32
      scf.yield %scan3A_160 : i32
    }
    %scan3A_6 = arith.constant 1024 : i32
    %mul3A_7 = arith.constant 640 : i32
    %mul3A_8 = arith.muli %arg1, %mul3A_7 : i32
    %add3A_9 = arith.constant 0 : i32
    %add3A_10 = arith.addi %mul3A_8, %add3A_9 : i32
    "tpu.region"() ({
      %run_scoped3A = tpu.sem_alloc : memref<!tpu.dma_semaphore, #tpu.memory_space<semaphore_mem>>
      %dma_start3A = arith.constant 0 : i32
      %dma_start3A_118 = tpu.memref_slice %arg11[%add3A_10, %dma_start3A] : memref<10240x128xf32, #tpu.memory_space<vmem_shared>> -> memref<128x128xf32, #tpu.memory_space<vmem_shared>>
      %dma_start3A_119 = arith.constant 0 : i32
      %dma_start3A_120 = tpu.memref_slice %arg11[%add3A_10, %dma_start3A_119] : memref<10240x128xf32, #tpu.memory_space<vmem_shared>> -> memref<128x128xf32, #tpu.memory_space<vmem_shared>>
      tpu.enqueue_dma source(%arg9 : memref<128x128xf32, #tpu.memory_space<vmem>>) target(%dma_start3A_120 : memref<128x128xf32, #tpu.memory_space<vmem_shared>>) target_semaphore(%run_scoped3A : memref<!tpu.dma_semaphore, #tpu.memory_space<semaphore_mem>>)
      %dma_wait3A = arith.constant 0 : i32
      %dma_wait3A_121 = tpu.memref_slice %arg11[%add3A_10, %dma_wait3A] : memref<10240x128xf32, #tpu.memory_space<vmem_shared>> -> memref<128x128xf32, #tpu.memory_space<vmem_shared>>
      %dma_wait3A_122 = arith.constant 0 : i32
      %dma_wait3A_123 = tpu.memref_slice %arg11[%add3A_10, %dma_wait3A_122] : memref<10240x128xf32, #tpu.memory_space<vmem_shared>> -> memref<128x128xf32, #tpu.memory_space<vmem_shared>>
      tpu.wait_dma2 semaphore(%run_scoped3A : memref<!tpu.dma_semaphore, #tpu.memory_space<semaphore_mem>>) src(%arg9 : memref<128x128xf32, #tpu.memory_space<vmem>>) dst(%dma_wait3A_123 : memref<128x128xf32, #tpu.memory_space<vmem_shared>>)
      tpu.yield
    }) : () -> ()
    %mul3A_11 = arith.constant 640 : i32
    %mul3A_12 = arith.muli %arg1, %mul3A_11 : i32
    %add3A_13 = arith.constant 128 : i32
    %add3A_14 = arith.addi %mul3A_12, %add3A_13 : i32
    "tpu.region"() ({
      %run_scoped3A = tpu.sem_alloc : memref<!tpu.dma_semaphore, #tpu.memory_space<semaphore_mem>>
      %dma_start3A = arith.constant 0 : i32
      %dma_start3A_118 = tpu.memref_slice %arg11[%add3A_14, %dma_start3A] : memref<10240x128xf32, #tpu.memory_space<vmem_shared>> -> memref<128x128xf32, #tpu.memory_space<vmem_shared>>
      %dma_start3A_119 = arith.constant 0 : i32
      %dma_start3A_120 = tpu.memref_slice %arg11[%add3A_14, %dma_start3A_119] : memref<10240x128xf32, #tpu.memory_space<vmem_shared>> -> memref<128x128xf32, #tpu.memory_space<vmem_shared>>
      tpu.enqueue_dma source(%arg9 : memref<128x128xf32, #tpu.memory_space<vmem>>) target(%dma_start3A_120 : memref<128x128xf32, #tpu.memory_space<vmem_shared>>) target_semaphore(%run_scoped3A : memref<!tpu.dma_semaphore, #tpu.memory_space<semaphore_mem>>)
      %dma_wait3A = arith.constant 0 : i32
      %dma_wait3A_121 = tpu.memref_slice %arg11[%add3A_14, %dma_wait3A] : memref<10240x128xf32, #tpu.memory_space<vmem_shared>> -> memref<128x128xf32, #tpu.memory_space<vmem_shared>>
      %dma_wait3A_122 = arith.constant 0 : i32
      %dma_wait3A_123 = tpu.memref_slice %arg11[%add3A_14, %dma_wait3A_122] : memref<10240x128xf32, #tpu.memory_space<vmem_shared>> -> memref<128x128xf32, #tpu.memory_space<vmem_shared>>
      tpu.wait_dma2 semaphore(%run_scoped3A : memref<!tpu.dma_semaphore, #tpu.memory_space<semaphore_mem>>) src(%arg9 : memref<128x128xf32, #tpu.memory_space<vmem>>) dst(%dma_wait3A_123 : memref<128x128xf32, #tpu.memory_space<vmem_shared>>)
      tpu.yield
    }) : () -> ()
    %mul3A_15 = arith.constant 640 : i32
    %mul3A_16 = arith.muli %arg1, %mul3A_15 : i32
    %add3A_17 = arith.constant 256 : i32
    %add3A_18 = arith.addi %mul3A_16, %add3A_17 : i32
    "tpu.region"() ({
      %run_scoped3A = tpu.sem_alloc : memref<!tpu.dma_semaphore, #tpu.memory_space<semaphore_mem>>
      %dma_start3A = arith.constant 0 : i32
      %dma_start3A_118 = tpu.memref_slice %arg11[%add3A_18, %dma_start3A] : memref<10240x128xf32, #tpu.memory_space<vmem_shared>> -> memref<128x128xf32, #tpu.memory_space<vmem_shared>>
      %dma_start3A_119 = arith.constant 0 : i32
      %dma_start3A_120 = tpu.memref_slice %arg11[%add3A_18, %dma_start3A_119] : memref<10240x128xf32, #tpu.memory_space<vmem_shared>> -> memref<128x128xf32, #tpu.memory_space<vmem_shared>>
      tpu.enqueue_dma source(%arg9 : memref<128x128xf32, #tpu.memory_space<vmem>>) target(%dma_start3A_120 : memref<128x128xf32, #tpu.memory_space<vmem_shared>>) target_semaphore(%run_scoped3A : memref<!tpu.dma_semaphore, #tpu.memory_space<semaphore_mem>>)
      %dma_wait3A = arith.constant 0 : i32
      %dma_wait3A_121 = tpu.memref_slice %arg11[%add3A_18, %dma_wait3A] : memref<10240x128xf32, #tpu.memory_space<vmem_shared>> -> memref<128x128xf32, #tpu.memory_space<vmem_shared>>
      %dma_wait3A_122 = arith.constant 0 : i32
      %dma_wait3A_123 = tpu.memref_slice %arg11[%add3A_18, %dma_wait3A_122] : memref<10240x128xf32, #tpu.memory_space<vmem_shared>> -> memref<128x128xf32, #tpu.memory_space<vmem_shared>>
      tpu.wait_dma2 semaphore(%run_scoped3A : memref<!tpu.dma_semaphore, #tpu.memory_space<semaphore_mem>>) src(%arg9 : memref<128x128xf32, #tpu.memory_space<vmem>>) dst(%dma_wait3A_123 : memref<128x128xf32, #tpu.memory_space<vmem_shared>>)
      tpu.yield
    }) : () -> ()
    %mul3A_19 = arith.constant 640 : i32
    %mul3A_20 = arith.muli %arg1, %mul3A_19 : i32
    %add3A_21 = arith.constant 384 : i32
    %add3A_22 = arith.addi %mul3A_20, %add3A_21 : i32
    "tpu.region"() ({
      %run_scoped3A = tpu.sem_alloc : memref<!tpu.dma_semaphore, #tpu.memory_space<semaphore_mem>>
      %dma_start3A = arith.constant 0 : i32
      %dma_start3A_118 = tpu.memref_slice %arg11[%add3A_22, %dma_start3A] : memref<10240x128xf32, #tpu.memory_space<vmem_shared>> -> memref<128x128xf32, #tpu.memory_space<vmem_shared>>
      %dma_start3A_119 = arith.constant 0 : i32
      %dma_start3A_120 = tpu.memref_slice %arg11[%add3A_22, %dma_start3A_119] : memref<10240x128xf32, #tpu.memory_space<vmem_shared>> -> memref<128x128xf32, #tpu.memory_space<vmem_shared>>
      tpu.enqueue_dma source(%arg9 : memref<128x128xf32, #tpu.memory_space<vmem>>) target(%dma_start3A_120 : memref<128x128xf32, #tpu.memory_space<vmem_shared>>) target_semaphore(%run_scoped3A : memref<!tpu.dma_semaphore, #tpu.memory_space<semaphore_mem>>)
      %dma_wait3A = arith.constant 0 : i32
      %dma_wait3A_121 = tpu.memref_slice %arg11[%add3A_22, %dma_wait3A] : memref<10240x128xf32, #tpu.memory_space<vmem_shared>> -> memref<128x128xf32, #tpu.memory_space<vmem_shared>>
      %dma_wait3A_122 = arith.constant 0 : i32
      %dma_wait3A_123 = tpu.memref_slice %arg11[%add3A_22, %dma_wait3A_122] : memref<10240x128xf32, #tpu.memory_space<vmem_shared>> -> memref<128x128xf32, #tpu.memory_space<vmem_shared>>
      tpu.wait_dma2 semaphore(%run_scoped3A : memref<!tpu.dma_semaphore, #tpu.memory_space<semaphore_mem>>) src(%arg9 : memref<128x128xf32, #tpu.memory_space<vmem>>) dst(%dma_wait3A_123 : memref<128x128xf32, #tpu.memory_space<vmem_shared>>)
      tpu.yield
    }) : () -> ()
    %mul3A_23 = arith.constant 640 : i32
    %mul3A_24 = arith.muli %arg1, %mul3A_23 : i32
    %add3A_25 = arith.constant 512 : i32
    %add3A_26 = arith.addi %mul3A_24, %add3A_25 : i32
    "tpu.region"() ({
      %run_scoped3A = tpu.sem_alloc : memref<!tpu.dma_semaphore, #tpu.memory_space<semaphore_mem>>
      %dma_start3A = arith.constant 0 : i32
      %dma_start3A_118 = tpu.memref_slice %arg11[%add3A_26, %dma_start3A] : memref<10240x128xf32, #tpu.memory_space<vmem_shared>> -> memref<128x128xf32, #tpu.memory_space<vmem_shared>>
      %dma_start3A_119 = arith.constant 0 : i32
      %dma_start3A_120 = tpu.memref_slice %arg11[%add3A_26, %dma_start3A_119] : memref<10240x128xf32, #tpu.memory_space<vmem_shared>> -> memref<128x128xf32, #tpu.memory_space<vmem_shared>>
      tpu.enqueue_dma source(%arg9 : memref<128x128xf32, #tpu.memory_space<vmem>>) target(%dma_start3A_120 : memref<128x128xf32, #tpu.memory_space<vmem_shared>>) target_semaphore(%run_scoped3A : memref<!tpu.dma_semaphore, #tpu.memory_space<semaphore_mem>>)
      %dma_wait3A = arith.constant 0 : i32
      %dma_wait3A_121 = tpu.memref_slice %arg11[%add3A_26, %dma_wait3A] : memref<10240x128xf32, #tpu.memory_space<vmem_shared>> -> memref<128x128xf32, #tpu.memory_space<vmem_shared>>
      %dma_wait3A_122 = arith.constant 0 : i32
      %dma_wait3A_123 = tpu.memref_slice %arg11[%add3A_26, %dma_wait3A_122] : memref<10240x128xf32, #tpu.memory_space<vmem_shared>> -> memref<128x128xf32, #tpu.memory_space<vmem_shared>>
      tpu.wait_dma2 semaphore(%run_scoped3A : memref<!tpu.dma_semaphore, #tpu.memory_space<semaphore_mem>>) src(%arg9 : memref<128x128xf32, #tpu.memory_space<vmem>>) dst(%dma_wait3A_123 : memref<128x128xf32, #tpu.memory_space<vmem_shared>>)
      tpu.yield
    }) : () -> ()
    %barrier3A = arith.constant 0 : index
    tpu.barrier barrier_id(%barrier3A)
    %mul3A_27 = arith.constant 4 : i32
    %mul3A_28 = arith.muli %add3A, %mul3A_27 : i32
    %min3A = arith.constant 29 : i32
    %min3A_29 = arith.minsi %add3A, %min3A : i32
    %add3A_30 = arith.addi %mul3A_28, %min3A_29 : i32
    %lt3A = arith.constant 29 : i32
    %lt3A_31 = arith.cmpi slt, %add3A, %lt3A : i32
    %jit3A = arith.constant 5 : i32
    %jit3A_32 = arith.constant 4 : i32
    %select_n3A = arith.select %lt3A_31, %jit3A, %jit3A_32 : i32
    %while3A = arith.constant 0 : i32
    %while3A_33 = arith.constant 0 : i32
    %while3A_34 = arith.subi %select_n3A, %while3A : i32
    %while3A_35 = arith.addi %while3A, %while3A_34 : i32
    %while3A_36 = arith.constant 1 : i32
    %while3A_37 = arith.divsi %while3A_34, %while3A_36 : i32
    %while3A_38 = arith.muli %while3A_37, %while3A_36 : i32
    %while3A_39 = arith.addi %while3A, %while3A_38 : i32
    %while3A_40 = arith.constant 1 : i32
    %while3A_41 = scf.for %while3A_118 = %while3A to %while3A_39 step %while3A_40 iter_args(%while3A_119 = %while3A_33) -> (i32)  : i32 {
      %add3A_120 = arith.addi %add3A_30, %while3A_118 : i32
      "tpu.region"() ({
        %run_scoped3A = tpu.sem_alloc : memref<!tpu.dma_semaphore, #tpu.memory_space<semaphore_mem>>
        %dma_start3A_141 = arith.constant 0 : i32
        %dma_start3A_142 = arith.constant 0 : i32
        %dma_start3A_143 = tpu.memref_slice %arg3[%add3A_120, %dma_start3A_141, %dma_start3A_142] : memref<157x16x128xi32, #tpu.memory_space<hbm>> -> memref<1x16x128xi32, #tpu.memory_space<hbm>>
        %dma_start3A_144 = tpu.memref_squeeze %dma_start3A_143 : memref<1x16x128xi32, #tpu.memory_space<hbm>> -> memref<16x128xi32, #tpu.memory_space<hbm>>
        %dma_start3A_145 = arith.constant 0 : i32
        %dma_start3A_146 = arith.constant 0 : i32
        %dma_start3A_147 = tpu.memref_slice %arg3[%add3A_120, %dma_start3A_145, %dma_start3A_146] : memref<157x16x128xi32, #tpu.memory_space<hbm>> -> memref<1x16x128xi32, #tpu.memory_space<hbm>>
        %dma_start3A_148 = tpu.memref_squeeze %dma_start3A_147 : memref<1x16x128xi32, #tpu.memory_space<hbm>> -> memref<16x128xi32, #tpu.memory_space<hbm>>
        tpu.enqueue_dma source(%dma_start3A_148 : memref<16x128xi32, #tpu.memory_space<hbm>>) target(%arg7 : memref<16x128xi32, #tpu.memory_space<vmem>>) target_semaphore(%run_scoped3A : memref<!tpu.dma_semaphore, #tpu.memory_space<semaphore_mem>>)
        %dma_wait3A_149 = arith.constant 0 : i32
        %dma_wait3A_150 = arith.constant 0 : i32
        %dma_wait3A_151 = tpu.memref_slice %arg3[%add3A_120, %dma_wait3A_149, %dma_wait3A_150] : memref<157x16x128xi32, #tpu.memory_space<hbm>> -> memref<1x16x128xi32, #tpu.memory_space<hbm>>
        %dma_wait3A_152 = tpu.memref_squeeze %dma_wait3A_151 : memref<1x16x128xi32, #tpu.memory_space<hbm>> -> memref<16x128xi32, #tpu.memory_space<hbm>>
        %dma_wait3A_153 = arith.constant 0 : i32
        %dma_wait3A_154 = arith.constant 0 : i32
        %dma_wait3A_155 = tpu.memref_slice %arg3[%add3A_120, %dma_wait3A_153, %dma_wait3A_154] : memref<157x16x128xi32, #tpu.memory_space<hbm>> -> memref<1x16x128xi32, #tpu.memory_space<hbm>>
        %dma_wait3A_156 = tpu.memref_squeeze %dma_wait3A_155 : memref<1x16x128xi32, #tpu.memory_space<hbm>> -> memref<16x128xi32, #tpu.memory_space<hbm>>
        tpu.wait_dma2 semaphore(%run_scoped3A : memref<!tpu.dma_semaphore, #tpu.memory_space<semaphore_mem>>) src(%dma_wait3A_156 : memref<16x128xi32, #tpu.memory_space<hbm>>) dst(%arg7 : memref<16x128xi32, #tpu.memory_space<vmem>>)
        tpu.yield
      }) : () -> ()
      "tpu.region"() ({
        %run_scoped3A = tpu.sem_alloc : memref<!tpu.dma_semaphore, #tpu.memory_space<semaphore_mem>>
        %dma_start3A_141 = arith.constant 0 : i32
        %dma_start3A_142 = arith.constant 0 : i32
        %dma_start3A_143 = tpu.memref_slice %arg4[%add3A_120, %dma_start3A_141, %dma_start3A_142] : memref<157x16x128xi32, #tpu.memory_space<hbm>> -> memref<1x16x128xi32, #tpu.memory_space<hbm>>
        %dma_start3A_144 = tpu.memref_squeeze %dma_start3A_143 : memref<1x16x128xi32, #tpu.memory_space<hbm>> -> memref<16x128xi32, #tpu.memory_space<hbm>>
        %dma_start3A_145 = arith.constant 0 : i32
        %dma_start3A_146 = arith.constant 0 : i32
        %dma_start3A_147 = tpu.memref_slice %arg4[%add3A_120, %dma_start3A_145, %dma_start3A_146] : memref<157x16x128xi32, #tpu.memory_space<hbm>> -> memref<1x16x128xi32, #tpu.memory_space<hbm>>
        %dma_start3A_148 = tpu.memref_squeeze %dma_start3A_147 : memref<1x16x128xi32, #tpu.memory_space<hbm>> -> memref<16x128xi32, #tpu.memory_space<hbm>>
        tpu.enqueue_dma source(%dma_start3A_148 : memref<16x128xi32, #tpu.memory_space<hbm>>) target(%arg8 : memref<16x128xi32, #tpu.memory_space<vmem>>) target_semaphore(%run_scoped3A : memref<!tpu.dma_semaphore, #tpu.memory_space<semaphore_mem>>)
        %dma_wait3A_149 = arith.constant 0 : i32
        %dma_wait3A_150 = arith.constant 0 : i32
        %dma_wait3A_151 = tpu.memref_slice %arg4[%add3A_120, %dma_wait3A_149, %dma_wait3A_150] : memref<157x16x128xi32, #tpu.memory_space<hbm>> -> memref<1x16x128xi32, #tpu.memory_space<hbm>>
        %dma_wait3A_152 = tpu.memref_squeeze %dma_wait3A_151 : memref<1x16x128xi32, #tpu.memory_space<hbm>> -> memref<16x128xi32, #tpu.memory_space<hbm>>
        %dma_wait3A_153 = arith.constant 0 : i32
        %dma_wait3A_154 = arith.constant 0 : i32
        %dma_wait3A_155 = tpu.memref_slice %arg4[%add3A_120, %dma_wait3A_153, %dma_wait3A_154] : memref<157x16x128xi32, #tpu.memory_space<hbm>> -> memref<1x16x128xi32, #tpu.memory_space<hbm>>
        %dma_wait3A_156 = tpu.memref_squeeze %dma_wait3A_155 : memref<1x16x128xi32, #tpu.memory_space<hbm>> -> memref<16x128xi32, #tpu.memory_space<hbm>>
        tpu.wait_dma2 semaphore(%run_scoped3A : memref<!tpu.dma_semaphore, #tpu.memory_space<semaphore_mem>>) src(%dma_wait3A_156 : memref<16x128xi32, #tpu.memory_space<hbm>>) dst(%arg8 : memref<16x128xi32, #tpu.memory_space<vmem>>)
        tpu.yield
      }) : () -> ()
      %dma_start3A = arith.constant 0 : i32
      %dma_start3A_121 = arith.constant 0 : i32
      %dma_start3A_122 = tpu.memref_slice %arg7[%dma_start3A, %dma_start3A_121] : memref<16x128xi32, #tpu.memory_space<vmem>> -> memref<1x128xi32, #tpu.memory_space<vmem>>
      %dma_start3A_123 = tpu.memref_squeeze %dma_start3A_122 : memref<1x128xi32, #tpu.memory_space<vmem>> -> memref<128xi32, #tpu.memory_space<vmem>>
      %dma_start3A_124 = arith.constant 0 : i32
      %dma_start3A_125 = arith.constant 0 : i32
      %dma_start3A_126 = tpu.memref_slice %arg2[%dma_start3A_124, %dma_start3A_125] : memref<10000x128xf32, #tpu.memory_space<hbm>> -> memref<10000x128xf32, #tpu.memory_space<hbm>>
      tpu.enqueue_indirect_dma source(%dma_start3A_126 : memref<10000x128xf32, #tpu.memory_space<hbm>>) target(%arg9 : memref<128x128xf32, #tpu.memory_space<vmem>>) offsets(%dma_start3A_123 : memref<128xi32, #tpu.memory_space<vmem>>) semaphore(%arg12 : memref<!tpu.dma_semaphore, #tpu.memory_space<semaphore_mem>>)
      %scan3A_127 = arith.constant 0 : i32
      %scan3A_128 = arith.constant 0 : i32
      %scan3A_129 = arith.constant 8 : i32
      %scan3A_130 = arith.addi %scan3A_128, %scan3A_129 : i32
      %scan3A_131 = arith.constant 1 : i32
      %scan3A_132 = scf.for %scan3A_141 = %scan3A_128 to %scan3A_130 step %scan3A_131 iter_args(%scan3A_142 = %scan3A_127) -> (i32)  : i32 {
        %mul3A_143 = arith.constant 2 : i32
        %mul3A_144 = arith.muli %mul3A_143, %scan3A_141 : i32
        %dma_wait3A_145 = arith.constant 0 : i32
        %dma_wait3A_146 = arith.constant 0 : i32
        %dma_wait3A_147 = tpu.memref_slice %arg7[%dma_wait3A_145, %dma_wait3A_146] : memref<16x128xi32, #tpu.memory_space<vmem>> -> memref<1x128xi32, #tpu.memory_space<vmem>>
        %dma_wait3A_148 = tpu.memref_squeeze %dma_wait3A_147 : memref<1x128xi32, #tpu.memory_space<vmem>> -> memref<128xi32, #tpu.memory_space<vmem>>
        %dma_wait3A_149 = arith.constant 0 : i32
        %dma_wait3A_150 = arith.constant 0 : i32
        %dma_wait3A_151 = tpu.memref_slice %arg2[%dma_wait3A_149, %dma_wait3A_150] : memref<10000x128xf32, #tpu.memory_space<hbm>> -> memref<10000x128xf32, #tpu.memory_space<hbm>>
        tpu.wait_indirect_dma semaphore(%arg12 : memref<!tpu.dma_semaphore, #tpu.memory_space<semaphore_mem>>) src(%dma_wait3A_151 : memref<10000x128xf32, #tpu.memory_space<hbm>>) dst(%arg9 : memref<128x128xf32, #tpu.memory_space<vmem>>)
        %add3A_152 = arith.constant 1 : i32
        %add3A_153 = arith.addi %mul3A_144, %add3A_152 : i32
        %dma_start3A_154 = arith.constant 0 : i32
        %dma_start3A_155 = tpu.memref_slice %arg7[%add3A_153, %dma_start3A_154] : memref<16x128xi32, #tpu.memory_space<vmem>> -> memref<1x128xi32, #tpu.memory_space<vmem>>
        %dma_start3A_156 = tpu.memref_squeeze %dma_start3A_155 : memref<1x128xi32, #tpu.memory_space<vmem>> -> memref<128xi32, #tpu.memory_space<vmem>>
        %dma_start3A_157 = arith.constant 0 : i32
        %dma_start3A_158 = arith.constant 0 : i32
        %dma_start3A_159 = tpu.memref_slice %arg2[%dma_start3A_157, %dma_start3A_158] : memref<10000x128xf32, #tpu.memory_space<hbm>> -> memref<10000x128xf32, #tpu.memory_space<hbm>>
        tpu.enqueue_indirect_dma source(%dma_start3A_159 : memref<10000x128xf32, #tpu.memory_space<hbm>>) target(%arg10 : memref<128x128xf32, #tpu.memory_space<vmem>>) offsets(%dma_start3A_156 : memref<128xi32, #tpu.memory_space<vmem>>) semaphore(%arg13 : memref<!tpu.dma_semaphore, #tpu.memory_space<semaphore_mem>>)
        "tpu.region"() ({
          %run_scoped3A = tpu.sem_alloc : memref<!tpu.dma_semaphore, #tpu.memory_space<semaphore_mem>>
          %dma_start3A_180 = arith.constant 0 : i32
          %dma_start3A_181 = tpu.memref_slice %arg8[%mul3A_144, %dma_start3A_180] : memref<16x128xi32, #tpu.memory_space<vmem>> -> memref<1x128xi32, #tpu.memory_space<vmem>>
          %dma_start3A_182 = tpu.memref_squeeze %dma_start3A_181 : memref<1x128xi32, #tpu.memory_space<vmem>> -> memref<128xi32, #tpu.memory_space<vmem>>
          %dma_start3A_183 = arith.constant 0 : i32
          %dma_start3A_184 = arith.constant 0 : i32
          %dma_start3A_185 = tpu.memref_slice %arg11[%dma_start3A_183, %dma_start3A_184] : memref<10240x128xf32, #tpu.memory_space<vmem_shared>> -> memref<10240x128xf32, #tpu.memory_space<vmem_shared>>
          tpu.enqueue_indirect_dma source(%arg9 : memref<128x128xf32, #tpu.memory_space<vmem>>) target(%dma_start3A_185 : memref<10240x128xf32, #tpu.memory_space<vmem_shared>>) offsets(%dma_start3A_182 : memref<128xi32, #tpu.memory_space<vmem>>) semaphore(%run_scoped3A : memref<!tpu.dma_semaphore, #tpu.memory_space<semaphore_mem>>) {add = true}
          %dma_wait3A_186 = arith.constant 0 : i32
          %dma_wait3A_187 = tpu.memref_slice %arg8[%mul3A_144, %dma_wait3A_186] : memref<16x128xi32, #tpu.memory_space<vmem>> -> memref<1x128xi32, #tpu.memory_space<vmem>>
          %dma_wait3A_188 = tpu.memref_squeeze %dma_wait3A_187 : memref<1x128xi32, #tpu.memory_space<vmem>> -> memref<128xi32, #tpu.memory_space<vmem>>
          %dma_wait3A_189 = arith.constant 0 : i32
          %dma_wait3A_190 = arith.constant 0 : i32
          %dma_wait3A_191 = tpu.memref_slice %arg11[%dma_wait3A_189, %dma_wait3A_190] : memref<10240x128xf32, #tpu.memory_space<vmem_shared>> -> memref<10240x128xf32, #tpu.memory_space<vmem_shared>>
          tpu.wait_indirect_dma semaphore(%run_scoped3A : memref<!tpu.dma_semaphore, #tpu.memory_space<semaphore_mem>>) src(%arg9 : memref<128x128xf32, #tpu.memory_space<vmem>>) dst(%dma_wait3A_191 : memref<10240x128xf32, #tpu.memory_space<vmem_shared>>)
          tpu.yield
        }) : () -> ()
        %dma_wait3A_160 = arith.constant 0 : i32
        %dma_wait3A_161 = arith.constant 0 : i32
        %dma_wait3A_162 = tpu.memref_slice %arg7[%dma_wait3A_160, %dma_wait3A_161] : memref<16x128xi32, #tpu.memory_space<vmem>> -> memref<1x128xi32, #tpu.memory_space<vmem>>
        %dma_wait3A_163 = tpu.memref_squeeze %dma_wait3A_162 : memref<1x128xi32, #tpu.memory_space<vmem>> -> memref<128xi32, #tpu.memory_space<vmem>>
        %dma_wait3A_164 = arith.constant 0 : i32
        %dma_wait3A_165 = arith.constant 0 : i32
        %dma_wait3A_166 = tpu.memref_slice %arg2[%dma_wait3A_164, %dma_wait3A_165] : memref<10000x128xf32, #tpu.memory_space<hbm>> -> memref<10000x128xf32, #tpu.memory_space<hbm>>
        tpu.wait_indirect_dma semaphore(%arg13 : memref<!tpu.dma_semaphore, #tpu.memory_space<semaphore_mem>>) src(%dma_wait3A_166 : memref<10000x128xf32, #tpu.memory_space<hbm>>) dst(%arg10 : memref<128x128xf32, #tpu.memory_space<vmem>>)
        %add3A_167 = arith.constant 2 : i32
        %add3A_168 = arith.addi %mul3A_144, %add3A_167 : i32
        %min3A_169 = arith.constant 15 : i32
        %min3A_170 = arith.minsi %add3A_168, %min3A_169 : i32
        %dma_start3A_171 = arith.constant 0 : i32
        %dma_start3A_172 = tpu.memref_slice %arg7[%min3A_170, %dma_start3A_171] : memref<16x128xi32, #tpu.memory_space<vmem>> -> memref<1x128xi32, #tpu.memory_space<vmem>>
        %dma_start3A_173 = tpu.memref_squeeze %dma_start3A_172 : memref<1x128xi32, #tpu.memory_space<vmem>> -> memref<128xi32, #tpu.memory_space<vmem>>
        %dma_start3A_174 = arith.constant 0 : i32
        %dma_start3A_175 = arith.constant 0 : i32
        %dma_start3A_176 = tpu.memref_slice %arg2[%dma_start3A_174, %dma_start3A_175] : memref<10000x128xf32, #tpu.memory_space<hbm>> -> memref<10000x128xf32, #tpu.memory_space<hbm>>
        tpu.enqueue_indirect_dma source(%dma_start3A_176 : memref<10000x128xf32, #tpu.memory_space<hbm>>) target(%arg9 : memref<128x128xf32, #tpu.memory_space<vmem>>) offsets(%dma_start3A_173 : memref<128xi32, #tpu.memory_space<vmem>>) semaphore(%arg12 : memref<!tpu.dma_semaphore, #tpu.memory_space<semaphore_mem>>)
        %add3A_177 = arith.constant 1 : i32
        %add3A_178 = arith.addi %mul3A_144, %add3A_177 : i32
        "tpu.region"() ({
          %run_scoped3A = tpu.sem_alloc : memref<!tpu.dma_semaphore, #tpu.memory_space<semaphore_mem>>
          %dma_start3A_180 = arith.constant 0 : i32
          %dma_start3A_181 = tpu.memref_slice %arg8[%add3A_178, %dma_start3A_180] : memref<16x128xi32, #tpu.memory_space<vmem>> -> memref<1x128xi32, #tpu.memory_space<vmem>>
          %dma_start3A_182 = tpu.memref_squeeze %dma_start3A_181 : memref<1x128xi32, #tpu.memory_space<vmem>> -> memref<128xi32, #tpu.memory_space<vmem>>
          %dma_start3A_183 = arith.constant 0 : i32
          %dma_start3A_184 = arith.constant 0 : i32
          %dma_start3A_185 = tpu.memref_slice %arg11[%dma_start3A_183, %dma_start3A_184] : memref<10240x128xf32, #tpu.memory_space<vmem_shared>> -> memref<10240x128xf32, #tpu.memory_space<vmem_shared>>
          tpu.enqueue_indirect_dma source(%arg10 : memref<128x128xf32, #tpu.memory_space<vmem>>) target(%dma_start3A_185 : memref<10240x128xf32, #tpu.memory_space<vmem_shared>>) offsets(%dma_start3A_182 : memref<128xi32, #tpu.memory_space<vmem>>) semaphore(%run_scoped3A : memref<!tpu.dma_semaphore, #tpu.memory_space<semaphore_mem>>) {add = true}
          %dma_wait3A_186 = arith.constant 0 : i32
          %dma_wait3A_187 = tpu.memref_slice %arg8[%add3A_178, %dma_wait3A_186] : memref<16x128xi32, #tpu.memory_space<vmem>> -> memref<1x128xi32, #tpu.memory_space<vmem>>
          %dma_wait3A_188 = tpu.memref_squeeze %dma_wait3A_187 : memref<1x128xi32, #tpu.memory_space<vmem>> -> memref<128xi32, #tpu.memory_space<vmem>>
          %dma_wait3A_189 = arith.constant 0 : i32
          %dma_wait3A_190 = arith.constant 0 : i32
          %dma_wait3A_191 = tpu.memref_slice %arg11[%dma_wait3A_189, %dma_wait3A_190] : memref<10240x128xf32, #tpu.memory_space<vmem_shared>> -> memref<10240x128xf32, #tpu.memory_space<vmem_shared>>
          tpu.wait_indirect_dma semaphore(%run_scoped3A : memref<!tpu.dma_semaphore, #tpu.memory_space<semaphore_mem>>) src(%arg10 : memref<128x128xf32, #tpu.memory_space<vmem>>) dst(%dma_wait3A_191 : memref<10240x128xf32, #tpu.memory_space<vmem_shared>>)
          tpu.yield
        }) : () -> ()
        %scan3A_179 = arith.constant 0 : i32
        scf.yield %scan3A_179 : i32
      }
      %scan3A_133 = arith.constant 8 : i32
      %dma_wait3A = arith.constant 0 : i32
      %dma_wait3A_134 = arith.constant 0 : i32
      %dma_wait3A_135 = tpu.memref_slice %arg7[%dma_wait3A, %dma_wait3A_134] : memref<16x128xi32, #tpu.memory_space<vmem>> -> memref<1x128xi32, #tpu.memory_space<vmem>>
      %dma_wait3A_136 = tpu.memref_squeeze %dma_wait3A_135 : memref<1x128xi32, #tpu.memory_space<vmem>> -> memref<128xi32, #tpu.memory_space<vmem>>
      %dma_wait3A_137 = arith.constant 0 : i32
      %dma_wait3A_138 = arith.constant 0 : i32
      %dma_wait3A_139 = tpu.memref_slice %arg2[%dma_wait3A_137, %dma_wait3A_138] : memref<10000x128xf32, #tpu.memory_space<hbm>> -> memref<10000x128xf32, #tpu.memory_space<hbm>>
      tpu.wait_indirect_dma semaphore(%arg12 : memref<!tpu.dma_semaphore, #tpu.memory_space<semaphore_mem>>) src(%dma_wait3A_139 : memref<10000x128xf32, #tpu.memory_space<hbm>>) dst(%arg9 : memref<128x128xf32, #tpu.memory_space<vmem>>)
      %while3A_140 = arith.constant 0 : i32
      scf.yield %while3A_140 : i32
    }
    %while3A_42 = arith.constant 1 : i32
    %while3A_43 = scf.for %while3A_118 = %while3A_39 to %while3A_35 step %while3A_42 iter_args(%while3A_119 = %while3A_41) -> (i32)  : i32 {
      %add3A_120 = arith.addi %add3A_30, %while3A_118 : i32
      "tpu.region"() ({
        %run_scoped3A = tpu.sem_alloc : memref<!tpu.dma_semaphore, #tpu.memory_space<semaphore_mem>>
        %dma_start3A_141 = arith.constant 0 : i32
        %dma_start3A_142 = arith.constant 0 : i32
        %dma_start3A_143 = tpu.memref_slice %arg3[%add3A_120, %dma_start3A_141, %dma_start3A_142] : memref<157x16x128xi32, #tpu.memory_space<hbm>> -> memref<1x16x128xi32, #tpu.memory_space<hbm>>
        %dma_start3A_144 = tpu.memref_squeeze %dma_start3A_143 : memref<1x16x128xi32, #tpu.memory_space<hbm>> -> memref<16x128xi32, #tpu.memory_space<hbm>>
        %dma_start3A_145 = arith.constant 0 : i32
        %dma_start3A_146 = arith.constant 0 : i32
        %dma_start3A_147 = tpu.memref_slice %arg3[%add3A_120, %dma_start3A_145, %dma_start3A_146] : memref<157x16x128xi32, #tpu.memory_space<hbm>> -> memref<1x16x128xi32, #tpu.memory_space<hbm>>
        %dma_start3A_148 = tpu.memref_squeeze %dma_start3A_147 : memref<1x16x128xi32, #tpu.memory_space<hbm>> -> memref<16x128xi32, #tpu.memory_space<hbm>>
        tpu.enqueue_dma source(%dma_start3A_148 : memref<16x128xi32, #tpu.memory_space<hbm>>) target(%arg7 : memref<16x128xi32, #tpu.memory_space<vmem>>) target_semaphore(%run_scoped3A : memref<!tpu.dma_semaphore, #tpu.memory_space<semaphore_mem>>)
        %dma_wait3A_149 = arith.constant 0 : i32
        %dma_wait3A_150 = arith.constant 0 : i32
        %dma_wait3A_151 = tpu.memref_slice %arg3[%add3A_120, %dma_wait3A_149, %dma_wait3A_150] : memref<157x16x128xi32, #tpu.memory_space<hbm>> -> memref<1x16x128xi32, #tpu.memory_space<hbm>>
        %dma_wait3A_152 = tpu.memref_squeeze %dma_wait3A_151 : memref<1x16x128xi32, #tpu.memory_space<hbm>> -> memref<16x128xi32, #tpu.memory_space<hbm>>
        %dma_wait3A_153 = arith.constant 0 : i32
        %dma_wait3A_154 = arith.constant 0 : i32
        %dma_wait3A_155 = tpu.memref_slice %arg3[%add3A_120, %dma_wait3A_153, %dma_wait3A_154] : memref<157x16x128xi32, #tpu.memory_space<hbm>> -> memref<1x16x128xi32, #tpu.memory_space<hbm>>
        %dma_wait3A_156 = tpu.memref_squeeze %dma_wait3A_155 : memref<1x16x128xi32, #tpu.memory_space<hbm>> -> memref<16x128xi32, #tpu.memory_space<hbm>>
        tpu.wait_dma2 semaphore(%run_scoped3A : memref<!tpu.dma_semaphore, #tpu.memory_space<semaphore_mem>>) src(%dma_wait3A_156 : memref<16x128xi32, #tpu.memory_space<hbm>>) dst(%arg7 : memref<16x128xi32, #tpu.memory_space<vmem>>)
        tpu.yield
      }) : () -> ()
      "tpu.region"() ({
        %run_scoped3A = tpu.sem_alloc : memref<!tpu.dma_semaphore, #tpu.memory_space<semaphore_mem>>
        %dma_start3A_141 = arith.constant 0 : i32
        %dma_start3A_142 = arith.constant 0 : i32
        %dma_start3A_143 = tpu.memref_slice %arg4[%add3A_120, %dma_start3A_141, %dma_start3A_142] : memref<157x16x128xi32, #tpu.memory_space<hbm>> -> memref<1x16x128xi32, #tpu.memory_space<hbm>>
        %dma_start3A_144 = tpu.memref_squeeze %dma_start3A_143 : memref<1x16x128xi32, #tpu.memory_space<hbm>> -> memref<16x128xi32, #tpu.memory_space<hbm>>
        %dma_start3A_145 = arith.constant 0 : i32
        %dma_start3A_146 = arith.constant 0 : i32
        %dma_start3A_147 = tpu.memref_slice %arg4[%add3A_120, %dma_start3A_145, %dma_start3A_146] : memref<157x16x128xi32, #tpu.memory_space<hbm>> -> memref<1x16x128xi32, #tpu.memory_space<hbm>>
        %dma_start3A_148 = tpu.memref_squeeze %dma_start3A_147 : memref<1x16x128xi32, #tpu.memory_space<hbm>> -> memref<16x128xi32, #tpu.memory_space<hbm>>
        tpu.enqueue_dma source(%dma_start3A_148 : memref<16x128xi32, #tpu.memory_space<hbm>>) target(%arg8 : memref<16x128xi32, #tpu.memory_space<vmem>>) target_semaphore(%run_scoped3A : memref<!tpu.dma_semaphore, #tpu.memory_space<semaphore_mem>>)
        %dma_wait3A_149 = arith.constant 0 : i32
        %dma_wait3A_150 = arith.constant 0 : i32
        %dma_wait3A_151 = tpu.memref_slice %arg4[%add3A_120, %dma_wait3A_149, %dma_wait3A_150] : memref<157x16x128xi32, #tpu.memory_space<hbm>> -> memref<1x16x128xi32, #tpu.memory_space<hbm>>
        %dma_wait3A_152 = tpu.memref_squeeze %dma_wait3A_151 : memref<1x16x128xi32, #tpu.memory_space<hbm>> -> memref<16x128xi32, #tpu.memory_space<hbm>>
        %dma_wait3A_153 = arith.constant 0 : i32
        %dma_wait3A_154 = arith.constant 0 : i32
        %dma_wait3A_155 = tpu.memref_slice %arg4[%add3A_120, %dma_wait3A_153, %dma_wait3A_154] : memref<157x16x128xi32, #tpu.memory_space<hbm>> -> memref<1x16x128xi32, #tpu.memory_space<hbm>>
        %dma_wait3A_156 = tpu.memref_squeeze %dma_wait3A_155 : memref<1x16x128xi32, #tpu.memory_space<hbm>> -> memref<16x128xi32, #tpu.memory_space<hbm>>
        tpu.wait_dma2 semaphore(%run_scoped3A : memref<!tpu.dma_semaphore, #tpu.memory_space<semaphore_mem>>) src(%dma_wait3A_156 : memref<16x128xi32, #tpu.memory_space<hbm>>) dst(%arg8 : memref<16x128xi32, #tpu.memory_space<vmem>>)
        tpu.yield
      }) : () -> ()
      %dma_start3A = arith.constant 0 : i32
      %dma_start3A_121 = arith.constant 0 : i32
      %dma_start3A_122 = tpu.memref_slice %arg7[%dma_start3A, %dma_start3A_121] : memref<16x128xi32, #tpu.memory_space<vmem>> -> memref<1x128xi32, #tpu.memory_space<vmem>>
      %dma_start3A_123 = tpu.memref_squeeze %dma_start3A_122 : memref<1x128xi32, #tpu.memory_space<vmem>> -> memref<128xi32, #tpu.memory_space<vmem>>
      %dma_start3A_124 = arith.constant 0 : i32
      %dma_start3A_125 = arith.constant 0 : i32
      %dma_start3A_126 = tpu.memref_slice %arg2[%dma_start3A_124, %dma_start3A_125] : memref<10000x128xf32, #tpu.memory_space<hbm>> -> memref<10000x128xf32, #tpu.memory_space<hbm>>
      tpu.enqueue_indirect_dma source(%dma_start3A_126 : memref<10000x128xf32, #tpu.memory_space<hbm>>) target(%arg9 : memref<128x128xf32, #tpu.memory_space<vmem>>) offsets(%dma_start3A_123 : memref<128xi32, #tpu.memory_space<vmem>>) semaphore(%arg12 : memref<!tpu.dma_semaphore, #tpu.memory_space<semaphore_mem>>)
      %scan3A_127 = arith.constant 0 : i32
      %scan3A_128 = arith.constant 0 : i32
      %scan3A_129 = arith.constant 8 : i32
      %scan3A_130 = arith.addi %scan3A_128, %scan3A_129 : i32
      %scan3A_131 = arith.constant 1 : i32
      %scan3A_132 = scf.for %scan3A_141 = %scan3A_128 to %scan3A_130 step %scan3A_131 iter_args(%scan3A_142 = %scan3A_127) -> (i32)  : i32 {
        %mul3A_143 = arith.constant 2 : i32
        %mul3A_144 = arith.muli %mul3A_143, %scan3A_141 : i32
        %dma_wait3A_145 = arith.constant 0 : i32
        %dma_wait3A_146 = arith.constant 0 : i32
        %dma_wait3A_147 = tpu.memref_slice %arg7[%dma_wait3A_145, %dma_wait3A_146] : memref<16x128xi32, #tpu.memory_space<vmem>> -> memref<1x128xi32, #tpu.memory_space<vmem>>
        %dma_wait3A_148 = tpu.memref_squeeze %dma_wait3A_147 : memref<1x128xi32, #tpu.memory_space<vmem>> -> memref<128xi32, #tpu.memory_space<vmem>>
        %dma_wait3A_149 = arith.constant 0 : i32
        %dma_wait3A_150 = arith.constant 0 : i32
        %dma_wait3A_151 = tpu.memref_slice %arg2[%dma_wait3A_149, %dma_wait3A_150] : memref<10000x128xf32, #tpu.memory_space<hbm>> -> memref<10000x128xf32, #tpu.memory_space<hbm>>
        tpu.wait_indirect_dma semaphore(%arg12 : memref<!tpu.dma_semaphore, #tpu.memory_space<semaphore_mem>>) src(%dma_wait3A_151 : memref<10000x128xf32, #tpu.memory_space<hbm>>) dst(%arg9 : memref<128x128xf32, #tpu.memory_space<vmem>>)
        %add3A_152 = arith.constant 1 : i32
        %add3A_153 = arith.addi %mul3A_144, %add3A_152 : i32
        %dma_start3A_154 = arith.constant 0 : i32
        %dma_start3A_155 = tpu.memref_slice %arg7[%add3A_153, %dma_start3A_154] : memref<16x128xi32, #tpu.memory_space<vmem>> -> memref<1x128xi32, #tpu.memory_space<vmem>>
        %dma_start3A_156 = tpu.memref_squeeze %dma_start3A_155 : memref<1x128xi32, #tpu.memory_space<vmem>> -> memref<128xi32, #tpu.memory_space<vmem>>
        %dma_start3A_157 = arith.constant 0 : i32
        %dma_start3A_158 = arith.constant 0 : i32
        %dma_start3A_159 = tpu.memref_slice %arg2[%dma_start3A_157, %dma_start3A_158] : memref<10000x128xf32, #tpu.memory_space<hbm>> -> memref<10000x128xf32, #tpu.memory_space<hbm>>
        tpu.enqueue_indirect_dma source(%dma_start3A_159 : memref<10000x128xf32, #tpu.memory_space<hbm>>) target(%arg10 : memref<128x128xf32, #tpu.memory_space<vmem>>) offsets(%dma_start3A_156 : memref<128xi32, #tpu.memory_space<vmem>>) semaphore(%arg13 : memref<!tpu.dma_semaphore, #tpu.memory_space<semaphore_mem>>)
        "tpu.region"() ({
          %run_scoped3A = tpu.sem_alloc : memref<!tpu.dma_semaphore, #tpu.memory_space<semaphore_mem>>
          %dma_start3A_180 = arith.constant 0 : i32
          %dma_start3A_181 = tpu.memref_slice %arg8[%mul3A_144, %dma_start3A_180] : memref<16x128xi32, #tpu.memory_space<vmem>> -> memref<1x128xi32, #tpu.memory_space<vmem>>
          %dma_start3A_182 = tpu.memref_squeeze %dma_start3A_181 : memref<1x128xi32, #tpu.memory_space<vmem>> -> memref<128xi32, #tpu.memory_space<vmem>>
          %dma_start3A_183 = arith.constant 0 : i32
          %dma_start3A_184 = arith.constant 0 : i32
          %dma_start3A_185 = tpu.memref_slice %arg11[%dma_start3A_183, %dma_start3A_184] : memref<10240x128xf32, #tpu.memory_space<vmem_shared>> -> memref<10240x128xf32, #tpu.memory_space<vmem_shared>>
          tpu.enqueue_indirect_dma source(%arg9 : memref<128x128xf32, #tpu.memory_space<vmem>>) target(%dma_start3A_185 : memref<10240x128xf32, #tpu.memory_space<vmem_shared>>) offsets(%dma_start3A_182 : memref<128xi32, #tpu.memory_space<vmem>>) semaphore(%run_scoped3A : memref<!tpu.dma_semaphore, #tpu.memory_space<semaphore_mem>>) {add = true}
          %dma_wait3A_186 = arith.constant 0 : i32
          %dma_wait3A_187 = tpu.memref_slice %arg8[%mul3A_144, %dma_wait3A_186] : memref<16x128xi32, #tpu.memory_space<vmem>> -> memref<1x128xi32, #tpu.memory_space<vmem>>
          %dma_wait3A_188 = tpu.memref_squeeze %dma_wait3A_187 : memref<1x128xi32, #tpu.memory_space<vmem>> -> memref<128xi32, #tpu.memory_space<vmem>>
          %dma_wait3A_189 = arith.constant 0 : i32
          %dma_wait3A_190 = arith.constant 0 : i32
          %dma_wait3A_191 = tpu.memref_slice %arg11[%dma_wait3A_189, %dma_wait3A_190] : memref<10240x128xf32, #tpu.memory_space<vmem_shared>> -> memref<10240x128xf32, #tpu.memory_space<vmem_shared>>
          tpu.wait_indirect_dma semaphore(%run_scoped3A : memref<!tpu.dma_semaphore, #tpu.memory_space<semaphore_mem>>) src(%arg9 : memref<128x128xf32, #tpu.memory_space<vmem>>) dst(%dma_wait3A_191 : memref<10240x128xf32, #tpu.memory_space<vmem_shared>>)
          tpu.yield
        }) : () -> ()
        %dma_wait3A_160 = arith.constant 0 : i32
        %dma_wait3A_161 = arith.constant 0 : i32
        %dma_wait3A_162 = tpu.memref_slice %arg7[%dma_wait3A_160, %dma_wait3A_161] : memref<16x128xi32, #tpu.memory_space<vmem>> -> memref<1x128xi32, #tpu.memory_space<vmem>>
        %dma_wait3A_163 = tpu.memref_squeeze %dma_wait3A_162 : memref<1x128xi32, #tpu.memory_space<vmem>> -> memref<128xi32, #tpu.memory_space<vmem>>
        %dma_wait3A_164 = arith.constant 0 : i32
        %dma_wait3A_165 = arith.constant 0 : i32
        %dma_wait3A_166 = tpu.memref_slice %arg2[%dma_wait3A_164, %dma_wait3A_165] : memref<10000x128xf32, #tpu.memory_space<hbm>> -> memref<10000x128xf32, #tpu.memory_space<hbm>>
        tpu.wait_indirect_dma semaphore(%arg13 : memref<!tpu.dma_semaphore, #tpu.memory_space<semaphore_mem>>) src(%dma_wait3A_166 : memref<10000x128xf32, #tpu.memory_space<hbm>>) dst(%arg10 : memref<128x128xf32, #tpu.memory_space<vmem>>)
        %add3A_167 = arith.constant 2 : i32
        %add3A_168 = arith.addi %mul3A_144, %add3A_167 : i32
        %min3A_169 = arith.constant 15 : i32
        %min3A_170 = arith.minsi %add3A_168, %min3A_169 : i32
        %dma_start3A_171 = arith.constant 0 : i32
        %dma_start3A_172 = tpu.memref_slice %arg7[%min3A_170, %dma_start3A_171] : memref<16x128xi32, #tpu.memory_space<vmem>> -> memref<1x128xi32, #tpu.memory_space<vmem>>
        %dma_start3A_173 = tpu.memref_squeeze %dma_start3A_172 : memref<1x128xi32, #tpu.memory_space<vmem>> -> memref<128xi32, #tpu.memory_space<vmem>>
        %dma_start3A_174 = arith.constant 0 : i32
        %dma_start3A_175 = arith.constant 0 : i32
        %dma_start3A_176 = tpu.memref_slice %arg2[%dma_start3A_174, %dma_start3A_175] : memref<10000x128xf32, #tpu.memory_space<hbm>> -> memref<10000x128xf32, #tpu.memory_space<hbm>>
        tpu.enqueue_indirect_dma source(%dma_start3A_176 : memref<10000x128xf32, #tpu.memory_space<hbm>>) target(%arg9 : memref<128x128xf32, #tpu.memory_space<vmem>>) offsets(%dma_start3A_173 : memref<128xi32, #tpu.memory_space<vmem>>) semaphore(%arg12 : memref<!tpu.dma_semaphore, #tpu.memory_space<semaphore_mem>>)
        %add3A_177 = arith.constant 1 : i32
        %add3A_178 = arith.addi %mul3A_144, %add3A_177 : i32
        "tpu.region"() ({
          %run_scoped3A = tpu.sem_alloc : memref<!tpu.dma_semaphore, #tpu.memory_space<semaphore_mem>>
          %dma_start3A_180 = arith.constant 0 : i32
          %dma_start3A_181 = tpu.memref_slice %arg8[%add3A_178, %dma_start3A_180] : memref<16x128xi32, #tpu.memory_space<vmem>> -> memref<1x128xi32, #tpu.memory_space<vmem>>
          %dma_start3A_182 = tpu.memref_squeeze %dma_start3A_181 : memref<1x128xi32, #tpu.memory_space<vmem>> -> memref<128xi32, #tpu.memory_space<vmem>>
          %dma_start3A_183 = arith.constant 0 : i32
          %dma_start3A_184 = arith.constant 0 : i32
          %dma_start3A_185 = tpu.memref_slice %arg11[%dma_start3A_183, %dma_start3A_184] : memref<10240x128xf32, #tpu.memory_space<vmem_shared>> -> memref<10240x128xf32, #tpu.memory_space<vmem_shared>>
          tpu.enqueue_indirect_dma source(%arg10 : memref<128x128xf32, #tpu.memory_space<vmem>>) target(%dma_start3A_185 : memref<10240x128xf32, #tpu.memory_space<vmem_shared>>) offsets(%dma_start3A_182 : memref<128xi32, #tpu.memory_space<vmem>>) semaphore(%run_scoped3A : memref<!tpu.dma_semaphore, #tpu.memory_space<semaphore_mem>>) {add = true}
          %dma_wait3A_186 = arith.constant 0 : i32
          %dma_wait3A_187 = tpu.memref_slice %arg8[%add3A_178, %dma_wait3A_186] : memref<16x128xi32, #tpu.memory_space<vmem>> -> memref<1x128xi32, #tpu.memory_space<vmem>>
          %dma_wait3A_188 = tpu.memref_squeeze %dma_wait3A_187 : memref<1x128xi32, #tpu.memory_space<vmem>> -> memref<128xi32, #tpu.memory_space<vmem>>
          %dma_wait3A_189 = arith.constant 0 : i32
          %dma_wait3A_190 = arith.constant 0 : i32
          %dma_wait3A_191 = tpu.memref_slice %arg11[%dma_wait3A_189, %dma_wait3A_190] : memref<10240x128xf32, #tpu.memory_space<vmem_shared>> -> memref<10240x128xf32, #tpu.memory_space<vmem_shared>>
          tpu.wait_indirect_dma semaphore(%run_scoped3A : memref<!tpu.dma_semaphore, #tpu.memory_space<semaphore_mem>>) src(%arg10 : memref<128x128xf32, #tpu.memory_space<vmem>>) dst(%dma_wait3A_191 : memref<10240x128xf32, #tpu.memory_space<vmem_shared>>)
          tpu.yield
        }) : () -> ()
        %scan3A_179 = arith.constant 0 : i32
        scf.yield %scan3A_179 : i32
      }
      %scan3A_133 = arith.constant 8 : i32
      %dma_wait3A = arith.constant 0 : i32
      %dma_wait3A_134 = arith.constant 0 : i32
      %dma_wait3A_135 = tpu.memref_slice %arg7[%dma_wait3A, %dma_wait3A_134] : memref<16x128xi32, #tpu.memory_space<vmem>> -> memref<1x128xi32, #tpu.memory_space<vmem>>
      %dma_wait3A_136 = tpu.memref_squeeze %dma_wait3A_135 : memref<1x128xi32, #tpu.memory_space<vmem>> -> memref<128xi32, #tpu.memory_space<vmem>>
      %dma_wait3A_137 = arith.constant 0 : i32
      %dma_wait3A_138 = arith.constant 0 : i32
      %dma_wait3A_139 = tpu.memref_slice %arg2[%dma_wait3A_137, %dma_wait3A_138] : memref<10000x128xf32, #tpu.memory_space<hbm>> -> memref<10000x128xf32, #tpu.memory_space<hbm>>
      tpu.wait_indirect_dma semaphore(%arg12 : memref<!tpu.dma_semaphore, #tpu.memory_space<semaphore_mem>>) src(%dma_wait3A_139 : memref<10000x128xf32, #tpu.memory_space<hbm>>) dst(%arg9 : memref<128x128xf32, #tpu.memory_space<vmem>>)
      %while3A_140 = arith.constant 0 : i32
      scf.yield %while3A_140 : i32
    }
    %barrier3A_44 = arith.constant 0 : index
    tpu.barrier barrier_id(%barrier3A_44)
    %mul3A_45 = arith.constant 10240 : i32
    %mul3A_46 = arith.muli %arg0, %mul3A_45 : i32
    %mul3A_47 = arith.constant 640 : i32
    %mul3A_48 = arith.muli %arg1, %mul3A_47 : i32
    %mul3A_49 = arith.constant 640 : i32
    %mul3A_50 = arith.muli %arg1, %mul3A_49 : i32
    %add3A_51 = arith.addi %mul3A_46, %mul3A_50 : i32
    "tpu.region"() ({
      %run_scoped3A = tpu.sem_alloc : memref<!tpu.dma_semaphore, #tpu.memory_space<semaphore_mem>>
      %dma_start3A = arith.constant 0 : i32
      %dma_start3A_118 = tpu.memref_slice %arg5[%add3A_51, %dma_start3A] : memref<20480x128xf32, #tpu.memory_space<hbm>> -> memref<640x128xf32, #tpu.memory_space<hbm>>
      %dma_start3A_119 = arith.constant 0 : i32
      %dma_start3A_120 = tpu.memref_slice %arg11[%mul3A_48, %dma_start3A_119] : memref<10240x128xf32, #tpu.memory_space<vmem_shared>> -> memref<640x128xf32, #tpu.memory_space<vmem_shared>>
      tpu.enqueue_dma source(%dma_start3A_120 : memref<640x128xf32, #tpu.memory_space<vmem_shared>>) target(%dma_start3A_118 : memref<640x128xf32, #tpu.memory_space<hbm>>) target_semaphore(%run_scoped3A : memref<!tpu.dma_semaphore, #tpu.memory_space<semaphore_mem>>)
      %dma_wait3A = arith.constant 0 : i32
      %dma_wait3A_121 = tpu.memref_slice %arg5[%add3A_51, %dma_wait3A] : memref<20480x128xf32, #tpu.memory_space<hbm>> -> memref<640x128xf32, #tpu.memory_space<hbm>>
      %dma_wait3A_122 = arith.constant 0 : i32
      %dma_wait3A_123 = tpu.memref_slice %arg11[%mul3A_48, %dma_wait3A_122] : memref<10240x128xf32, #tpu.memory_space<vmem_shared>> -> memref<640x128xf32, #tpu.memory_space<vmem_shared>>
      tpu.wait_dma2 semaphore(%run_scoped3A : memref<!tpu.dma_semaphore, #tpu.memory_space<semaphore_mem>>) src(%dma_wait3A_123 : memref<640x128xf32, #tpu.memory_space<vmem_shared>>) dst(%dma_wait3A_121 : memref<640x128xf32, #tpu.memory_space<hbm>>)
      tpu.yield
    }) : () -> ()
    %barrier3A_52 = arith.constant 0 : index
    tpu.barrier barrier_id(%barrier3A_52)
    %scan3A_53 = arith.constant 0 : i32
    %scan3A_54 = arith.constant 0 : i32
    %scan3A_55 = arith.constant 1024 : i32
    %scan3A_56 = arith.addi %scan3A_54, %scan3A_55 : i32
    %scan3A_57 = arith.constant 1 : i32
    %scan3A_58 = scf.for %scan3A_118 = %scan3A_54 to %scan3A_56 step %scan3A_57 iter_args(%scan3A_119 = %scan3A_53) -> (i32)  : i32 {
      %broadcast_in_dim3A = arith.constant 0.000000e+00 : f32
      %broadcast_in_dim3A_120 = vector.broadcast %broadcast_in_dim3A : f32 to vector<16xf32>
      %jit3A_121 = arith.constant 8 : i32
      %div3A = arith.divsi %scan3A_118, %jit3A_121 : i32
      %sign3A = arith.constant 0 : i32
      %sign3A_122 = arith.cmpi sgt, %scan3A_118, %sign3A : i32
      %sign3A_123 = arith.extui %sign3A_122 : i1 to i32
      %sign3A_124 = arith.constant 0 : i32
      %sign3A_125 = arith.cmpi slt, %scan3A_118, %sign3A_124 : i32
      %sign3A_126 = arith.extui %sign3A_125 : i1 to i32
      %sign3A_127 = arith.subi %sign3A_123, %sign3A_126 : i32
      %sign3A_128 = arith.constant 0 : i32
      %sign3A_129 = arith.cmpi sgt, %jit3A_121, %sign3A_128 : i32
      %sign3A_130 = arith.extui %sign3A_129 : i1 to i32
      %sign3A_131 = arith.constant 0 : i32
      %sign3A_132 = arith.cmpi slt, %jit3A_121, %sign3A_131 : i32
      %sign3A_133 = arith.extui %sign3A_132 : i1 to i32
      %sign3A_134 = arith.subi %sign3A_130, %sign3A_133 : i32
      %ne3A = arith.cmpi ne, %sign3A_127, %sign3A_134 : i32
      %rem3A = arith.remsi %scan3A_118, %jit3A_121 : i32
      %ne3A_135 = arith.constant 0 : i32
      %ne3A_136 = arith.cmpi ne, %rem3A, %ne3A_135 : i32
      %and3A = arith.andi %ne3A, %ne3A_136 : i1
      %sub3A = arith.constant 1 : i32
      %sub3A_137 = arith.subi %div3A, %sub3A : i32
      %select_n3A_138 = arith.select %and3A, %sub3A_137, %div3A : i32
      %jit3A_139 = arith.constant 8 : i32
      %eq3A = arith.constant 0 : i32
      %eq3A_140 = arith.cmpi eq, %jit3A_139, %eq3A : i32
      %jit3A_141 = arith.constant 1 : i32
      %select_n3A_142 = arith.select %eq3A_140, %jit3A_141, %jit3A_139 : i32
      %rem3A_143 = arith.remsi %scan3A_118, %select_n3A_142 : i32
      %ne3A_144 = arith.constant 0 : i32
      %ne3A_145 = arith.cmpi ne, %rem3A_143, %ne3A_144 : i32
      %lt3A_146 = arith.constant 0 : i32
      %lt3A_147 = arith.cmpi slt, %rem3A_143, %lt3A_146 : i32
      %lt3A_148 = arith.constant 0 : i32
      %lt3A_149 = arith.cmpi slt, %select_n3A_142, %lt3A_148 : i32
      %ne3A_150 = arith.xori %lt3A_147, %lt3A_149 : i1
      %and3A_151 = arith.andi %ne3A_150, %ne3A_145 : i1
      %add3A_152 = arith.addi %rem3A_143, %select_n3A_142 : i32
      %select_n3A_153 = arith.select %and3A_151, %add3A_152, %rem3A_143 : i32
      %mul3A_154 = arith.constant 16 : i32
      %mul3A_155 = arith.muli %select_n3A_153, %mul3A_154 : i32
      %swap3A = arith.index_cast %select_n3A_138 : i32 to index
      %swap3A_156 = arith.index_cast %mul3A_155 : i32 to index
      %swap3A_157 = tpu.vector_load %arg9[%swap3A, %swap3A_156] {strides = array<i32>} : memref<128x128xf32, #tpu.memory_space<vmem>>, vector<1x16xf32>,
      %swap3A_158 = vector.shape_cast %swap3A_157 : vector<1x16xf32> to vector<16xf32>
      %swap3A_159 = vector.shape_cast %broadcast_in_dim3A_120 : vector<16xf32> to vector<1x16xf32>
      tpu.vector_store %arg9[%swap3A, %swap3A_156], %swap3A_159 {strides = array<i32>} : memref<128x128xf32, #tpu.memory_space<vmem>>, vector<1x16xf32>,
      %scan3A_160 = arith.constant 0 : i32
      scf.yield %scan3A_160 : i32
    }
    %scan3A_59 = arith.constant 1024 : i32
    %mul3A_60 = arith.constant 640 : i32
    %mul3A_61 = arith.muli %arg1, %mul3A_60 : i32
    %add3A_62 = arith.constant 0 : i32
    %add3A_63 = arith.addi %mul3A_61, %add3A_62 : i32
    "tpu.region"() ({
      %run_scoped3A = tpu.sem_alloc : memref<!tpu.dma_semaphore, #tpu.memory_space<semaphore_mem>>
      %dma_start3A = arith.constant 0 : i32
      %dma_start3A_118 = tpu.memref_slice %arg11[%add3A_63, %dma_start3A] : memref<10240x128xf32, #tpu.memory_space<vmem_shared>> -> memref<128x128xf32, #tpu.memory_space<vmem_shared>>
      %dma_start3A_119 = arith.constant 0 : i32
      %dma_start3A_120 = tpu.memref_slice %arg11[%add3A_63, %dma_start3A_119] : memref<10240x128xf32, #tpu.memory_space<vmem_shared>> -> memref<128x128xf32, #tpu.memory_space<vmem_shared>>
      tpu.enqueue_dma source(%arg9 : memref<128x128xf32, #tpu.memory_space<vmem>>) target(%dma_start3A_120 : memref<128x128xf32, #tpu.memory_space<vmem_shared>>) target_semaphore(%run_scoped3A : memref<!tpu.dma_semaphore, #tpu.memory_space<semaphore_mem>>)
      %dma_wait3A = arith.constant 0 : i32
      %dma_wait3A_121 = tpu.memref_slice %arg11[%add3A_63, %dma_wait3A] : memref<10240x128xf32, #tpu.memory_space<vmem_shared>> -> memref<128x128xf32, #tpu.memory_space<vmem_shared>>
      %dma_wait3A_122 = arith.constant 0 : i32
      %dma_wait3A_123 = tpu.memref_slice %arg11[%add3A_63, %dma_wait3A_122] : memref<10240x128xf32, #tpu.memory_space<vmem_shared>> -> memref<128x128xf32, #tpu.memory_space<vmem_shared>>
      tpu.wait_dma2 semaphore(%run_scoped3A : memref<!tpu.dma_semaphore, #tpu.memory_space<semaphore_mem>>) src(%arg9 : memref<128x128xf32, #tpu.memory_space<vmem>>) dst(%dma_wait3A_123 : memref<128x128xf32, #tpu.memory_space<vmem_shared>>)
      tpu.yield
    }) : () -> ()
    %mul3A_64 = arith.constant 640 : i32
    %mul3A_65 = arith.muli %arg1, %mul3A_64 : i32
    %add3A_66 = arith.constant 128 : i32
    %add3A_67 = arith.addi %mul3A_65, %add3A_66 : i32
    "tpu.region"() ({
      %run_scoped3A = tpu.sem_alloc : memref<!tpu.dma_semaphore, #tpu.memory_space<semaphore_mem>>
      %dma_start3A = arith.constant 0 : i32
      %dma_start3A_118 = tpu.memref_slice %arg11[%add3A_67, %dma_start3A] : memref<10240x128xf32, #tpu.memory_space<vmem_shared>> -> memref<128x128xf32, #tpu.memory_space<vmem_shared>>
      %dma_start3A_119 = arith.constant 0 : i32
      %dma_start3A_120 = tpu.memref_slice %arg11[%add3A_67, %dma_start3A_119] : memref<10240x128xf32, #tpu.memory_space<vmem_shared>> -> memref<128x128xf32, #tpu.memory_space<vmem_shared>>
      tpu.enqueue_dma source(%arg9 : memref<128x128xf32, #tpu.memory_space<vmem>>) target(%dma_start3A_120 : memref<128x128xf32, #tpu.memory_space<vmem_shared>>) target_semaphore(%run_scoped3A : memref<!tpu.dma_semaphore, #tpu.memory_space<semaphore_mem>>)
      %dma_wait3A = arith.constant 0 : i32
      %dma_wait3A_121 = tpu.memref_slice %arg11[%add3A_67, %dma_wait3A] : memref<10240x128xf32, #tpu.memory_space<vmem_shared>> -> memref<128x128xf32, #tpu.memory_space<vmem_shared>>
      %dma_wait3A_122 = arith.constant 0 : i32
      %dma_wait3A_123 = tpu.memref_slice %arg11[%add3A_67, %dma_wait3A_122] : memref<10240x128xf32, #tpu.memory_space<vmem_shared>> -> memref<128x128xf32, #tpu.memory_space<vmem_shared>>
      tpu.wait_dma2 semaphore(%run_scoped3A : memref<!tpu.dma_semaphore, #tpu.memory_space<semaphore_mem>>) src(%arg9 : memref<128x128xf32, #tpu.memory_space<vmem>>) dst(%dma_wait3A_123 : memref<128x128xf32, #tpu.memory_space<vmem_shared>>)
      tpu.yield
    }) : () -> ()
    %mul3A_68 = arith.constant 640 : i32
    %mul3A_69 = arith.muli %arg1, %mul3A_68 : i32
    %add3A_70 = arith.constant 256 : i32
    %add3A_71 = arith.addi %mul3A_69, %add3A_70 : i32
    "tpu.region"() ({
      %run_scoped3A = tpu.sem_alloc : memref<!tpu.dma_semaphore, #tpu.memory_space<semaphore_mem>>
      %dma_start3A = arith.constant 0 : i32
      %dma_start3A_118 = tpu.memref_slice %arg11[%add3A_71, %dma_start3A] : memref<10240x128xf32, #tpu.memory_space<vmem_shared>> -> memref<128x128xf32, #tpu.memory_space<vmem_shared>>
      %dma_start3A_119 = arith.constant 0 : i32
      %dma_start3A_120 = tpu.memref_slice %arg11[%add3A_71, %dma_start3A_119] : memref<10240x128xf32, #tpu.memory_space<vmem_shared>> -> memref<128x128xf32, #tpu.memory_space<vmem_shared>>
      tpu.enqueue_dma source(%arg9 : memref<128x128xf32, #tpu.memory_space<vmem>>) target(%dma_start3A_120 : memref<128x128xf32, #tpu.memory_space<vmem_shared>>) target_semaphore(%run_scoped3A : memref<!tpu.dma_semaphore, #tpu.memory_space<semaphore_mem>>)
      %dma_wait3A = arith.constant 0 : i32
      %dma_wait3A_121 = tpu.memref_slice %arg11[%add3A_71, %dma_wait3A] : memref<10240x128xf32, #tpu.memory_space<vmem_shared>> -> memref<128x128xf32, #tpu.memory_space<vmem_shared>>
      %dma_wait3A_122 = arith.constant 0 : i32
      %dma_wait3A_123 = tpu.memref_slice %arg11[%add3A_71, %dma_wait3A_122] : memref<10240x128xf32, #tpu.memory_space<vmem_shared>> -> memref<128x128xf32, #tpu.memory_space<vmem_shared>>
      tpu.wait_dma2 semaphore(%run_scoped3A : memref<!tpu.dma_semaphore, #tpu.memory_space<semaphore_mem>>) src(%arg9 : memref<128x128xf32, #tpu.memory_space<vmem>>) dst(%dma_wait3A_123 : memref<128x128xf32, #tpu.memory_space<vmem_shared>>)
      tpu.yield
    }) : () -> ()
    %mul3A_72 = arith.constant 640 : i32
    %mul3A_73 = arith.muli %arg1, %mul3A_72 : i32
    %add3A_74 = arith.constant 384 : i32
    %add3A_75 = arith.addi %mul3A_73, %add3A_74 : i32
    "tpu.region"() ({
      %run_scoped3A = tpu.sem_alloc : memref<!tpu.dma_semaphore, #tpu.memory_space<semaphore_mem>>
      %dma_start3A = arith.constant 0 : i32
      %dma_start3A_118 = tpu.memref_slice %arg11[%add3A_75, %dma_start3A] : memref<10240x128xf32, #tpu.memory_space<vmem_shared>> -> memref<128x128xf32, #tpu.memory_space<vmem_shared>>
      %dma_start3A_119 = arith.constant 0 : i32
      %dma_start3A_120 = tpu.memref_slice %arg11[%add3A_75, %dma_start3A_119] : memref<10240x128xf32, #tpu.memory_space<vmem_shared>> -> memref<128x128xf32, #tpu.memory_space<vmem_shared>>
      tpu.enqueue_dma source(%arg9 : memref<128x128xf32, #tpu.memory_space<vmem>>) target(%dma_start3A_120 : memref<128x128xf32, #tpu.memory_space<vmem_shared>>) target_semaphore(%run_scoped3A : memref<!tpu.dma_semaphore, #tpu.memory_space<semaphore_mem>>)
      %dma_wait3A = arith.constant 0 : i32
      %dma_wait3A_121 = tpu.memref_slice %arg11[%add3A_75, %dma_wait3A] : memref<10240x128xf32, #tpu.memory_space<vmem_shared>> -> memref<128x128xf32, #tpu.memory_space<vmem_shared>>
      %dma_wait3A_122 = arith.constant 0 : i32
      %dma_wait3A_123 = tpu.memref_slice %arg11[%add3A_75, %dma_wait3A_122] : memref<10240x128xf32, #tpu.memory_space<vmem_shared>> -> memref<128x128xf32, #tpu.memory_space<vmem_shared>>
      tpu.wait_dma2 semaphore(%run_scoped3A : memref<!tpu.dma_semaphore, #tpu.memory_space<semaphore_mem>>) src(%arg9 : memref<128x128xf32, #tpu.memory_space<vmem>>) dst(%dma_wait3A_123 : memref<128x128xf32, #tpu.memory_space<vmem_shared>>)
      tpu.yield
    }) : () -> ()
    %mul3A_76 = arith.constant 640 : i32
    %mul3A_77 = arith.muli %arg1, %mul3A_76 : i32
    %add3A_78 = arith.constant 512 : i32
    %add3A_79 = arith.addi %mul3A_77, %add3A_78 : i32
    "tpu.region"() ({
      %run_scoped3A = tpu.sem_alloc : memref<!tpu.dma_semaphore, #tpu.memory_space<semaphore_mem>>
      %dma_start3A = arith.constant 0 : i32
      %dma_start3A_118 = tpu.memref_slice %arg11[%add3A_79, %dma_start3A] : memref<10240x128xf32, #tpu.memory_space<vmem_shared>> -> memref<128x128xf32, #tpu.memory_space<vmem_shared>>
      %dma_start3A_119 = arith.constant 0 : i32
      %dma_start3A_120 = tpu.memref_slice %arg11[%add3A_79, %dma_start3A_119] : memref<10240x128xf32, #tpu.memory_space<vmem_shared>> -> memref<128x128xf32, #tpu.memory_space<vmem_shared>>
      tpu.enqueue_dma source(%arg9 : memref<128x128xf32, #tpu.memory_space<vmem>>) target(%dma_start3A_120 : memref<128x128xf32, #tpu.memory_space<vmem_shared>>) target_semaphore(%run_scoped3A : memref<!tpu.dma_semaphore, #tpu.memory_space<semaphore_mem>>)
      %dma_wait3A = arith.constant 0 : i32
      %dma_wait3A_121 = tpu.memref_slice %arg11[%add3A_79, %dma_wait3A] : memref<10240x128xf32, #tpu.memory_space<vmem_shared>> -> memref<128x128xf32, #tpu.memory_space<vmem_shared>>
      %dma_wait3A_122 = arith.constant 0 : i32
      %dma_wait3A_123 = tpu.memref_slice %arg11[%add3A_79, %dma_wait3A_122] : memref<10240x128xf32, #tpu.memory_space<vmem_shared>> -> memref<128x128xf32, #tpu.memory_space<vmem_shared>>
      tpu.wait_dma2 semaphore(%run_scoped3A : memref<!tpu.dma_semaphore, #tpu.memory_space<semaphore_mem>>) src(%arg9 : memref<128x128xf32, #tpu.memory_space<vmem>>) dst(%dma_wait3A_123 : memref<128x128xf32, #tpu.memory_space<vmem_shared>>)
      tpu.yield
    }) : () -> ()
    %scan3A_80 = arith.constant 0 : i32
    %scan3A_81 = arith.constant 0 : i32
    %scan3A_82 = arith.constant 1024 : i32
    %scan3A_83 = arith.addi %scan3A_81, %scan3A_82 : i32
    %scan3A_84 = arith.constant 1 : i32
    %scan3A_85 = scf.for %scan3A_118 = %scan3A_81 to %scan3A_83 step %scan3A_84 iter_args(%scan3A_119 = %scan3A_80) -> (i32)  : i32 {
      %broadcast_in_dim3A = arith.constant 1.000000e+00 : f32
      %broadcast_in_dim3A_120 = vector.broadcast %broadcast_in_dim3A : f32 to vector<16xf32>
      %jit3A_121 = arith.constant 8 : i32
      %div3A = arith.divsi %scan3A_118, %jit3A_121 : i32
      %sign3A = arith.constant 0 : i32
      %sign3A_122 = arith.cmpi sgt, %scan3A_118, %sign3A : i32
      %sign3A_123 = arith.extui %sign3A_122 : i1 to i32
      %sign3A_124 = arith.constant 0 : i32
      %sign3A_125 = arith.cmpi slt, %scan3A_118, %sign3A_124 : i32
      %sign3A_126 = arith.extui %sign3A_125 : i1 to i32
      %sign3A_127 = arith.subi %sign3A_123, %sign3A_126 : i32
      %sign3A_128 = arith.constant 0 : i32
      %sign3A_129 = arith.cmpi sgt, %jit3A_121, %sign3A_128 : i32
      %sign3A_130 = arith.extui %sign3A_129 : i1 to i32
      %sign3A_131 = arith.constant 0 : i32
      %sign3A_132 = arith.cmpi slt, %jit3A_121, %sign3A_131 : i32
      %sign3A_133 = arith.extui %sign3A_132 : i1 to i32
      %sign3A_134 = arith.subi %sign3A_130, %sign3A_133 : i32
      %ne3A = arith.cmpi ne, %sign3A_127, %sign3A_134 : i32
      %rem3A = arith.remsi %scan3A_118, %jit3A_121 : i32
      %ne3A_135 = arith.constant 0 : i32
      %ne3A_136 = arith.cmpi ne, %rem3A, %ne3A_135 : i32
      %and3A = arith.andi %ne3A, %ne3A_136 : i1
      %sub3A = arith.constant 1 : i32
      %sub3A_137 = arith.subi %div3A, %sub3A : i32
      %select_n3A_138 = arith.select %and3A, %sub3A_137, %div3A : i32
      %jit3A_139 = arith.constant 8 : i32
      %eq3A = arith.constant 0 : i32
      %eq3A_140 = arith.cmpi eq, %jit3A_139, %eq3A : i32
      %jit3A_141 = arith.constant 1 : i32
      %select_n3A_142 = arith.select %eq3A_140, %jit3A_141, %jit3A_139 : i32
      %rem3A_143 = arith.remsi %scan3A_118, %select_n3A_142 : i32
      %ne3A_144 = arith.constant 0 : i32
      %ne3A_145 = arith.cmpi ne, %rem3A_143, %ne3A_144 : i32
      %lt3A_146 = arith.constant 0 : i32
      %lt3A_147 = arith.cmpi slt, %rem3A_143, %lt3A_146 : i32
      %lt3A_148 = arith.constant 0 : i32
      %lt3A_149 = arith.cmpi slt, %select_n3A_142, %lt3A_148 : i32
      %ne3A_150 = arith.xori %lt3A_147, %lt3A_149 : i1
      %and3A_151 = arith.andi %ne3A_150, %ne3A_145 : i1
      %add3A_152 = arith.addi %rem3A_143, %select_n3A_142 : i32
      %select_n3A_153 = arith.select %and3A_151, %add3A_152, %rem3A_143 : i32
      %mul3A_154 = arith.constant 16 : i32
      %mul3A_155 = arith.muli %select_n3A_153, %mul3A_154 : i32
      %swap3A = arith.index_cast %select_n3A_138 : i32 to index
      %swap3A_156 = arith.index_cast %mul3A_155 : i32 to index
      %swap3A_157 = tpu.vector_load %arg9[%swap3A, %swap3A_156] {strides = array<i32>} : memref<128x128xf32, #tpu.memory_space<vmem>>, vector<1x16xf32>,
      %swap3A_158 = vector.shape_cast %swap3A_157 : vector<1x16xf32> to vector<16xf32>
      %swap3A_159 = vector.shape_cast %broadcast_in_dim3A_120 : vector<16xf32> to vector<1x16xf32>
      tpu.vector_store %arg9[%swap3A, %swap3A_156], %swap3A_159 {strides = array<i32>} : memref<128x128xf32, #tpu.memory_space<vmem>>, vector<1x16xf32>,
      %scan3A_160 = arith.constant 0 : i32
      scf.yield %scan3A_160 : i32
    }
    %scan3A_86 = arith.constant 1024 : i32
    %barrier3A_87 = arith.constant 0 : index
    tpu.barrier barrier_id(%barrier3A_87)
    %mul3A_88 = arith.constant 4 : i32
    %mul3A_89 = arith.muli %add3A, %mul3A_88 : i32
    %min3A_90 = arith.constant 29 : i32
    %min3A_91 = arith.minsi %add3A, %min3A_90 : i32
    %add3A_92 = arith.addi %mul3A_89, %min3A_91 : i32
    %lt3A_93 = arith.constant 29 : i32
    %lt3A_94 = arith.cmpi slt, %add3A, %lt3A_93 : i32
    %jit3A_95 = arith.constant 5 : i32
    %jit3A_96 = arith.constant 4 : i32
    %select_n3A_97 = arith.select %lt3A_94, %jit3A_95, %jit3A_96 : i32
    %while3A_98 = arith.constant 0 : i32
    %while3A_99 = arith.constant 0 : i32
    %while3A_100 = arith.subi %select_n3A_97, %while3A_98 : i32
    %while3A_101 = arith.addi %while3A_98, %while3A_100 : i32
    %while3A_102 = arith.constant 1 : i32
    %while3A_103 = arith.divsi %while3A_100, %while3A_102 : i32
    %while3A_104 = arith.muli %while3A_103, %while3A_102 : i32
    %while3A_105 = arith.addi %while3A_98, %while3A_104 : i32
    %while3A_106 = arith.constant 1 : i32
    %while3A_107 = scf.for %while3A_118 = %while3A_98 to %while3A_105 step %while3A_106 iter_args(%while3A_119 = %while3A_99) -> (i32)  : i32 {
      %add3A_120 = arith.addi %add3A_92, %while3A_118 : i32
      "tpu.region"() ({
        %run_scoped3A = tpu.sem_alloc : memref<!tpu.dma_semaphore, #tpu.memory_space<semaphore_mem>>
        %dma_start3A = arith.constant 0 : i32
        %dma_start3A_129 = arith.constant 0 : i32
        %dma_start3A_130 = tpu.memref_slice %arg4[%add3A_120, %dma_start3A, %dma_start3A_129] : memref<157x16x128xi32, #tpu.memory_space<hbm>> -> memref<1x16x128xi32, #tpu.memory_space<hbm>>
        %dma_start3A_131 = tpu.memref_squeeze %dma_start3A_130 : memref<1x16x128xi32, #tpu.memory_space<hbm>> -> memref<16x128xi32, #tpu.memory_space<hbm>>
        %dma_start3A_132 = arith.constant 0 : i32
        %dma_start3A_133 = arith.constant 0 : i32
        %dma_start3A_134 = tpu.memref_slice %arg4[%add3A_120, %dma_start3A_132, %dma_start3A_133] : memref<157x16x128xi32, #tpu.memory_space<hbm>> -> memref<1x16x128xi32, #tpu.memory_space<hbm>>
        %dma_start3A_135 = tpu.memref_squeeze %dma_start3A_134 : memref<1x16x128xi32, #tpu.memory_space<hbm>> -> memref<16x128xi32, #tpu.memory_space<hbm>>
        tpu.enqueue_dma source(%dma_start3A_135 : memref<16x128xi32, #tpu.memory_space<hbm>>) target(%arg8 : memref<16x128xi32, #tpu.memory_space<vmem>>) target_semaphore(%run_scoped3A : memref<!tpu.dma_semaphore, #tpu.memory_space<semaphore_mem>>)
        %dma_wait3A = arith.constant 0 : i32
        %dma_wait3A_136 = arith.constant 0 : i32
        %dma_wait3A_137 = tpu.memref_slice %arg4[%add3A_120, %dma_wait3A, %dma_wait3A_136] : memref<157x16x128xi32, #tpu.memory_space<hbm>> -> memref<1x16x128xi32, #tpu.memory_space<hbm>>
        %dma_wait3A_138 = tpu.memref_squeeze %dma_wait3A_137 : memref<1x16x128xi32, #tpu.memory_space<hbm>> -> memref<16x128xi32, #tpu.memory_space<hbm>>
        %dma_wait3A_139 = arith.constant 0 : i32
        %dma_wait3A_140 = arith.constant 0 : i32
        %dma_wait3A_141 = tpu.memref_slice %arg4[%add3A_120, %dma_wait3A_139, %dma_wait3A_140] : memref<157x16x128xi32, #tpu.memory_space<hbm>> -> memref<1x16x128xi32, #tpu.memory_space<hbm>>
        %dma_wait3A_142 = tpu.memref_squeeze %dma_wait3A_141 : memref<1x16x128xi32, #tpu.memory_space<hbm>> -> memref<16x128xi32, #tpu.memory_space<hbm>>
        tpu.wait_dma2 semaphore(%run_scoped3A : memref<!tpu.dma_semaphore, #tpu.memory_space<semaphore_mem>>) src(%dma_wait3A_142 : memref<16x128xi32, #tpu.memory_space<hbm>>) dst(%arg8 : memref<16x128xi32, #tpu.memory_space<vmem>>)
        tpu.yield
      }) : () -> ()
      %scan3A_121 = arith.constant 0 : i32
      %scan3A_122 = arith.constant 0 : i32
      %scan3A_123 = arith.constant 16 : i32
      %scan3A_124 = arith.addi %scan3A_122, %scan3A_123 : i32
      %scan3A_125 = arith.constant 1 : i32
      %scan3A_126 = scf.for %scan3A_129 = %scan3A_122 to %scan3A_124 step %scan3A_125 iter_args(%scan3A_130 = %scan3A_121) -> (i32)  : i32 {
        "tpu.region"() ({
          %run_scoped3A = tpu.sem_alloc : memref<!tpu.dma_semaphore, #tpu.memory_space<semaphore_mem>>
          %dma_start3A = arith.constant 0 : i32
          %dma_start3A_132 = tpu.memref_slice %arg8[%scan3A_129, %dma_start3A] : memref<16x128xi32, #tpu.memory_space<vmem>> -> memref<1x128xi32, #tpu.memory_space<vmem>>
          %dma_start3A_133 = tpu.memref_squeeze %dma_start3A_132 : memref<1x128xi32, #tpu.memory_space<vmem>> -> memref<128xi32, #tpu.memory_space<vmem>>
          %dma_start3A_134 = arith.constant 0 : i32
          %dma_start3A_135 = arith.constant 0 : i32
          %dma_start3A_136 = tpu.memref_slice %arg11[%dma_start3A_134, %dma_start3A_135] : memref<10240x128xf32, #tpu.memory_space<vmem_shared>> -> memref<10240x128xf32, #tpu.memory_space<vmem_shared>>
          tpu.enqueue_indirect_dma source(%arg9 : memref<128x128xf32, #tpu.memory_space<vmem>>) target(%dma_start3A_136 : memref<10240x128xf32, #tpu.memory_space<vmem_shared>>) offsets(%dma_start3A_133 : memref<128xi32, #tpu.memory_space<vmem>>) semaphore(%run_scoped3A : memref<!tpu.dma_semaphore, #tpu.memory_space<semaphore_mem>>) {add = true}
          %dma_wait3A = arith.constant 0 : i32
          %dma_wait3A_137 = tpu.memref_slice %arg8[%scan3A_129, %dma_wait3A] : memref<16x128xi32, #tpu.memory_space<vmem>> -> memref<1x128xi32, #tpu.memory_space<vmem>>
          %dma_wait3A_138 = tpu.memref_squeeze %dma_wait3A_137 : memref<1x128xi32, #tpu.memory_space<vmem>> -> memref<128xi32, #tpu.memory_space<vmem>>
          %dma_wait3A_139 = arith.constant 0 : i32
          %dma_wait3A_140 = arith.constant 0 : i32
          %dma_wait3A_141 = tpu.memref_slice %arg11[%dma_wait3A_139, %dma_wait3A_140] : memref<10240x128xf32, #tpu.memory_space<vmem_shared>> -> memref<10240x128xf32, #tpu.memory_space<vmem_shared>>
          tpu.wait_indirect_dma semaphore(%run_scoped3A : memref<!tpu.dma_semaphore, #tpu.memory_space<semaphore_mem>>) src(%arg9 : memref<128x128xf32, #tpu.memory_space<vmem>>) dst(%dma_wait3A_141 : memref<10240x128xf32, #tpu.memory_space<vmem_shared>>)
          tpu.yield
        }) : () -> ()
        %scan3A_131 = arith.constant 0 : i32
        scf.yield %scan3A_131 : i32
      }
      %scan3A_127 = arith.constant 16 : i32
      %while3A_128 = arith.constant 0 : i32
      scf.yield %while3A_128 : i32
    }
    %while3A_108 = arith.constant 1 : i32
    %while3A_109 = scf.for %while3A_118 = %while3A_105 to %while3A_101 step %while3A_108 iter_args(%while3A_119 = %while3A_107) -> (i32)  : i32 {
      %add3A_120 = arith.addi %add3A_92, %while3A_118 : i32
      "tpu.region"() ({
        %run_scoped3A = tpu.sem_alloc : memref<!tpu.dma_semaphore, #tpu.memory_space<semaphore_mem>>
        %dma_start3A = arith.constant 0 : i32
        %dma_start3A_129 = arith.constant 0 : i32
        %dma_start3A_130 = tpu.memref_slice %arg4[%add3A_120, %dma_start3A, %dma_start3A_129] : memref<157x16x128xi32, #tpu.memory_space<hbm>> -> memref<1x16x128xi32, #tpu.memory_space<hbm>>
        %dma_start3A_131 = tpu.memref_squeeze %dma_start3A_130 : memref<1x16x128xi32, #tpu.memory_space<hbm>> -> memref<16x128xi32, #tpu.memory_space<hbm>>
        %dma_start3A_132 = arith.constant 0 : i32
        %dma_start3A_133 = arith.constant 0 : i32
        %dma_start3A_134 = tpu.memref_slice %arg4[%add3A_120, %dma_start3A_132, %dma_start3A_133] : memref<157x16x128xi32, #tpu.memory_space<hbm>> -> memref<1x16x128xi32, #tpu.memory_space<hbm>>
        %dma_start3A_135 = tpu.memref_squeeze %dma_start3A_134 : memref<1x16x128xi32, #tpu.memory_space<hbm>> -> memref<16x128xi32, #tpu.memory_space<hbm>>
        tpu.enqueue_dma source(%dma_start3A_135 : memref<16x128xi32, #tpu.memory_space<hbm>>) target(%arg8 : memref<16x128xi32, #tpu.memory_space<vmem>>) target_semaphore(%run_scoped3A : memref<!tpu.dma_semaphore, #tpu.memory_space<semaphore_mem>>)
        %dma_wait3A = arith.constant 0 : i32
        %dma_wait3A_136 = arith.constant 0 : i32
        %dma_wait3A_137 = tpu.memref_slice %arg4[%add3A_120, %dma_wait3A, %dma_wait3A_136] : memref<157x16x128xi32, #tpu.memory_space<hbm>> -> memref<1x16x128xi32, #tpu.memory_space<hbm>>
        %dma_wait3A_138 = tpu.memref_squeeze %dma_wait3A_137 : memref<1x16x128xi32, #tpu.memory_space<hbm>> -> memref<16x128xi32, #tpu.memory_space<hbm>>
        %dma_wait3A_139 = arith.constant 0 : i32
        %dma_wait3A_140 = arith.constant 0 : i32
        %dma_wait3A_141 = tpu.memref_slice %arg4[%add3A_120, %dma_wait3A_139, %dma_wait3A_140] : memref<157x16x128xi32, #tpu.memory_space<hbm>> -> memref<1x16x128xi32, #tpu.memory_space<hbm>>
        %dma_wait3A_142 = tpu.memref_squeeze %dma_wait3A_141 : memref<1x16x128xi32, #tpu.memory_space<hbm>> -> memref<16x128xi32, #tpu.memory_space<hbm>>
        tpu.wait_dma2 semaphore(%run_scoped3A : memref<!tpu.dma_semaphore, #tpu.memory_space<semaphore_mem>>) src(%dma_wait3A_142 : memref<16x128xi32, #tpu.memory_space<hbm>>) dst(%arg8 : memref<16x128xi32, #tpu.memory_space<vmem>>)
        tpu.yield
      }) : () -> ()
      %scan3A_121 = arith.constant 0 : i32
      %scan3A_122 = arith.constant 0 : i32
      %scan3A_123 = arith.constant 16 : i32
      %scan3A_124 = arith.addi %scan3A_122, %scan3A_123 : i32
      %scan3A_125 = arith.constant 1 : i32
      %scan3A_126 = scf.for %scan3A_129 = %scan3A_122 to %scan3A_124 step %scan3A_125 iter_args(%scan3A_130 = %scan3A_121) -> (i32)  : i32 {
        "tpu.region"() ({
          %run_scoped3A = tpu.sem_alloc : memref<!tpu.dma_semaphore, #tpu.memory_space<semaphore_mem>>
          %dma_start3A = arith.constant 0 : i32
          %dma_start3A_132 = tpu.memref_slice %arg8[%scan3A_129, %dma_start3A] : memref<16x128xi32, #tpu.memory_space<vmem>> -> memref<1x128xi32, #tpu.memory_space<vmem>>
          %dma_start3A_133 = tpu.memref_squeeze %dma_start3A_132 : memref<1x128xi32, #tpu.memory_space<vmem>> -> memref<128xi32, #tpu.memory_space<vmem>>
          %dma_start3A_134 = arith.constant 0 : i32
          %dma_start3A_135 = arith.constant 0 : i32
          %dma_start3A_136 = tpu.memref_slice %arg11[%dma_start3A_134, %dma_start3A_135] : memref<10240x128xf32, #tpu.memory_space<vmem_shared>> -> memref<10240x128xf32, #tpu.memory_space<vmem_shared>>
          tpu.enqueue_indirect_dma source(%arg9 : memref<128x128xf32, #tpu.memory_space<vmem>>) target(%dma_start3A_136 : memref<10240x128xf32, #tpu.memory_space<vmem_shared>>) offsets(%dma_start3A_133 : memref<128xi32, #tpu.memory_space<vmem>>) semaphore(%run_scoped3A : memref<!tpu.dma_semaphore, #tpu.memory_space<semaphore_mem>>) {add = true}
          %dma_wait3A = arith.constant 0 : i32
          %dma_wait3A_137 = tpu.memref_slice %arg8[%scan3A_129, %dma_wait3A] : memref<16x128xi32, #tpu.memory_space<vmem>> -> memref<1x128xi32, #tpu.memory_space<vmem>>
          %dma_wait3A_138 = tpu.memref_squeeze %dma_wait3A_137 : memref<1x128xi32, #tpu.memory_space<vmem>> -> memref<128xi32, #tpu.memory_space<vmem>>
          %dma_wait3A_139 = arith.constant 0 : i32
          %dma_wait3A_140 = arith.constant 0 : i32
          %dma_wait3A_141 = tpu.memref_slice %arg11[%dma_wait3A_139, %dma_wait3A_140] : memref<10240x128xf32, #tpu.memory_space<vmem_shared>> -> memref<10240x128xf32, #tpu.memory_space<vmem_shared>>
          tpu.wait_indirect_dma semaphore(%run_scoped3A : memref<!tpu.dma_semaphore, #tpu.memory_space<semaphore_mem>>) src(%arg9 : memref<128x128xf32, #tpu.memory_space<vmem>>) dst(%dma_wait3A_141 : memref<10240x128xf32, #tpu.memory_space<vmem_shared>>)
          tpu.yield
        }) : () -> ()
        %scan3A_131 = arith.constant 0 : i32
        scf.yield %scan3A_131 : i32
      }
      %scan3A_127 = arith.constant 16 : i32
      %while3A_128 = arith.constant 0 : i32
      scf.yield %while3A_128 : i32
    }
    %barrier3A_110 = arith.constant 0 : index
    tpu.barrier barrier_id(%barrier3A_110)
    %mul3A_111 = arith.constant 10240 : i32
    %mul3A_112 = arith.muli %arg0, %mul3A_111 : i32
    %mul3A_113 = arith.constant 640 : i32
    %mul3A_114 = arith.muli %arg1, %mul3A_113 : i32
    %mul3A_115 = arith.constant 640 : i32
    %mul3A_116 = arith.muli %arg1, %mul3A_115 : i32
    %add3A_117 = arith.addi %mul3A_112, %mul3A_116 : i32
    "tpu.region"() ({
      %run_scoped3A = tpu.sem_alloc : memref<!tpu.dma_semaphore, #tpu.memory_space<semaphore_mem>>
      %dma_start3A = arith.constant 0 : i32
      %dma_start3A_118 = tpu.memref_slice %arg6[%add3A_117, %dma_start3A] : memref<20480x128xf32, #tpu.memory_space<hbm>> -> memref<640x128xf32, #tpu.memory_space<hbm>>
      %dma_start3A_119 = arith.constant 0 : i32
      %dma_start3A_120 = tpu.memref_slice %arg11[%mul3A_114, %dma_start3A_119] : memref<10240x128xf32, #tpu.memory_space<vmem_shared>> -> memref<640x128xf32, #tpu.memory_space<vmem_shared>>
      tpu.enqueue_dma source(%dma_start3A_120 : memref<640x128xf32, #tpu.memory_space<vmem_shared>>) target(%dma_start3A_118 : memref<640x128xf32, #tpu.memory_space<hbm>>) target_semaphore(%run_scoped3A : memref<!tpu.dma_semaphore, #tpu.memory_space<semaphore_mem>>)
      %dma_wait3A = arith.constant 0 : i32
      %dma_wait3A_121 = tpu.memref_slice %arg6[%add3A_117, %dma_wait3A] : memref<20480x128xf32, #tpu.memory_space<hbm>> -> memref<640x128xf32, #tpu.memory_space<hbm>>
      %dma_wait3A_122 = arith.constant 0 : i32
      %dma_wait3A_123 = tpu.memref_slice %arg11[%mul3A_114, %dma_wait3A_122] : memref<10240x128xf32, #tpu.memory_space<vmem_shared>> -> memref<640x128xf32, #tpu.memory_space<vmem_shared>>
      tpu.wait_dma2 semaphore(%run_scoped3A : memref<!tpu.dma_semaphore, #tpu.memory_space<semaphore_mem>>) src(%dma_wait3A_123 : memref<640x128xf32, #tpu.memory_space<vmem_shared>>) dst(%dma_wait3A_121 : memref<640x128xf32, #tpu.memory_space<hbm>>)
      tpu.yield
    }) : () -> ()
    return
  }
}

#map = affine_map<(d0, d1) -> (0, 0)>
#map1 = affine_map<(d0, d1) -> (0, 0, 0)>
module attributes {stable_mosaic.version = 14 : i64} {
  func.func @_sc_layer2(%arg0: i32, %arg1: i32, %arg2: memref<10000x128xf32, #tpu.memory_space<hbm>>, %arg3: memref<10000x128xf32, #tpu.memory_space<hbm>>, %arg4: memref<157x16x128xi32, #tpu.memory_space<hbm>>, %arg5: memref<157x16x128xi32, #tpu.memory_space<hbm>>, %arg6: memref<40960x128xf32, #tpu.memory_space<hbm>>, %arg7: memref<16x128xi32, #tpu.memory_space<vmem>>, %arg8: memref<16x128xi32, #tpu.memory_space<vmem>>, %arg9: memref<128x128xf32, #tpu.memory_space<vmem>>, %arg10: memref<128x128xf32, #tpu.memory_space<vmem>>, %arg11: memref<10240x128xf32, #tpu.memory_space<vmem_shared>>, %arg12: memref<!tpu.dma_semaphore, #tpu.memory_space<semaphore_mem>>, %arg13: memref<!tpu.dma_semaphore, #tpu.memory_space<semaphore_mem>>) attributes {dimension_semantics = [#tpu.dimension_semantics<core_parallel>, #tpu.dimension_semantics<subcore_parallel>], iteration_bounds = array<i64: 2, 16>, scalar_prefetch = 0 : i64, scratch_operands = 7 : i64, tpu.core_type = #tpu.core_type<sc_vector_subcore>, window_params = [{transform_indices = #map}, {transform_indices = #map}, {transform_indices = #map1}, {transform_indices = #map1}, {transform_indices = #map}]} {
    %mul3A = arith.constant 2 : i32
    %mul3A_0 = arith.muli %arg1, %mul3A : i32
    %add3A = arith.addi %mul3A_0, %arg0 : i32
    %scan3A = arith.constant 0 : i32
    %scan3A_1 = arith.constant 0 : i32
    %scan3A_2 = arith.constant 1024 : i32
    %scan3A_3 = arith.addi %scan3A_1, %scan3A_2 : i32
    %scan3A_4 = arith.constant 1 : i32
    %scan3A_5 = scf.for %scan3A_116 = %scan3A_1 to %scan3A_3 step %scan3A_4 iter_args(%scan3A_117 = %scan3A) -> (i32)  : i32 {
      %broadcast_in_dim3A = arith.constant 0.000000e+00 : f32
      %broadcast_in_dim3A_118 = vector.broadcast %broadcast_in_dim3A : f32 to vector<16xf32>
      %jit3A_119 = arith.constant 8 : i32
      %div3A = arith.divsi %scan3A_116, %jit3A_119 : i32
      %sign3A = arith.constant 0 : i32
      %sign3A_120 = arith.cmpi sgt, %scan3A_116, %sign3A : i32
      %sign3A_121 = arith.extui %sign3A_120 : i1 to i32
      %sign3A_122 = arith.constant 0 : i32
      %sign3A_123 = arith.cmpi slt, %scan3A_116, %sign3A_122 : i32
      %sign3A_124 = arith.extui %sign3A_123 : i1 to i32
      %sign3A_125 = arith.subi %sign3A_121, %sign3A_124 : i32
      %sign3A_126 = arith.constant 0 : i32
      %sign3A_127 = arith.cmpi sgt, %jit3A_119, %sign3A_126 : i32
      %sign3A_128 = arith.extui %sign3A_127 : i1 to i32
      %sign3A_129 = arith.constant 0 : i32
      %sign3A_130 = arith.cmpi slt, %jit3A_119, %sign3A_129 : i32
      %sign3A_131 = arith.extui %sign3A_130 : i1 to i32
      %sign3A_132 = arith.subi %sign3A_128, %sign3A_131 : i32
      %ne3A = arith.cmpi ne, %sign3A_125, %sign3A_132 : i32
      %rem3A = arith.remsi %scan3A_116, %jit3A_119 : i32
      %ne3A_133 = arith.constant 0 : i32
      %ne3A_134 = arith.cmpi ne, %rem3A, %ne3A_133 : i32
      %and3A = arith.andi %ne3A, %ne3A_134 : i1
      %sub3A = arith.constant 1 : i32
      %sub3A_135 = arith.subi %div3A, %sub3A : i32
      %select_n3A_136 = arith.select %and3A, %sub3A_135, %div3A : i32
      %jit3A_137 = arith.constant 8 : i32
      %eq3A = arith.constant 0 : i32
      %eq3A_138 = arith.cmpi eq, %jit3A_137, %eq3A : i32
      %jit3A_139 = arith.constant 1 : i32
      %select_n3A_140 = arith.select %eq3A_138, %jit3A_139, %jit3A_137 : i32
      %rem3A_141 = arith.remsi %scan3A_116, %select_n3A_140 : i32
      %ne3A_142 = arith.constant 0 : i32
      %ne3A_143 = arith.cmpi ne, %rem3A_141, %ne3A_142 : i32
      %lt3A_144 = arith.constant 0 : i32
      %lt3A_145 = arith.cmpi slt, %rem3A_141, %lt3A_144 : i32
      %lt3A_146 = arith.constant 0 : i32
      %lt3A_147 = arith.cmpi slt, %select_n3A_140, %lt3A_146 : i32
      %ne3A_148 = arith.xori %lt3A_145, %lt3A_147 : i1
      %and3A_149 = arith.andi %ne3A_148, %ne3A_143 : i1
      %add3A_150 = arith.addi %rem3A_141, %select_n3A_140 : i32
      %select_n3A_151 = arith.select %and3A_149, %add3A_150, %rem3A_141 : i32
      %mul3A_152 = arith.constant 16 : i32
      %mul3A_153 = arith.muli %select_n3A_151, %mul3A_152 : i32
      %swap3A = arith.index_cast %select_n3A_136 : i32 to index
      %swap3A_154 = arith.index_cast %mul3A_153 : i32 to index
      %swap3A_155 = tpu.vector_load %arg9[%swap3A, %swap3A_154] {strides = array<i32>} : memref<128x128xf32, #tpu.memory_space<vmem>>, vector<1x16xf32>,
      %swap3A_156 = vector.shape_cast %swap3A_155 : vector<1x16xf32> to vector<16xf32>
      %swap3A_157 = vector.shape_cast %broadcast_in_dim3A_118 : vector<16xf32> to vector<1x16xf32>
      tpu.vector_store %arg9[%swap3A, %swap3A_154], %swap3A_157 {strides = array<i32>} : memref<128x128xf32, #tpu.memory_space<vmem>>, vector<1x16xf32>,
      %scan3A_158 = arith.constant 0 : i32
      scf.yield %scan3A_158 : i32
    }
    %scan3A_6 = arith.constant 1024 : i32
    %mul3A_7 = arith.constant 640 : i32
    %mul3A_8 = arith.muli %arg1, %mul3A_7 : i32
    %add3A_9 = arith.constant 0 : i32
    %add3A_10 = arith.addi %mul3A_8, %add3A_9 : i32
    "tpu.region"() ({
      %run_scoped3A = tpu.sem_alloc : memref<!tpu.dma_semaphore, #tpu.memory_space<semaphore_mem>>
      %dma_start3A = arith.constant 0 : i32
      %dma_start3A_116 = tpu.memref_slice %arg11[%add3A_10, %dma_start3A] : memref<10240x128xf32, #tpu.memory_space<vmem_shared>> -> memref<128x128xf32, #tpu.memory_space<vmem_shared>>
      %dma_start3A_117 = arith.constant 0 : i32
      %dma_start3A_118 = tpu.memref_slice %arg11[%add3A_10, %dma_start3A_117] : memref<10240x128xf32, #tpu.memory_space<vmem_shared>> -> memref<128x128xf32, #tpu.memory_space<vmem_shared>>
      tpu.enqueue_dma source(%arg9 : memref<128x128xf32, #tpu.memory_space<vmem>>) target(%dma_start3A_118 : memref<128x128xf32, #tpu.memory_space<vmem_shared>>) target_semaphore(%run_scoped3A : memref<!tpu.dma_semaphore, #tpu.memory_space<semaphore_mem>>)
      %dma_wait3A = arith.constant 0 : i32
      %dma_wait3A_119 = tpu.memref_slice %arg11[%add3A_10, %dma_wait3A] : memref<10240x128xf32, #tpu.memory_space<vmem_shared>> -> memref<128x128xf32, #tpu.memory_space<vmem_shared>>
      %dma_wait3A_120 = arith.constant 0 : i32
      %dma_wait3A_121 = tpu.memref_slice %arg11[%add3A_10, %dma_wait3A_120] : memref<10240x128xf32, #tpu.memory_space<vmem_shared>> -> memref<128x128xf32, #tpu.memory_space<vmem_shared>>
      tpu.wait_dma2 semaphore(%run_scoped3A : memref<!tpu.dma_semaphore, #tpu.memory_space<semaphore_mem>>) src(%arg9 : memref<128x128xf32, #tpu.memory_space<vmem>>) dst(%dma_wait3A_121 : memref<128x128xf32, #tpu.memory_space<vmem_shared>>)
      tpu.yield
    }) : () -> ()
    %mul3A_11 = arith.constant 640 : i32
    %mul3A_12 = arith.muli %arg1, %mul3A_11 : i32
    %add3A_13 = arith.constant 128 : i32
    %add3A_14 = arith.addi %mul3A_12, %add3A_13 : i32
    "tpu.region"() ({
      %run_scoped3A = tpu.sem_alloc : memref<!tpu.dma_semaphore, #tpu.memory_space<semaphore_mem>>
      %dma_start3A = arith.constant 0 : i32
      %dma_start3A_116 = tpu.memref_slice %arg11[%add3A_14, %dma_start3A] : memref<10240x128xf32, #tpu.memory_space<vmem_shared>> -> memref<128x128xf32, #tpu.memory_space<vmem_shared>>
      %dma_start3A_117 = arith.constant 0 : i32
      %dma_start3A_118 = tpu.memref_slice %arg11[%add3A_14, %dma_start3A_117] : memref<10240x128xf32, #tpu.memory_space<vmem_shared>> -> memref<128x128xf32, #tpu.memory_space<vmem_shared>>
      tpu.enqueue_dma source(%arg9 : memref<128x128xf32, #tpu.memory_space<vmem>>) target(%dma_start3A_118 : memref<128x128xf32, #tpu.memory_space<vmem_shared>>) target_semaphore(%run_scoped3A : memref<!tpu.dma_semaphore, #tpu.memory_space<semaphore_mem>>)
      %dma_wait3A = arith.constant 0 : i32
      %dma_wait3A_119 = tpu.memref_slice %arg11[%add3A_14, %dma_wait3A] : memref<10240x128xf32, #tpu.memory_space<vmem_shared>> -> memref<128x128xf32, #tpu.memory_space<vmem_shared>>
      %dma_wait3A_120 = arith.constant 0 : i32
      %dma_wait3A_121 = tpu.memref_slice %arg11[%add3A_14, %dma_wait3A_120] : memref<10240x128xf32, #tpu.memory_space<vmem_shared>> -> memref<128x128xf32, #tpu.memory_space<vmem_shared>>
      tpu.wait_dma2 semaphore(%run_scoped3A : memref<!tpu.dma_semaphore, #tpu.memory_space<semaphore_mem>>) src(%arg9 : memref<128x128xf32, #tpu.memory_space<vmem>>) dst(%dma_wait3A_121 : memref<128x128xf32, #tpu.memory_space<vmem_shared>>)
      tpu.yield
    }) : () -> ()
    %mul3A_15 = arith.constant 640 : i32
    %mul3A_16 = arith.muli %arg1, %mul3A_15 : i32
    %add3A_17 = arith.constant 256 : i32
    %add3A_18 = arith.addi %mul3A_16, %add3A_17 : i32
    "tpu.region"() ({
      %run_scoped3A = tpu.sem_alloc : memref<!tpu.dma_semaphore, #tpu.memory_space<semaphore_mem>>
      %dma_start3A = arith.constant 0 : i32
      %dma_start3A_116 = tpu.memref_slice %arg11[%add3A_18, %dma_start3A] : memref<10240x128xf32, #tpu.memory_space<vmem_shared>> -> memref<128x128xf32, #tpu.memory_space<vmem_shared>>
      %dma_start3A_117 = arith.constant 0 : i32
      %dma_start3A_118 = tpu.memref_slice %arg11[%add3A_18, %dma_start3A_117] : memref<10240x128xf32, #tpu.memory_space<vmem_shared>> -> memref<128x128xf32, #tpu.memory_space<vmem_shared>>
      tpu.enqueue_dma source(%arg9 : memref<128x128xf32, #tpu.memory_space<vmem>>) target(%dma_start3A_118 : memref<128x128xf32, #tpu.memory_space<vmem_shared>>) target_semaphore(%run_scoped3A : memref<!tpu.dma_semaphore, #tpu.memory_space<semaphore_mem>>)
      %dma_wait3A = arith.constant 0 : i32
      %dma_wait3A_119 = tpu.memref_slice %arg11[%add3A_18, %dma_wait3A] : memref<10240x128xf32, #tpu.memory_space<vmem_shared>> -> memref<128x128xf32, #tpu.memory_space<vmem_shared>>
      %dma_wait3A_120 = arith.constant 0 : i32
      %dma_wait3A_121 = tpu.memref_slice %arg11[%add3A_18, %dma_wait3A_120] : memref<10240x128xf32, #tpu.memory_space<vmem_shared>> -> memref<128x128xf32, #tpu.memory_space<vmem_shared>>
      tpu.wait_dma2 semaphore(%run_scoped3A : memref<!tpu.dma_semaphore, #tpu.memory_space<semaphore_mem>>) src(%arg9 : memref<128x128xf32, #tpu.memory_space<vmem>>) dst(%dma_wait3A_121 : memref<128x128xf32, #tpu.memory_space<vmem_shared>>)
      tpu.yield
    }) : () -> ()
    %mul3A_19 = arith.constant 640 : i32
    %mul3A_20 = arith.muli %arg1, %mul3A_19 : i32
    %add3A_21 = arith.constant 384 : i32
    %add3A_22 = arith.addi %mul3A_20, %add3A_21 : i32
    "tpu.region"() ({
      %run_scoped3A = tpu.sem_alloc : memref<!tpu.dma_semaphore, #tpu.memory_space<semaphore_mem>>
      %dma_start3A = arith.constant 0 : i32
      %dma_start3A_116 = tpu.memref_slice %arg11[%add3A_22, %dma_start3A] : memref<10240x128xf32, #tpu.memory_space<vmem_shared>> -> memref<128x128xf32, #tpu.memory_space<vmem_shared>>
      %dma_start3A_117 = arith.constant 0 : i32
      %dma_start3A_118 = tpu.memref_slice %arg11[%add3A_22, %dma_start3A_117] : memref<10240x128xf32, #tpu.memory_space<vmem_shared>> -> memref<128x128xf32, #tpu.memory_space<vmem_shared>>
      tpu.enqueue_dma source(%arg9 : memref<128x128xf32, #tpu.memory_space<vmem>>) target(%dma_start3A_118 : memref<128x128xf32, #tpu.memory_space<vmem_shared>>) target_semaphore(%run_scoped3A : memref<!tpu.dma_semaphore, #tpu.memory_space<semaphore_mem>>)
      %dma_wait3A = arith.constant 0 : i32
      %dma_wait3A_119 = tpu.memref_slice %arg11[%add3A_22, %dma_wait3A] : memref<10240x128xf32, #tpu.memory_space<vmem_shared>> -> memref<128x128xf32, #tpu.memory_space<vmem_shared>>
      %dma_wait3A_120 = arith.constant 0 : i32
      %dma_wait3A_121 = tpu.memref_slice %arg11[%add3A_22, %dma_wait3A_120] : memref<10240x128xf32, #tpu.memory_space<vmem_shared>> -> memref<128x128xf32, #tpu.memory_space<vmem_shared>>
      tpu.wait_dma2 semaphore(%run_scoped3A : memref<!tpu.dma_semaphore, #tpu.memory_space<semaphore_mem>>) src(%arg9 : memref<128x128xf32, #tpu.memory_space<vmem>>) dst(%dma_wait3A_121 : memref<128x128xf32, #tpu.memory_space<vmem_shared>>)
      tpu.yield
    }) : () -> ()
    %mul3A_23 = arith.constant 640 : i32
    %mul3A_24 = arith.muli %arg1, %mul3A_23 : i32
    %add3A_25 = arith.constant 512 : i32
    %add3A_26 = arith.addi %mul3A_24, %add3A_25 : i32
    "tpu.region"() ({
      %run_scoped3A = tpu.sem_alloc : memref<!tpu.dma_semaphore, #tpu.memory_space<semaphore_mem>>
      %dma_start3A = arith.constant 0 : i32
      %dma_start3A_116 = tpu.memref_slice %arg11[%add3A_26, %dma_start3A] : memref<10240x128xf32, #tpu.memory_space<vmem_shared>> -> memref<128x128xf32, #tpu.memory_space<vmem_shared>>
      %dma_start3A_117 = arith.constant 0 : i32
      %dma_start3A_118 = tpu.memref_slice %arg11[%add3A_26, %dma_start3A_117] : memref<10240x128xf32, #tpu.memory_space<vmem_shared>> -> memref<128x128xf32, #tpu.memory_space<vmem_shared>>
      tpu.enqueue_dma source(%arg9 : memref<128x128xf32, #tpu.memory_space<vmem>>) target(%dma_start3A_118 : memref<128x128xf32, #tpu.memory_space<vmem_shared>>) target_semaphore(%run_scoped3A : memref<!tpu.dma_semaphore, #tpu.memory_space<semaphore_mem>>)
      %dma_wait3A = arith.constant 0 : i32
      %dma_wait3A_119 = tpu.memref_slice %arg11[%add3A_26, %dma_wait3A] : memref<10240x128xf32, #tpu.memory_space<vmem_shared>> -> memref<128x128xf32, #tpu.memory_space<vmem_shared>>
      %dma_wait3A_120 = arith.constant 0 : i32
      %dma_wait3A_121 = tpu.memref_slice %arg11[%add3A_26, %dma_wait3A_120] : memref<10240x128xf32, #tpu.memory_space<vmem_shared>> -> memref<128x128xf32, #tpu.memory_space<vmem_shared>>
      tpu.wait_dma2 semaphore(%run_scoped3A : memref<!tpu.dma_semaphore, #tpu.memory_space<semaphore_mem>>) src(%arg9 : memref<128x128xf32, #tpu.memory_space<vmem>>) dst(%dma_wait3A_121 : memref<128x128xf32, #tpu.memory_space<vmem_shared>>)
      tpu.yield
    }) : () -> ()
    %barrier3A = arith.constant 0 : index
    tpu.barrier barrier_id(%barrier3A)
    %mul3A_27 = arith.constant 4 : i32
    %mul3A_28 = arith.muli %add3A, %mul3A_27 : i32
    %min3A = arith.constant 29 : i32
    %min3A_29 = arith.minsi %add3A, %min3A : i32
    %add3A_30 = arith.addi %mul3A_28, %min3A_29 : i32
    %lt3A = arith.constant 29 : i32
    %lt3A_31 = arith.cmpi slt, %add3A, %lt3A : i32
    %jit3A = arith.constant 5 : i32
    %jit3A_32 = arith.constant 4 : i32
    %select_n3A = arith.select %lt3A_31, %jit3A, %jit3A_32 : i32
    %while3A = arith.constant 0 : i32
    %while3A_33 = arith.constant 0 : i32
    %while3A_34 = arith.subi %select_n3A, %while3A : i32
    %while3A_35 = arith.addi %while3A, %while3A_34 : i32
    %while3A_36 = arith.constant 1 : i32
    %while3A_37 = arith.divsi %while3A_34, %while3A_36 : i32
    %while3A_38 = arith.muli %while3A_37, %while3A_36 : i32
    %while3A_39 = arith.addi %while3A, %while3A_38 : i32
    %while3A_40 = arith.constant 1 : i32
    %while3A_41 = scf.for %while3A_116 = %while3A to %while3A_39 step %while3A_40 iter_args(%while3A_117 = %while3A_33) -> (i32)  : i32 {
      %add3A_118 = arith.addi %add3A_30, %while3A_116 : i32
      "tpu.region"() ({
        %run_scoped3A = tpu.sem_alloc : memref<!tpu.dma_semaphore, #tpu.memory_space<semaphore_mem>>
        %dma_start3A_139 = arith.constant 0 : i32
        %dma_start3A_140 = arith.constant 0 : i32
        %dma_start3A_141 = tpu.memref_slice %arg4[%add3A_118, %dma_start3A_139, %dma_start3A_140] : memref<157x16x128xi32, #tpu.memory_space<hbm>> -> memref<1x16x128xi32, #tpu.memory_space<hbm>>
        %dma_start3A_142 = tpu.memref_squeeze %dma_start3A_141 : memref<1x16x128xi32, #tpu.memory_space<hbm>> -> memref<16x128xi32, #tpu.memory_space<hbm>>
        %dma_start3A_143 = arith.constant 0 : i32
        %dma_start3A_144 = arith.constant 0 : i32
        %dma_start3A_145 = tpu.memref_slice %arg4[%add3A_118, %dma_start3A_143, %dma_start3A_144] : memref<157x16x128xi32, #tpu.memory_space<hbm>> -> memref<1x16x128xi32, #tpu.memory_space<hbm>>
        %dma_start3A_146 = tpu.memref_squeeze %dma_start3A_145 : memref<1x16x128xi32, #tpu.memory_space<hbm>> -> memref<16x128xi32, #tpu.memory_space<hbm>>
        tpu.enqueue_dma source(%dma_start3A_146 : memref<16x128xi32, #tpu.memory_space<hbm>>) target(%arg7 : memref<16x128xi32, #tpu.memory_space<vmem>>) target_semaphore(%run_scoped3A : memref<!tpu.dma_semaphore, #tpu.memory_space<semaphore_mem>>)
        %dma_wait3A_147 = arith.constant 0 : i32
        %dma_wait3A_148 = arith.constant 0 : i32
        %dma_wait3A_149 = tpu.memref_slice %arg4[%add3A_118, %dma_wait3A_147, %dma_wait3A_148] : memref<157x16x128xi32, #tpu.memory_space<hbm>> -> memref<1x16x128xi32, #tpu.memory_space<hbm>>
        %dma_wait3A_150 = tpu.memref_squeeze %dma_wait3A_149 : memref<1x16x128xi32, #tpu.memory_space<hbm>> -> memref<16x128xi32, #tpu.memory_space<hbm>>
        %dma_wait3A_151 = arith.constant 0 : i32
        %dma_wait3A_152 = arith.constant 0 : i32
        %dma_wait3A_153 = tpu.memref_slice %arg4[%add3A_118, %dma_wait3A_151, %dma_wait3A_152] : memref<157x16x128xi32, #tpu.memory_space<hbm>> -> memref<1x16x128xi32, #tpu.memory_space<hbm>>
        %dma_wait3A_154 = tpu.memref_squeeze %dma_wait3A_153 : memref<1x16x128xi32, #tpu.memory_space<hbm>> -> memref<16x128xi32, #tpu.memory_space<hbm>>
        tpu.wait_dma2 semaphore(%run_scoped3A : memref<!tpu.dma_semaphore, #tpu.memory_space<semaphore_mem>>) src(%dma_wait3A_154 : memref<16x128xi32, #tpu.memory_space<hbm>>) dst(%arg7 : memref<16x128xi32, #tpu.memory_space<vmem>>)
        tpu.yield
      }) : () -> ()
      "tpu.region"() ({
        %run_scoped3A = tpu.sem_alloc : memref<!tpu.dma_semaphore, #tpu.memory_space<semaphore_mem>>
        %dma_start3A_139 = arith.constant 0 : i32
        %dma_start3A_140 = arith.constant 0 : i32
        %dma_start3A_141 = tpu.memref_slice %arg5[%add3A_118, %dma_start3A_139, %dma_start3A_140] : memref<157x16x128xi32, #tpu.memory_space<hbm>> -> memref<1x16x128xi32, #tpu.memory_space<hbm>>
        %dma_start3A_142 = tpu.memref_squeeze %dma_start3A_141 : memref<1x16x128xi32, #tpu.memory_space<hbm>> -> memref<16x128xi32, #tpu.memory_space<hbm>>
        %dma_start3A_143 = arith.constant 0 : i32
        %dma_start3A_144 = arith.constant 0 : i32
        %dma_start3A_145 = tpu.memref_slice %arg5[%add3A_118, %dma_start3A_143, %dma_start3A_144] : memref<157x16x128xi32, #tpu.memory_space<hbm>> -> memref<1x16x128xi32, #tpu.memory_space<hbm>>
        %dma_start3A_146 = tpu.memref_squeeze %dma_start3A_145 : memref<1x16x128xi32, #tpu.memory_space<hbm>> -> memref<16x128xi32, #tpu.memory_space<hbm>>
        tpu.enqueue_dma source(%dma_start3A_146 : memref<16x128xi32, #tpu.memory_space<hbm>>) target(%arg8 : memref<16x128xi32, #tpu.memory_space<vmem>>) target_semaphore(%run_scoped3A : memref<!tpu.dma_semaphore, #tpu.memory_space<semaphore_mem>>)
        %dma_wait3A_147 = arith.constant 0 : i32
        %dma_wait3A_148 = arith.constant 0 : i32
        %dma_wait3A_149 = tpu.memref_slice %arg5[%add3A_118, %dma_wait3A_147, %dma_wait3A_148] : memref<157x16x128xi32, #tpu.memory_space<hbm>> -> memref<1x16x128xi32, #tpu.memory_space<hbm>>
        %dma_wait3A_150 = tpu.memref_squeeze %dma_wait3A_149 : memref<1x16x128xi32, #tpu.memory_space<hbm>> -> memref<16x128xi32, #tpu.memory_space<hbm>>
        %dma_wait3A_151 = arith.constant 0 : i32
        %dma_wait3A_152 = arith.constant 0 : i32
        %dma_wait3A_153 = tpu.memref_slice %arg5[%add3A_118, %dma_wait3A_151, %dma_wait3A_152] : memref<157x16x128xi32, #tpu.memory_space<hbm>> -> memref<1x16x128xi32, #tpu.memory_space<hbm>>
        %dma_wait3A_154 = tpu.memref_squeeze %dma_wait3A_153 : memref<1x16x128xi32, #tpu.memory_space<hbm>> -> memref<16x128xi32, #tpu.memory_space<hbm>>
        tpu.wait_dma2 semaphore(%run_scoped3A : memref<!tpu.dma_semaphore, #tpu.memory_space<semaphore_mem>>) src(%dma_wait3A_154 : memref<16x128xi32, #tpu.memory_space<hbm>>) dst(%arg8 : memref<16x128xi32, #tpu.memory_space<vmem>>)
        tpu.yield
      }) : () -> ()
      %dma_start3A = arith.constant 0 : i32
      %dma_start3A_119 = arith.constant 0 : i32
      %dma_start3A_120 = tpu.memref_slice %arg7[%dma_start3A, %dma_start3A_119] : memref<16x128xi32, #tpu.memory_space<vmem>> -> memref<1x128xi32, #tpu.memory_space<vmem>>
      %dma_start3A_121 = tpu.memref_squeeze %dma_start3A_120 : memref<1x128xi32, #tpu.memory_space<vmem>> -> memref<128xi32, #tpu.memory_space<vmem>>
      %dma_start3A_122 = arith.constant 0 : i32
      %dma_start3A_123 = arith.constant 0 : i32
      %dma_start3A_124 = tpu.memref_slice %arg2[%dma_start3A_122, %dma_start3A_123] : memref<10000x128xf32, #tpu.memory_space<hbm>> -> memref<10000x128xf32, #tpu.memory_space<hbm>>
      tpu.enqueue_indirect_dma source(%dma_start3A_124 : memref<10000x128xf32, #tpu.memory_space<hbm>>) target(%arg9 : memref<128x128xf32, #tpu.memory_space<vmem>>) offsets(%dma_start3A_121 : memref<128xi32, #tpu.memory_space<vmem>>) semaphore(%arg12 : memref<!tpu.dma_semaphore, #tpu.memory_space<semaphore_mem>>)
      %scan3A_125 = arith.constant 0 : i32
      %scan3A_126 = arith.constant 0 : i32
      %scan3A_127 = arith.constant 8 : i32
      %scan3A_128 = arith.addi %scan3A_126, %scan3A_127 : i32
      %scan3A_129 = arith.constant 1 : i32
      %scan3A_130 = scf.for %scan3A_139 = %scan3A_126 to %scan3A_128 step %scan3A_129 iter_args(%scan3A_140 = %scan3A_125) -> (i32)  : i32 {
        %mul3A_141 = arith.constant 2 : i32
        %mul3A_142 = arith.muli %mul3A_141, %scan3A_139 : i32
        %dma_wait3A_143 = arith.constant 0 : i32
        %dma_wait3A_144 = arith.constant 0 : i32
        %dma_wait3A_145 = tpu.memref_slice %arg7[%dma_wait3A_143, %dma_wait3A_144] : memref<16x128xi32, #tpu.memory_space<vmem>> -> memref<1x128xi32, #tpu.memory_space<vmem>>
        %dma_wait3A_146 = tpu.memref_squeeze %dma_wait3A_145 : memref<1x128xi32, #tpu.memory_space<vmem>> -> memref<128xi32, #tpu.memory_space<vmem>>
        %dma_wait3A_147 = arith.constant 0 : i32
        %dma_wait3A_148 = arith.constant 0 : i32
        %dma_wait3A_149 = tpu.memref_slice %arg2[%dma_wait3A_147, %dma_wait3A_148] : memref<10000x128xf32, #tpu.memory_space<hbm>> -> memref<10000x128xf32, #tpu.memory_space<hbm>>
        tpu.wait_indirect_dma semaphore(%arg12 : memref<!tpu.dma_semaphore, #tpu.memory_space<semaphore_mem>>) src(%dma_wait3A_149 : memref<10000x128xf32, #tpu.memory_space<hbm>>) dst(%arg9 : memref<128x128xf32, #tpu.memory_space<vmem>>)
        %add3A_150 = arith.constant 1 : i32
        %add3A_151 = arith.addi %mul3A_142, %add3A_150 : i32
        %dma_start3A_152 = arith.constant 0 : i32
        %dma_start3A_153 = tpu.memref_slice %arg7[%add3A_151, %dma_start3A_152] : memref<16x128xi32, #tpu.memory_space<vmem>> -> memref<1x128xi32, #tpu.memory_space<vmem>>
        %dma_start3A_154 = tpu.memref_squeeze %dma_start3A_153 : memref<1x128xi32, #tpu.memory_space<vmem>> -> memref<128xi32, #tpu.memory_space<vmem>>
        %dma_start3A_155 = arith.constant 0 : i32
        %dma_start3A_156 = arith.constant 0 : i32
        %dma_start3A_157 = tpu.memref_slice %arg2[%dma_start3A_155, %dma_start3A_156] : memref<10000x128xf32, #tpu.memory_space<hbm>> -> memref<10000x128xf32, #tpu.memory_space<hbm>>
        tpu.enqueue_indirect_dma source(%dma_start3A_157 : memref<10000x128xf32, #tpu.memory_space<hbm>>) target(%arg10 : memref<128x128xf32, #tpu.memory_space<vmem>>) offsets(%dma_start3A_154 : memref<128xi32, #tpu.memory_space<vmem>>) semaphore(%arg13 : memref<!tpu.dma_semaphore, #tpu.memory_space<semaphore_mem>>)
        "tpu.region"() ({
          %run_scoped3A = tpu.sem_alloc : memref<!tpu.dma_semaphore, #tpu.memory_space<semaphore_mem>>
          %dma_start3A_178 = arith.constant 0 : i32
          %dma_start3A_179 = tpu.memref_slice %arg8[%mul3A_142, %dma_start3A_178] : memref<16x128xi32, #tpu.memory_space<vmem>> -> memref<1x128xi32, #tpu.memory_space<vmem>>
          %dma_start3A_180 = tpu.memref_squeeze %dma_start3A_179 : memref<1x128xi32, #tpu.memory_space<vmem>> -> memref<128xi32, #tpu.memory_space<vmem>>
          %dma_start3A_181 = arith.constant 0 : i32
          %dma_start3A_182 = arith.constant 0 : i32
          %dma_start3A_183 = tpu.memref_slice %arg11[%dma_start3A_181, %dma_start3A_182] : memref<10240x128xf32, #tpu.memory_space<vmem_shared>> -> memref<10240x128xf32, #tpu.memory_space<vmem_shared>>
          tpu.enqueue_indirect_dma source(%arg9 : memref<128x128xf32, #tpu.memory_space<vmem>>) target(%dma_start3A_183 : memref<10240x128xf32, #tpu.memory_space<vmem_shared>>) offsets(%dma_start3A_180 : memref<128xi32, #tpu.memory_space<vmem>>) semaphore(%run_scoped3A : memref<!tpu.dma_semaphore, #tpu.memory_space<semaphore_mem>>) {add = true}
          %dma_wait3A_184 = arith.constant 0 : i32
          %dma_wait3A_185 = tpu.memref_slice %arg8[%mul3A_142, %dma_wait3A_184] : memref<16x128xi32, #tpu.memory_space<vmem>> -> memref<1x128xi32, #tpu.memory_space<vmem>>
          %dma_wait3A_186 = tpu.memref_squeeze %dma_wait3A_185 : memref<1x128xi32, #tpu.memory_space<vmem>> -> memref<128xi32, #tpu.memory_space<vmem>>
          %dma_wait3A_187 = arith.constant 0 : i32
          %dma_wait3A_188 = arith.constant 0 : i32
          %dma_wait3A_189 = tpu.memref_slice %arg11[%dma_wait3A_187, %dma_wait3A_188] : memref<10240x128xf32, #tpu.memory_space<vmem_shared>> -> memref<10240x128xf32, #tpu.memory_space<vmem_shared>>
          tpu.wait_indirect_dma semaphore(%run_scoped3A : memref<!tpu.dma_semaphore, #tpu.memory_space<semaphore_mem>>) src(%arg9 : memref<128x128xf32, #tpu.memory_space<vmem>>) dst(%dma_wait3A_189 : memref<10240x128xf32, #tpu.memory_space<vmem_shared>>)
          tpu.yield
        }) : () -> ()
        %dma_wait3A_158 = arith.constant 0 : i32
        %dma_wait3A_159 = arith.constant 0 : i32
        %dma_wait3A_160 = tpu.memref_slice %arg7[%dma_wait3A_158, %dma_wait3A_159] : memref<16x128xi32, #tpu.memory_space<vmem>> -> memref<1x128xi32, #tpu.memory_space<vmem>>
        %dma_wait3A_161 = tpu.memref_squeeze %dma_wait3A_160 : memref<1x128xi32, #tpu.memory_space<vmem>> -> memref<128xi32, #tpu.memory_space<vmem>>
        %dma_wait3A_162 = arith.constant 0 : i32
        %dma_wait3A_163 = arith.constant 0 : i32
        %dma_wait3A_164 = tpu.memref_slice %arg2[%dma_wait3A_162, %dma_wait3A_163] : memref<10000x128xf32, #tpu.memory_space<hbm>> -> memref<10000x128xf32, #tpu.memory_space<hbm>>
        tpu.wait_indirect_dma semaphore(%arg13 : memref<!tpu.dma_semaphore, #tpu.memory_space<semaphore_mem>>) src(%dma_wait3A_164 : memref<10000x128xf32, #tpu.memory_space<hbm>>) dst(%arg10 : memref<128x128xf32, #tpu.memory_space<vmem>>)
        %add3A_165 = arith.constant 2 : i32
        %add3A_166 = arith.addi %mul3A_142, %add3A_165 : i32
        %min3A_167 = arith.constant 15 : i32
        %min3A_168 = arith.minsi %add3A_166, %min3A_167 : i32
        %dma_start3A_169 = arith.constant 0 : i32
        %dma_start3A_170 = tpu.memref_slice %arg7[%min3A_168, %dma_start3A_169] : memref<16x128xi32, #tpu.memory_space<vmem>> -> memref<1x128xi32, #tpu.memory_space<vmem>>
        %dma_start3A_171 = tpu.memref_squeeze %dma_start3A_170 : memref<1x128xi32, #tpu.memory_space<vmem>> -> memref<128xi32, #tpu.memory_space<vmem>>
        %dma_start3A_172 = arith.constant 0 : i32
        %dma_start3A_173 = arith.constant 0 : i32
        %dma_start3A_174 = tpu.memref_slice %arg2[%dma_start3A_172, %dma_start3A_173] : memref<10000x128xf32, #tpu.memory_space<hbm>> -> memref<10000x128xf32, #tpu.memory_space<hbm>>
        tpu.enqueue_indirect_dma source(%dma_start3A_174 : memref<10000x128xf32, #tpu.memory_space<hbm>>) target(%arg9 : memref<128x128xf32, #tpu.memory_space<vmem>>) offsets(%dma_start3A_171 : memref<128xi32, #tpu.memory_space<vmem>>) semaphore(%arg12 : memref<!tpu.dma_semaphore, #tpu.memory_space<semaphore_mem>>)
        %add3A_175 = arith.constant 1 : i32
        %add3A_176 = arith.addi %mul3A_142, %add3A_175 : i32
        "tpu.region"() ({
          %run_scoped3A = tpu.sem_alloc : memref<!tpu.dma_semaphore, #tpu.memory_space<semaphore_mem>>
          %dma_start3A_178 = arith.constant 0 : i32
          %dma_start3A_179 = tpu.memref_slice %arg8[%add3A_176, %dma_start3A_178] : memref<16x128xi32, #tpu.memory_space<vmem>> -> memref<1x128xi32, #tpu.memory_space<vmem>>
          %dma_start3A_180 = tpu.memref_squeeze %dma_start3A_179 : memref<1x128xi32, #tpu.memory_space<vmem>> -> memref<128xi32, #tpu.memory_space<vmem>>
          %dma_start3A_181 = arith.constant 0 : i32
          %dma_start3A_182 = arith.constant 0 : i32
          %dma_start3A_183 = tpu.memref_slice %arg11[%dma_start3A_181, %dma_start3A_182] : memref<10240x128xf32, #tpu.memory_space<vmem_shared>> -> memref<10240x128xf32, #tpu.memory_space<vmem_shared>>
          tpu.enqueue_indirect_dma source(%arg10 : memref<128x128xf32, #tpu.memory_space<vmem>>) target(%dma_start3A_183 : memref<10240x128xf32, #tpu.memory_space<vmem_shared>>) offsets(%dma_start3A_180 : memref<128xi32, #tpu.memory_space<vmem>>) semaphore(%run_scoped3A : memref<!tpu.dma_semaphore, #tpu.memory_space<semaphore_mem>>) {add = true}
          %dma_wait3A_184 = arith.constant 0 : i32
          %dma_wait3A_185 = tpu.memref_slice %arg8[%add3A_176, %dma_wait3A_184] : memref<16x128xi32, #tpu.memory_space<vmem>> -> memref<1x128xi32, #tpu.memory_space<vmem>>
          %dma_wait3A_186 = tpu.memref_squeeze %dma_wait3A_185 : memref<1x128xi32, #tpu.memory_space<vmem>> -> memref<128xi32, #tpu.memory_space<vmem>>
          %dma_wait3A_187 = arith.constant 0 : i32
          %dma_wait3A_188 = arith.constant 0 : i32
          %dma_wait3A_189 = tpu.memref_slice %arg11[%dma_wait3A_187, %dma_wait3A_188] : memref<10240x128xf32, #tpu.memory_space<vmem_shared>> -> memref<10240x128xf32, #tpu.memory_space<vmem_shared>>
          tpu.wait_indirect_dma semaphore(%run_scoped3A : memref<!tpu.dma_semaphore, #tpu.memory_space<semaphore_mem>>) src(%arg10 : memref<128x128xf32, #tpu.memory_space<vmem>>) dst(%dma_wait3A_189 : memref<10240x128xf32, #tpu.memory_space<vmem_shared>>)
          tpu.yield
        }) : () -> ()
        %scan3A_177 = arith.constant 0 : i32
        scf.yield %scan3A_177 : i32
      }
      %scan3A_131 = arith.constant 8 : i32
      %dma_wait3A = arith.constant 0 : i32
      %dma_wait3A_132 = arith.constant 0 : i32
      %dma_wait3A_133 = tpu.memref_slice %arg7[%dma_wait3A, %dma_wait3A_132] : memref<16x128xi32, #tpu.memory_space<vmem>> -> memref<1x128xi32, #tpu.memory_space<vmem>>
      %dma_wait3A_134 = tpu.memref_squeeze %dma_wait3A_133 : memref<1x128xi32, #tpu.memory_space<vmem>> -> memref<128xi32, #tpu.memory_space<vmem>>
      %dma_wait3A_135 = arith.constant 0 : i32
      %dma_wait3A_136 = arith.constant 0 : i32
      %dma_wait3A_137 = tpu.memref_slice %arg2[%dma_wait3A_135, %dma_wait3A_136] : memref<10000x128xf32, #tpu.memory_space<hbm>> -> memref<10000x128xf32, #tpu.memory_space<hbm>>
      tpu.wait_indirect_dma semaphore(%arg12 : memref<!tpu.dma_semaphore, #tpu.memory_space<semaphore_mem>>) src(%dma_wait3A_137 : memref<10000x128xf32, #tpu.memory_space<hbm>>) dst(%arg9 : memref<128x128xf32, #tpu.memory_space<vmem>>)
      %while3A_138 = arith.constant 0 : i32
      scf.yield %while3A_138 : i32
    }
    %while3A_42 = arith.constant 1 : i32
    %while3A_43 = scf.for %while3A_116 = %while3A_39 to %while3A_35 step %while3A_42 iter_args(%while3A_117 = %while3A_41) -> (i32)  : i32 {
      %add3A_118 = arith.addi %add3A_30, %while3A_116 : i32
      "tpu.region"() ({
        %run_scoped3A = tpu.sem_alloc : memref<!tpu.dma_semaphore, #tpu.memory_space<semaphore_mem>>
        %dma_start3A_139 = arith.constant 0 : i32
        %dma_start3A_140 = arith.constant 0 : i32
        %dma_start3A_141 = tpu.memref_slice %arg4[%add3A_118, %dma_start3A_139, %dma_start3A_140] : memref<157x16x128xi32, #tpu.memory_space<hbm>> -> memref<1x16x128xi32, #tpu.memory_space<hbm>>
        %dma_start3A_142 = tpu.memref_squeeze %dma_start3A_141 : memref<1x16x128xi32, #tpu.memory_space<hbm>> -> memref<16x128xi32, #tpu.memory_space<hbm>>
        %dma_start3A_143 = arith.constant 0 : i32
        %dma_start3A_144 = arith.constant 0 : i32
        %dma_start3A_145 = tpu.memref_slice %arg4[%add3A_118, %dma_start3A_143, %dma_start3A_144] : memref<157x16x128xi32, #tpu.memory_space<hbm>> -> memref<1x16x128xi32, #tpu.memory_space<hbm>>
        %dma_start3A_146 = tpu.memref_squeeze %dma_start3A_145 : memref<1x16x128xi32, #tpu.memory_space<hbm>> -> memref<16x128xi32, #tpu.memory_space<hbm>>
        tpu.enqueue_dma source(%dma_start3A_146 : memref<16x128xi32, #tpu.memory_space<hbm>>) target(%arg7 : memref<16x128xi32, #tpu.memory_space<vmem>>) target_semaphore(%run_scoped3A : memref<!tpu.dma_semaphore, #tpu.memory_space<semaphore_mem>>)
        %dma_wait3A_147 = arith.constant 0 : i32
        %dma_wait3A_148 = arith.constant 0 : i32
        %dma_wait3A_149 = tpu.memref_slice %arg4[%add3A_118, %dma_wait3A_147, %dma_wait3A_148] : memref<157x16x128xi32, #tpu.memory_space<hbm>> -> memref<1x16x128xi32, #tpu.memory_space<hbm>>
        %dma_wait3A_150 = tpu.memref_squeeze %dma_wait3A_149 : memref<1x16x128xi32, #tpu.memory_space<hbm>> -> memref<16x128xi32, #tpu.memory_space<hbm>>
        %dma_wait3A_151 = arith.constant 0 : i32
        %dma_wait3A_152 = arith.constant 0 : i32
        %dma_wait3A_153 = tpu.memref_slice %arg4[%add3A_118, %dma_wait3A_151, %dma_wait3A_152] : memref<157x16x128xi32, #tpu.memory_space<hbm>> -> memref<1x16x128xi32, #tpu.memory_space<hbm>>
        %dma_wait3A_154 = tpu.memref_squeeze %dma_wait3A_153 : memref<1x16x128xi32, #tpu.memory_space<hbm>> -> memref<16x128xi32, #tpu.memory_space<hbm>>
        tpu.wait_dma2 semaphore(%run_scoped3A : memref<!tpu.dma_semaphore, #tpu.memory_space<semaphore_mem>>) src(%dma_wait3A_154 : memref<16x128xi32, #tpu.memory_space<hbm>>) dst(%arg7 : memref<16x128xi32, #tpu.memory_space<vmem>>)
        tpu.yield
      }) : () -> ()
      "tpu.region"() ({
        %run_scoped3A = tpu.sem_alloc : memref<!tpu.dma_semaphore, #tpu.memory_space<semaphore_mem>>
        %dma_start3A_139 = arith.constant 0 : i32
        %dma_start3A_140 = arith.constant 0 : i32
        %dma_start3A_141 = tpu.memref_slice %arg5[%add3A_118, %dma_start3A_139, %dma_start3A_140] : memref<157x16x128xi32, #tpu.memory_space<hbm>> -> memref<1x16x128xi32, #tpu.memory_space<hbm>>
        %dma_start3A_142 = tpu.memref_squeeze %dma_start3A_141 : memref<1x16x128xi32, #tpu.memory_space<hbm>> -> memref<16x128xi32, #tpu.memory_space<hbm>>
        %dma_start3A_143 = arith.constant 0 : i32
        %dma_start3A_144 = arith.constant 0 : i32
        %dma_start3A_145 = tpu.memref_slice %arg5[%add3A_118, %dma_start3A_143, %dma_start3A_144] : memref<157x16x128xi32, #tpu.memory_space<hbm>> -> memref<1x16x128xi32, #tpu.memory_space<hbm>>
        %dma_start3A_146 = tpu.memref_squeeze %dma_start3A_145 : memref<1x16x128xi32, #tpu.memory_space<hbm>> -> memref<16x128xi32, #tpu.memory_space<hbm>>
        tpu.enqueue_dma source(%dma_start3A_146 : memref<16x128xi32, #tpu.memory_space<hbm>>) target(%arg8 : memref<16x128xi32, #tpu.memory_space<vmem>>) target_semaphore(%run_scoped3A : memref<!tpu.dma_semaphore, #tpu.memory_space<semaphore_mem>>)
        %dma_wait3A_147 = arith.constant 0 : i32
        %dma_wait3A_148 = arith.constant 0 : i32
        %dma_wait3A_149 = tpu.memref_slice %arg5[%add3A_118, %dma_wait3A_147, %dma_wait3A_148] : memref<157x16x128xi32, #tpu.memory_space<hbm>> -> memref<1x16x128xi32, #tpu.memory_space<hbm>>
        %dma_wait3A_150 = tpu.memref_squeeze %dma_wait3A_149 : memref<1x16x128xi32, #tpu.memory_space<hbm>> -> memref<16x128xi32, #tpu.memory_space<hbm>>
        %dma_wait3A_151 = arith.constant 0 : i32
        %dma_wait3A_152 = arith.constant 0 : i32
        %dma_wait3A_153 = tpu.memref_slice %arg5[%add3A_118, %dma_wait3A_151, %dma_wait3A_152] : memref<157x16x128xi32, #tpu.memory_space<hbm>> -> memref<1x16x128xi32, #tpu.memory_space<hbm>>
        %dma_wait3A_154 = tpu.memref_squeeze %dma_wait3A_153 : memref<1x16x128xi32, #tpu.memory_space<hbm>> -> memref<16x128xi32, #tpu.memory_space<hbm>>
        tpu.wait_dma2 semaphore(%run_scoped3A : memref<!tpu.dma_semaphore, #tpu.memory_space<semaphore_mem>>) src(%dma_wait3A_154 : memref<16x128xi32, #tpu.memory_space<hbm>>) dst(%arg8 : memref<16x128xi32, #tpu.memory_space<vmem>>)
        tpu.yield
      }) : () -> ()
      %dma_start3A = arith.constant 0 : i32
      %dma_start3A_119 = arith.constant 0 : i32
      %dma_start3A_120 = tpu.memref_slice %arg7[%dma_start3A, %dma_start3A_119] : memref<16x128xi32, #tpu.memory_space<vmem>> -> memref<1x128xi32, #tpu.memory_space<vmem>>
      %dma_start3A_121 = tpu.memref_squeeze %dma_start3A_120 : memref<1x128xi32, #tpu.memory_space<vmem>> -> memref<128xi32, #tpu.memory_space<vmem>>
      %dma_start3A_122 = arith.constant 0 : i32
      %dma_start3A_123 = arith.constant 0 : i32
      %dma_start3A_124 = tpu.memref_slice %arg2[%dma_start3A_122, %dma_start3A_123] : memref<10000x128xf32, #tpu.memory_space<hbm>> -> memref<10000x128xf32, #tpu.memory_space<hbm>>
      tpu.enqueue_indirect_dma source(%dma_start3A_124 : memref<10000x128xf32, #tpu.memory_space<hbm>>) target(%arg9 : memref<128x128xf32, #tpu.memory_space<vmem>>) offsets(%dma_start3A_121 : memref<128xi32, #tpu.memory_space<vmem>>) semaphore(%arg12 : memref<!tpu.dma_semaphore, #tpu.memory_space<semaphore_mem>>)
      %scan3A_125 = arith.constant 0 : i32
      %scan3A_126 = arith.constant 0 : i32
      %scan3A_127 = arith.constant 8 : i32
      %scan3A_128 = arith.addi %scan3A_126, %scan3A_127 : i32
      %scan3A_129 = arith.constant 1 : i32
      %scan3A_130 = scf.for %scan3A_139 = %scan3A_126 to %scan3A_128 step %scan3A_129 iter_args(%scan3A_140 = %scan3A_125) -> (i32)  : i32 {
        %mul3A_141 = arith.constant 2 : i32
        %mul3A_142 = arith.muli %mul3A_141, %scan3A_139 : i32
        %dma_wait3A_143 = arith.constant 0 : i32
        %dma_wait3A_144 = arith.constant 0 : i32
        %dma_wait3A_145 = tpu.memref_slice %arg7[%dma_wait3A_143, %dma_wait3A_144] : memref<16x128xi32, #tpu.memory_space<vmem>> -> memref<1x128xi32, #tpu.memory_space<vmem>>
        %dma_wait3A_146 = tpu.memref_squeeze %dma_wait3A_145 : memref<1x128xi32, #tpu.memory_space<vmem>> -> memref<128xi32, #tpu.memory_space<vmem>>
        %dma_wait3A_147 = arith.constant 0 : i32
        %dma_wait3A_148 = arith.constant 0 : i32
        %dma_wait3A_149 = tpu.memref_slice %arg2[%dma_wait3A_147, %dma_wait3A_148] : memref<10000x128xf32, #tpu.memory_space<hbm>> -> memref<10000x128xf32, #tpu.memory_space<hbm>>
        tpu.wait_indirect_dma semaphore(%arg12 : memref<!tpu.dma_semaphore, #tpu.memory_space<semaphore_mem>>) src(%dma_wait3A_149 : memref<10000x128xf32, #tpu.memory_space<hbm>>) dst(%arg9 : memref<128x128xf32, #tpu.memory_space<vmem>>)
        %add3A_150 = arith.constant 1 : i32
        %add3A_151 = arith.addi %mul3A_142, %add3A_150 : i32
        %dma_start3A_152 = arith.constant 0 : i32
        %dma_start3A_153 = tpu.memref_slice %arg7[%add3A_151, %dma_start3A_152] : memref<16x128xi32, #tpu.memory_space<vmem>> -> memref<1x128xi32, #tpu.memory_space<vmem>>
        %dma_start3A_154 = tpu.memref_squeeze %dma_start3A_153 : memref<1x128xi32, #tpu.memory_space<vmem>> -> memref<128xi32, #tpu.memory_space<vmem>>
        %dma_start3A_155 = arith.constant 0 : i32
        %dma_start3A_156 = arith.constant 0 : i32
        %dma_start3A_157 = tpu.memref_slice %arg2[%dma_start3A_155, %dma_start3A_156] : memref<10000x128xf32, #tpu.memory_space<hbm>> -> memref<10000x128xf32, #tpu.memory_space<hbm>>
        tpu.enqueue_indirect_dma source(%dma_start3A_157 : memref<10000x128xf32, #tpu.memory_space<hbm>>) target(%arg10 : memref<128x128xf32, #tpu.memory_space<vmem>>) offsets(%dma_start3A_154 : memref<128xi32, #tpu.memory_space<vmem>>) semaphore(%arg13 : memref<!tpu.dma_semaphore, #tpu.memory_space<semaphore_mem>>)
        "tpu.region"() ({
          %run_scoped3A = tpu.sem_alloc : memref<!tpu.dma_semaphore, #tpu.memory_space<semaphore_mem>>
          %dma_start3A_178 = arith.constant 0 : i32
          %dma_start3A_179 = tpu.memref_slice %arg8[%mul3A_142, %dma_start3A_178] : memref<16x128xi32, #tpu.memory_space<vmem>> -> memref<1x128xi32, #tpu.memory_space<vmem>>
          %dma_start3A_180 = tpu.memref_squeeze %dma_start3A_179 : memref<1x128xi32, #tpu.memory_space<vmem>> -> memref<128xi32, #tpu.memory_space<vmem>>
          %dma_start3A_181 = arith.constant 0 : i32
          %dma_start3A_182 = arith.constant 0 : i32
          %dma_start3A_183 = tpu.memref_slice %arg11[%dma_start3A_181, %dma_start3A_182] : memref<10240x128xf32, #tpu.memory_space<vmem_shared>> -> memref<10240x128xf32, #tpu.memory_space<vmem_shared>>
          tpu.enqueue_indirect_dma source(%arg9 : memref<128x128xf32, #tpu.memory_space<vmem>>) target(%dma_start3A_183 : memref<10240x128xf32, #tpu.memory_space<vmem_shared>>) offsets(%dma_start3A_180 : memref<128xi32, #tpu.memory_space<vmem>>) semaphore(%run_scoped3A : memref<!tpu.dma_semaphore, #tpu.memory_space<semaphore_mem>>) {add = true}
          %dma_wait3A_184 = arith.constant 0 : i32
          %dma_wait3A_185 = tpu.memref_slice %arg8[%mul3A_142, %dma_wait3A_184] : memref<16x128xi32, #tpu.memory_space<vmem>> -> memref<1x128xi32, #tpu.memory_space<vmem>>
          %dma_wait3A_186 = tpu.memref_squeeze %dma_wait3A_185 : memref<1x128xi32, #tpu.memory_space<vmem>> -> memref<128xi32, #tpu.memory_space<vmem>>
          %dma_wait3A_187 = arith.constant 0 : i32
          %dma_wait3A_188 = arith.constant 0 : i32
          %dma_wait3A_189 = tpu.memref_slice %arg11[%dma_wait3A_187, %dma_wait3A_188] : memref<10240x128xf32, #tpu.memory_space<vmem_shared>> -> memref<10240x128xf32, #tpu.memory_space<vmem_shared>>
          tpu.wait_indirect_dma semaphore(%run_scoped3A : memref<!tpu.dma_semaphore, #tpu.memory_space<semaphore_mem>>) src(%arg9 : memref<128x128xf32, #tpu.memory_space<vmem>>) dst(%dma_wait3A_189 : memref<10240x128xf32, #tpu.memory_space<vmem_shared>>)
          tpu.yield
        }) : () -> ()
        %dma_wait3A_158 = arith.constant 0 : i32
        %dma_wait3A_159 = arith.constant 0 : i32
        %dma_wait3A_160 = tpu.memref_slice %arg7[%dma_wait3A_158, %dma_wait3A_159] : memref<16x128xi32, #tpu.memory_space<vmem>> -> memref<1x128xi32, #tpu.memory_space<vmem>>
        %dma_wait3A_161 = tpu.memref_squeeze %dma_wait3A_160 : memref<1x128xi32, #tpu.memory_space<vmem>> -> memref<128xi32, #tpu.memory_space<vmem>>
        %dma_wait3A_162 = arith.constant 0 : i32
        %dma_wait3A_163 = arith.constant 0 : i32
        %dma_wait3A_164 = tpu.memref_slice %arg2[%dma_wait3A_162, %dma_wait3A_163] : memref<10000x128xf32, #tpu.memory_space<hbm>> -> memref<10000x128xf32, #tpu.memory_space<hbm>>
        tpu.wait_indirect_dma semaphore(%arg13 : memref<!tpu.dma_semaphore, #tpu.memory_space<semaphore_mem>>) src(%dma_wait3A_164 : memref<10000x128xf32, #tpu.memory_space<hbm>>) dst(%arg10 : memref<128x128xf32, #tpu.memory_space<vmem>>)
        %add3A_165 = arith.constant 2 : i32
        %add3A_166 = arith.addi %mul3A_142, %add3A_165 : i32
        %min3A_167 = arith.constant 15 : i32
        %min3A_168 = arith.minsi %add3A_166, %min3A_167 : i32
        %dma_start3A_169 = arith.constant 0 : i32
        %dma_start3A_170 = tpu.memref_slice %arg7[%min3A_168, %dma_start3A_169] : memref<16x128xi32, #tpu.memory_space<vmem>> -> memref<1x128xi32, #tpu.memory_space<vmem>>
        %dma_start3A_171 = tpu.memref_squeeze %dma_start3A_170 : memref<1x128xi32, #tpu.memory_space<vmem>> -> memref<128xi32, #tpu.memory_space<vmem>>
        %dma_start3A_172 = arith.constant 0 : i32
        %dma_start3A_173 = arith.constant 0 : i32
        %dma_start3A_174 = tpu.memref_slice %arg2[%dma_start3A_172, %dma_start3A_173] : memref<10000x128xf32, #tpu.memory_space<hbm>> -> memref<10000x128xf32, #tpu.memory_space<hbm>>
        tpu.enqueue_indirect_dma source(%dma_start3A_174 : memref<10000x128xf32, #tpu.memory_space<hbm>>) target(%arg9 : memref<128x128xf32, #tpu.memory_space<vmem>>) offsets(%dma_start3A_171 : memref<128xi32, #tpu.memory_space<vmem>>) semaphore(%arg12 : memref<!tpu.dma_semaphore, #tpu.memory_space<semaphore_mem>>)
        %add3A_175 = arith.constant 1 : i32
        %add3A_176 = arith.addi %mul3A_142, %add3A_175 : i32
        "tpu.region"() ({
          %run_scoped3A = tpu.sem_alloc : memref<!tpu.dma_semaphore, #tpu.memory_space<semaphore_mem>>
          %dma_start3A_178 = arith.constant 0 : i32
          %dma_start3A_179 = tpu.memref_slice %arg8[%add3A_176, %dma_start3A_178] : memref<16x128xi32, #tpu.memory_space<vmem>> -> memref<1x128xi32, #tpu.memory_space<vmem>>
          %dma_start3A_180 = tpu.memref_squeeze %dma_start3A_179 : memref<1x128xi32, #tpu.memory_space<vmem>> -> memref<128xi32, #tpu.memory_space<vmem>>
          %dma_start3A_181 = arith.constant 0 : i32
          %dma_start3A_182 = arith.constant 0 : i32
          %dma_start3A_183 = tpu.memref_slice %arg11[%dma_start3A_181, %dma_start3A_182] : memref<10240x128xf32, #tpu.memory_space<vmem_shared>> -> memref<10240x128xf32, #tpu.memory_space<vmem_shared>>
          tpu.enqueue_indirect_dma source(%arg10 : memref<128x128xf32, #tpu.memory_space<vmem>>) target(%dma_start3A_183 : memref<10240x128xf32, #tpu.memory_space<vmem_shared>>) offsets(%dma_start3A_180 : memref<128xi32, #tpu.memory_space<vmem>>) semaphore(%run_scoped3A : memref<!tpu.dma_semaphore, #tpu.memory_space<semaphore_mem>>) {add = true}
          %dma_wait3A_184 = arith.constant 0 : i32
          %dma_wait3A_185 = tpu.memref_slice %arg8[%add3A_176, %dma_wait3A_184] : memref<16x128xi32, #tpu.memory_space<vmem>> -> memref<1x128xi32, #tpu.memory_space<vmem>>
          %dma_wait3A_186 = tpu.memref_squeeze %dma_wait3A_185 : memref<1x128xi32, #tpu.memory_space<vmem>> -> memref<128xi32, #tpu.memory_space<vmem>>
          %dma_wait3A_187 = arith.constant 0 : i32
          %dma_wait3A_188 = arith.constant 0 : i32
          %dma_wait3A_189 = tpu.memref_slice %arg11[%dma_wait3A_187, %dma_wait3A_188] : memref<10240x128xf32, #tpu.memory_space<vmem_shared>> -> memref<10240x128xf32, #tpu.memory_space<vmem_shared>>
          tpu.wait_indirect_dma semaphore(%run_scoped3A : memref<!tpu.dma_semaphore, #tpu.memory_space<semaphore_mem>>) src(%arg10 : memref<128x128xf32, #tpu.memory_space<vmem>>) dst(%dma_wait3A_189 : memref<10240x128xf32, #tpu.memory_space<vmem_shared>>)
          tpu.yield
        }) : () -> ()
        %scan3A_177 = arith.constant 0 : i32
        scf.yield %scan3A_177 : i32
      }
      %scan3A_131 = arith.constant 8 : i32
      %dma_wait3A = arith.constant 0 : i32
      %dma_wait3A_132 = arith.constant 0 : i32
      %dma_wait3A_133 = tpu.memref_slice %arg7[%dma_wait3A, %dma_wait3A_132] : memref<16x128xi32, #tpu.memory_space<vmem>> -> memref<1x128xi32, #tpu.memory_space<vmem>>
      %dma_wait3A_134 = tpu.memref_squeeze %dma_wait3A_133 : memref<1x128xi32, #tpu.memory_space<vmem>> -> memref<128xi32, #tpu.memory_space<vmem>>
      %dma_wait3A_135 = arith.constant 0 : i32
      %dma_wait3A_136 = arith.constant 0 : i32
      %dma_wait3A_137 = tpu.memref_slice %arg2[%dma_wait3A_135, %dma_wait3A_136] : memref<10000x128xf32, #tpu.memory_space<hbm>> -> memref<10000x128xf32, #tpu.memory_space<hbm>>
      tpu.wait_indirect_dma semaphore(%arg12 : memref<!tpu.dma_semaphore, #tpu.memory_space<semaphore_mem>>) src(%dma_wait3A_137 : memref<10000x128xf32, #tpu.memory_space<hbm>>) dst(%arg9 : memref<128x128xf32, #tpu.memory_space<vmem>>)
      %while3A_138 = arith.constant 0 : i32
      scf.yield %while3A_138 : i32
    }
    %barrier3A_44 = arith.constant 0 : index
    tpu.barrier barrier_id(%barrier3A_44)
    %add3A_45 = arith.constant 0 : i32
    %add3A_46 = arith.addi %add3A_45, %arg0 : i32
    %mul3A_47 = arith.constant 10240 : i32
    %mul3A_48 = arith.muli %add3A_46, %mul3A_47 : i32
    %mul3A_49 = arith.constant 640 : i32
    %mul3A_50 = arith.muli %arg1, %mul3A_49 : i32
    %mul3A_51 = arith.constant 640 : i32
    %mul3A_52 = arith.muli %arg1, %mul3A_51 : i32
    %add3A_53 = arith.addi %mul3A_48, %mul3A_52 : i32
    "tpu.region"() ({
      %run_scoped3A = tpu.sem_alloc : memref<!tpu.dma_semaphore, #tpu.memory_space<semaphore_mem>>
      %dma_start3A = arith.constant 0 : i32
      %dma_start3A_116 = tpu.memref_slice %arg6[%add3A_53, %dma_start3A] : memref<40960x128xf32, #tpu.memory_space<hbm>> -> memref<640x128xf32, #tpu.memory_space<hbm>>
      %dma_start3A_117 = arith.constant 0 : i32
      %dma_start3A_118 = tpu.memref_slice %arg11[%mul3A_50, %dma_start3A_117] : memref<10240x128xf32, #tpu.memory_space<vmem_shared>> -> memref<640x128xf32, #tpu.memory_space<vmem_shared>>
      tpu.enqueue_dma source(%dma_start3A_118 : memref<640x128xf32, #tpu.memory_space<vmem_shared>>) target(%dma_start3A_116 : memref<640x128xf32, #tpu.memory_space<hbm>>) target_semaphore(%run_scoped3A : memref<!tpu.dma_semaphore, #tpu.memory_space<semaphore_mem>>)
      %dma_wait3A = arith.constant 0 : i32
      %dma_wait3A_119 = tpu.memref_slice %arg6[%add3A_53, %dma_wait3A] : memref<40960x128xf32, #tpu.memory_space<hbm>> -> memref<640x128xf32, #tpu.memory_space<hbm>>
      %dma_wait3A_120 = arith.constant 0 : i32
      %dma_wait3A_121 = tpu.memref_slice %arg11[%mul3A_50, %dma_wait3A_120] : memref<10240x128xf32, #tpu.memory_space<vmem_shared>> -> memref<640x128xf32, #tpu.memory_space<vmem_shared>>
      tpu.wait_dma2 semaphore(%run_scoped3A : memref<!tpu.dma_semaphore, #tpu.memory_space<semaphore_mem>>) src(%dma_wait3A_121 : memref<640x128xf32, #tpu.memory_space<vmem_shared>>) dst(%dma_wait3A_119 : memref<640x128xf32, #tpu.memory_space<hbm>>)
      tpu.yield
    }) : () -> ()
    %barrier3A_54 = arith.constant 0 : index
    tpu.barrier barrier_id(%barrier3A_54)
    %scan3A_55 = arith.constant 0 : i32
    %scan3A_56 = arith.constant 0 : i32
    %scan3A_57 = arith.constant 1024 : i32
    %scan3A_58 = arith.addi %scan3A_56, %scan3A_57 : i32
    %scan3A_59 = arith.constant 1 : i32
    %scan3A_60 = scf.for %scan3A_116 = %scan3A_56 to %scan3A_58 step %scan3A_59 iter_args(%scan3A_117 = %scan3A_55) -> (i32)  : i32 {
      %broadcast_in_dim3A = arith.constant 0.000000e+00 : f32
      %broadcast_in_dim3A_118 = vector.broadcast %broadcast_in_dim3A : f32 to vector<16xf32>
      %jit3A_119 = arith.constant 8 : i32
      %div3A = arith.divsi %scan3A_116, %jit3A_119 : i32
      %sign3A = arith.constant 0 : i32
      %sign3A_120 = arith.cmpi sgt, %scan3A_116, %sign3A : i32
      %sign3A_121 = arith.extui %sign3A_120 : i1 to i32
      %sign3A_122 = arith.constant 0 : i32
      %sign3A_123 = arith.cmpi slt, %scan3A_116, %sign3A_122 : i32
      %sign3A_124 = arith.extui %sign3A_123 : i1 to i32
      %sign3A_125 = arith.subi %sign3A_121, %sign3A_124 : i32
      %sign3A_126 = arith.constant 0 : i32
      %sign3A_127 = arith.cmpi sgt, %jit3A_119, %sign3A_126 : i32
      %sign3A_128 = arith.extui %sign3A_127 : i1 to i32
      %sign3A_129 = arith.constant 0 : i32
      %sign3A_130 = arith.cmpi slt, %jit3A_119, %sign3A_129 : i32
      %sign3A_131 = arith.extui %sign3A_130 : i1 to i32
      %sign3A_132 = arith.subi %sign3A_128, %sign3A_131 : i32
      %ne3A = arith.cmpi ne, %sign3A_125, %sign3A_132 : i32
      %rem3A = arith.remsi %scan3A_116, %jit3A_119 : i32
      %ne3A_133 = arith.constant 0 : i32
      %ne3A_134 = arith.cmpi ne, %rem3A, %ne3A_133 : i32
      %and3A = arith.andi %ne3A, %ne3A_134 : i1
      %sub3A = arith.constant 1 : i32
      %sub3A_135 = arith.subi %div3A, %sub3A : i32
      %select_n3A_136 = arith.select %and3A, %sub3A_135, %div3A : i32
      %jit3A_137 = arith.constant 8 : i32
      %eq3A = arith.constant 0 : i32
      %eq3A_138 = arith.cmpi eq, %jit3A_137, %eq3A : i32
      %jit3A_139 = arith.constant 1 : i32
      %select_n3A_140 = arith.select %eq3A_138, %jit3A_139, %jit3A_137 : i32
      %rem3A_141 = arith.remsi %scan3A_116, %select_n3A_140 : i32
      %ne3A_142 = arith.constant 0 : i32
      %ne3A_143 = arith.cmpi ne, %rem3A_141, %ne3A_142 : i32
      %lt3A_144 = arith.constant 0 : i32
      %lt3A_145 = arith.cmpi slt, %rem3A_141, %lt3A_144 : i32
      %lt3A_146 = arith.constant 0 : i32
      %lt3A_147 = arith.cmpi slt, %select_n3A_140, %lt3A_146 : i32
      %ne3A_148 = arith.xori %lt3A_145, %lt3A_147 : i1
      %and3A_149 = arith.andi %ne3A_148, %ne3A_143 : i1
      %add3A_150 = arith.addi %rem3A_141, %select_n3A_140 : i32
      %select_n3A_151 = arith.select %and3A_149, %add3A_150, %rem3A_141 : i32
      %mul3A_152 = arith.constant 16 : i32
      %mul3A_153 = arith.muli %select_n3A_151, %mul3A_152 : i32
      %swap3A = arith.index_cast %select_n3A_136 : i32 to index
      %swap3A_154 = arith.index_cast %mul3A_153 : i32 to index
      %swap3A_155 = tpu.vector_load %arg9[%swap3A, %swap3A_154] {strides = array<i32>} : memref<128x128xf32, #tpu.memory_space<vmem>>, vector<1x16xf32>,
      %swap3A_156 = vector.shape_cast %swap3A_155 : vector<1x16xf32> to vector<16xf32>
      %swap3A_157 = vector.shape_cast %broadcast_in_dim3A_118 : vector<16xf32> to vector<1x16xf32>
      tpu.vector_store %arg9[%swap3A, %swap3A_154], %swap3A_157 {strides = array<i32>} : memref<128x128xf32, #tpu.memory_space<vmem>>, vector<1x16xf32>,
      %scan3A_158 = arith.constant 0 : i32
      scf.yield %scan3A_158 : i32
    }
    %scan3A_61 = arith.constant 1024 : i32
    %mul3A_62 = arith.constant 640 : i32
    %mul3A_63 = arith.muli %arg1, %mul3A_62 : i32
    %add3A_64 = arith.constant 0 : i32
    %add3A_65 = arith.addi %mul3A_63, %add3A_64 : i32
    "tpu.region"() ({
      %run_scoped3A = tpu.sem_alloc : memref<!tpu.dma_semaphore, #tpu.memory_space<semaphore_mem>>
      %dma_start3A = arith.constant 0 : i32
      %dma_start3A_116 = tpu.memref_slice %arg11[%add3A_65, %dma_start3A] : memref<10240x128xf32, #tpu.memory_space<vmem_shared>> -> memref<128x128xf32, #tpu.memory_space<vmem_shared>>
      %dma_start3A_117 = arith.constant 0 : i32
      %dma_start3A_118 = tpu.memref_slice %arg11[%add3A_65, %dma_start3A_117] : memref<10240x128xf32, #tpu.memory_space<vmem_shared>> -> memref<128x128xf32, #tpu.memory_space<vmem_shared>>
      tpu.enqueue_dma source(%arg9 : memref<128x128xf32, #tpu.memory_space<vmem>>) target(%dma_start3A_118 : memref<128x128xf32, #tpu.memory_space<vmem_shared>>) target_semaphore(%run_scoped3A : memref<!tpu.dma_semaphore, #tpu.memory_space<semaphore_mem>>)
      %dma_wait3A = arith.constant 0 : i32
      %dma_wait3A_119 = tpu.memref_slice %arg11[%add3A_65, %dma_wait3A] : memref<10240x128xf32, #tpu.memory_space<vmem_shared>> -> memref<128x128xf32, #tpu.memory_space<vmem_shared>>
      %dma_wait3A_120 = arith.constant 0 : i32
      %dma_wait3A_121 = tpu.memref_slice %arg11[%add3A_65, %dma_wait3A_120] : memref<10240x128xf32, #tpu.memory_space<vmem_shared>> -> memref<128x128xf32, #tpu.memory_space<vmem_shared>>
      tpu.wait_dma2 semaphore(%run_scoped3A : memref<!tpu.dma_semaphore, #tpu.memory_space<semaphore_mem>>) src(%arg9 : memref<128x128xf32, #tpu.memory_space<vmem>>) dst(%dma_wait3A_121 : memref<128x128xf32, #tpu.memory_space<vmem_shared>>)
      tpu.yield
    }) : () -> ()
    %mul3A_66 = arith.constant 640 : i32
    %mul3A_67 = arith.muli %arg1, %mul3A_66 : i32
    %add3A_68 = arith.constant 128 : i32
    %add3A_69 = arith.addi %mul3A_67, %add3A_68 : i32
    "tpu.region"() ({
      %run_scoped3A = tpu.sem_alloc : memref<!tpu.dma_semaphore, #tpu.memory_space<semaphore_mem>>
      %dma_start3A = arith.constant 0 : i32
      %dma_start3A_116 = tpu.memref_slice %arg11[%add3A_69, %dma_start3A] : memref<10240x128xf32, #tpu.memory_space<vmem_shared>> -> memref<128x128xf32, #tpu.memory_space<vmem_shared>>
      %dma_start3A_117 = arith.constant 0 : i32
      %dma_start3A_118 = tpu.memref_slice %arg11[%add3A_69, %dma_start3A_117] : memref<10240x128xf32, #tpu.memory_space<vmem_shared>> -> memref<128x128xf32, #tpu.memory_space<vmem_shared>>
      tpu.enqueue_dma source(%arg9 : memref<128x128xf32, #tpu.memory_space<vmem>>) target(%dma_start3A_118 : memref<128x128xf32, #tpu.memory_space<vmem_shared>>) target_semaphore(%run_scoped3A : memref<!tpu.dma_semaphore, #tpu.memory_space<semaphore_mem>>)
      %dma_wait3A = arith.constant 0 : i32
      %dma_wait3A_119 = tpu.memref_slice %arg11[%add3A_69, %dma_wait3A] : memref<10240x128xf32, #tpu.memory_space<vmem_shared>> -> memref<128x128xf32, #tpu.memory_space<vmem_shared>>
      %dma_wait3A_120 = arith.constant 0 : i32
      %dma_wait3A_121 = tpu.memref_slice %arg11[%add3A_69, %dma_wait3A_120] : memref<10240x128xf32, #tpu.memory_space<vmem_shared>> -> memref<128x128xf32, #tpu.memory_space<vmem_shared>>
      tpu.wait_dma2 semaphore(%run_scoped3A : memref<!tpu.dma_semaphore, #tpu.memory_space<semaphore_mem>>) src(%arg9 : memref<128x128xf32, #tpu.memory_space<vmem>>) dst(%dma_wait3A_121 : memref<128x128xf32, #tpu.memory_space<vmem_shared>>)
      tpu.yield
    }) : () -> ()
    %mul3A_70 = arith.constant 640 : i32
    %mul3A_71 = arith.muli %arg1, %mul3A_70 : i32
    %add3A_72 = arith.constant 256 : i32
    %add3A_73 = arith.addi %mul3A_71, %add3A_72 : i32
    "tpu.region"() ({
      %run_scoped3A = tpu.sem_alloc : memref<!tpu.dma_semaphore, #tpu.memory_space<semaphore_mem>>
      %dma_start3A = arith.constant 0 : i32
      %dma_start3A_116 = tpu.memref_slice %arg11[%add3A_73, %dma_start3A] : memref<10240x128xf32, #tpu.memory_space<vmem_shared>> -> memref<128x128xf32, #tpu.memory_space<vmem_shared>>
      %dma_start3A_117 = arith.constant 0 : i32
      %dma_start3A_118 = tpu.memref_slice %arg11[%add3A_73, %dma_start3A_117] : memref<10240x128xf32, #tpu.memory_space<vmem_shared>> -> memref<128x128xf32, #tpu.memory_space<vmem_shared>>
      tpu.enqueue_dma source(%arg9 : memref<128x128xf32, #tpu.memory_space<vmem>>) target(%dma_start3A_118 : memref<128x128xf32, #tpu.memory_space<vmem_shared>>) target_semaphore(%run_scoped3A : memref<!tpu.dma_semaphore, #tpu.memory_space<semaphore_mem>>)
      %dma_wait3A = arith.constant 0 : i32
      %dma_wait3A_119 = tpu.memref_slice %arg11[%add3A_73, %dma_wait3A] : memref<10240x128xf32, #tpu.memory_space<vmem_shared>> -> memref<128x128xf32, #tpu.memory_space<vmem_shared>>
      %dma_wait3A_120 = arith.constant 0 : i32
      %dma_wait3A_121 = tpu.memref_slice %arg11[%add3A_73, %dma_wait3A_120] : memref<10240x128xf32, #tpu.memory_space<vmem_shared>> -> memref<128x128xf32, #tpu.memory_space<vmem_shared>>
      tpu.wait_dma2 semaphore(%run_scoped3A : memref<!tpu.dma_semaphore, #tpu.memory_space<semaphore_mem>>) src(%arg9 : memref<128x128xf32, #tpu.memory_space<vmem>>) dst(%dma_wait3A_121 : memref<128x128xf32, #tpu.memory_space<vmem_shared>>)
      tpu.yield
    }) : () -> ()
    %mul3A_74 = arith.constant 640 : i32
    %mul3A_75 = arith.muli %arg1, %mul3A_74 : i32
    %add3A_76 = arith.constant 384 : i32
    %add3A_77 = arith.addi %mul3A_75, %add3A_76 : i32
    "tpu.region"() ({
      %run_scoped3A = tpu.sem_alloc : memref<!tpu.dma_semaphore, #tpu.memory_space<semaphore_mem>>
      %dma_start3A = arith.constant 0 : i32
      %dma_start3A_116 = tpu.memref_slice %arg11[%add3A_77, %dma_start3A] : memref<10240x128xf32, #tpu.memory_space<vmem_shared>> -> memref<128x128xf32, #tpu.memory_space<vmem_shared>>
      %dma_start3A_117 = arith.constant 0 : i32
      %dma_start3A_118 = tpu.memref_slice %arg11[%add3A_77, %dma_start3A_117] : memref<10240x128xf32, #tpu.memory_space<vmem_shared>> -> memref<128x128xf32, #tpu.memory_space<vmem_shared>>
      tpu.enqueue_dma source(%arg9 : memref<128x128xf32, #tpu.memory_space<vmem>>) target(%dma_start3A_118 : memref<128x128xf32, #tpu.memory_space<vmem_shared>>) target_semaphore(%run_scoped3A : memref<!tpu.dma_semaphore, #tpu.memory_space<semaphore_mem>>)
      %dma_wait3A = arith.constant 0 : i32
      %dma_wait3A_119 = tpu.memref_slice %arg11[%add3A_77, %dma_wait3A] : memref<10240x128xf32, #tpu.memory_space<vmem_shared>> -> memref<128x128xf32, #tpu.memory_space<vmem_shared>>
      %dma_wait3A_120 = arith.constant 0 : i32
      %dma_wait3A_121 = tpu.memref_slice %arg11[%add3A_77, %dma_wait3A_120] : memref<10240x128xf32, #tpu.memory_space<vmem_shared>> -> memref<128x128xf32, #tpu.memory_space<vmem_shared>>
      tpu.wait_dma2 semaphore(%run_scoped3A : memref<!tpu.dma_semaphore, #tpu.memory_space<semaphore_mem>>) src(%arg9 : memref<128x128xf32, #tpu.memory_space<vmem>>) dst(%dma_wait3A_121 : memref<128x128xf32, #tpu.memory_space<vmem_shared>>)
      tpu.yield
    }) : () -> ()
    %mul3A_78 = arith.constant 640 : i32
    %mul3A_79 = arith.muli %arg1, %mul3A_78 : i32
    %add3A_80 = arith.constant 512 : i32
    %add3A_81 = arith.addi %mul3A_79, %add3A_80 : i32
    "tpu.region"() ({
      %run_scoped3A = tpu.sem_alloc : memref<!tpu.dma_semaphore, #tpu.memory_space<semaphore_mem>>
      %dma_start3A = arith.constant 0 : i32
      %dma_start3A_116 = tpu.memref_slice %arg11[%add3A_81, %dma_start3A] : memref<10240x128xf32, #tpu.memory_space<vmem_shared>> -> memref<128x128xf32, #tpu.memory_space<vmem_shared>>
      %dma_start3A_117 = arith.constant 0 : i32
      %dma_start3A_118 = tpu.memref_slice %arg11[%add3A_81, %dma_start3A_117] : memref<10240x128xf32, #tpu.memory_space<vmem_shared>> -> memref<128x128xf32, #tpu.memory_space<vmem_shared>>
      tpu.enqueue_dma source(%arg9 : memref<128x128xf32, #tpu.memory_space<vmem>>) target(%dma_start3A_118 : memref<128x128xf32, #tpu.memory_space<vmem_shared>>) target_semaphore(%run_scoped3A : memref<!tpu.dma_semaphore, #tpu.memory_space<semaphore_mem>>)
      %dma_wait3A = arith.constant 0 : i32
      %dma_wait3A_119 = tpu.memref_slice %arg11[%add3A_81, %dma_wait3A] : memref<10240x128xf32, #tpu.memory_space<vmem_shared>> -> memref<128x128xf32, #tpu.memory_space<vmem_shared>>
      %dma_wait3A_120 = arith.constant 0 : i32
      %dma_wait3A_121 = tpu.memref_slice %arg11[%add3A_81, %dma_wait3A_120] : memref<10240x128xf32, #tpu.memory_space<vmem_shared>> -> memref<128x128xf32, #tpu.memory_space<vmem_shared>>
      tpu.wait_dma2 semaphore(%run_scoped3A : memref<!tpu.dma_semaphore, #tpu.memory_space<semaphore_mem>>) src(%arg9 : memref<128x128xf32, #tpu.memory_space<vmem>>) dst(%dma_wait3A_121 : memref<128x128xf32, #tpu.memory_space<vmem_shared>>)
      tpu.yield
    }) : () -> ()
    %barrier3A_82 = arith.constant 0 : index
    tpu.barrier barrier_id(%barrier3A_82)
    %mul3A_83 = arith.constant 4 : i32
    %mul3A_84 = arith.muli %add3A, %mul3A_83 : i32
    %min3A_85 = arith.constant 29 : i32
    %min3A_86 = arith.minsi %add3A, %min3A_85 : i32
    %add3A_87 = arith.addi %mul3A_84, %min3A_86 : i32
    %lt3A_88 = arith.constant 29 : i32
    %lt3A_89 = arith.cmpi slt, %add3A, %lt3A_88 : i32
    %jit3A_90 = arith.constant 5 : i32
    %jit3A_91 = arith.constant 4 : i32
    %select_n3A_92 = arith.select %lt3A_89, %jit3A_90, %jit3A_91 : i32
    %while3A_93 = arith.constant 0 : i32
    %while3A_94 = arith.constant 0 : i32
    %while3A_95 = arith.subi %select_n3A_92, %while3A_93 : i32
    %while3A_96 = arith.addi %while3A_93, %while3A_95 : i32
    %while3A_97 = arith.constant 1 : i32
    %while3A_98 = arith.divsi %while3A_95, %while3A_97 : i32
    %while3A_99 = arith.muli %while3A_98, %while3A_97 : i32
    %while3A_100 = arith.addi %while3A_93, %while3A_99 : i32
    %while3A_101 = arith.constant 1 : i32
    %while3A_102 = scf.for %while3A_116 = %while3A_93 to %while3A_100 step %while3A_101 iter_args(%while3A_117 = %while3A_94) -> (i32)  : i32 {
      %add3A_118 = arith.addi %add3A_87, %while3A_116 : i32
      "tpu.region"() ({
        %run_scoped3A = tpu.sem_alloc : memref<!tpu.dma_semaphore, #tpu.memory_space<semaphore_mem>>
        %dma_start3A_139 = arith.constant 0 : i32
        %dma_start3A_140 = arith.constant 0 : i32
        %dma_start3A_141 = tpu.memref_slice %arg4[%add3A_118, %dma_start3A_139, %dma_start3A_140] : memref<157x16x128xi32, #tpu.memory_space<hbm>> -> memref<1x16x128xi32, #tpu.memory_space<hbm>>
        %dma_start3A_142 = tpu.memref_squeeze %dma_start3A_141 : memref<1x16x128xi32, #tpu.memory_space<hbm>> -> memref<16x128xi32, #tpu.memory_space<hbm>>
        %dma_start3A_143 = arith.constant 0 : i32
        %dma_start3A_144 = arith.constant 0 : i32
        %dma_start3A_145 = tpu.memref_slice %arg4[%add3A_118, %dma_start3A_143, %dma_start3A_144] : memref<157x16x128xi32, #tpu.memory_space<hbm>> -> memref<1x16x128xi32, #tpu.memory_space<hbm>>
        %dma_start3A_146 = tpu.memref_squeeze %dma_start3A_145 : memref<1x16x128xi32, #tpu.memory_space<hbm>> -> memref<16x128xi32, #tpu.memory_space<hbm>>
        tpu.enqueue_dma source(%dma_start3A_146 : memref<16x128xi32, #tpu.memory_space<hbm>>) target(%arg7 : memref<16x128xi32, #tpu.memory_space<vmem>>) target_semaphore(%run_scoped3A : memref<!tpu.dma_semaphore, #tpu.memory_space<semaphore_mem>>)
        %dma_wait3A_147 = arith.constant 0 : i32
        %dma_wait3A_148 = arith.constant 0 : i32
        %dma_wait3A_149 = tpu.memref_slice %arg4[%add3A_118, %dma_wait3A_147, %dma_wait3A_148] : memref<157x16x128xi32, #tpu.memory_space<hbm>> -> memref<1x16x128xi32, #tpu.memory_space<hbm>>
        %dma_wait3A_150 = tpu.memref_squeeze %dma_wait3A_149 : memref<1x16x128xi32, #tpu.memory_space<hbm>> -> memref<16x128xi32, #tpu.memory_space<hbm>>
        %dma_wait3A_151 = arith.constant 0 : i32
        %dma_wait3A_152 = arith.constant 0 : i32
        %dma_wait3A_153 = tpu.memref_slice %arg4[%add3A_118, %dma_wait3A_151, %dma_wait3A_152] : memref<157x16x128xi32, #tpu.memory_space<hbm>> -> memref<1x16x128xi32, #tpu.memory_space<hbm>>
        %dma_wait3A_154 = tpu.memref_squeeze %dma_wait3A_153 : memref<1x16x128xi32, #tpu.memory_space<hbm>> -> memref<16x128xi32, #tpu.memory_space<hbm>>
        tpu.wait_dma2 semaphore(%run_scoped3A : memref<!tpu.dma_semaphore, #tpu.memory_space<semaphore_mem>>) src(%dma_wait3A_154 : memref<16x128xi32, #tpu.memory_space<hbm>>) dst(%arg7 : memref<16x128xi32, #tpu.memory_space<vmem>>)
        tpu.yield
      }) : () -> ()
      "tpu.region"() ({
        %run_scoped3A = tpu.sem_alloc : memref<!tpu.dma_semaphore, #tpu.memory_space<semaphore_mem>>
        %dma_start3A_139 = arith.constant 0 : i32
        %dma_start3A_140 = arith.constant 0 : i32
        %dma_start3A_141 = tpu.memref_slice %arg5[%add3A_118, %dma_start3A_139, %dma_start3A_140] : memref<157x16x128xi32, #tpu.memory_space<hbm>> -> memref<1x16x128xi32, #tpu.memory_space<hbm>>
        %dma_start3A_142 = tpu.memref_squeeze %dma_start3A_141 : memref<1x16x128xi32, #tpu.memory_space<hbm>> -> memref<16x128xi32, #tpu.memory_space<hbm>>
        %dma_start3A_143 = arith.constant 0 : i32
        %dma_start3A_144 = arith.constant 0 : i32
        %dma_start3A_145 = tpu.memref_slice %arg5[%add3A_118, %dma_start3A_143, %dma_start3A_144] : memref<157x16x128xi32, #tpu.memory_space<hbm>> -> memref<1x16x128xi32, #tpu.memory_space<hbm>>
        %dma_start3A_146 = tpu.memref_squeeze %dma_start3A_145 : memref<1x16x128xi32, #tpu.memory_space<hbm>> -> memref<16x128xi32, #tpu.memory_space<hbm>>
        tpu.enqueue_dma source(%dma_start3A_146 : memref<16x128xi32, #tpu.memory_space<hbm>>) target(%arg8 : memref<16x128xi32, #tpu.memory_space<vmem>>) target_semaphore(%run_scoped3A : memref<!tpu.dma_semaphore, #tpu.memory_space<semaphore_mem>>)
        %dma_wait3A_147 = arith.constant 0 : i32
        %dma_wait3A_148 = arith.constant 0 : i32
        %dma_wait3A_149 = tpu.memref_slice %arg5[%add3A_118, %dma_wait3A_147, %dma_wait3A_148] : memref<157x16x128xi32, #tpu.memory_space<hbm>> -> memref<1x16x128xi32, #tpu.memory_space<hbm>>
        %dma_wait3A_150 = tpu.memref_squeeze %dma_wait3A_149 : memref<1x16x128xi32, #tpu.memory_space<hbm>> -> memref<16x128xi32, #tpu.memory_space<hbm>>
        %dma_wait3A_151 = arith.constant 0 : i32
        %dma_wait3A_152 = arith.constant 0 : i32
        %dma_wait3A_153 = tpu.memref_slice %arg5[%add3A_118, %dma_wait3A_151, %dma_wait3A_152] : memref<157x16x128xi32, #tpu.memory_space<hbm>> -> memref<1x16x128xi32, #tpu.memory_space<hbm>>
        %dma_wait3A_154 = tpu.memref_squeeze %dma_wait3A_153 : memref<1x16x128xi32, #tpu.memory_space<hbm>> -> memref<16x128xi32, #tpu.memory_space<hbm>>
        tpu.wait_dma2 semaphore(%run_scoped3A : memref<!tpu.dma_semaphore, #tpu.memory_space<semaphore_mem>>) src(%dma_wait3A_154 : memref<16x128xi32, #tpu.memory_space<hbm>>) dst(%arg8 : memref<16x128xi32, #tpu.memory_space<vmem>>)
        tpu.yield
      }) : () -> ()
      %dma_start3A = arith.constant 0 : i32
      %dma_start3A_119 = arith.constant 0 : i32
      %dma_start3A_120 = tpu.memref_slice %arg7[%dma_start3A, %dma_start3A_119] : memref<16x128xi32, #tpu.memory_space<vmem>> -> memref<1x128xi32, #tpu.memory_space<vmem>>
      %dma_start3A_121 = tpu.memref_squeeze %dma_start3A_120 : memref<1x128xi32, #tpu.memory_space<vmem>> -> memref<128xi32, #tpu.memory_space<vmem>>
      %dma_start3A_122 = arith.constant 0 : i32
      %dma_start3A_123 = arith.constant 0 : i32
      %dma_start3A_124 = tpu.memref_slice %arg3[%dma_start3A_122, %dma_start3A_123] : memref<10000x128xf32, #tpu.memory_space<hbm>> -> memref<10000x128xf32, #tpu.memory_space<hbm>>
      tpu.enqueue_indirect_dma source(%dma_start3A_124 : memref<10000x128xf32, #tpu.memory_space<hbm>>) target(%arg9 : memref<128x128xf32, #tpu.memory_space<vmem>>) offsets(%dma_start3A_121 : memref<128xi32, #tpu.memory_space<vmem>>) semaphore(%arg12 : memref<!tpu.dma_semaphore, #tpu.memory_space<semaphore_mem>>)
      %scan3A_125 = arith.constant 0 : i32
      %scan3A_126 = arith.constant 0 : i32
      %scan3A_127 = arith.constant 8 : i32
      %scan3A_128 = arith.addi %scan3A_126, %scan3A_127 : i32
      %scan3A_129 = arith.constant 1 : i32
      %scan3A_130 = scf.for %scan3A_139 = %scan3A_126 to %scan3A_128 step %scan3A_129 iter_args(%scan3A_140 = %scan3A_125) -> (i32)  : i32 {
        %mul3A_141 = arith.constant 2 : i32
        %mul3A_142 = arith.muli %mul3A_141, %scan3A_139 : i32
        %dma_wait3A_143 = arith.constant 0 : i32
        %dma_wait3A_144 = arith.constant 0 : i32
        %dma_wait3A_145 = tpu.memref_slice %arg7[%dma_wait3A_143, %dma_wait3A_144] : memref<16x128xi32, #tpu.memory_space<vmem>> -> memref<1x128xi32, #tpu.memory_space<vmem>>
        %dma_wait3A_146 = tpu.memref_squeeze %dma_wait3A_145 : memref<1x128xi32, #tpu.memory_space<vmem>> -> memref<128xi32, #tpu.memory_space<vmem>>
        %dma_wait3A_147 = arith.constant 0 : i32
        %dma_wait3A_148 = arith.constant 0 : i32
        %dma_wait3A_149 = tpu.memref_slice %arg3[%dma_wait3A_147, %dma_wait3A_148] : memref<10000x128xf32, #tpu.memory_space<hbm>> -> memref<10000x128xf32, #tpu.memory_space<hbm>>
        tpu.wait_indirect_dma semaphore(%arg12 : memref<!tpu.dma_semaphore, #tpu.memory_space<semaphore_mem>>) src(%dma_wait3A_149 : memref<10000x128xf32, #tpu.memory_space<hbm>>) dst(%arg9 : memref<128x128xf32, #tpu.memory_space<vmem>>)
        %add3A_150 = arith.constant 1 : i32
        %add3A_151 = arith.addi %mul3A_142, %add3A_150 : i32
        %dma_start3A_152 = arith.constant 0 : i32
        %dma_start3A_153 = tpu.memref_slice %arg7[%add3A_151, %dma_start3A_152] : memref<16x128xi32, #tpu.memory_space<vmem>> -> memref<1x128xi32, #tpu.memory_space<vmem>>
        %dma_start3A_154 = tpu.memref_squeeze %dma_start3A_153 : memref<1x128xi32, #tpu.memory_space<vmem>> -> memref<128xi32, #tpu.memory_space<vmem>>
        %dma_start3A_155 = arith.constant 0 : i32
        %dma_start3A_156 = arith.constant 0 : i32
        %dma_start3A_157 = tpu.memref_slice %arg3[%dma_start3A_155, %dma_start3A_156] : memref<10000x128xf32, #tpu.memory_space<hbm>> -> memref<10000x128xf32, #tpu.memory_space<hbm>>
        tpu.enqueue_indirect_dma source(%dma_start3A_157 : memref<10000x128xf32, #tpu.memory_space<hbm>>) target(%arg10 : memref<128x128xf32, #tpu.memory_space<vmem>>) offsets(%dma_start3A_154 : memref<128xi32, #tpu.memory_space<vmem>>) semaphore(%arg13 : memref<!tpu.dma_semaphore, #tpu.memory_space<semaphore_mem>>)
        "tpu.region"() ({
          %run_scoped3A = tpu.sem_alloc : memref<!tpu.dma_semaphore, #tpu.memory_space<semaphore_mem>>
          %dma_start3A_178 = arith.constant 0 : i32
          %dma_start3A_179 = tpu.memref_slice %arg8[%mul3A_142, %dma_start3A_178] : memref<16x128xi32, #tpu.memory_space<vmem>> -> memref<1x128xi32, #tpu.memory_space<vmem>>
          %dma_start3A_180 = tpu.memref_squeeze %dma_start3A_179 : memref<1x128xi32, #tpu.memory_space<vmem>> -> memref<128xi32, #tpu.memory_space<vmem>>
          %dma_start3A_181 = arith.constant 0 : i32
          %dma_start3A_182 = arith.constant 0 : i32
          %dma_start3A_183 = tpu.memref_slice %arg11[%dma_start3A_181, %dma_start3A_182] : memref<10240x128xf32, #tpu.memory_space<vmem_shared>> -> memref<10240x128xf32, #tpu.memory_space<vmem_shared>>
          tpu.enqueue_indirect_dma source(%arg9 : memref<128x128xf32, #tpu.memory_space<vmem>>) target(%dma_start3A_183 : memref<10240x128xf32, #tpu.memory_space<vmem_shared>>) offsets(%dma_start3A_180 : memref<128xi32, #tpu.memory_space<vmem>>) semaphore(%run_scoped3A : memref<!tpu.dma_semaphore, #tpu.memory_space<semaphore_mem>>) {add = true}
          %dma_wait3A_184 = arith.constant 0 : i32
          %dma_wait3A_185 = tpu.memref_slice %arg8[%mul3A_142, %dma_wait3A_184] : memref<16x128xi32, #tpu.memory_space<vmem>> -> memref<1x128xi32, #tpu.memory_space<vmem>>
          %dma_wait3A_186 = tpu.memref_squeeze %dma_wait3A_185 : memref<1x128xi32, #tpu.memory_space<vmem>> -> memref<128xi32, #tpu.memory_space<vmem>>
          %dma_wait3A_187 = arith.constant 0 : i32
          %dma_wait3A_188 = arith.constant 0 : i32
          %dma_wait3A_189 = tpu.memref_slice %arg11[%dma_wait3A_187, %dma_wait3A_188] : memref<10240x128xf32, #tpu.memory_space<vmem_shared>> -> memref<10240x128xf32, #tpu.memory_space<vmem_shared>>
          tpu.wait_indirect_dma semaphore(%run_scoped3A : memref<!tpu.dma_semaphore, #tpu.memory_space<semaphore_mem>>) src(%arg9 : memref<128x128xf32, #tpu.memory_space<vmem>>) dst(%dma_wait3A_189 : memref<10240x128xf32, #tpu.memory_space<vmem_shared>>)
          tpu.yield
        }) : () -> ()
        %dma_wait3A_158 = arith.constant 0 : i32
        %dma_wait3A_159 = arith.constant 0 : i32
        %dma_wait3A_160 = tpu.memref_slice %arg7[%dma_wait3A_158, %dma_wait3A_159] : memref<16x128xi32, #tpu.memory_space<vmem>> -> memref<1x128xi32, #tpu.memory_space<vmem>>
        %dma_wait3A_161 = tpu.memref_squeeze %dma_wait3A_160 : memref<1x128xi32, #tpu.memory_space<vmem>> -> memref<128xi32, #tpu.memory_space<vmem>>
        %dma_wait3A_162 = arith.constant 0 : i32
        %dma_wait3A_163 = arith.constant 0 : i32
        %dma_wait3A_164 = tpu.memref_slice %arg3[%dma_wait3A_162, %dma_wait3A_163] : memref<10000x128xf32, #tpu.memory_space<hbm>> -> memref<10000x128xf32, #tpu.memory_space<hbm>>
        tpu.wait_indirect_dma semaphore(%arg13 : memref<!tpu.dma_semaphore, #tpu.memory_space<semaphore_mem>>) src(%dma_wait3A_164 : memref<10000x128xf32, #tpu.memory_space<hbm>>) dst(%arg10 : memref<128x128xf32, #tpu.memory_space<vmem>>)
        %add3A_165 = arith.constant 2 : i32
        %add3A_166 = arith.addi %mul3A_142, %add3A_165 : i32
        %min3A_167 = arith.constant 15 : i32
        %min3A_168 = arith.minsi %add3A_166, %min3A_167 : i32
        %dma_start3A_169 = arith.constant 0 : i32
        %dma_start3A_170 = tpu.memref_slice %arg7[%min3A_168, %dma_start3A_169] : memref<16x128xi32, #tpu.memory_space<vmem>> -> memref<1x128xi32, #tpu.memory_space<vmem>>
        %dma_start3A_171 = tpu.memref_squeeze %dma_start3A_170 : memref<1x128xi32, #tpu.memory_space<vmem>> -> memref<128xi32, #tpu.memory_space<vmem>>
        %dma_start3A_172 = arith.constant 0 : i32
        %dma_start3A_173 = arith.constant 0 : i32
        %dma_start3A_174 = tpu.memref_slice %arg3[%dma_start3A_172, %dma_start3A_173] : memref<10000x128xf32, #tpu.memory_space<hbm>> -> memref<10000x128xf32, #tpu.memory_space<hbm>>
        tpu.enqueue_indirect_dma source(%dma_start3A_174 : memref<10000x128xf32, #tpu.memory_space<hbm>>) target(%arg9 : memref<128x128xf32, #tpu.memory_space<vmem>>) offsets(%dma_start3A_171 : memref<128xi32, #tpu.memory_space<vmem>>) semaphore(%arg12 : memref<!tpu.dma_semaphore, #tpu.memory_space<semaphore_mem>>)
        %add3A_175 = arith.constant 1 : i32
        %add3A_176 = arith.addi %mul3A_142, %add3A_175 : i32
        "tpu.region"() ({
          %run_scoped3A = tpu.sem_alloc : memref<!tpu.dma_semaphore, #tpu.memory_space<semaphore_mem>>
          %dma_start3A_178 = arith.constant 0 : i32
          %dma_start3A_179 = tpu.memref_slice %arg8[%add3A_176, %dma_start3A_178] : memref<16x128xi32, #tpu.memory_space<vmem>> -> memref<1x128xi32, #tpu.memory_space<vmem>>
          %dma_start3A_180 = tpu.memref_squeeze %dma_start3A_179 : memref<1x128xi32, #tpu.memory_space<vmem>> -> memref<128xi32, #tpu.memory_space<vmem>>
          %dma_start3A_181 = arith.constant 0 : i32
          %dma_start3A_182 = arith.constant 0 : i32
          %dma_start3A_183 = tpu.memref_slice %arg11[%dma_start3A_181, %dma_start3A_182] : memref<10240x128xf32, #tpu.memory_space<vmem_shared>> -> memref<10240x128xf32, #tpu.memory_space<vmem_shared>>
          tpu.enqueue_indirect_dma source(%arg10 : memref<128x128xf32, #tpu.memory_space<vmem>>) target(%dma_start3A_183 : memref<10240x128xf32, #tpu.memory_space<vmem_shared>>) offsets(%dma_start3A_180 : memref<128xi32, #tpu.memory_space<vmem>>) semaphore(%run_scoped3A : memref<!tpu.dma_semaphore, #tpu.memory_space<semaphore_mem>>) {add = true}
          %dma_wait3A_184 = arith.constant 0 : i32
          %dma_wait3A_185 = tpu.memref_slice %arg8[%add3A_176, %dma_wait3A_184] : memref<16x128xi32, #tpu.memory_space<vmem>> -> memref<1x128xi32, #tpu.memory_space<vmem>>
          %dma_wait3A_186 = tpu.memref_squeeze %dma_wait3A_185 : memref<1x128xi32, #tpu.memory_space<vmem>> -> memref<128xi32, #tpu.memory_space<vmem>>
          %dma_wait3A_187 = arith.constant 0 : i32
          %dma_wait3A_188 = arith.constant 0 : i32
          %dma_wait3A_189 = tpu.memref_slice %arg11[%dma_wait3A_187, %dma_wait3A_188] : memref<10240x128xf32, #tpu.memory_space<vmem_shared>> -> memref<10240x128xf32, #tpu.memory_space<vmem_shared>>
          tpu.wait_indirect_dma semaphore(%run_scoped3A : memref<!tpu.dma_semaphore, #tpu.memory_space<semaphore_mem>>) src(%arg10 : memref<128x128xf32, #tpu.memory_space<vmem>>) dst(%dma_wait3A_189 : memref<10240x128xf32, #tpu.memory_space<vmem_shared>>)
          tpu.yield
        }) : () -> ()
        %scan3A_177 = arith.constant 0 : i32
        scf.yield %scan3A_177 : i32
      }
      %scan3A_131 = arith.constant 8 : i32
      %dma_wait3A = arith.constant 0 : i32
      %dma_wait3A_132 = arith.constant 0 : i32
      %dma_wait3A_133 = tpu.memref_slice %arg7[%dma_wait3A, %dma_wait3A_132] : memref<16x128xi32, #tpu.memory_space<vmem>> -> memref<1x128xi32, #tpu.memory_space<vmem>>
      %dma_wait3A_134 = tpu.memref_squeeze %dma_wait3A_133 : memref<1x128xi32, #tpu.memory_space<vmem>> -> memref<128xi32, #tpu.memory_space<vmem>>
      %dma_wait3A_135 = arith.constant 0 : i32
      %dma_wait3A_136 = arith.constant 0 : i32
      %dma_wait3A_137 = tpu.memref_slice %arg3[%dma_wait3A_135, %dma_wait3A_136] : memref<10000x128xf32, #tpu.memory_space<hbm>> -> memref<10000x128xf32, #tpu.memory_space<hbm>>
      tpu.wait_indirect_dma semaphore(%arg12 : memref<!tpu.dma_semaphore, #tpu.memory_space<semaphore_mem>>) src(%dma_wait3A_137 : memref<10000x128xf32, #tpu.memory_space<hbm>>) dst(%arg9 : memref<128x128xf32, #tpu.memory_space<vmem>>)
      %while3A_138 = arith.constant 0 : i32
      scf.yield %while3A_138 : i32
    }
    %while3A_103 = arith.constant 1 : i32
    %while3A_104 = scf.for %while3A_116 = %while3A_100 to %while3A_96 step %while3A_103 iter_args(%while3A_117 = %while3A_102) -> (i32)  : i32 {
      %add3A_118 = arith.addi %add3A_87, %while3A_116 : i32
      "tpu.region"() ({
        %run_scoped3A = tpu.sem_alloc : memref<!tpu.dma_semaphore, #tpu.memory_space<semaphore_mem>>
        %dma_start3A_139 = arith.constant 0 : i32
        %dma_start3A_140 = arith.constant 0 : i32
        %dma_start3A_141 = tpu.memref_slice %arg4[%add3A_118, %dma_start3A_139, %dma_start3A_140] : memref<157x16x128xi32, #tpu.memory_space<hbm>> -> memref<1x16x128xi32, #tpu.memory_space<hbm>>
        %dma_start3A_142 = tpu.memref_squeeze %dma_start3A_141 : memref<1x16x128xi32, #tpu.memory_space<hbm>> -> memref<16x128xi32, #tpu.memory_space<hbm>>
        %dma_start3A_143 = arith.constant 0 : i32
        %dma_start3A_144 = arith.constant 0 : i32
        %dma_start3A_145 = tpu.memref_slice %arg4[%add3A_118, %dma_start3A_143, %dma_start3A_144] : memref<157x16x128xi32, #tpu.memory_space<hbm>> -> memref<1x16x128xi32, #tpu.memory_space<hbm>>
        %dma_start3A_146 = tpu.memref_squeeze %dma_start3A_145 : memref<1x16x128xi32, #tpu.memory_space<hbm>> -> memref<16x128xi32, #tpu.memory_space<hbm>>
        tpu.enqueue_dma source(%dma_start3A_146 : memref<16x128xi32, #tpu.memory_space<hbm>>) target(%arg7 : memref<16x128xi32, #tpu.memory_space<vmem>>) target_semaphore(%run_scoped3A : memref<!tpu.dma_semaphore, #tpu.memory_space<semaphore_mem>>)
        %dma_wait3A_147 = arith.constant 0 : i32
        %dma_wait3A_148 = arith.constant 0 : i32
        %dma_wait3A_149 = tpu.memref_slice %arg4[%add3A_118, %dma_wait3A_147, %dma_wait3A_148] : memref<157x16x128xi32, #tpu.memory_space<hbm>> -> memref<1x16x128xi32, #tpu.memory_space<hbm>>
        %dma_wait3A_150 = tpu.memref_squeeze %dma_wait3A_149 : memref<1x16x128xi32, #tpu.memory_space<hbm>> -> memref<16x128xi32, #tpu.memory_space<hbm>>
        %dma_wait3A_151 = arith.constant 0 : i32
        %dma_wait3A_152 = arith.constant 0 : i32
        %dma_wait3A_153 = tpu.memref_slice %arg4[%add3A_118, %dma_wait3A_151, %dma_wait3A_152] : memref<157x16x128xi32, #tpu.memory_space<hbm>> -> memref<1x16x128xi32, #tpu.memory_space<hbm>>
        %dma_wait3A_154 = tpu.memref_squeeze %dma_wait3A_153 : memref<1x16x128xi32, #tpu.memory_space<hbm>> -> memref<16x128xi32, #tpu.memory_space<hbm>>
        tpu.wait_dma2 semaphore(%run_scoped3A : memref<!tpu.dma_semaphore, #tpu.memory_space<semaphore_mem>>) src(%dma_wait3A_154 : memref<16x128xi32, #tpu.memory_space<hbm>>) dst(%arg7 : memref<16x128xi32, #tpu.memory_space<vmem>>)
        tpu.yield
      }) : () -> ()
      "tpu.region"() ({
        %run_scoped3A = tpu.sem_alloc : memref<!tpu.dma_semaphore, #tpu.memory_space<semaphore_mem>>
        %dma_start3A_139 = arith.constant 0 : i32
        %dma_start3A_140 = arith.constant 0 : i32
        %dma_start3A_141 = tpu.memref_slice %arg5[%add3A_118, %dma_start3A_139, %dma_start3A_140] : memref<157x16x128xi32, #tpu.memory_space<hbm>> -> memref<1x16x128xi32, #tpu.memory_space<hbm>>
        %dma_start3A_142 = tpu.memref_squeeze %dma_start3A_141 : memref<1x16x128xi32, #tpu.memory_space<hbm>> -> memref<16x128xi32, #tpu.memory_space<hbm>>
        %dma_start3A_143 = arith.constant 0 : i32
        %dma_start3A_144 = arith.constant 0 : i32
        %dma_start3A_145 = tpu.memref_slice %arg5[%add3A_118, %dma_start3A_143, %dma_start3A_144] : memref<157x16x128xi32, #tpu.memory_space<hbm>> -> memref<1x16x128xi32, #tpu.memory_space<hbm>>
        %dma_start3A_146 = tpu.memref_squeeze %dma_start3A_145 : memref<1x16x128xi32, #tpu.memory_space<hbm>> -> memref<16x128xi32, #tpu.memory_space<hbm>>
        tpu.enqueue_dma source(%dma_start3A_146 : memref<16x128xi32, #tpu.memory_space<hbm>>) target(%arg8 : memref<16x128xi32, #tpu.memory_space<vmem>>) target_semaphore(%run_scoped3A : memref<!tpu.dma_semaphore, #tpu.memory_space<semaphore_mem>>)
        %dma_wait3A_147 = arith.constant 0 : i32
        %dma_wait3A_148 = arith.constant 0 : i32
        %dma_wait3A_149 = tpu.memref_slice %arg5[%add3A_118, %dma_wait3A_147, %dma_wait3A_148] : memref<157x16x128xi32, #tpu.memory_space<hbm>> -> memref<1x16x128xi32, #tpu.memory_space<hbm>>
        %dma_wait3A_150 = tpu.memref_squeeze %dma_wait3A_149 : memref<1x16x128xi32, #tpu.memory_space<hbm>> -> memref<16x128xi32, #tpu.memory_space<hbm>>
        %dma_wait3A_151 = arith.constant 0 : i32
        %dma_wait3A_152 = arith.constant 0 : i32
        %dma_wait3A_153 = tpu.memref_slice %arg5[%add3A_118, %dma_wait3A_151, %dma_wait3A_152] : memref<157x16x128xi32, #tpu.memory_space<hbm>> -> memref<1x16x128xi32, #tpu.memory_space<hbm>>
        %dma_wait3A_154 = tpu.memref_squeeze %dma_wait3A_153 : memref<1x16x128xi32, #tpu.memory_space<hbm>> -> memref<16x128xi32, #tpu.memory_space<hbm>>
        tpu.wait_dma2 semaphore(%run_scoped3A : memref<!tpu.dma_semaphore, #tpu.memory_space<semaphore_mem>>) src(%dma_wait3A_154 : memref<16x128xi32, #tpu.memory_space<hbm>>) dst(%arg8 : memref<16x128xi32, #tpu.memory_space<vmem>>)
        tpu.yield
      }) : () -> ()
      %dma_start3A = arith.constant 0 : i32
      %dma_start3A_119 = arith.constant 0 : i32
      %dma_start3A_120 = tpu.memref_slice %arg7[%dma_start3A, %dma_start3A_119] : memref<16x128xi32, #tpu.memory_space<vmem>> -> memref<1x128xi32, #tpu.memory_space<vmem>>
      %dma_start3A_121 = tpu.memref_squeeze %dma_start3A_120 : memref<1x128xi32, #tpu.memory_space<vmem>> -> memref<128xi32, #tpu.memory_space<vmem>>
      %dma_start3A_122 = arith.constant 0 : i32
      %dma_start3A_123 = arith.constant 0 : i32
      %dma_start3A_124 = tpu.memref_slice %arg3[%dma_start3A_122, %dma_start3A_123] : memref<10000x128xf32, #tpu.memory_space<hbm>> -> memref<10000x128xf32, #tpu.memory_space<hbm>>
      tpu.enqueue_indirect_dma source(%dma_start3A_124 : memref<10000x128xf32, #tpu.memory_space<hbm>>) target(%arg9 : memref<128x128xf32, #tpu.memory_space<vmem>>) offsets(%dma_start3A_121 : memref<128xi32, #tpu.memory_space<vmem>>) semaphore(%arg12 : memref<!tpu.dma_semaphore, #tpu.memory_space<semaphore_mem>>)
      %scan3A_125 = arith.constant 0 : i32
      %scan3A_126 = arith.constant 0 : i32
      %scan3A_127 = arith.constant 8 : i32
      %scan3A_128 = arith.addi %scan3A_126, %scan3A_127 : i32
      %scan3A_129 = arith.constant 1 : i32
      %scan3A_130 = scf.for %scan3A_139 = %scan3A_126 to %scan3A_128 step %scan3A_129 iter_args(%scan3A_140 = %scan3A_125) -> (i32)  : i32 {
        %mul3A_141 = arith.constant 2 : i32
        %mul3A_142 = arith.muli %mul3A_141, %scan3A_139 : i32
        %dma_wait3A_143 = arith.constant 0 : i32
        %dma_wait3A_144 = arith.constant 0 : i32
        %dma_wait3A_145 = tpu.memref_slice %arg7[%dma_wait3A_143, %dma_wait3A_144] : memref<16x128xi32, #tpu.memory_space<vmem>> -> memref<1x128xi32, #tpu.memory_space<vmem>>
        %dma_wait3A_146 = tpu.memref_squeeze %dma_wait3A_145 : memref<1x128xi32, #tpu.memory_space<vmem>> -> memref<128xi32, #tpu.memory_space<vmem>>
        %dma_wait3A_147 = arith.constant 0 : i32
        %dma_wait3A_148 = arith.constant 0 : i32
        %dma_wait3A_149 = tpu.memref_slice %arg3[%dma_wait3A_147, %dma_wait3A_148] : memref<10000x128xf32, #tpu.memory_space<hbm>> -> memref<10000x128xf32, #tpu.memory_space<hbm>>
        tpu.wait_indirect_dma semaphore(%arg12 : memref<!tpu.dma_semaphore, #tpu.memory_space<semaphore_mem>>) src(%dma_wait3A_149 : memref<10000x128xf32, #tpu.memory_space<hbm>>) dst(%arg9 : memref<128x128xf32, #tpu.memory_space<vmem>>)
        %add3A_150 = arith.constant 1 : i32
        %add3A_151 = arith.addi %mul3A_142, %add3A_150 : i32
        %dma_start3A_152 = arith.constant 0 : i32
        %dma_start3A_153 = tpu.memref_slice %arg7[%add3A_151, %dma_start3A_152] : memref<16x128xi32, #tpu.memory_space<vmem>> -> memref<1x128xi32, #tpu.memory_space<vmem>>
        %dma_start3A_154 = tpu.memref_squeeze %dma_start3A_153 : memref<1x128xi32, #tpu.memory_space<vmem>> -> memref<128xi32, #tpu.memory_space<vmem>>
        %dma_start3A_155 = arith.constant 0 : i32
        %dma_start3A_156 = arith.constant 0 : i32
        %dma_start3A_157 = tpu.memref_slice %arg3[%dma_start3A_155, %dma_start3A_156] : memref<10000x128xf32, #tpu.memory_space<hbm>> -> memref<10000x128xf32, #tpu.memory_space<hbm>>
        tpu.enqueue_indirect_dma source(%dma_start3A_157 : memref<10000x128xf32, #tpu.memory_space<hbm>>) target(%arg10 : memref<128x128xf32, #tpu.memory_space<vmem>>) offsets(%dma_start3A_154 : memref<128xi32, #tpu.memory_space<vmem>>) semaphore(%arg13 : memref<!tpu.dma_semaphore, #tpu.memory_space<semaphore_mem>>)
        "tpu.region"() ({
          %run_scoped3A = tpu.sem_alloc : memref<!tpu.dma_semaphore, #tpu.memory_space<semaphore_mem>>
          %dma_start3A_178 = arith.constant 0 : i32
          %dma_start3A_179 = tpu.memref_slice %arg8[%mul3A_142, %dma_start3A_178] : memref<16x128xi32, #tpu.memory_space<vmem>> -> memref<1x128xi32, #tpu.memory_space<vmem>>
          %dma_start3A_180 = tpu.memref_squeeze %dma_start3A_179 : memref<1x128xi32, #tpu.memory_space<vmem>> -> memref<128xi32, #tpu.memory_space<vmem>>
          %dma_start3A_181 = arith.constant 0 : i32
          %dma_start3A_182 = arith.constant 0 : i32
          %dma_start3A_183 = tpu.memref_slice %arg11[%dma_start3A_181, %dma_start3A_182] : memref<10240x128xf32, #tpu.memory_space<vmem_shared>> -> memref<10240x128xf32, #tpu.memory_space<vmem_shared>>
          tpu.enqueue_indirect_dma source(%arg9 : memref<128x128xf32, #tpu.memory_space<vmem>>) target(%dma_start3A_183 : memref<10240x128xf32, #tpu.memory_space<vmem_shared>>) offsets(%dma_start3A_180 : memref<128xi32, #tpu.memory_space<vmem>>) semaphore(%run_scoped3A : memref<!tpu.dma_semaphore, #tpu.memory_space<semaphore_mem>>) {add = true}
          %dma_wait3A_184 = arith.constant 0 : i32
          %dma_wait3A_185 = tpu.memref_slice %arg8[%mul3A_142, %dma_wait3A_184] : memref<16x128xi32, #tpu.memory_space<vmem>> -> memref<1x128xi32, #tpu.memory_space<vmem>>
          %dma_wait3A_186 = tpu.memref_squeeze %dma_wait3A_185 : memref<1x128xi32, #tpu.memory_space<vmem>> -> memref<128xi32, #tpu.memory_space<vmem>>
          %dma_wait3A_187 = arith.constant 0 : i32
          %dma_wait3A_188 = arith.constant 0 : i32
          %dma_wait3A_189 = tpu.memref_slice %arg11[%dma_wait3A_187, %dma_wait3A_188] : memref<10240x128xf32, #tpu.memory_space<vmem_shared>> -> memref<10240x128xf32, #tpu.memory_space<vmem_shared>>
          tpu.wait_indirect_dma semaphore(%run_scoped3A : memref<!tpu.dma_semaphore, #tpu.memory_space<semaphore_mem>>) src(%arg9 : memref<128x128xf32, #tpu.memory_space<vmem>>) dst(%dma_wait3A_189 : memref<10240x128xf32, #tpu.memory_space<vmem_shared>>)
          tpu.yield
        }) : () -> ()
        %dma_wait3A_158 = arith.constant 0 : i32
        %dma_wait3A_159 = arith.constant 0 : i32
        %dma_wait3A_160 = tpu.memref_slice %arg7[%dma_wait3A_158, %dma_wait3A_159] : memref<16x128xi32, #tpu.memory_space<vmem>> -> memref<1x128xi32, #tpu.memory_space<vmem>>
        %dma_wait3A_161 = tpu.memref_squeeze %dma_wait3A_160 : memref<1x128xi32, #tpu.memory_space<vmem>> -> memref<128xi32, #tpu.memory_space<vmem>>
        %dma_wait3A_162 = arith.constant 0 : i32
        %dma_wait3A_163 = arith.constant 0 : i32
        %dma_wait3A_164 = tpu.memref_slice %arg3[%dma_wait3A_162, %dma_wait3A_163] : memref<10000x128xf32, #tpu.memory_space<hbm>> -> memref<10000x128xf32, #tpu.memory_space<hbm>>
        tpu.wait_indirect_dma semaphore(%arg13 : memref<!tpu.dma_semaphore, #tpu.memory_space<semaphore_mem>>) src(%dma_wait3A_164 : memref<10000x128xf32, #tpu.memory_space<hbm>>) dst(%arg10 : memref<128x128xf32, #tpu.memory_space<vmem>>)
        %add3A_165 = arith.constant 2 : i32
        %add3A_166 = arith.addi %mul3A_142, %add3A_165 : i32
        %min3A_167 = arith.constant 15 : i32
        %min3A_168 = arith.minsi %add3A_166, %min3A_167 : i32
        %dma_start3A_169 = arith.constant 0 : i32
        %dma_start3A_170 = tpu.memref_slice %arg7[%min3A_168, %dma_start3A_169] : memref<16x128xi32, #tpu.memory_space<vmem>> -> memref<1x128xi32, #tpu.memory_space<vmem>>
        %dma_start3A_171 = tpu.memref_squeeze %dma_start3A_170 : memref<1x128xi32, #tpu.memory_space<vmem>> -> memref<128xi32, #tpu.memory_space<vmem>>
        %dma_start3A_172 = arith.constant 0 : i32
        %dma_start3A_173 = arith.constant 0 : i32
        %dma_start3A_174 = tpu.memref_slice %arg3[%dma_start3A_172, %dma_start3A_173] : memref<10000x128xf32, #tpu.memory_space<hbm>> -> memref<10000x128xf32, #tpu.memory_space<hbm>>
        tpu.enqueue_indirect_dma source(%dma_start3A_174 : memref<10000x128xf32, #tpu.memory_space<hbm>>) target(%arg9 : memref<128x128xf32, #tpu.memory_space<vmem>>) offsets(%dma_start3A_171 : memref<128xi32, #tpu.memory_space<vmem>>) semaphore(%arg12 : memref<!tpu.dma_semaphore, #tpu.memory_space<semaphore_mem>>)
        %add3A_175 = arith.constant 1 : i32
        %add3A_176 = arith.addi %mul3A_142, %add3A_175 : i32
        "tpu.region"() ({
          %run_scoped3A = tpu.sem_alloc : memref<!tpu.dma_semaphore, #tpu.memory_space<semaphore_mem>>
          %dma_start3A_178 = arith.constant 0 : i32
          %dma_start3A_179 = tpu.memref_slice %arg8[%add3A_176, %dma_start3A_178] : memref<16x128xi32, #tpu.memory_space<vmem>> -> memref<1x128xi32, #tpu.memory_space<vmem>>
          %dma_start3A_180 = tpu.memref_squeeze %dma_start3A_179 : memref<1x128xi32, #tpu.memory_space<vmem>> -> memref<128xi32, #tpu.memory_space<vmem>>
          %dma_start3A_181 = arith.constant 0 : i32
          %dma_start3A_182 = arith.constant 0 : i32
          %dma_start3A_183 = tpu.memref_slice %arg11[%dma_start3A_181, %dma_start3A_182] : memref<10240x128xf32, #tpu.memory_space<vmem_shared>> -> memref<10240x128xf32, #tpu.memory_space<vmem_shared>>
          tpu.enqueue_indirect_dma source(%arg10 : memref<128x128xf32, #tpu.memory_space<vmem>>) target(%dma_start3A_183 : memref<10240x128xf32, #tpu.memory_space<vmem_shared>>) offsets(%dma_start3A_180 : memref<128xi32, #tpu.memory_space<vmem>>) semaphore(%run_scoped3A : memref<!tpu.dma_semaphore, #tpu.memory_space<semaphore_mem>>) {add = true}
          %dma_wait3A_184 = arith.constant 0 : i32
          %dma_wait3A_185 = tpu.memref_slice %arg8[%add3A_176, %dma_wait3A_184] : memref<16x128xi32, #tpu.memory_space<vmem>> -> memref<1x128xi32, #tpu.memory_space<vmem>>
          %dma_wait3A_186 = tpu.memref_squeeze %dma_wait3A_185 : memref<1x128xi32, #tpu.memory_space<vmem>> -> memref<128xi32, #tpu.memory_space<vmem>>
          %dma_wait3A_187 = arith.constant 0 : i32
          %dma_wait3A_188 = arith.constant 0 : i32
          %dma_wait3A_189 = tpu.memref_slice %arg11[%dma_wait3A_187, %dma_wait3A_188] : memref<10240x128xf32, #tpu.memory_space<vmem_shared>> -> memref<10240x128xf32, #tpu.memory_space<vmem_shared>>
          tpu.wait_indirect_dma semaphore(%run_scoped3A : memref<!tpu.dma_semaphore, #tpu.memory_space<semaphore_mem>>) src(%arg10 : memref<128x128xf32, #tpu.memory_space<vmem>>) dst(%dma_wait3A_189 : memref<10240x128xf32, #tpu.memory_space<vmem_shared>>)
          tpu.yield
        }) : () -> ()
        %scan3A_177 = arith.constant 0 : i32
        scf.yield %scan3A_177 : i32
      }
      %scan3A_131 = arith.constant 8 : i32
      %dma_wait3A = arith.constant 0 : i32
      %dma_wait3A_132 = arith.constant 0 : i32
      %dma_wait3A_133 = tpu.memref_slice %arg7[%dma_wait3A, %dma_wait3A_132] : memref<16x128xi32, #tpu.memory_space<vmem>> -> memref<1x128xi32, #tpu.memory_space<vmem>>
      %dma_wait3A_134 = tpu.memref_squeeze %dma_wait3A_133 : memref<1x128xi32, #tpu.memory_space<vmem>> -> memref<128xi32, #tpu.memory_space<vmem>>
      %dma_wait3A_135 = arith.constant 0 : i32
      %dma_wait3A_136 = arith.constant 0 : i32
      %dma_wait3A_137 = tpu.memref_slice %arg3[%dma_wait3A_135, %dma_wait3A_136] : memref<10000x128xf32, #tpu.memory_space<hbm>> -> memref<10000x128xf32, #tpu.memory_space<hbm>>
      tpu.wait_indirect_dma semaphore(%arg12 : memref<!tpu.dma_semaphore, #tpu.memory_space<semaphore_mem>>) src(%dma_wait3A_137 : memref<10000x128xf32, #tpu.memory_space<hbm>>) dst(%arg9 : memref<128x128xf32, #tpu.memory_space<vmem>>)
      %while3A_138 = arith.constant 0 : i32
      scf.yield %while3A_138 : i32
    }
    %barrier3A_105 = arith.constant 0 : index
    tpu.barrier barrier_id(%barrier3A_105)
    %add3A_106 = arith.constant 2 : i32
    %add3A_107 = arith.addi %add3A_106, %arg0 : i32
    %mul3A_108 = arith.constant 10240 : i32
    %mul3A_109 = arith.muli %add3A_107, %mul3A_108 : i32
    %mul3A_110 = arith.constant 640 : i32
    %mul3A_111 = arith.muli %arg1, %mul3A_110 : i32
    %mul3A_112 = arith.constant 640 : i32
    %mul3A_113 = arith.muli %arg1, %mul3A_112 : i32
    %add3A_114 = arith.addi %mul3A_109, %mul3A_113 : i32
    "tpu.region"() ({
      %run_scoped3A = tpu.sem_alloc : memref<!tpu.dma_semaphore, #tpu.memory_space<semaphore_mem>>
      %dma_start3A = arith.constant 0 : i32
      %dma_start3A_116 = tpu.memref_slice %arg6[%add3A_114, %dma_start3A] : memref<40960x128xf32, #tpu.memory_space<hbm>> -> memref<640x128xf32, #tpu.memory_space<hbm>>
      %dma_start3A_117 = arith.constant 0 : i32
      %dma_start3A_118 = tpu.memref_slice %arg11[%mul3A_111, %dma_start3A_117] : memref<10240x128xf32, #tpu.memory_space<vmem_shared>> -> memref<640x128xf32, #tpu.memory_space<vmem_shared>>
      tpu.enqueue_dma source(%dma_start3A_118 : memref<640x128xf32, #tpu.memory_space<vmem_shared>>) target(%dma_start3A_116 : memref<640x128xf32, #tpu.memory_space<hbm>>) target_semaphore(%run_scoped3A : memref<!tpu.dma_semaphore, #tpu.memory_space<semaphore_mem>>)
      %dma_wait3A = arith.constant 0 : i32
      %dma_wait3A_119 = tpu.memref_slice %arg6[%add3A_114, %dma_wait3A] : memref<40960x128xf32, #tpu.memory_space<hbm>> -> memref<640x128xf32, #tpu.memory_space<hbm>>
      %dma_wait3A_120 = arith.constant 0 : i32
      %dma_wait3A_121 = tpu.memref_slice %arg11[%mul3A_111, %dma_wait3A_120] : memref<10240x128xf32, #tpu.memory_space<vmem_shared>> -> memref<640x128xf32, #tpu.memory_space<vmem_shared>>
      tpu.wait_dma2 semaphore(%run_scoped3A : memref<!tpu.dma_semaphore, #tpu.memory_space<semaphore_mem>>) src(%dma_wait3A_121 : memref<640x128xf32, #tpu.memory_space<vmem_shared>>) dst(%dma_wait3A_119 : memref<640x128xf32, #tpu.memory_space<hbm>>)
      tpu.yield
    }) : () -> ()
    %barrier3A_115 = arith.constant 0 : index
    tpu.barrier barrier_id(%barrier3A_115)
    return
  }
}

module attributes {stable_mosaic.version = 14 : i64} {
  func.func @_tc1_body(%arg0: i32, %arg1: i32, %arg2: memref<2x1000x128xf32, #tpu.memory_space<vmem>>, %arg3: memref<2x1000x128xf32, #tpu.memory_space<vmem>>, %arg4: memref<1000x128xf32, #tpu.memory_space<vmem>>, %arg5: memref<128x128xf32, #tpu.memory_space<vmem>>, %arg6: memref<1x1x128xf32, #tpu.memory_space<vmem>>, %arg7: memref<128x128xf32, #tpu.memory_space<vmem>>, %arg8: memref<1x1000x128xf32, #tpu.memory_space<vmem>>) attributes {dimension_semantics = [#tpu.dimension_semantics<arbitrary>, #tpu.dimension_semantics<arbitrary>], iteration_bounds = array<i64: 10, 2>, scalar_prefetch = 0 : i64, scratch_operands = 0 : i64, tpu.core_type = #tpu.core_type<tc>, window_params = [{transform_indices = @transform_0, window_bounds = array<i64: 2, 1000, 128>}, {transform_indices = @transform_1, window_bounds = array<i64: 2, 1000, 128>}, {transform_indices = @transform_2, window_bounds = array<i64: 1000, 128>}, {transform_indices = @transform_3, window_bounds = array<i64: 128, 128>}, {transform_indices = @transform_4, window_bounds = array<i64: 1, 1, 128>}, {transform_indices = @transform_5, window_bounds = array<i64: 128, 128>}, {transform_indices = @transform_6, window_bounds = array<i64: 1, 1000, 128>}]} {
    %get3A = arith.constant 0 : index
    %get3A_0 = arith.constant 0 : index
    %get3A_1 = arith.constant 0 : index
    %get3A_2 = vector.load %arg3[%get3A, %get3A_0, %get3A_1] : memref<2x1000x128xf32, #tpu.memory_space<vmem>>, vector<1x1000x1xf32>
    %get3A_3 = vector.shape_cast %get3A_2 : vector<1x1000x1xf32> to vector<1000x1xf32>
    %get3A_4 = arith.constant 1 : index
    %get3A_5 = arith.constant 0 : index
    %get3A_6 = arith.constant 0 : index
    %get3A_7 = vector.load %arg3[%get3A_4, %get3A_5, %get3A_6] : memref<2x1000x128xf32, #tpu.memory_space<vmem>>, vector<1x1000x1xf32>
    %get3A_8 = vector.shape_cast %get3A_7 : vector<1x1000x1xf32> to vector<1000x1xf32>
    %add3A = arith.addf %get3A_3, %get3A_8 : vector<1000x1xf32>
    %max3A = arith.constant 1.000000e+00 : f32
    %max3A_9 = vector.broadcast %max3A : f32 to vector<1000x1xf32>
    %max3A_10 = arith.maximumf %add3A, %max3A_9 : vector<1000x1xf32>
    %get3A_11 = arith.constant 0 : index
    %get3A_12 = arith.constant 0 : index
    %get3A_13 = arith.constant 0 : index
    %get3A_14 = vector.load %arg2[%get3A_11, %get3A_12, %get3A_13] : memref<2x1000x128xf32, #tpu.memory_space<vmem>>, vector<1x1000x128xf32>
    %get3A_15 = vector.shape_cast %get3A_14 : vector<1x1000x128xf32> to vector<1000x128xf32>
    %get3A_16 = arith.constant 1 : index
    %get3A_17 = arith.constant 0 : index
    %get3A_18 = arith.constant 0 : index
    %get3A_19 = vector.load %arg2[%get3A_16, %get3A_17, %get3A_18] : memref<2x1000x128xf32, #tpu.memory_space<vmem>>, vector<1x1000x128xf32>
    %get3A_20 = vector.shape_cast %get3A_19 : vector<1x1000x128xf32> to vector<1000x128xf32>
    %add3A_21 = arith.addf %get3A_15, %get3A_20 : vector<1000x128xf32>
    %div3A = vector.broadcast %max3A_10 : vector<1000x1xf32> to vector<1000x128xf32>
    %div3A_22 = arith.divf %add3A_21, %div3A : vector<1000x128xf32>
    %get3A_23 = arith.constant 0 : index
    %get3A_24 = arith.constant 0 : index
    %get3A_25 = vector.load %arg5[%get3A_23, %get3A_24] : memref<128x128xf32, #tpu.memory_space<vmem>>, vector<128x128xf32>
    %dot_general3A = arith.constant dense<0.000000e+00> : vector<1000x128xf32>
    %dot_general3A_26 = tpu.matmul %div3A_22, %get3A_25, %dot_general3A {dimension_numbers = #tpu.dot_dimension_numbers<[1], [1], [0], [0], [0, 0, 1, 0], [], []>, transpose_lhs_hint = false} : vector<1000x128xf32>, vector<128x128xf32>, vector<1000x128xf32> -> vector<1000x128xf32>
    %get3A_27 = arith.constant 0 : index
    %get3A_28 = arith.constant 0 : index
    %get3A_29 = vector.load %arg4[%get3A_27, %get3A_28] : memref<1000x128xf32, #tpu.memory_space<vmem>>, vector<1000x128xf32>
    %get3A_30 = arith.constant 0 : index
    %get3A_31 = arith.constant 0 : index
    %get3A_32 = vector.load %arg7[%get3A_30, %get3A_31] : memref<128x128xf32, #tpu.memory_space<vmem>>, vector<128x128xf32>
    %dot_general3A_33 = arith.constant dense<0.000000e+00> : vector<1000x128xf32>
    %dot_general3A_34 = tpu.matmul %get3A_29, %get3A_32, %dot_general3A_33 {dimension_numbers = #tpu.dot_dimension_numbers<[1], [1], [0], [0], [0, 0, 1, 0], [], []>, transpose_lhs_hint = false} : vector<1000x128xf32>, vector<128x128xf32>, vector<1000x128xf32> -> vector<1000x128xf32>
    %add3A_35 = arith.addf %dot_general3A_26, %dot_general3A_34 : vector<1000x128xf32>
    %get3A_36 = arith.constant 0 : index
    %get3A_37 = arith.constant 0 : index
    %get3A_38 = arith.constant 0 : index
    %get3A_39 = vector.load %arg6[%get3A_36, %get3A_37, %get3A_38] : memref<1x1x128xf32, #tpu.memory_space<vmem>>, vector<1x1x128xf32>
    %get3A_40 = vector.shape_cast %get3A_39 : vector<1x1x128xf32> to vector<1x128xf32>
    %add3A_41 = vector.broadcast %get3A_40 : vector<1x128xf32> to vector<1000x128xf32>
    %add3A_42 = arith.addf %add3A_35, %add3A_41 : vector<1000x128xf32>
    %max3A_43 = arith.constant 0.000000e+00 : f32
    %max3A_44 = vector.broadcast %max3A_43 : f32 to vector<1000x128xf32>
    %max3A_45 = arith.maximumf %add3A_42, %max3A_44 : vector<1000x128xf32>
    %swap3A = arith.constant 0 : index
    %swap3A_46 = arith.constant 0 : index
    %swap3A_47 = arith.constant 0 : index
    %swap3A_48 = vector.load %arg8[%swap3A, %swap3A_46, %swap3A_47] : memref<1x1000x128xf32, #tpu.memory_space<vmem>>, vector<1x1000x128xf32>
    %swap3A_49 = vector.shape_cast %swap3A_48 : vector<1x1000x128xf32> to vector<1000x128xf32>
    %swap3A_50 = vector.shape_cast %max3A_45 : vector<1000x128xf32> to vector<1x1000x128xf32>
    tpu.vector_store %arg8[%swap3A, %swap3A_46, %swap3A_47], %swap3A_50 {strides = array<i32>} : memref<1x1000x128xf32, #tpu.memory_space<vmem>>, vector<1x1000x128xf32>,
    return
  }
  func.func @transform_0(%arg0: i32, %arg1: i32) -> (i32, i32, i32) {
    %c0_i32 = arith.constant 0 : i32
    %c0_i32_0 = arith.constant 0 : i32
    %c0_i32_1 = arith.constant 0 : i32
    return %c0_i32, %arg0, %c0_i32_0 : i32, i32, i32
  }
  func.func @transform_1(%arg0: i32, %arg1: i32) -> (i32, i32, i32) {
    %c0_i32 = arith.constant 0 : i32
    %c0_i32_0 = arith.constant 0 : i32
    %c0_i32_1 = arith.constant 0 : i32
    return %c0_i32, %arg0, %c0_i32_0 : i32, i32, i32
  }
  func.func @transform_2(%arg0: i32, %arg1: i32) -> (i32, i32) {
    %c0_i32 = arith.constant 0 : i32
    %c0_i32_0 = arith.constant 0 : i32
    return %arg0, %c0_i32 : i32, i32
  }
  func.func @transform_3(%arg0: i32, %arg1: i32) -> (i32, i32) {
    %c0_i32 = arith.constant 0 : i32
    %c0_i32_0 = arith.constant 0 : i32
    return %arg1, %c0_i32 : i32, i32
  }
  func.func @transform_4(%arg0: i32, %arg1: i32) -> (i32, i32, i32) {
    %c0_i32 = arith.constant 0 : i32
    %c0_i32_0 = arith.constant 0 : i32
    %c0_i32_1 = arith.constant 0 : i32
    return %arg1, %c0_i32, %c0_i32_0 : i32, i32, i32
  }
  func.func @transform_5(%arg0: i32, %arg1: i32) -> (i32, i32) {
    %c0_i32 = arith.constant 0 : i32
    %c0_i32_0 = arith.constant 0 : i32
    return %arg1, %c0_i32 : i32, i32
  }
  func.func @transform_6(%arg0: i32, %arg1: i32) -> (i32, i32, i32) {
    %c0_i32 = arith.constant 0 : i32
    %c0_i32_0 = arith.constant 0 : i32
    return %arg1, %arg0, %c0_i32 : i32, i32, i32
  }
}

module attributes {stable_mosaic.version = 14 : i64} {
  func.func @_tc2_body(%arg0: i32, %arg1: memref<2x2x1000x128xf32, #tpu.memory_space<vmem>>, %arg2: memref<2x1000x128xf32, #tpu.memory_space<vmem>>, %arg3: memref<2x1000x128xf32, #tpu.memory_space<vmem>>, %arg4: memref<256x256xf32, #tpu.memory_space<vmem>>, %arg5: memref<1x256xf32, #tpu.memory_space<vmem>>, %arg6: memref<256x256xf32, #tpu.memory_space<vmem>>, %arg7: memref<1000x256xf32, #tpu.memory_space<vmem>>) attributes {dimension_semantics = [#tpu.dimension_semantics<arbitrary>], iteration_bounds = array<i64: 10>, scalar_prefetch = 0 : i64, scratch_operands = 0 : i64, tpu.core_type = #tpu.core_type<tc>, window_params = [{transform_indices = @transform_0, window_bounds = array<i64: 2, 2, 1000, 128>}, {transform_indices = @transform_1, window_bounds = array<i64: 2, 1000, 128>}, {transform_indices = @transform_2, window_bounds = array<i64: 2, 1000, 128>}, {pipeline_mode = #tpu.pipeline_mode<synchronous>, transform_indices = @transform_3, window_bounds = array<i64: 256, 256>}, {pipeline_mode = #tpu.pipeline_mode<synchronous>, transform_indices = @transform_4, window_bounds = array<i64: 1, 256>}, {pipeline_mode = #tpu.pipeline_mode<synchronous>, transform_indices = @transform_5, window_bounds = array<i64: 256, 256>}, {transform_indices = @transform_6, window_bounds = array<i64: 1000, 256>}]} {
    %get3A = arith.constant 0 : index
    %get3A_0 = arith.constant 0 : index
    %get3A_1 = arith.constant 0 : index
    %get3A_2 = vector.load %arg2[%get3A, %get3A_0, %get3A_1] : memref<2x1000x128xf32, #tpu.memory_space<vmem>>, vector<1x1000x1xf32>
    %get3A_3 = vector.shape_cast %get3A_2 : vector<1x1000x1xf32> to vector<1000x1xf32>
    %get3A_4 = arith.constant 1 : index
    %get3A_5 = arith.constant 0 : index
    %get3A_6 = arith.constant 0 : index
    %get3A_7 = vector.load %arg2[%get3A_4, %get3A_5, %get3A_6] : memref<2x1000x128xf32, #tpu.memory_space<vmem>>, vector<1x1000x1xf32>
    %get3A_8 = vector.shape_cast %get3A_7 : vector<1x1000x1xf32> to vector<1000x1xf32>
    %add3A = arith.addf %get3A_3, %get3A_8 : vector<1000x1xf32>
    %max3A = arith.constant 1.000000e+00 : f32
    %max3A_9 = vector.broadcast %max3A : f32 to vector<1000x1xf32>
    %max3A_10 = arith.maximumf %add3A, %max3A_9 : vector<1000x1xf32>
    %get3A_11 = arith.constant 0 : index
    %get3A_12 = arith.constant 0 : index
    %get3A_13 = arith.constant 0 : index
    %get3A_14 = arith.constant 0 : index
    %get3A_15 = vector.load %arg1[%get3A_11, %get3A_12, %get3A_13, %get3A_14] : memref<2x2x1000x128xf32, #tpu.memory_space<vmem>>, vector<1x1x1000x128xf32>
    %get3A_16 = vector.shape_cast %get3A_15 : vector<1x1x1000x128xf32> to vector<1000x128xf32>
    %get3A_17 = arith.constant 0 : index
    %get3A_18 = arith.constant 1 : index
    %get3A_19 = arith.constant 0 : index
    %get3A_20 = arith.constant 0 : index
    %get3A_21 = vector.load %arg1[%get3A_17, %get3A_18, %get3A_19, %get3A_20] : memref<2x2x1000x128xf32, #tpu.memory_space<vmem>>, vector<1x1x1000x128xf32>
    %get3A_22 = vector.shape_cast %get3A_21 : vector<1x1x1000x128xf32> to vector<1000x128xf32>
    %add3A_23 = arith.addf %get3A_16, %get3A_22 : vector<1000x128xf32>
    %div3A = vector.broadcast %max3A_10 : vector<1000x1xf32> to vector<1000x128xf32>
    %div3A_24 = arith.divf %add3A_23, %div3A : vector<1000x128xf32>
    %get3A_25 = arith.constant 1 : index
    %get3A_26 = arith.constant 0 : index
    %get3A_27 = arith.constant 0 : index
    %get3A_28 = arith.constant 0 : index
    %get3A_29 = vector.load %arg1[%get3A_25, %get3A_26, %get3A_27, %get3A_28] : memref<2x2x1000x128xf32, #tpu.memory_space<vmem>>, vector<1x1x1000x128xf32>
    %get3A_30 = vector.shape_cast %get3A_29 : vector<1x1x1000x128xf32> to vector<1000x128xf32>
    %get3A_31 = arith.constant 1 : index
    %get3A_32 = arith.constant 1 : index
    %get3A_33 = arith.constant 0 : index
    %get3A_34 = arith.constant 0 : index
    %get3A_35 = vector.load %arg1[%get3A_31, %get3A_32, %get3A_33, %get3A_34] : memref<2x2x1000x128xf32, #tpu.memory_space<vmem>>, vector<1x1x1000x128xf32>
    %get3A_36 = vector.shape_cast %get3A_35 : vector<1x1x1000x128xf32> to vector<1000x128xf32>
    %add3A_37 = arith.addf %get3A_30, %get3A_36 : vector<1000x128xf32>
    %div3A_38 = vector.broadcast %max3A_10 : vector<1000x1xf32> to vector<1000x128xf32>
    %div3A_39 = arith.divf %add3A_37, %div3A_38 : vector<1000x128xf32>
    %get3A_40 = arith.constant 0 : index
    %get3A_41 = arith.constant 0 : index
    %get3A_42 = vector.load %arg4[%get3A_40, %get3A_41] : memref<256x256xf32, #tpu.memory_space<vmem>>, vector<256x128xf32>
    %dot_general3A = arith.constant dense<0.000000e+00> : vector<1000x256xf32>
    %dot_general3A_43 = tpu.matmul %div3A_24, %get3A_42, %dot_general3A {dimension_numbers = #tpu.dot_dimension_numbers<[1], [1], [0], [0], [0, 0, 1, 0], [], []>, transpose_lhs_hint = false} : vector<1000x128xf32>, vector<256x128xf32>, vector<1000x256xf32> -> vector<1000x256xf32>
    %get3A_44 = arith.constant 0 : index
    %get3A_45 = arith.constant 128 : index
    %get3A_46 = vector.load %arg4[%get3A_44, %get3A_45] : memref<256x256xf32, #tpu.memory_space<vmem>>, vector<256x128xf32>
    %dot_general3A_47 = arith.constant dense<0.000000e+00> : vector<1000x256xf32>
    %dot_general3A_48 = tpu.matmul %div3A_39, %get3A_46, %dot_general3A_47 {dimension_numbers = #tpu.dot_dimension_numbers<[1], [1], [0], [0], [0, 0, 1, 0], [], []>, transpose_lhs_hint = false} : vector<1000x128xf32>, vector<256x128xf32>, vector<1000x256xf32> -> vector<1000x256xf32>
    %add3A_49 = arith.addf %dot_general3A_43, %dot_general3A_48 : vector<1000x256xf32>
    %get3A_50 = arith.constant 0 : index
    %get3A_51 = arith.constant 0 : index
    %get3A_52 = arith.constant 0 : index
    %get3A_53 = vector.load %arg3[%get3A_50, %get3A_51, %get3A_52] : memref<2x1000x128xf32, #tpu.memory_space<vmem>>, vector<1x1000x128xf32>
    %get3A_54 = vector.shape_cast %get3A_53 : vector<1x1000x128xf32> to vector<1000x128xf32>
    %get3A_55 = arith.constant 0 : index
    %get3A_56 = arith.constant 0 : index
    %get3A_57 = vector.load %arg6[%get3A_55, %get3A_56] : memref<256x256xf32, #tpu.memory_space<vmem>>, vector<256x128xf32>
    %dot_general3A_58 = arith.constant dense<0.000000e+00> : vector<1000x256xf32>
    %dot_general3A_59 = tpu.matmul %get3A_54, %get3A_57, %dot_general3A_58 {dimension_numbers = #tpu.dot_dimension_numbers<[1], [1], [0], [0], [0, 0, 1, 0], [], []>, transpose_lhs_hint = false} : vector<1000x128xf32>, vector<256x128xf32>, vector<1000x256xf32> -> vector<1000x256xf32>
    %add3A_60 = arith.addf %add3A_49, %dot_general3A_59 : vector<1000x256xf32>
    %get3A_61 = arith.constant 1 : index
    %get3A_62 = arith.constant 0 : index
    %get3A_63 = arith.constant 0 : index
    %get3A_64 = vector.load %arg3[%get3A_61, %get3A_62, %get3A_63] : memref<2x1000x128xf32, #tpu.memory_space<vmem>>, vector<1x1000x128xf32>
    %get3A_65 = vector.shape_cast %get3A_64 : vector<1x1000x128xf32> to vector<1000x128xf32>
    %get3A_66 = arith.constant 0 : index
    %get3A_67 = arith.constant 128 : index
    %get3A_68 = vector.load %arg6[%get3A_66, %get3A_67] : memref<256x256xf32, #tpu.memory_space<vmem>>, vector<256x128xf32>
    %dot_general3A_69 = arith.constant dense<0.000000e+00> : vector<1000x256xf32>
    %dot_general3A_70 = tpu.matmul %get3A_65, %get3A_68, %dot_general3A_69 {dimension_numbers = #tpu.dot_dimension_numbers<[1], [1], [0], [0], [0, 0, 1, 0], [], []>, transpose_lhs_hint = false} : vector<1000x128xf32>, vector<256x128xf32>, vector<1000x256xf32> -> vector<1000x256xf32>
    %add3A_71 = arith.addf %add3A_60, %dot_general3A_70 : vector<1000x256xf32>
    %get3A_72 = arith.constant 0 : index
    %get3A_73 = arith.constant 0 : index
    %get3A_74 = vector.load %arg5[%get3A_72, %get3A_73] : memref<1x256xf32, #tpu.memory_space<vmem>>, vector<1x256xf32>
    %add3A_75 = vector.broadcast %get3A_74 : vector<1x256xf32> to vector<1000x256xf32>
    %add3A_76 = arith.addf %add3A_71, %add3A_75 : vector<1000x256xf32>
    %swap3A = arith.constant 0 : index
    %swap3A_77 = arith.constant 0 : index
    %swap3A_78 = vector.load %arg7[%swap3A, %swap3A_77] : memref<1000x256xf32, #tpu.memory_space<vmem>>, vector<1000x256xf32>
    tpu.vector_store %arg7[%swap3A, %swap3A_77], %add3A_76 {strides = array<i32>} : memref<1000x256xf32, #tpu.memory_space<vmem>>, vector<1000x256xf32>,
    return
  }
  func.func @transform_0(%arg0: i32) -> (i32, i32, i32, i32) {
    %c0_i32 = arith.constant 0 : i32
    %c0_i32_0 = arith.constant 0 : i32
    %c0_i32_1 = arith.constant 0 : i32
    %c0_i32_2 = arith.constant 0 : i32
    return %c0_i32, %c0_i32_0, %arg0, %c0_i32_1 : i32, i32, i32, i32
  }
  func.func @transform_1(%arg0: i32) -> (i32, i32, i32) {
    %c0_i32 = arith.constant 0 : i32
    %c0_i32_0 = arith.constant 0 : i32
    %c0_i32_1 = arith.constant 0 : i32
    return %c0_i32, %arg0, %c0_i32_0 : i32, i32, i32
  }
  func.func @transform_2(%arg0: i32) -> (i32, i32, i32) {
    %c0_i32 = arith.constant 0 : i32
    %c0_i32_0 = arith.constant 0 : i32
    %c0_i32_1 = arith.constant 0 : i32
    return %c0_i32, %arg0, %c0_i32_0 : i32, i32, i32
  }
  func.func @transform_3(%arg0: i32) -> (i32, i32) {
    %c0_i32 = arith.constant 0 : i32
    %c0_i32_0 = arith.constant 0 : i32
    %c0_i32_1 = arith.constant 0 : i32
    return %c0_i32, %c0_i32_0 : i32, i32
  }
  func.func @transform_4(%arg0: i32) -> (i32, i32) {
    %c0_i32 = arith.constant 0 : i32
    %c0_i32_0 = arith.constant 0 : i32
    %c0_i32_1 = arith.constant 0 : i32
    return %c0_i32, %c0_i32_0 : i32, i32
  }
  func.func @transform_5(%arg0: i32) -> (i32, i32) {
    %c0_i32 = arith.constant 0 : i32
    %c0_i32_0 = arith.constant 0 : i32
    %c0_i32_1 = arith.constant 0 : i32
    return %c0_i32, %c0_i32_0 : i32, i32
  }
  func.func @transform_6(%arg0: i32) -> (i32, i32) {
    %c0_i32 = arith.constant 0 : i32
    %c0_i32_0 = arith.constant 0 : i32
    return %arg0, %c0_i32 : i32, i32
  }
}

</mosaic_0001>

<sc_bundles>
// kernel: kernel.6.cloned.1.call-start
scs
__scs_entry_jumppad:
0x0: {  	(pc) =	sbr.rel $0x88, $3  }
0x1: {  	(tag) =	ssettag $0x0;
	lr =	simm.s32 $0x1  }
0x2: {  	[smem:$0x3F99] =	sst lr;
	_ =	strace $0xD0000000  }
0x3: {  	_ = 	snop  }
0x4: {  	_ = 	snop  }
0x5: {  	_ = 	snop  }
0x6: {  	_ = 	snop  }
0x7: {  	_ = 	snop  }
__scs_overlays_trampoline_lowered:
0x8: {  	[smem:$0x3FA8] =	sst s0  }
0x9: {  	[smem:$0x3FA9] =	sst s1  }
0xa: {  	[smem:$0x3FAA] =	sst s2  }
0xb: {  	[smem:$0x3FAB] =	sst s3  }
0xc: {  	[smem:$0x3FAC] =	sst s4  }
0xd: {  	[smem:$0x3FAD] =	sst s5  }
0xe: {  	[smem:$0x3FAE] =	sst s6  }
0xf: {  	[smem:$0x3FAF] =	sst s7  }
0x10: {  	[smem:$0x3FB0] =	sst s8  }
0x11: {  	[smem:$0x3FB1] =	sst s9;
	s0 =	simm.s32 @!p0 $0x0  }
0x12: {  	s1 =	sld [smem:$0x3F97];
	s0 =	simm.s32 @p0 $0x1  }
0x13: {  	[smem:$0x3FB2] =	sst s0;
	s0 =	simm.s32 @!p1 $0x0  }
0x14: {  	s2 =	sld [smem:$0x3F96];
	s0 =	simm.s32 @p1 $0x1  }
0x15: {  	[smem:$0x3FB3] =	sst s0;
	s0 =	simm.s32 @!p2 $0x0  }
0x16: {  	s3 =	sld [smem:$0x3FDB];
	s0 =	simm.s32 @p2 $0x1  }
0x17: {  	s4 =	simm.s32 $0x1BF5;
	[smem:$0x3FB5] =	sst s0  }
0x18: {  	s0 =	sld [smem:$0x3F98];
	_ =	swait.ge [sflag:s4], $0x0  }
0x19: {  	s7 =	sld [smem:$0x3F99]  }
0x1a: {  	s8 =	sadd.s32 $0xFFFFE003, lr  }
0x1b: {  	s9 =	sadd.s32 $0xFFFFFEF7, lr;
	s5 =	simm.s32 $0xFFFFFFFF;
	p2 =	slt.u32 s8, $0xFFFFF086  }
0x1c: {  	p1 =	slt.u32 s9, $0xF7A;
	s5 =	simm.s32 @!p2 $0x0  }
0x1d: {  	s5 =	simm.s32 @p1 $0x1;
	p0 =	seq.s32 s7, s2  }
0x1e: {  	s7 =	smul.u32 @!p0 $0xF7A, s2;
	p2 =	seq.s32 @!p0 s5, $0x0  }
0x1f: {  	s9 =	smul.u32 $0xF7A, s1;
	s8 =	simm.s32 @!p0 $0x1BF5;
	p2 =	por !p2, p0  }
0x20: {  	[sflag:s8] =	ssyncset.s32 @!p0 $0xFFFFF086;
	s6 =	sadd.s32 @!p0 s3, s7;
	s7 =	simm.s32 @!p0 $0x108  }
0x21: {  	s3 =	sadd.s32 s3, s9;
	s6 =	sadd.s32 @!p0 $0x88, s6;
	s7 =	simm.s32 @p2 $0x1082  }
0x22: {  	[simem:s7], [sflag:s8] =	dma.local @!p0 [hbm:s6], $0xF7A  }
0x23: {  	s9 =	sor.u32 $0xD0000000, s2;
	s6 =	simm.s32 $0x108;
	_ =	swait.ge @!p0 [sflag:s8], $0x0  }
0x24: {  	s3 =	sadd.s32 $0x88, s3;
	s6 =	simm.s32 @!p1 $0x1082;
	[sflag:s4] =	ssyncset.s32 $0xFFFFF086  }
0x25: {  	[simem:s6], [sflag:s4] =	dma.local [hbm:s3], $0xF7A  }
0x26: {  	[smem:$0x3F99] =	sst s1;
	(tag) =	ssettag s2;
	_ =	strace s9  }
0x27: {  	s1 =	sld [smem:$0x3FA9]  }
0x28: {  	s2 =	sld [smem:$0x3FAA]  }
0x29: {  	s4 =	sld [smem:$0x3FAC]  }
0x2a: {  	p0 =	seq.s32 s5, $0x0;
	s5 =	sld [smem:$0x3FAD]  }
0x2b: {  	s6 =	sld [smem:$0x3FAE]  }
0x2c: {  	s7 =	sld [smem:$0x3FAF]  }
0x2d: {  	s3 =	simm.s32 $0x108;
	s8 =	sld [smem:$0x3FB0]  }
0x2e: {  	s3 =	simm.s32 @!p0 $0x1082;
	s9 =	sld [smem:$0x3FB1]  }
0x2f: {  	lr =	sadd.s32 s0, s3;
	s0 =	sld [smem:$0x3FA8]  }
0x30: {  	s3 =	sld [smem:$0x3FAB]  }
0x31: {  	[smem:$0x3FB4] =	sst s10  }
0x32: {  	s10 =	sld [smem:$0x3FB2];
	_ =	sdelay $0x3  }
0x33: {  	p0 =	seq.s32 s10, $0x1;
	s10 =	sld [smem:$0x3FB4];
	_ =	sdelay $0x3  }
0x34: {  	[smem:$0x3FB4] =	sst s10  }
0x35: {  	s10 =	sld [smem:$0x3FB3];
	_ =	sdelay $0x3  }
0x36: {  	p1 =	seq.s32 s10, $0x1;
	s10 =	sld [smem:$0x3FB4];
	_ =	sdelay $0x3  }
0x37: {  	[smem:$0x3FB4] =	sst s10  }
0x38: {  	s10 =	sld [smem:$0x3FB5]  }
0x39: {  	_ = 	snop;
	(pc) =	sbr.ind lr, $3  }
0x3a: {  	_ = 	snop  }
0x3b: {  	_ = 	snop  }
0x3c: {  	p2 =	seq.s32 s10, $0x1;
	s10 =	sld [smem:$0x3FB4]  }
0x3d: {  	_ =	shalt  }
0x3e: {  	_ =	shalt  }
0x3f: {  	_ =	shalt  }
0x40: {  	_ =	shalt  }
0x41: {  	_ =	shalt  }
0x42: {  	_ =	shalt  }
0x43: {  	_ =	shalt  }
0x44: {  	_ =	shalt  }
0x45: {  	_ =	shalt  }
0x46: {  	_ =	shalt  }
0x47: {  	_ =	shalt  }
0x48: {  	_ =	shalt  }
0x49: {  	_ =	shalt  }
0x4a: {  	_ =	shalt  }
0x4b: {  	_ =	shalt  }
0x4c: {  	_ =	shalt  }
0x4d: {  	_ =	shalt  }
0x4e: {  	_ =	shalt  }
0x4f: {  	_ =	shalt  }
0x50: {  	_ =	shalt  }
0x51: {  	_ =	shalt  }
0x52: {  	_ =	shalt  }
0x53: {  	_ =	shalt  }
0x54: {  	_ =	shalt  }
0x55: {  	_ =	shalt  }
0x56: {  	_ =	shalt  }
0x57: {  	_ =	shalt  }
0x58: {  	_ =	shalt  }
0x59: {  	_ =	shalt  }
0x5a: {  	_ =	shalt  }
0x5b: {  	_ =	shalt  }
0x5c: {  	_ =	shalt  }
0x5d: {  	_ =	shalt  }
0x5e: {  	_ =	shalt  }
0x5f: {  	_ =	shalt  }
0x60: {  	_ =	shalt  }
0x61: {  	_ =	shalt  }
0x62: {  	_ =	shalt  }
0x63: {  	_ =	shalt  }
0x64: {  	_ =	shalt  }
0x65: {  	_ =	shalt  }
0x66: {  	_ =	shalt  }
0x67: {  	_ =	shalt  }
0x68: {  	_ =	shalt  }
0x69: {  	_ =	shalt  }
0x6a: {  	_ =	shalt  }
0x6b: {  	_ =	shalt  }
0x6c: {  	_ =	shalt  }
0x6d: {  	_ =	shalt  }
0x6e: {  	_ =	shalt  }
0x6f: {  	_ =	shalt  }
0x70: {  	_ =	shalt  }
0x71: {  	_ =	shalt  }
0x72: {  	_ =	shalt  }
0x73: {  	_ =	shalt  }
0x74: {  	_ =	shalt  }
0x75: {  	_ =	shalt  }
0x76: {  	_ =	shalt  }
0x77: {  	_ =	shalt  }
0x78: {  	_ =	shalt  }
0x79: {  	_ =	shalt  }
0x7a: {  	_ =	shalt  }
0x7b: {  	_ =	shalt  }
0x7c: {  	_ =	shalt  }
0x7d: {  	_ =	shalt  }
0x7e: {  	_ =	shalt  }
0x7f: {  	_ =	shalt  }
0x80: {  	_ =	shalt  }
0x81: {  	_ =	shalt  }
0x82: {  	_ =	shalt  }
0x83: {  	_ =	shalt  }
0x84: {  	_ =	shalt  }
0x85: {  	_ =	shalt  }
0x86: {  	_ =	shalt  }
0x87: {  	_ =	shalt  }
.Lfunc_end0:
.L_simem_size_0:
called_computation_lowered:
.L_overlay_start_0:
0x88: {  	s2 =	sld [smem:$0x3FD9]  }
0x89: {  	s3 =	sld [smem:$0x3FFE];
	_ =	sdelay $0x1  }
0x8a: {  	s1 =	srdreg.scid  }
0x8b: {  	s0 =	sand.u32 $0x1, s1  }
0x8c: {  	s17 =	sshll.u32 s0, $0xA;
	s2 =	sadd.s32 s3, s2  }
0x8d: {  	s2 =	sadd.s32 s2, s17  }
0x8e: {  	[smem:$0x3FC0] =	sst s2  }
0x8f: {  	_ = 	snop  }
0x90: {  	s2 =	sld [smem:$0x3FC9];
	(tm) =	ssettm $0x1  }
0x91: {  	s18 =	sld [smem:$0x3FFB];
	_ =	sdelay $0x3  }
0x92: {  	_ =	strace s18  }
0x93: {  	s3 =	sld [smem:$0x3FFC];
	_ =	sdelay $0x3  }
0x94: {  	_ =	strace s3  }
0x95: {  	s3 =	sld [smem:$0x3FFD];
	_ =	sdelay $0x3  }
0x96: {  	_ =	strace s3  }
0x97: {  	_ =	strace $0x8FFFFFFF  }
0x98: {  	s19 =	sld [smem:$0x3FDB];
	_ =	sdelay $0x1  }
0x99: {  	s4 =	simm.s32 $_scs_section_size  }
0x9a: {  	s5 =	simm.s32 $_size__tile_overlayer_lowered;
	s6 =	simm.s32 $_tile_overlayer_lowered  }
0x9b: {  	s22 =	simm.s32 $0x1BFF;
	s21 =	sshll.u32 s6, $0x1;
	s3 =	sadd.s32 s4, s19  }
0x9c: {  	s7 =	simm.s32 $0x0;
	s20 =	sshll.u32 s5, $0x1;
	s5 =	sadd.s32 s21, s3  }
0x9d: {  	[timem:s7], [sflag:s22] =	dma.local [hbm:s5], s20  }
0x9e: {  	_ =	swait.ge [sflag:s22], s20  }
0x9f: {  	s4 =	ssub.s32 $0x0, s20;
	[sflag:s22] =	ssyncset.done $0x0  }
0xa0: {  	[sflag:s22] =	ssyncadd.s32 s4;
	_ =	sdelay $0x1  }
0xa1: {  	s23 =	simm.s32 $0x1B8B  }
0xa2: {  	_ =	swait.ge [sflag:s23], $0x1  }
0xa3: {  	[sflag:s23] =	ssyncset.done $0x0  }
0xa4: {  	s25 =	simm.s32 $0x1B8E;
	s24 =	sld [smem:$0x3FFE];
	[sflag:s23] =	ssyncadd.s32 $0xFFFFFFFF  }
0xa5: {  	s26 =	simm.s32 $execute0_lowered;
	[smem:$0x3FD2] =	sst s25  }
0xa6: {  	s5 =	sshll.u32 s26, $0x1;
	_ =	strace $0x80000046;
	[dreg:$0x1] =	wrdreg $0xFFFFFFFF  }
0xa7: {  	s28 =	simm.s32 $_size_execute0_lowered;
	s3 =	sadd.s32 s3, s5;
	[dreg:$0x0] =	wrdreg $0x0  }
0xa8: {  	s5 =	sshll.u32 s28, $0x1;
	[dreg:$0x2] =	wrdreg s3  }
0xa9: {  	[dreg:$0x3] =	wrdreg s5  }
0xaa: {  	[dreg:$0x4] =	wrdreg $0xC0  }
0xab: {  	_ =	task [dreg:s7], $0x5FFFF  }
0xac: {  	[dreg:$0x1] =	wrdreg $0xFFFFFFFF  }
0xad: {  	[dreg:$0x0] =	wrdreg $0x60  }
0xae: {  	[dreg:$0x2] =	wrdreg s2  }
0xaf: {  	[dreg:$0x3] =	wrdreg s24  }
0xb0: {  	[dreg:$0x4] =	wrdreg $0x90000  }
0xb1: {  	[dreg:$0x5] =	wrdreg $0x9  }
0xb2: {  	_ =	task.clear_ibuf [dreg:s7], $0x6FFFF;
	_ =	strace $0x90000046  }
0xb3: {  	s29 =	simm.s32 $0x9;
	_ =	strace $0x80000048  }
0xb4: {  	_ =	swait.ge [sflag:s29], $0x1  }
0xb5: {  	[sflag:s29] =	ssyncadd.s32 $0xFFFFFFFF  }
0xb6: {  	_ =	strace $0x90000048  }
0xb7: {  	_ =	sfence  }
0xb8: {  	s30 =	sld [smem:$0x0];
	_ =	sdelay $0x2  }
0xb9: {  	s31 =	sshll.u32 s1, $0xD;
	s1 =	sshrl.u32 s1, $0x2  }
0xba: {  	s3 =	sand.u32 $0x4000, s31;
	s1 =	sadd.s32 s1, s30  }
0xbb: {  	s0 =	sor.u32 s3, s0;
	s1 =	sshll.u32 s1, $0x11  }
0xbc: {  	s0 =	sor.u32 s1, s0  }
0xbd: {  	s0 =	sadd.s32 $0x8F2B, s0  }
0xbe: {  	[sflag:s0] =	ssyncadd.remote.s32 $0x1  }
0xbf: {  	_ =	sfence.sel $0xFFFF  }
0xc0: {  	[dreg:$0x0] =	wrdreg $0xFFFFFFFF;
	(pc) =	sbr.abs _section_cstart, $3  }
0xc1: {  	[dreg:$0x1] =	wrdreg $0xFFFFFFFF  }
0xc2: {  	_ =	task.clear_ibuf [dreg:s7], $0x2FFFF;
	_ =	strace $0x9FFFFFFF  }
0xc3: {  	(tm) =	ssettm $0x7FFFFFFF  }
tec
execute0_lowered:
.L_overlay_start_1:
0x0: {  	(tag) =	ssettag $0x1  }
0x1: {  	s2 =	rddreg [dreg:$0x0]  }
0x2: {  	s0 =	rddreg [dreg:$0x1]  }
0x3: {  	s3 =	rddreg [dreg:$0x2]  }
0x4: {  	s1 =	srdreg.scid;
	s9 =	stileid.u32;
	s11 =	simm.s32 $0x100  }
0x5: {  	s13 =	simm.s32 $0x180;
	s14 =	simm.s32 $0x200;
	s15 =	simm.s32 $0x280  }
0x6: {  	s17 =	simm.s32 $0x300;
	s19 =	simm.s32 $0x380;
	s20 =	simm.s32 $0x400  }
0x7: {  	s28 =	simm.s32 $0xA80;
	s29 =	simm.s32 $0xB00;
	s30 =	simm.s32 $0xB80  }
0x8: {  	s31 =	simm.s32 $0xC00;
	s1 =	sand.u32 $0x1, s1;
	s8 =	smul.u32 $0x280, s9  }
0x9: {  	s4 =	sshll.u32 s9, $0x1;
	s21 =	sshll.u32 s9, $0x3;
	s9 =	smul.u32 $0x50000, s9  }
0xa: {  	s5 =	sor.u32 s1, s4;
	s6 =	sshll.u32 s1, $0x2;
	s4 =	simm.s32 $0x0  }
0xb: {  	s22 =	smul.u32 $0x2800, s1;
	s1 =	ssub.s32 $0x2, s1;
	[smem:$0x7FF] =	sst s4  }
0xc: {  	s6 =	sor.u32 s6, s21;
	_ =	strace $0x80000047;
	[dreg:$0x4] =	wrdreg s11  }
0xd: {  	s7 =	smin.u32 s5, $0x1D;
	s23 =	sshrl.u32 s9, $0x2;
	[dreg:$0x5] =	wrdreg s13  }
0xe: {  	s24 =	sshrl.u32 s1, $0x1;
	p0 =	slt.u32 s5, $0x1D;
	[dreg:$0x6] =	wrdreg s14  }
0xf: {  	s5 =	simm.s32 $0x5;
	s21 =	simm.s32 $0x480;
	[dreg:$0x7] =	wrdreg s15  }
0x10: {  	s6 =	sadd.s32 s7, s6;
	s7 =	sadd.s32 s8, s22;
	[dreg:$0x8] =	wrdreg s17  }
0x11: {  	s8 =	sadd.s32 s23, s3;
	s1 =	ssub.s32 s1, s24;
	[dreg:$0x9] =	wrdreg s19  }
0x12: {  	s5 =	simm.s32 @!p0 $0x4;
	s17 =	simm.s32 $0x3;
	[dreg:$0xa] =	wrdreg s20  }
0x13: {  	[dreg:$0xb] =	wrdreg s21;
	s22 =	simm.s32 $0x500;
	s19 =	simm.s32 $0x80  }
0x14: {  	s23 =	simm.s32 $0x580;
	s20 =	simm.s32 $0x1;
	[dreg:$0x11] =	wrdreg s8  }
0x15: {  	s24 =	simm.s32 $0x600;
	s21 =	simm.s32 $0x5000;
	[dreg:$0x15] =	wrdreg s5  }
0x16: {  	s11 =	simm.s32 $0xD80;
	s13 =	simm.s32 $0xE80;
	[dreg:$0xc] =	wrdreg s22  }
0x17: {  	s6 =	sshll.u32 s6, $0x8;
	s7 =	sshll.u32 s7, $0x4;
	[dreg:$0xd] =	wrdreg s23  }
0x18: {  	s25 =	sadd.s32 $0x4000, s8;
	s26 =	sadd.s32 $0x8000, s8;
	[dreg:$0xe] =	wrdreg s24  }
0x19: {  	s9 =	sadd.s32 $0xC000, s8;
	s10 =	sadd.s32 $0x10000, s8;
	[dreg:$0x12] =	wrdreg s25  }
0x1a: {  	s1 =	smax.u32 s1, $0x1;
	s22 =	simm.s32 $0x2;
	[dreg:$0x13] =	wrdreg s26  }
0x1b: {  	s23 =	simm.s32 $0x880;
	s24 =	simm.s32 $0x900;
	[dreg:$0x14] =	wrdreg s9  }
0x1c: {  	s8 =	simm.s32 $0xF80;
	s6 =	sadd.s32 s6, s0;
	[dreg:$0x16] =	wrdreg s10  }
0x1d: {  	s0 =	sadd.s32 s7, s0;
	[dreg:$0x19] =	wrdreg s1;
	s25 =	simm.s32 $0x680  }
0x1e: {  	s26 =	simm.s32 $0x700;
	s1 =	simm.s32 $0xD00;
	[dreg:$0xf] =	wrdreg s25  }
0x1f: {  	s7 =	simm.s32 $0xF00;
	s12 =	sadd.s32 $0x16400, s0;
	[dreg:$0x10] =	wrdreg s26  }
0x20: {  	s9 =	simm.s32 $0x0;
	s0 =	sadd.s32 $0x66400, s0;
	[dreg:$0x17] =	wrdreg s12  }
0x21: {  	s16 =	sadd.s32 $0x2800, s6;
	s18 =	sadd.s32 $0xC600, s6;
	[dreg:$0x18] =	wrdreg s0  }
0x22: {  	s25 =	simm.s32 $0x980;
	s26 =	simm.s32 $0xA00;
	[dreg:$0x1a] =	wrdreg s16  }
0x23: {  	s6 =	simm.s32 $0x780;
	[dreg:$0x1b] =	wrdreg s18;
	s16 =	simm.s32 $0x1000  }
0x24: {  	v0 =	vimm.f32 $0.0e+00;
	v1 =	vimm.f32 $1.000000000e+00;
	s18 =	simm.s32 $0x800;
	s0 =	simm.s32 $0xC80;
	s12 =	simm.s32 $0xE00  }
.LBB2_1:
0x25: {  	s5 =	sand.u32 $0xFE00, s4  }
0x26: {  	[dreg:$0x1c] =	wrdreg s9;
	s15 =	sand.u32 $0x70, s4;
	s10 =	sshrl.u32 s5, $0x2  }
0x27: {  	s9 =	simm.s32 $0x0;
	s5 =	simm.s32 $0x40;
	s14 =	sor.u32 s15, s10  }
.LBB2_2:
0x28: {  	p0 =	sne.s32 s5, $0xFFC0  }
0x29: {  	[tilespmem:s14+$0x1000] =	vst v0;
	s9 =	sadd.s32 $0x10, s9;
	s10 =	smov.u32 s5;
	s5 =	sadd.s32 $0x40, s5  }
.Ltmp0:
0x2a: {  	(pc) =	sbr.rel @p0 .LBB2_2-.Ltmp0, $4  }
0x2b: {  	_ = 	snop  }
0x2c: {  	s10 =	sand.u32 $0xFE00, s10  }
0x2d: {  	s14 =	sand.u32 $0x70, s9;
	s10 =	sshrl.u32 s10, $0x2  }
0x2e: {  	s14 =	sor.u32 s14, s10  }
0x2f: {  	[tilespmem:s14+$0x1000] =	vst v0;
	s5 =	rddreg [dreg:$0x11]  }
0x30: {  	[spmem:s5] =	stream.linear.scatter [tilespmem:s16], [sflag:$0x3], $0x4000, $0x38;
	[tilespmem:$0x1D000] =	vst v63  }
0x31: {  	_ =	swait.ge [sflag:s17], $0x4000  }
0x32: {  	[sflag:s17] =	ssyncset.done $0x0  }
0x33: {  	s10 =	rddreg [dreg:$0x12];
	[sflag:s17] =	ssyncadd.s32 $0xFFFFC000  }
0x34: {  	[spmem:s10] =	stream.linear.scatter [tilespmem:s16], [sflag:$0x3], $0x4000, $0x38;
	[tilespmem:$0x1D000] =	vst v63  }
0x35: {  	_ =	swait.ge [sflag:s17], $0x4000  }
0x36: {  	[sflag:s17] =	ssyncset.done $0x0  }
0x37: {  	s14 =	rddreg [dreg:$0x13];
	[sflag:s17] =	ssyncadd.s32 $0xFFFFC000  }
0x38: {  	[spmem:s14] =	stream.linear.scatter [tilespmem:s16], [sflag:$0x3], $0x4000, $0x38;
	[tilespmem:$0x1D000] =	vst v63  }
0x39: {  	_ =	swait.ge [sflag:s17], $0x4000  }
0x3a: {  	[sflag:s17] =	ssyncset.done $0x0  }
0x3b: {  	s15 =	rddreg [dreg:$0x14];
	[sflag:s17] =	ssyncadd.s32 $0xFFFFC000  }
0x3c: {  	[spmem:s15] =	stream.linear.scatter [tilespmem:s16], [sflag:$0x3], $0x4000, $0x38;
	[tilespmem:$0x1D000] =	vst v63  }
0x3d: {  	_ =	swait.ge [sflag:s17], $0x4000  }
0x3e: {  	[sflag:s17] =	ssyncset.done $0x0  }
0x3f: {  	s9 =	rddreg [dreg:$0x16];
	[sflag:s17] =	ssyncadd.s32 $0xFFFFC000  }
0x40: {  	[spmem:s9] =	stream.linear.scatter [tilespmem:s16], [sflag:$0x3], $0x4000, $0x38;
	[tilespmem:$0x1D000] =	vst v63  }
0x41: {  	_ =	swait.ge [sflag:s17], $0x4000  }
0x42: {  	[sflag:s17] =	ssyncset.done $0x0  }
0x43: {  	[sflag:s17] =	ssyncadd.s32 $0xFFFFC000  }
0x44: {  	[bflag:$0x0] =	sbarrier.arrive $0xFFFF  }
0x45: {  	s9 =	rddreg [dreg:$0x1a]  }
0x46: {  	[tilespmem:s4], [sflag:$0x3] =	stream.linear.gather [hbm4b:s9+s4], $0x800, $0x38;
	[tilespmem:$0x1D000] =	vst v63  }
0x47: {  	_ =	swait.ge [sflag:s17], $0x800  }
0x48: {  	[sflag:s17] =	ssyncset.done $0x0  }
0x49: {  	s15 =	rddreg [dreg:$0x1b];
	[sflag:s17] =	ssyncadd.s32 $0xFFFFF800  }
0x4a: {  	[tilespmem:s18], [sflag:$0x3] =	stream.linear.gather [hbm4b:s15+s4], $0x800, $0x38;
	[tilespmem:$0x1D000] =	vst v63  }
0x4b: {  	_ =	swait.ge [sflag:s17], $0x800  }
0x4c: {  	[sflag:s17] =	ssyncset.done $0x0  }
0x4d: {  	[sflag:s17] =	ssyncadd.s32 $0xFFFFF800  }
0x4e: {  	[tilespmem:s16], [sflag:$0x1] =	stream.indirect.gather [hbm4b:s2+s19], $0x80, s4, s19, $0xb8;
	[tilespmem:$0x1D000] =	vst v63  }
0x4f: {  	_ =	swait.ge [sflag:s20], $0x4000  }
0x50: {  	[sflag:s20] =	ssyncset.done $0x0  }
0x51: {  	[sflag:s20] =	ssyncadd.s32 $0xFFFFC000  }
0x52: {  	[tilespmem:s21], [sflag:$0x2] =	stream.indirect.gather [hbm4b:s2+s19], $0x80, s19, s19, $0xb8;
	[tilespmem:$0x1D000] =	vst v63  }
0x53: {  	_ = 	snop  }
0x54: {  	[spmem:s3] =	stream.indirect.scatter.add.f32 [tilespmem:s16], [sflag:$0x3], $0x80, s18, s19, $0xb8;
	[tilespmem:$0x1D000] =	vst v63  }
0x55: {  	_ =	swait.ge [sflag:s17], $0x4000  }
0x56: {  	[sflag:s17] =	ssyncset.done $0x0  }
0x57: {  	[sflag:s17] =	ssyncadd.s32 $0xFFFFC000  }
0x58: {  	_ =	swait.ge [sflag:s22], $0x4000  }
0x59: {  	[sflag:s22] =	ssyncset.done $0x0  }
0x5a: {  	s10 =	rddreg [dreg:$0x4];
	[sflag:s22] =	ssyncadd.s32 $0xFFFFC000  }
0x5b: {  	[tilespmem:s16], [sflag:$0x1] =	stream.indirect.gather [hbm4b:s2+s19], $0x80, s10, s19, $0xb8;
	[tilespmem:$0x1D000] =	vst v63  }
0x5c: {  	_ = 	snop  }
0x5d: {  	[spmem:s3] =	stream.indirect.scatter.add.f32 [tilespmem:s21], [sflag:$0x3], $0x80, s23, s19, $0xb8;
	[tilespmem:$0x1D000] =	vst v63  }
0x5e: {  	_ =	swait.ge [sflag:s17], $0x4000  }
0x5f: {  	[sflag:s17] =	ssyncset.done $0x0  }
0x60: {  	[sflag:s17] =	ssyncadd.s32 $0xFFFFC000  }
0x61: {  	_ =	swait.ge [sflag:s20], $0x4000  }
0x62: {  	[sflag:s20] =	ssyncset.done $0x0  }
0x63: {  	s14 =	rddreg [dreg:$0x5];
	[sflag:s20] =	ssyncadd.s32 $0xFFFFC000  }
0x64: {  	[tilespmem:s21], [sflag:$0x2] =	stream.indirect.gather [hbm4b:s2+s19], $0x80, s14, s19, $0xb8;
	[tilespmem:$0x1D000] =	vst v63  }
0x65: {  	_ = 	snop  }
0x66: {  	[spmem:s3] =	stream.indirect.scatter.add.f32 [tilespmem:s16], [sflag:$0x3], $0x80, s24, s19, $0xb8;
	[tilespmem:$0x1D000] =	vst v63  }
0x67: {  	_ =	swait.ge [sflag:s17], $0x4000  }
0x68: {  	[sflag:s17] =	ssyncset.done $0x0  }
0x69: {  	[sflag:s17] =	ssyncadd.s32 $0xFFFFC000  }
0x6a: {  	_ =	swait.ge [sflag:s22], $0x4000  }
0x6b: {  	[sflag:s22] =	ssyncset.done $0x0  }
0x6c: {  	s10 =	rddreg [dreg:$0x6];
	[sflag:s22] =	ssyncadd.s32 $0xFFFFC000  }
0x6d: {  	[tilespmem:s16], [sflag:$0x1] =	stream.indirect.gather [hbm4b:s2+s19], $0x80, s10, s19, $0xb8;
	[tilespmem:$0x1D000] =	vst v63  }
0x6e: {  	_ = 	snop  }
0x6f: {  	[spmem:s3] =	stream.indirect.scatter.add.f32 [tilespmem:s21], [sflag:$0x3], $0x80, s25, s19, $0xb8;
	[tilespmem:$0x1D000] =	vst v63  }
0x70: {  	_ =	swait.ge [sflag:s17], $0x4000  }
0x71: {  	[sflag:s17] =	ssyncset.done $0x0  }
0x72: {  	[sflag:s17] =	ssyncadd.s32 $0xFFFFC000  }
0x73: {  	_ =	swait.ge [sflag:s20], $0x4000  }
0x74: {  	[sflag:s20] =	ssyncset.done $0x0  }
0x75: {  	s14 =	rddreg [dreg:$0x7];
	[sflag:s20] =	ssyncadd.s32 $0xFFFFC000  }
0x76: {  	[tilespmem:s21], [sflag:$0x2] =	stream.indirect.gather [hbm4b:s2+s19], $0x80, s14, s19, $0xb8;
	[tilespmem:$0x1D000] =	vst v63  }
0x77: {  	_ = 	snop  }
0x78: {  	[spmem:s3] =	stream.indirect.scatter.add.f32 [tilespmem:s16], [sflag:$0x3], $0x80, s26, s19, $0xb8;
	[tilespmem:$0x1D000] =	vst v63  }
0x79: {  	_ =	swait.ge [sflag:s17], $0x4000  }
0x7a: {  	[sflag:s17] =	ssyncset.done $0x0  }
0x7b: {  	[sflag:s17] =	ssyncadd.s32 $0xFFFFC000  }
0x7c: {  	_ =	swait.ge [sflag:s22], $0x4000  }
0x7d: {  	[sflag:s22] =	ssyncset.done $0x0  }
0x7e: {  	s10 =	rddreg [dreg:$0x8];
	[sflag:s22] =	ssyncadd.s32 $0xFFFFC000  }
0x7f: {  	[tilespmem:s16], [sflag:$0x1] =	stream.indirect.gather [hbm4b:s2+s19], $0x80, s10, s19, $0xb8;
	[tilespmem:$0x1D000] =	vst v63  }
0x80: {  	_ = 	snop  }
0x81: {  	[spmem:s3] =	stream.indirect.scatter.add.f32 [tilespmem:s21], [sflag:$0x3], $0x80, s28, s19, $0xb8;
	[tilespmem:$0x1D000] =	vst v63  }
0x82: {  	_ =	swait.ge [sflag:s17], $0x4000  }
0x83: {  	[sflag:s17] =	ssyncset.done $0x0  }
0x84: {  	[sflag:s17] =	ssyncadd.s32 $0xFFFFC000  }
0x85: {  	_ =	swait.ge [sflag:s20], $0x4000  }
0x86: {  	[sflag:s20] =	ssyncset.done $0x0  }
0x87: {  	s14 =	rddreg [dreg:$0x9];
	[sflag:s20] =	ssyncadd.s32 $0xFFFFC000  }
0x88: {  	[tilespmem:s21], [sflag:$0x2] =	stream.indirect.gather [hbm4b:s2+s19], $0x80, s14, s19, $0xb8;
	[tilespmem:$0x1D000] =	vst v63  }
0x89: {  	_ = 	snop  }
0x8a: {  	[spmem:s3] =	stream.indirect.scatter.add.f32 [tilespmem:s16], [sflag:$0x3], $0x80, s29, s19, $0xb8;
	[tilespmem:$0x1D000] =	vst v63  }
0x8b: {  	_ =	swait.ge [sflag:s17], $0x4000  }
0x8c: {  	[sflag:s17] =	ssyncset.done $0x0  }
0x8d: {  	[sflag:s17] =	ssyncadd.s32 $0xFFFFC000  }
0x8e: {  	_ =	swait.ge [sflag:s22], $0x4000  }
0x8f: {  	[sflag:s22] =	ssyncset.done $0x0  }
0x90: {  	s10 =	rddreg [dreg:$0xa];
	[sflag:s22] =	ssyncadd.s32 $0xFFFFC000  }
0x91: {  	[tilespmem:s16], [sflag:$0x1] =	stream.indirect.gather [hbm4b:s2+s19], $0x80, s10, s19, $0xb8;
	[tilespmem:$0x1D000] =	vst v63  }
0x92: {  	_ = 	snop  }
0x93: {  	[spmem:s3] =	stream.indirect.scatter.add.f32 [tilespmem:s21], [sflag:$0x3], $0x80, s30, s19, $0xb8;
	[tilespmem:$0x1D000] =	vst v63  }
0x94: {  	_ =	swait.ge [sflag:s17], $0x4000  }
0x95: {  	[sflag:s17] =	ssyncset.done $0x0  }
0x96: {  	[sflag:s17] =	ssyncadd.s32 $0xFFFFC000  }
0x97: {  	_ =	swait.ge [sflag:s20], $0x4000  }
0x98: {  	[sflag:s20] =	ssyncset.done $0x0  }
0x99: {  	s14 =	rddreg [dreg:$0xb];
	[sflag:s20] =	ssyncadd.s32 $0xFFFFC000  }
0x9a: {  	[tilespmem:s21], [sflag:$0x2] =	stream.indirect.gather [hbm4b:s2+s19], $0x80, s14, s19, $0xb8;
	[tilespmem:$0x1D000] =	vst v63  }
0x9b: {  	_ = 	snop  }
0x9c: {  	[spmem:s3] =	stream.indirect.scatter.add.f32 [tilespmem:s16], [sflag:$0x3], $0x80, s31, s19, $0xb8;
	[tilespmem:$0x1D000] =	vst v63  }
0x9d: {  	_ =	swait.ge [sflag:s17], $0x4000  }
0x9e: {  	[sflag:s17] =	ssyncset.done $0x0  }
0x9f: {  	[sflag:s17] =	ssyncadd.s32 $0xFFFFC000  }
0xa0: {  	_ =	swait.ge [sflag:s22], $0x4000  }
0xa1: {  	[sflag:s22] =	ssyncset.done $0x0  }
0xa2: {  	s10 =	rddreg [dreg:$0xc];
	[sflag:s22] =	ssyncadd.s32 $0xFFFFC000  }
0xa3: {  	[tilespmem:s16], [sflag:$0x1] =	stream.indirect.gather [hbm4b:s2+s19], $0x80, s10, s19, $0xb8;
	[tilespmem:$0x1D000] =	vst v63  }
0xa4: {  	_ = 	snop  }
0xa5: {  	[spmem:s3] =	stream.indirect.scatter.add.f32 [tilespmem:s21], [sflag:$0x3], $0x80, s0, s19, $0xb8;
	[tilespmem:$0x1D000] =	vst v63  }
0xa6: {  	_ =	swait.ge [sflag:s17], $0x4000  }
0xa7: {  	[sflag:s17] =	ssyncset.done $0x0  }
0xa8: {  	[sflag:s17] =	ssyncadd.s32 $0xFFFFC000  }
0xa9: {  	_ =	swait.ge [sflag:s20], $0x4000  }
0xaa: {  	[sflag:s20] =	ssyncset.done $0x0  }
0xab: {  	s14 =	rddreg [dreg:$0xd];
	[sflag:s20] =	ssyncadd.s32 $0xFFFFC000  }
0xac: {  	[tilespmem:s21], [sflag:$0x2] =	stream.indirect.gather [hbm4b:s2+s19], $0x80, s14, s19, $0xb8;
	[tilespmem:$0x1D000] =	vst v63  }
0xad: {  	_ = 	snop  }
0xae: {  	[spmem:s3] =	stream.indirect.scatter.add.f32 [tilespmem:s16], [sflag:$0x3], $0x80, s1, s19, $0xb8;
	[tilespmem:$0x1D000] =	vst v63  }
0xaf: {  	_ =	swait.ge [sflag:s17], $0x4000  }
0xb0: {  	[sflag:s17] =	ssyncset.done $0x0  }
0xb1: {  	[sflag:s17] =	ssyncadd.s32 $0xFFFFC000  }
0xb2: {  	_ =	swait.ge [sflag:s22], $0x4000  }
0xb3: {  	[sflag:s22] =	ssyncset.done $0x0  }
0xb4: {  	s10 =	rddreg [dreg:$0xe];
	[sflag:s22] =	ssyncadd.s32 $0xFFFFC000  }
0xb5: {  	[tilespmem:s16], [sflag:$0x1] =	stream.indirect.gather [hbm4b:s2+s19], $0x80, s10, s19, $0xb8;
	[tilespmem:$0x1D000] =	vst v63  }
0xb6: {  	_ = 	snop  }
0xb7: {  	[spmem:s3] =	stream.indirect.scatter.add.f32 [tilespmem:s21], [sflag:$0x3], $0x80, s11, s19, $0xb8;
	[tilespmem:$0x1D000] =	vst v63  }
0xb8: {  	_ =	swait.ge [sflag:s17], $0x4000  }
0xb9: {  	[sflag:s17] =	ssyncset.done $0x0  }
0xba: {  	[sflag:s17] =	ssyncadd.s32 $0xFFFFC000  }
0xbb: {  	_ =	swait.ge [sflag:s20], $0x4000  }
0xbc: {  	[sflag:s20] =	ssyncset.done $0x0  }
0xbd: {  	s14 =	rddreg [dreg:$0xf];
	[sflag:s20] =	ssyncadd.s32 $0xFFFFC000  }
0xbe: {  	[tilespmem:s21], [sflag:$0x2] =	stream.indirect.gather [hbm4b:s2+s19], $0x80, s14, s19, $0xb8;
	[tilespmem:$0x1D000] =	vst v63  }
0xbf: {  	_ = 	snop  }
0xc0: {  	[spmem:s3] =	stream.indirect.scatter.add.f32 [tilespmem:s16], [sflag:$0x3], $0x80, s12, s19, $0xb8;
	[tilespmem:$0x1D000] =	vst v63  }
0xc1: {  	_ =	swait.ge [sflag:s17], $0x4000  }
0xc2: {  	[sflag:s17] =	ssyncset.done $0x0  }
0xc3: {  	[sflag:s17] =	ssyncadd.s32 $0xFFFFC000  }
0xc4: {  	_ =	swait.ge [sflag:s22], $0x4000  }
0xc5: {  	[sflag:s22] =	ssyncset.done $0x0  }
0xc6: {  	s10 =	rddreg [dreg:$0x10];
	[sflag:s22] =	ssyncadd.s32 $0xFFFFC000  }
0xc7: {  	[tilespmem:s16], [sflag:$0x1] =	stream.indirect.gather [hbm4b:s2+s19], $0x80, s10, s19, $0xb8;
	[tilespmem:$0x1D000] =	vst v63  }
0xc8: {  	_ = 	snop  }
0xc9: {  	[spmem:s3] =	stream.indirect.scatter.add.f32 [tilespmem:s21], [sflag:$0x3], $0x80, s13, s19, $0xb8;
	[tilespmem:$0x1D000] =	vst v63  }
0xca: {  	_ =	swait.ge [sflag:s17], $0x4000  }
0xcb: {  	[sflag:s17] =	ssyncset.done $0x0  }
0xcc: {  	[sflag:s17] =	ssyncadd.s32 $0xFFFFC000  }
0xcd: {  	_ =	swait.ge [sflag:s20], $0x4000  }
0xce: {  	[sflag:s20] =	ssyncset.done $0x0  }
0xcf: {  	[sflag:s20] =	ssyncadd.s32 $0xFFFFC000  }
0xd0: {  	[tilespmem:s21], [sflag:$0x2] =	stream.indirect.gather [hbm4b:s2+s19], $0x80, s6, s19, $0xb8;
	[tilespmem:$0x1D000] =	vst v63  }
0xd1: {  	_ = 	snop  }
0xd2: {  	[spmem:s3] =	stream.indirect.scatter.add.f32 [tilespmem:s16], [sflag:$0x3], $0x80, s7, s19, $0xb8;
	[tilespmem:$0x1D000] =	vst v63  }
0xd3: {  	_ =	swait.ge [sflag:s17], $0x4000  }
0xd4: {  	[sflag:s17] =	ssyncset.done $0x0  }
0xd5: {  	[sflag:s17] =	ssyncadd.s32 $0xFFFFC000  }
0xd6: {  	_ =	swait.ge [sflag:s22], $0x4000  }
0xd7: {  	[sflag:s22] =	ssyncset.done $0x0  }
0xd8: {  	[sflag:s22] =	ssyncadd.s32 $0xFFFFC000  }
0xd9: {  	[tilespmem:s16], [sflag:$0x1] =	stream.indirect.gather [hbm4b:s2+s19], $0x80, s6, s19, $0xb8;
	[tilespmem:$0x1D000] =	vst v63  }
0xda: {  	_ = 	snop  }
0xdb: {  	[spmem:s3] =	stream.indirect.scatter.add.f32 [tilespmem:s21], [sflag:$0x3], $0x80, s8, s19, $0xb8;
	[tilespmem:$0x1D000] =	vst v63  }
0xdc: {  	_ =	swait.ge [sflag:s17], $0x4000  }
0xdd: {  	s14 =	rddreg [dreg:$0x15]  }
0xde: {  	p0 =	sne.s32 s14, $0x1  }
.Ltmp1:
0xdf: {  	_ = 	snop;
	(pc) =	sbr.rel @!p0 .LBB2_5-.Ltmp1, $4  }
0xe0: {  	[sflag:s17] =	ssyncset.done $0x0  }
0xe1: {  	[sflag:s17] =	ssyncadd.s32 $0xFFFFC000  }
0xe2: {  	_ =	swait.ge [sflag:s20], $0x4000  }
0xe3: {  	s14 =	sadd.s32 $0xFFFFFFFF, s14;
	[sflag:s20] =	ssyncset.done $0x0  }
.LBB2_4:
0xe4: {  	[sflag:s20] =	ssyncadd.s32 $0xFFFFC000;
	s9 =	sadd.s32 $0x100, s9  }
0xe5: {  	[tilespmem:s4], [sflag:$0x3] =	stream.linear.gather [hbm4b:s9+s4], $0x800, $0x38;
	[tilespmem:$0x1D000] =	vst v63  }
0xe6: {  	_ =	swait.ge [sflag:s17], $0x800  }
0xe7: {  	[sflag:s17] =	ssyncset.done $0x0  }
0xe8: {  	s15 =	sadd.s32 $0x100, s15;
	[sflag:s17] =	ssyncadd.s32 $0xFFFFF800  }
0xe9: {  	[tilespmem:s18], [sflag:$0x3] =	stream.linear.gather [hbm4b:s15+s4], $0x800, $0x38;
	[tilespmem:$0x1D000] =	vst v63  }
0xea: {  	_ =	swait.ge [sflag:s17], $0x800  }
0xeb: {  	[sflag:s17] =	ssyncset.done $0x0  }
0xec: {  	[sflag:s17] =	ssyncadd.s32 $0xFFFFF800  }
0xed: {  	[tilespmem:s16], [sflag:$0x1] =	stream.indirect.gather [hbm4b:s2+s19], $0x80, s4, s19, $0xb8;
	[tilespmem:$0x1D000] =	vst v63  }
0xee: {  	_ =	swait.ge [sflag:s20], $0x4000  }
0xef: {  	[sflag:s20] =	ssyncset.done $0x0  }
0xf0: {  	[sflag:s20] =	ssyncadd.s32 $0xFFFFC000  }
0xf1: {  	[tilespmem:s21], [sflag:$0x2] =	stream.indirect.gather [hbm4b:s2+s19], $0x80, s19, s19, $0xb8;
	[tilespmem:$0x1D000] =	vst v63  }
0xf2: {  	_ = 	snop  }
0xf3: {  	[spmem:s3] =	stream.indirect.scatter.add.f32 [tilespmem:s16], [sflag:$0x3], $0x80, s18, s19, $0xb8;
	[tilespmem:$0x1D000] =	vst v63  }
0xf4: {  	_ =	swait.ge [sflag:s17], $0x4000  }
0xf5: {  	[sflag:s17] =	ssyncset.done $0x0  }
0xf6: {  	[sflag:s17] =	ssyncadd.s32 $0xFFFFC000  }
0xf7: {  	_ =	swait.ge [sflag:s22], $0x4000  }
0xf8: {  	[sflag:s22] =	ssyncset.done $0x0  }
0xf9: {  	s5 =	rddreg [dreg:$0x4];
	[sflag:s22] =	ssyncadd.s32 $0xFFFFC000  }
0xfa: {  	[tilespmem:s16], [sflag:$0x1] =	stream.indirect.gather [hbm4b:s2+s19], $0x80, s5, s19, $0xb8;
	[tilespmem:$0x1D000] =	vst v63  }
0xfb: {  	_ = 	snop  }
0xfc: {  	[spmem:s3] =	stream.indirect.scatter.add.f32 [tilespmem:s21], [sflag:$0x3], $0x80, s23, s19, $0xb8;
	[tilespmem:$0x1D000] =	vst v63  }
0xfd: {  	_ =	swait.ge [sflag:s17], $0x4000  }
0xfe: {  	[sflag:s17] =	ssyncset.done $0x0  }
0xff: {  	[sflag:s17] =	ssyncadd.s32 $0xFFFFC000  }
0x100: {  	_ =	swait.ge [sflag:s20], $0x4000  }
0x101: {  	[sflag:s20] =	ssyncset.done $0x0  }
0x102: {  	s10 =	rddreg [dreg:$0x5];
	[sflag:s20] =	ssyncadd.s32 $0xFFFFC000  }
0x103: {  	[tilespmem:s21], [sflag:$0x2] =	stream.indirect.gather [hbm4b:s2+s19], $0x80, s10, s19, $0xb8;
	[tilespmem:$0x1D000] =	vst v63  }
0x104: {  	_ = 	snop  }
0x105: {  	[spmem:s3] =	stream.indirect.scatter.add.f32 [tilespmem:s16], [sflag:$0x3], $0x80, s24, s19, $0xb8;
	[tilespmem:$0x1D000] =	vst v63  }
0x106: {  	_ =	swait.ge [sflag:s17], $0x4000  }
0x107: {  	[sflag:s17] =	ssyncset.done $0x0  }
0x108: {  	[sflag:s17] =	ssyncadd.s32 $0xFFFFC000  }
0x109: {  	_ =	swait.ge [sflag:s22], $0x4000  }
0x10a: {  	[sflag:s22] =	ssyncset.done $0x0  }
0x10b: {  	s10 =	rddreg [dreg:$0x6];
	[sflag:s22] =	ssyncadd.s32 $0xFFFFC000  }
0x10c: {  	[tilespmem:s16], [sflag:$0x1] =	stream.indirect.gather [hbm4b:s2+s19], $0x80, s10, s19, $0xb8;
	[tilespmem:$0x1D000] =	vst v63  }
0x10d: {  	_ = 	snop  }
0x10e: {  	[spmem:s3] =	stream.indirect.scatter.add.f32 [tilespmem:s21], [sflag:$0x3], $0x80, s25, s19, $0xb8;
	[tilespmem:$0x1D000] =	vst v63  }
0x10f: {  	_ =	swait.ge [sflag:s17], $0x4000  }
0x110: {  	[sflag:s17] =	ssyncset.done $0x0  }
0x111: {  	[sflag:s17] =	ssyncadd.s32 $0xFFFFC000  }
0x112: {  	_ =	swait.ge [sflag:s20], $0x4000  }
0x113: {  	[sflag:s20] =	ssyncset.done $0x0  }
0x114: {  	s10 =	rddreg [dreg:$0x7];
	[sflag:s20] =	ssyncadd.s32 $0xFFFFC000  }
0x115: {  	[tilespmem:s21], [sflag:$0x2] =	stream.indirect.gather [hbm4b:s2+s19], $0x80, s10, s19, $0xb8;
	[tilespmem:$0x1D000] =	vst v63  }
0x116: {  	_ = 	snop  }
0x117: {  	[spmem:s3] =	stream.indirect.scatter.add.f32 [tilespmem:s16], [sflag:$0x3], $0x80, s26, s19, $0xb8;
	[tilespmem:$0x1D000] =	vst v63  }
0x118: {  	_ =	swait.ge [sflag:s17], $0x4000  }
0x119: {  	[sflag:s17] =	ssyncset.done $0x0  }
0x11a: {  	[sflag:s17] =	ssyncadd.s32 $0xFFFFC000  }
0x11b: {  	_ =	swait.ge [sflag:s22], $0x4000  }
0x11c: {  	[sflag:s22] =	ssyncset.done $0x0  }
0x11d: {  	s10 =	rddreg [dreg:$0x8];
	[sflag:s22] =	ssyncadd.s32 $0xFFFFC000  }
0x11e: {  	[tilespmem:s16], [sflag:$0x1] =	stream.indirect.gather [hbm4b:s2+s19], $0x80, s10, s19, $0xb8;
	[tilespmem:$0x1D000] =	vst v63  }
0x11f: {  	_ = 	snop  }
0x120: {  	[spmem:s3] =	stream.indirect.scatter.add.f32 [tilespmem:s21], [sflag:$0x3], $0x80, s28, s19, $0xb8;
	[tilespmem:$0x1D000] =	vst v63  }
0x121: {  	_ =	swait.ge [sflag:s17], $0x4000  }
0x122: {  	[sflag:s17] =	ssyncset.done $0x0  }
0x123: {  	[sflag:s17] =	ssyncadd.s32 $0xFFFFC000  }
0x124: {  	_ =	swait.ge [sflag:s20], $0x4000  }
0x125: {  	[sflag:s20] =	ssyncset.done $0x0  }
0x126: {  	s10 =	rddreg [dreg:$0x9];
	[sflag:s20] =	ssyncadd.s32 $0xFFFFC000  }
0x127: {  	[tilespmem:s21], [sflag:$0x2] =	stream.indirect.gather [hbm4b:s2+s19], $0x80, s10, s19, $0xb8;
	[tilespmem:$0x1D000] =	vst v63  }
0x128: {  	_ = 	snop  }
0x129: {  	[spmem:s3] =	stream.indirect.scatter.add.f32 [tilespmem:s16], [sflag:$0x3], $0x80, s29, s19, $0xb8;
	[tilespmem:$0x1D000] =	vst v63  }
0x12a: {  	_ =	swait.ge [sflag:s17], $0x4000  }
0x12b: {  	[sflag:s17] =	ssyncset.done $0x0  }
0x12c: {  	[sflag:s17] =	ssyncadd.s32 $0xFFFFC000  }
0x12d: {  	_ =	swait.ge [sflag:s22], $0x4000  }
0x12e: {  	[sflag:s22] =	ssyncset.done $0x0  }
0x12f: {  	s10 =	rddreg [dreg:$0xa];
	[sflag:s22] =	ssyncadd.s32 $0xFFFFC000  }
0x130: {  	[tilespmem:s16], [sflag:$0x1] =	stream.indirect.gather [hbm4b:s2+s19], $0x80, s10, s19, $0xb8;
	[tilespmem:$0x1D000] =	vst v63  }
0x131: {  	_ = 	snop  }
0x132: {  	[spmem:s3] =	stream.indirect.scatter.add.f32 [tilespmem:s21], [sflag:$0x3], $0x80, s30, s19, $0xb8;
	[tilespmem:$0x1D000] =	vst v63  }
0x133: {  	_ =	swait.ge [sflag:s17], $0x4000  }
0x134: {  	[sflag:s17] =	ssyncset.done $0x0  }
0x135: {  	[sflag:s17] =	ssyncadd.s32 $0xFFFFC000  }
0x136: {  	_ =	swait.ge [sflag:s20], $0x4000  }
0x137: {  	[sflag:s20] =	ssyncset.done $0x0  }
0x138: {  	s10 =	rddreg [dreg:$0xb];
	[sflag:s20] =	ssyncadd.s32 $0xFFFFC000  }
0x139: {  	[tilespmem:s21], [sflag:$0x2] =	stream.indirect.gather [hbm4b:s2+s19], $0x80, s10, s19, $0xb8;
	[tilespmem:$0x1D000] =	vst v63  }
0x13a: {  	_ = 	snop  }
0x13b: {  	[spmem:s3] =	stream.indirect.scatter.add.f32 [tilespmem:s16], [sflag:$0x3], $0x80, s31, s19, $0xb8;
	[tilespmem:$0x1D000] =	vst v63  }
0x13c: {  	_ =	swait.ge [sflag:s17], $0x4000  }
0x13d: {  	[sflag:s17] =	ssyncset.done $0x0  }
0x13e: {  	[sflag:s17] =	ssyncadd.s32 $0xFFFFC000  }
0x13f: {  	_ =	swait.ge [sflag:s22], $0x4000  }
0x140: {  	[sflag:s22] =	ssyncset.done $0x0  }
0x141: {  	s10 =	rddreg [dreg:$0xc];
	[sflag:s22] =	ssyncadd.s32 $0xFFFFC000  }
0x142: {  	[tilespmem:s16], [sflag:$0x1] =	stream.indirect.gather [hbm4b:s2+s19], $0x80, s10, s19, $0xb8;
	[tilespmem:$0x1D000] =	vst v63  }
0x143: {  	_ = 	snop  }
0x144: {  	[spmem:s3] =	stream.indirect.scatter.add.f32 [tilespmem:s21], [sflag:$0x3], $0x80, s0, s19, $0xb8;
	[tilespmem:$0x1D000] =	vst v63  }
0x145: {  	_ =	swait.ge [sflag:s17], $0x4000  }
0x146: {  	[sflag:s17] =	ssyncset.done $0x0  }
0x147: {  	[sflag:s17] =	ssyncadd.s32 $0xFFFFC000  }
0x148: {  	_ =	swait.ge [sflag:s20], $0x4000  }
0x149: {  	[sflag:s20] =	ssyncset.done $0x0  }
0x14a: {  	s10 =	rddreg [dreg:$0xd];
	[sflag:s20] =	ssyncadd.s32 $0xFFFFC000  }
0x14b: {  	[tilespmem:s21], [sflag:$0x2] =	stream.indirect.gather [hbm4b:s2+s19], $0x80, s10, s19, $0xb8;
	[tilespmem:$0x1D000] =	vst v63  }
0x14c: {  	_ = 	snop  }
0x14d: {  	[spmem:s3] =	stream.indirect.scatter.add.f32 [tilespmem:s16], [sflag:$0x3], $0x80, s1, s19, $0xb8;
	[tilespmem:$0x1D000] =	vst v63  }
0x14e: {  	_ =	swait.ge [sflag:s17], $0x4000  }
0x14f: {  	[sflag:s17] =	ssyncset.done $0x0  }
0x150: {  	[sflag:s17] =	ssyncadd.s32 $0xFFFFC000  }
0x151: {  	_ =	swait.ge [sflag:s22], $0x4000  }
0x152: {  	[sflag:s22] =	ssyncset.done $0x0  }
0x153: {  	s10 =	rddreg [dreg:$0xe];
	[sflag:s22] =	ssyncadd.s32 $0xFFFFC000  }
0x154: {  	[tilespmem:s16], [sflag:$0x1] =	stream.indirect.gather [hbm4b:s2+s19], $0x80, s10, s19, $0xb8;
	[tilespmem:$0x1D000] =	vst v63  }
0x155: {  	_ = 	snop  }
0x156: {  	[spmem:s3] =	stream.indirect.scatter.add.f32 [tilespmem:s21], [sflag:$0x3], $0x80, s11, s19, $0xb8;
	[tilespmem:$0x1D000] =	vst v63  }
0x157: {  	_ =	swait.ge [sflag:s17], $0x4000  }
0x158: {  	[sflag:s17] =	ssyncset.done $0x0  }
0x159: {  	[sflag:s17] =	ssyncadd.s32 $0xFFFFC000  }
0x15a: {  	_ =	swait.ge [sflag:s20], $0x4000  }
0x15b: {  	[sflag:s20] =	ssyncset.done $0x0  }
0x15c: {  	s10 =	rddreg [dreg:$0xf];
	[sflag:s20] =	ssyncadd.s32 $0xFFFFC000  }
0x15d: {  	[tilespmem:s21], [sflag:$0x2] =	stream.indirect.gather [hbm4b:s2+s19], $0x80, s10, s19, $0xb8;
	[tilespmem:$0x1D000] =	vst v63  }
0x15e: {  	_ = 	snop  }
0x15f: {  	[spmem:s3] =	stream.indirect.scatter.add.f32 [tilespmem:s16], [sflag:$0x3], $0x80, s12, s19, $0xb8;
	[tilespmem:$0x1D000] =	vst v63  }
0x160: {  	_ =	swait.ge [sflag:s17], $0x4000  }
0x161: {  	[sflag:s17] =	ssyncset.done $0x0  }
0x162: {  	[sflag:s17] =	ssyncadd.s32 $0xFFFFC000  }
0x163: {  	_ =	swait.ge [sflag:s22], $0x4000  }
0x164: {  	[sflag:s22] =	ssyncset.done $0x0  }
0x165: {  	s10 =	rddreg [dreg:$0x10];
	[sflag:s22] =	ssyncadd.s32 $0xFFFFC000  }
0x166: {  	[tilespmem:s16], [sflag:$0x1] =	stream.indirect.gather [hbm4b:s2+s19], $0x80, s10, s19, $0xb8;
	[tilespmem:$0x1D000] =	vst v63  }
0x167: {  	_ = 	snop  }
0x168: {  	[spmem:s3] =	stream.indirect.scatter.add.f32 [tilespmem:s21], [sflag:$0x3], $0x80, s13, s19, $0xb8;
	[tilespmem:$0x1D000] =	vst v63  }
0x169: {  	_ =	swait.ge [sflag:s17], $0x4000  }
0x16a: {  	[sflag:s17] =	ssyncset.done $0x0  }
0x16b: {  	[sflag:s17] =	ssyncadd.s32 $0xFFFFC000  }
0x16c: {  	_ =	swait.ge [sflag:s20], $0x4000  }
0x16d: {  	[sflag:s20] =	ssyncset.done $0x0  }
0x16e: {  	[sflag:s20] =	ssyncadd.s32 $0xFFFFC000  }
0x16f: {  	[tilespmem:s21], [sflag:$0x2] =	stream.indirect.gather [hbm4b:s2+s19], $0x80, s6, s19, $0xb8;
	[tilespmem:$0x1D000] =	vst v63  }
0x170: {  	_ = 	snop  }
0x171: {  	[spmem:s3] =	stream.indirect.scatter.add.f32 [tilespmem:s16], [sflag:$0x3], $0x80, s7, s19, $0xb8;
	[tilespmem:$0x1D000] =	vst v63  }
0x172: {  	_ =	swait.ge [sflag:s17], $0x4000  }
0x173: {  	[sflag:s17] =	ssyncset.done $0x0  }
0x174: {  	[sflag:s17] =	ssyncadd.s32 $0xFFFFC000  }
0x175: {  	_ =	swait.ge [sflag:s22], $0x4000  }
0x176: {  	[sflag:s22] =	ssyncset.done $0x0  }
0x177: {  	[sflag:s22] =	ssyncadd.s32 $0xFFFFC000  }
0x178: {  	[tilespmem:s16], [sflag:$0x1] =	stream.indirect.gather [hbm4b:s2+s19], $0x80, s6, s19, $0xb8;
	[tilespmem:$0x1D000] =	vst v63  }
0x179: {  	p1 =	sne.s32 s14, $0x1  }
0x17a: {  	[spmem:s3] =	stream.indirect.scatter.add.f32 [tilespmem:s21], [sflag:$0x3], $0x80, s8, s19, $0xb8;
	[tilespmem:$0x1D000] =	vst v63  }
.Ltmp2:
0x17b: {  	_ =	swait.ge [sflag:s17], $0x4000;
	(pc) =	sbr.rel @p1 .LBB2_4-.Ltmp2, $4  }
0x17c: {  	[sflag:s17] =	ssyncset.done $0x0  }
0x17d: {  	[sflag:s17] =	ssyncadd.s32 $0xFFFFC000  }
0x17e: {  	_ =	swait.ge [sflag:s20], $0x4000  }
0x17f: {  	s14 =	sadd.s32 $0xFFFFFFFF, s14;
	[sflag:s20] =	ssyncset.done $0x0  }
.LBB2_5:
0x180: {  	[sflag:s20] =	ssyncadd.s32 $0xFFFFC000  }
0x181: {  	s5 =	stileid.u32;
	[bflag:$0x0] =	sbarrier.arrive $0xFFFF  }
0x182: {  	s5 =	sshll.u32 s5, $0x6;
	s14 =	rddreg [dreg:$0x11]  }
0x183: {  	s9 =	sor.u32 $0x1C03, s5;
	s15 =	rddreg [dreg:$0x17]  }
0x184: {  	s14 =	sshrl.u32 s14, $0x3;
	[dreg:$0x1d] =	wrdreg s9  }
0x185: {  	[hbm:s15], [sflag:s9] =	dma.local [spmem:s14], $0x2800  }
0x186: {  	s5 =	simm.s32 $0x0;
	_ =	swait.ge [sflag:s17], $0x2800  }
0x187: {  	s10 =	sand.u32 $0xFE00, s5;
	[sflag:s17] =	ssyncset.done $0x0  }
0x188: {  	s9 =	sand.u32 $0x70, s5;
	s10 =	sshrl.u32 s10, $0x2;
	[sflag:s17] =	ssyncadd.s32 $0xFFFFD800  }
0x189: {  	s15 =	simm.s32 $0x40;
	s10 =	sor.u32 s9, s10;
	[bflag:$0x0] =	sbarrier.arrive $0xFFFF  }
.LBB2_6:
0x18a: {  	p1 =	sne.s32 s15, $0xFFC0  }
0x18b: {  	[tilespmem:s10+$0x1000] =	vst v0;
	s5 =	sadd.s32 $0x10, s5;
	s9 =	smov.u32 s15;
	s15 =	sadd.s32 $0x40, s15  }
.Ltmp3:
0x18c: {  	(pc) =	sbr.rel @p1 .LBB2_6-.Ltmp3, $4  }
0x18d: {  	_ = 	snop  }
0x18e: {  	s9 =	sand.u32 $0xFE00, s9  }
0x18f: {  	s10 =	sand.u32 $0x70, s5;
	s9 =	sshrl.u32 s9, $0x2  }
0x190: {  	s10 =	sor.u32 s10, s9  }
0x191: {  	[tilespmem:s10+$0x1000] =	vst v0;
	s5 =	rddreg [dreg:$0x11]  }
0x192: {  	[spmem:s5] =	stream.linear.scatter [tilespmem:s16], [sflag:$0x3], $0x4000, $0x38;
	[tilespmem:$0x1D000] =	vst v63  }
0x193: {  	_ =	swait.ge [sflag:s17], $0x4000  }
0x194: {  	[sflag:s17] =	ssyncset.done $0x0  }
0x195: {  	s15 =	rddreg [dreg:$0x12];
	[sflag:s17] =	ssyncadd.s32 $0xFFFFC000  }
0x196: {  	[spmem:s15] =	stream.linear.scatter [tilespmem:s16], [sflag:$0x3], $0x4000, $0x38;
	[tilespmem:$0x1D000] =	vst v63  }
0x197: {  	_ =	swait.ge [sflag:s17], $0x4000  }
0x198: {  	[sflag:s17] =	ssyncset.done $0x0  }
0x199: {  	s9 =	rddreg [dreg:$0x13];
	[sflag:s17] =	ssyncadd.s32 $0xFFFFC000  }
0x19a: {  	[spmem:s9] =	stream.linear.scatter [tilespmem:s16], [sflag:$0x3], $0x4000, $0x38;
	[tilespmem:$0x1D000] =	vst v63  }
0x19b: {  	_ =	swait.ge [sflag:s17], $0x4000  }
0x19c: {  	[sflag:s17] =	ssyncset.done $0x0  }
0x19d: {  	s10 =	rddreg [dreg:$0x14];
	[sflag:s17] =	ssyncadd.s32 $0xFFFFC000  }
0x19e: {  	[spmem:s10] =	stream.linear.scatter [tilespmem:s16], [sflag:$0x3], $0x4000, $0x38;
	[tilespmem:$0x1D000] =	vst v63  }
0x19f: {  	_ =	swait.ge [sflag:s17], $0x4000  }
0x1a0: {  	[sflag:s17] =	ssyncset.done $0x0  }
0x1a1: {  	s5 =	simm.s32 $0x0;
	s15 =	rddreg [dreg:$0x16];
	[sflag:s17] =	ssyncadd.s32 $0xFFFFC000  }
0x1a2: {  	[spmem:s15] =	stream.linear.scatter [tilespmem:s16], [sflag:$0x3], $0x4000, $0x38;
	[tilespmem:$0x1D000] =	vst v63  }
0x1a3: {  	s9 =	sand.u32 $0xFE00, s5;
	_ =	swait.ge [sflag:s17], $0x4000  }
0x1a4: {  	s9 =	sshrl.u32 s9, $0x2;
	s10 =	sand.u32 $0x70, s5;
	[sflag:s17] =	ssyncset.done $0x0  }
0x1a5: {  	s10 =	sor.u32 s10, s9;
	s15 =	simm.s32 $0x40;
	[sflag:s17] =	ssyncadd.s32 $0xFFFFC000  }
.LBB2_8:
0x1a6: {  	p1 =	sne.s32 s15, $0xFFC0  }
0x1a7: {  	[tilespmem:s10+$0x1000] =	vst v1;
	s5 =	sadd.s32 $0x10, s5;
	s9 =	smov.u32 s15;
	s15 =	sadd.s32 $0x40, s15  }
.Ltmp4:
0x1a8: {  	(pc) =	sbr.rel @p1 .LBB2_8-.Ltmp4, $4  }
0x1a9: {  	_ = 	snop  }
0x1aa: {  	s9 =	sand.u32 $0xFE00, s9  }
0x1ab: {  	s10 =	sand.u32 $0x70, s5;
	s9 =	sshrl.u32 s9, $0x2  }
0x1ac: {  	s10 =	sor.u32 s10, s9  }
0x1ad: {  	[tilespmem:s10+$0x1000] =	vst v1  }
0x1ae: {  	[bflag:$0x0] =	sbarrier.arrive $0xFFFF  }
0x1af: {  	s9 =	rddreg [dreg:$0x1b]  }
0x1b0: {  	[tilespmem:s18], [sflag:$0x3] =	stream.linear.gather [hbm4b:s9+s4], $0x800, $0x38;
	[tilespmem:$0x1D000] =	vst v63  }
0x1b1: {  	_ =	swait.ge [sflag:s17], $0x800  }
0x1b2: {  	[sflag:s17] =	ssyncset.done $0x0  }
0x1b3: {  	[sflag:s17] =	ssyncadd.s32 $0xFFFFF800  }
0x1b4: {  	[spmem:s3] =	stream.indirect.scatter.add.f32 [tilespmem:s16], [sflag:$0x3], $0x80, s18, s19, $0xb8;
	[tilespmem:$0x1D000] =	vst v63  }
0x1b5: {  	_ =	swait.ge [sflag:s17], $0x4000  }
0x1b6: {  	[sflag:s17] =	ssyncset.done $0x0  }
0x1b7: {  	[sflag:s17] =	ssyncadd.s32 $0xFFFFC000  }
0x1b8: {  	[spmem:s3] =	stream.indirect.scatter.add.f32 [tilespmem:s16], [sflag:$0x3], $0x80, s23, s19, $0xb8;
	[tilespmem:$0x1D000] =	vst v63  }
0x1b9: {  	_ =	swait.ge [sflag:s17], $0x4000  }
0x1ba: {  	[sflag:s17] =	ssyncset.done $0x0  }
0x1bb: {  	[sflag:s17] =	ssyncadd.s32 $0xFFFFC000  }
0x1bc: {  	[spmem:s3] =	stream.indirect.scatter.add.f32 [tilespmem:s16], [sflag:$0x3], $0x80, s24, s19, $0xb8;
	[tilespmem:$0x1D000] =	vst v63  }
0x1bd: {  	_ =	swait.ge [sflag:s17], $0x4000  }
0x1be: {  	[sflag:s17] =	ssyncset.done $0x0  }
0x1bf: {  	[sflag:s17] =	ssyncadd.s32 $0xFFFFC000  }
0x1c0: {  	[spmem:s3] =	stream.indirect.scatter.add.f32 [tilespmem:s16], [sflag:$0x3], $0x80, s25, s19, $0xb8;
	[tilespmem:$0x1D000] =	vst v63  }
0x1c1: {  	_ =	swait.ge [sflag:s17], $0x4000  }
0x1c2: {  	[sflag:s17] =	ssyncset.done $0x0  }
0x1c3: {  	[sflag:s17] =	ssyncadd.s32 $0xFFFFC000  }
0x1c4: {  	[spmem:s3] =	stream.indirect.scatter.add.f32 [tilespmem:s16], [sflag:$0x3], $0x80, s26, s19, $0xb8;
	[tilespmem:$0x1D000] =	vst v63  }
0x1c5: {  	_ =	swait.ge [sflag:s17], $0x4000  }
0x1c6: {  	[sflag:s17] =	ssyncset.done $0x0  }
0x1c7: {  	[sflag:s17] =	ssyncadd.s32 $0xFFFFC000  }
0x1c8: {  	[spmem:s3] =	stream.indirect.scatter.add.f32 [tilespmem:s16], [sflag:$0x3], $0x80, s28, s19, $0xb8;
	[tilespmem:$0x1D000] =	vst v63  }
0x1c9: {  	_ =	swait.ge [sflag:s17], $0x4000  }
0x1ca: {  	[sflag:s17] =	ssyncset.done $0x0  }
0x1cb: {  	[sflag:s17] =	ssyncadd.s32 $0xFFFFC000  }
0x1cc: {  	[spmem:s3] =	stream.indirect.scatter.add.f32 [tilespmem:s16], [sflag:$0x3], $0x80, s29, s19, $0xb8;
	[tilespmem:$0x1D000] =	vst v63  }
0x1cd: {  	_ =	swait.ge [sflag:s17], $0x4000  }
0x1ce: {  	[sflag:s17] =	ssyncset.done $0x0  }
0x1cf: {  	[sflag:s17] =	ssyncadd.s32 $0xFFFFC000  }
0x1d0: {  	[spmem:s3] =	stream.indirect.scatter.add.f32 [tilespmem:s16], [sflag:$0x3], $0x80, s30, s19, $0xb8;
	[tilespmem:$0x1D000] =	vst v63  }
0x1d1: {  	_ =	swait.ge [sflag:s17], $0x4000  }
0x1d2: {  	[sflag:s17] =	ssyncset.done $0x0  }
0x1d3: {  	[sflag:s17] =	ssyncadd.s32 $0xFFFFC000  }
0x1d4: {  	[spmem:s3] =	stream.indirect.scatter.add.f32 [tilespmem:s16], [sflag:$0x3], $0x80, s31, s19, $0xb8;
	[tilespmem:$0x1D000] =	vst v63  }
0x1d5: {  	_ =	swait.ge [sflag:s17], $0x4000  }
0x1d6: {  	[sflag:s17] =	ssyncset.done $0x0  }
0x1d7: {  	[sflag:s17] =	ssyncadd.s32 $0xFFFFC000  }
0x1d8: {  	[spmem:s3] =	stream.indirect.scatter.add.f32 [tilespmem:s16], [sflag:$0x3], $0x80, s0, s19, $0xb8;
	[tilespmem:$0x1D000] =	vst v63  }
0x1d9: {  	_ =	swait.ge [sflag:s17], $0x4000  }
0x1da: {  	[sflag:s17] =	ssyncset.done $0x0  }
0x1db: {  	[sflag:s17] =	ssyncadd.s32 $0xFFFFC000  }
0x1dc: {  	[spmem:s3] =	stream.indirect.scatter.add.f32 [tilespmem:s16], [sflag:$0x3], $0x80, s1, s19, $0xb8;
	[tilespmem:$0x1D000] =	vst v63  }
0x1dd: {  	_ =	swait.ge [sflag:s17], $0x4000  }
0x1de: {  	[sflag:s17] =	ssyncset.done $0x0  }
0x1df: {  	[sflag:s17] =	ssyncadd.s32 $0xFFFFC000  }
0x1e0: {  	[spmem:s3] =	stream.indirect.scatter.add.f32 [tilespmem:s16], [sflag:$0x3], $0x80, s11, s19, $0xb8;
	[tilespmem:$0x1D000] =	vst v63  }
0x1e1: {  	_ =	swait.ge [sflag:s17], $0x4000  }
0x1e2: {  	[sflag:s17] =	ssyncset.done $0x0  }
0x1e3: {  	[sflag:s17] =	ssyncadd.s32 $0xFFFFC000  }
0x1e4: {  	[spmem:s3] =	stream.indirect.scatter.add.f32 [tilespmem:s16], [sflag:$0x3], $0x80, s12, s19, $0xb8;
	[tilespmem:$0x1D000] =	vst v63  }
0x1e5: {  	_ =	swait.ge [sflag:s17], $0x4000  }
0x1e6: {  	[sflag:s17] =	ssyncset.done $0x0  }
0x1e7: {  	[sflag:s17] =	ssyncadd.s32 $0xFFFFC000  }
0x1e8: {  	[spmem:s3] =	stream.indirect.scatter.add.f32 [tilespmem:s16], [sflag:$0x3], $0x80, s13, s19, $0xb8;
	[tilespmem:$0x1D000] =	vst v63  }
0x1e9: {  	_ =	swait.ge [sflag:s17], $0x4000  }
0x1ea: {  	[sflag:s17] =	ssyncset.done $0x0  }
0x1eb: {  	[sflag:s17] =	ssyncadd.s32 $0xFFFFC000  }
0x1ec: {  	[spmem:s3] =	stream.indirect.scatter.add.f32 [tilespmem:s16], [sflag:$0x3], $0x80, s7, s19, $0xb8;
	[tilespmem:$0x1D000] =	vst v63  }
0x1ed: {  	_ =	swait.ge [sflag:s17], $0x4000  }
0x1ee: {  	[sflag:s17] =	ssyncset.done $0x0  }
.Ltmp5:
0x1ef: {  	[sflag:s17] =	ssyncadd.s32 $0xFFFFC000;
	(pc) =	sbr.rel @!p0 .LBB2_11-.Ltmp5, $4  }
0x1f0: {  	[spmem:s3] =	stream.indirect.scatter.add.f32 [tilespmem:s16], [sflag:$0x3], $0x80, s8, s19, $0xb8;
	[tilespmem:$0x1D000] =	vst v63  }
0x1f1: {  	_ =	swait.ge [sflag:s17], $0x4000  }
0x1f2: {  	s5 =	rddreg [dreg:$0x15]  }
0x1f3: {  	[sflag:s17] =	ssyncset.done $0x0;
	s15 =	sadd.s32 $0xFFFFFFFF, s5;
	s5 =	smov.u32 s9  }
.LBB2_10:
0x1f4: {  	p0 =	sne.s32 s15, $0x1;
	[sflag:s17] =	ssyncadd.s32 $0xFFFFC000;
	s5 =	sadd.s32 $0x100, s5  }
0x1f5: {  	[tilespmem:s18], [sflag:$0x3] =	stream.linear.gather [hbm4b:s5+s4], $0x800, $0x38;
	[tilespmem:$0x1D000] =	vst v63  }
0x1f6: {  	s15 =	sadd.s32 $0xFFFFFFFF, s15;
	_ =	swait.ge [sflag:s17], $0x800  }
0x1f7: {  	[sflag:s17] =	ssyncset.done $0x0  }
0x1f8: {  	[sflag:s17] =	ssyncadd.s32 $0xFFFFF800  }
0x1f9: {  	[spmem:s3] =	stream.indirect.scatter.add.f32 [tilespmem:s16], [sflag:$0x3], $0x80, s18, s19, $0xb8;
	[tilespmem:$0x1D000] =	vst v63  }
0x1fa: {  	_ =	swait.ge [sflag:s17], $0x4000  }
0x1fb: {  	[sflag:s17] =	ssyncset.done $0x0  }
0x1fc: {  	[sflag:s17] =	ssyncadd.s32 $0xFFFFC000  }
0x1fd: {  	[spmem:s3] =	stream.indirect.scatter.add.f32 [tilespmem:s16], [sflag:$0x3], $0x80, s23, s19, $0xb8;
	[tilespmem:$0x1D000] =	vst v63  }
0x1fe: {  	_ =	swait.ge [sflag:s17], $0x4000  }
0x1ff: {  	[sflag:s17] =	ssyncset.done $0x0  }
0x200: {  	[sflag:s17] =	ssyncadd.s32 $0xFFFFC000  }
0x201: {  	[spmem:s3] =	stream.indirect.scatter.add.f32 [tilespmem:s16], [sflag:$0x3], $0x80, s24, s19, $0xb8;
	[tilespmem:$0x1D000] =	vst v63  }
0x202: {  	_ =	swait.ge [sflag:s17], $0x4000  }
0x203: {  	[sflag:s17] =	ssyncset.done $0x0  }
0x204: {  	[sflag:s17] =	ssyncadd.s32 $0xFFFFC000  }
0x205: {  	[spmem:s3] =	stream.indirect.scatter.add.f32 [tilespmem:s16], [sflag:$0x3], $0x80, s25, s19, $0xb8;
	[tilespmem:$0x1D000] =	vst v63  }
0x206: {  	_ =	swait.ge [sflag:s17], $0x4000  }
0x207: {  	[sflag:s17] =	ssyncset.done $0x0  }
0x208: {  	[sflag:s17] =	ssyncadd.s32 $0xFFFFC000  }
0x209: {  	[spmem:s3] =	stream.indirect.scatter.add.f32 [tilespmem:s16], [sflag:$0x3], $0x80, s26, s19, $0xb8;
	[tilespmem:$0x1D000] =	vst v63  }
0x20a: {  	_ =	swait.ge [sflag:s17], $0x4000  }
0x20b: {  	[sflag:s17] =	ssyncset.done $0x0  }
0x20c: {  	[sflag:s17] =	ssyncadd.s32 $0xFFFFC000  }
0x20d: {  	[spmem:s3] =	stream.indirect.scatter.add.f32 [tilespmem:s16], [sflag:$0x3], $0x80, s28, s19, $0xb8;
	[tilespmem:$0x1D000] =	vst v63  }
0x20e: {  	_ =	swait.ge [sflag:s17], $0x4000  }
0x20f: {  	[sflag:s17] =	ssyncset.done $0x0  }
0x210: {  	[sflag:s17] =	ssyncadd.s32 $0xFFFFC000  }
0x211: {  	[spmem:s3] =	stream.indirect.scatter.add.f32 [tilespmem:s16], [sflag:$0x3], $0x80, s29, s19, $0xb8;
	[tilespmem:$0x1D000] =	vst v63  }
0x212: {  	_ =	swait.ge [sflag:s17], $0x4000  }
0x213: {  	[sflag:s17] =	ssyncset.done $0x0  }
0x214: {  	[sflag:s17] =	ssyncadd.s32 $0xFFFFC000  }
0x215: {  	[spmem:s3] =	stream.indirect.scatter.add.f32 [tilespmem:s16], [sflag:$0x3], $0x80, s30, s19, $0xb8;
	[tilespmem:$0x1D000] =	vst v63  }
0x216: {  	_ =	swait.ge [sflag:s17], $0x4000  }
0x217: {  	[sflag:s17] =	ssyncset.done $0x0  }
0x218: {  	[sflag:s17] =	ssyncadd.s32 $0xFFFFC000  }
0x219: {  	[spmem:s3] =	stream.indirect.scatter.add.f32 [tilespmem:s16], [sflag:$0x3], $0x80, s31, s19, $0xb8;
	[tilespmem:$0x1D000] =	vst v63  }
0x21a: {  	_ =	swait.ge [sflag:s17], $0x4000  }
0x21b: {  	[sflag:s17] =	ssyncset.done $0x0  }
0x21c: {  	[sflag:s17] =	ssyncadd.s32 $0xFFFFC000  }
0x21d: {  	[spmem:s3] =	stream.indirect.scatter.add.f32 [tilespmem:s16], [sflag:$0x3], $0x80, s0, s19, $0xb8;
	[tilespmem:$0x1D000] =	vst v63  }
0x21e: {  	_ =	swait.ge [sflag:s17], $0x4000  }
0x21f: {  	[sflag:s17] =	ssyncset.done $0x0  }
0x220: {  	[sflag:s17] =	ssyncadd.s32 $0xFFFFC000  }
0x221: {  	[spmem:s3] =	stream.indirect.scatter.add.f32 [tilespmem:s16], [sflag:$0x3], $0x80, s1, s19, $0xb8;
	[tilespmem:$0x1D000] =	vst v63  }
0x222: {  	_ =	swait.ge [sflag:s17], $0x4000  }
0x223: {  	[sflag:s17] =	ssyncset.done $0x0  }
0x224: {  	[sflag:s17] =	ssyncadd.s32 $0xFFFFC000  }
0x225: {  	[spmem:s3] =	stream.indirect.scatter.add.f32 [tilespmem:s16], [sflag:$0x3], $0x80, s11, s19, $0xb8;
	[tilespmem:$0x1D000] =	vst v63  }
0x226: {  	_ =	swait.ge [sflag:s17], $0x4000  }
0x227: {  	[sflag:s17] =	ssyncset.done $0x0  }
0x228: {  	[sflag:s17] =	ssyncadd.s32 $0xFFFFC000  }
0x229: {  	[spmem:s3] =	stream.indirect.scatter.add.f32 [tilespmem:s16], [sflag:$0x3], $0x80, s12, s19, $0xb8;
	[tilespmem:$0x1D000] =	vst v63  }
0x22a: {  	_ =	swait.ge [sflag:s17], $0x4000  }
0x22b: {  	[sflag:s17] =	ssyncset.done $0x0  }
0x22c: {  	[sflag:s17] =	ssyncadd.s32 $0xFFFFC000  }
0x22d: {  	[spmem:s3] =	stream.indirect.scatter.add.f32 [tilespmem:s16], [sflag:$0x3], $0x80, s13, s19, $0xb8;
	[tilespmem:$0x1D000] =	vst v63  }
0x22e: {  	_ =	swait.ge [sflag:s17], $0x4000  }
0x22f: {  	[sflag:s17] =	ssyncset.done $0x0  }
0x230: {  	[sflag:s17] =	ssyncadd.s32 $0xFFFFC000  }
0x231: {  	[spmem:s3] =	stream.indirect.scatter.add.f32 [tilespmem:s16], [sflag:$0x3], $0x80, s7, s19, $0xb8;
	[tilespmem:$0x1D000] =	vst v63  }
0x232: {  	_ =	swait.ge [sflag:s17], $0x4000  }
.Ltmp6:
0x233: {  	[sflag:s17] =	ssyncset.done $0x0;
	(pc) =	sbr.rel @p0 .LBB2_10-.Ltmp6, $4  }
0x234: {  	[sflag:s17] =	ssyncadd.s32 $0xFFFFC000  }
0x235: {  	[spmem:s3] =	stream.indirect.scatter.add.f32 [tilespmem:s16], [sflag:$0x3], $0x80, s8, s19, $0xb8;
	[tilespmem:$0x1D000] =	vst v63  }
0x236: {  	_ =	swait.ge [sflag:s17], $0x4000  }
0x237: {  	[sflag:s17] =	ssyncset.done $0x0  }
.LBB2_11:
0x238: {  	[sflag:s17] =	ssyncadd.s32 $0xFFFFC000  }
0x239: {  	[bflag:$0x0] =	sbarrier.arrive $0xFFFF  }
0x23a: {  	s5 =	rddreg [dreg:$0x18]  }
0x23b: {  	s9 =	rddreg [dreg:$0x1d]  }
0x23c: {  	[hbm:s5], [sflag:s9] =	dma.local [spmem:s14], $0x2800  }
0x23d: {  	_ =	swait.ge [sflag:s17], $0x2800  }
0x23e: {  	s14 =	rddreg [dreg:$0x1c]  }
0x23f: {  	s15 =	rddreg [dreg:$0x19];
	s9 =	sadd.s32 $0x1, s14  }
0x240: {  	p0 =	sne.s32 s9, s15  }
.Ltmp7:
0x241: {  	_ = 	snop;
	(pc) =	sbr.rel @p0 .LBB2_1-.Ltmp7, $3  }
0x242: {  	_ =	sdelay $0x1  }
0x243: {  	[sflag:s17] =	ssyncset.done $0x0  }
0x244: {  	[sflag:s17] =	ssyncadd.s32 $0xFFFFD800  }
0x245: {  	_ =	sfence.sel $0x180000  }
0x246: {  	[bflag:$0x0] =	sbarrier.arrive $0xFFFF  }
0x247: {  	_ =	strace $0x90000047  }
0x248: {  	s0 =	stileid.u32;
	[bflag:$0x2] =	sbarrier.arrive $0xFFFF  }
0x249: {  	p0 =	sne.s32 s0, $0x0;
	s0 =	rddreg [dreg:$0x3]  }
0x24a: {  	s0 =	sadd.s32 @!p0 $0x100000, s0  }
0x24b: {  	[sflag:s0] =	ssyncadd.tile.s32 @!p0 $0x1;
	_ =	shalt  }
.Lfunc_end2:
_tile_overlayer_lowered:
.L_overlay_start_2:
0x24c: {  	(tag) =	ssettag $0x2  }
0x24d: {  	s0 =	rddreg [dreg:$0x0];
	s2 =	stileid.u32  }
0x24e: {  	s1 =	rddreg [dreg:$0x1];
	p0 =	sne.s32 s2, $0x0  }
0x24f: {  	s3 =	rddreg [dreg:$0x2];
	[bflag:$0x3] =	sbarrier.arrive $0xFFFF;
	s2 =	simm.s32 @!p0 $0x1C03  }
0x250: {  	[timem:s3], [sflag:s2] =	dma.local @!p0 [hbm:s0], s1  }
0x251: {  	s0 =	simm.s32 @!p0 $0x3  }
0x252: {  	_ =	swait.ge @!p0 [sflag:s0], s1  }
0x253: {  	s1 =	ssub.s32 @!p0 $0x0, s1;
	[sflag:s0] =	ssyncset.done @!p0 $0x0  }
0x254: {  	[sflag:s0] =	ssyncadd.s32 @!p0 s1  }
0x255: {  	[bflag:$0x3] =	sbarrier.arrive $0xFFFF  }
0x256: {  	_ =	shalt  }

// kernel: kernel.9.cloned.1.call-start
scs
__scs_entry_jumppad:
0x0: {  	(pc) =	sbr.rel $0x88, $3  }
0x1: {  	(tag) =	ssettag $0x0;
	lr =	simm.s32 $0x1  }
0x2: {  	[smem:$0x3F99] =	sst lr;
	_ =	strace $0xD0000000  }
0x3: {  	_ = 	snop  }
0x4: {  	_ = 	snop  }
0x5: {  	_ = 	snop  }
0x6: {  	_ = 	snop  }
0x7: {  	_ = 	snop  }
__scs_overlays_trampoline_lowered:
0x8: {  	[smem:$0x3FA8] =	sst s0  }
0x9: {  	[smem:$0x3FA9] =	sst s1  }
0xa: {  	[smem:$0x3FAA] =	sst s2  }
0xb: {  	[smem:$0x3FAB] =	sst s3  }
0xc: {  	[smem:$0x3FAC] =	sst s4  }
0xd: {  	[smem:$0x3FAD] =	sst s5  }
0xe: {  	[smem:$0x3FAE] =	sst s6  }
0xf: {  	[smem:$0x3FAF] =	sst s7  }
0x10: {  	[smem:$0x3FB0] =	sst s8  }
0x11: {  	[smem:$0x3FB1] =	sst s9;
	s0 =	simm.s32 @!p0 $0x0  }
0x12: {  	s1 =	sld [smem:$0x3F97];
	s0 =	simm.s32 @p0 $0x1  }
0x13: {  	[smem:$0x3FB2] =	sst s0;
	s0 =	simm.s32 @!p1 $0x0  }
0x14: {  	s2 =	sld [smem:$0x3F96];
	s0 =	simm.s32 @p1 $0x1  }
0x15: {  	[smem:$0x3FB3] =	sst s0;
	s0 =	simm.s32 @!p2 $0x0  }
0x16: {  	s3 =	sld [smem:$0x3FDB];
	s0 =	simm.s32 @p2 $0x1  }
0x17: {  	s4 =	simm.s32 $0x1BF5;
	[smem:$0x3FB5] =	sst s0  }
0x18: {  	s0 =	sld [smem:$0x3F98];
	_ =	swait.ge [sflag:s4], $0x0  }
0x19: {  	s7 =	sld [smem:$0x3F99]  }
0x1a: {  	s8 =	sadd.s32 $0xFFFFE003, lr  }
0x1b: {  	s9 =	sadd.s32 $0xFFFFFEF7, lr;
	s5 =	simm.s32 $0xFFFFFFFF;
	p2 =	slt.u32 s8, $0xFFFFF086  }
0x1c: {  	p1 =	slt.u32 s9, $0xF7A;
	s5 =	simm.s32 @!p2 $0x0  }
0x1d: {  	s5 =	simm.s32 @p1 $0x1;
	p0 =	seq.s32 s7, s2  }
0x1e: {  	s7 =	smul.u32 @!p0 $0xF7A, s2;
	p2 =	seq.s32 @!p0 s5, $0x0  }
0x1f: {  	s9 =	smul.u32 $0xF7A, s1;
	s8 =	simm.s32 @!p0 $0x1BF5;
	p2 =	por !p2, p0  }
0x20: {  	[sflag:s8] =	ssyncset.s32 @!p0 $0xFFFFF086;
	s6 =	sadd.s32 @!p0 s3, s7;
	s7 =	simm.s32 @!p0 $0x108  }
0x21: {  	s3 =	sadd.s32 s3, s9;
	s6 =	sadd.s32 @!p0 $0x88, s6;
	s7 =	simm.s32 @p2 $0x1082  }
0x22: {  	[simem:s7], [sflag:s8] =	dma.local @!p0 [hbm:s6], $0xF7A  }
0x23: {  	s9 =	sor.u32 $0xD0000000, s2;
	s6 =	simm.s32 $0x108;
	_ =	swait.ge @!p0 [sflag:s8], $0x0  }
0x24: {  	s3 =	sadd.s32 $0x88, s3;
	s6 =	simm.s32 @!p1 $0x1082;
	[sflag:s4] =	ssyncset.s32 $0xFFFFF086  }
0x25: {  	[simem:s6], [sflag:s4] =	dma.local [hbm:s3], $0xF7A  }
0x26: {  	[smem:$0x3F99] =	sst s1;
	(tag) =	ssettag s2;
	_ =	strace s9  }
0x27: {  	s1 =	sld [smem:$0x3FA9]  }
0x28: {  	s2 =	sld [smem:$0x3FAA]  }
0x29: {  	s4 =	sld [smem:$0x3FAC]  }
0x2a: {  	p0 =	seq.s32 s5, $0x0;
	s5 =	sld [smem:$0x3FAD]  }
0x2b: {  	s6 =	sld [smem:$0x3FAE]  }
0x2c: {  	s7 =	sld [smem:$0x3FAF]  }
0x2d: {  	s3 =	simm.s32 $0x108;
	s8 =	sld [smem:$0x3FB0]  }
0x2e: {  	s3 =	simm.s32 @!p0 $0x1082;
	s9 =	sld [smem:$0x3FB1]  }
0x2f: {  	lr =	sadd.s32 s0, s3;
	s0 =	sld [smem:$0x3FA8]  }
0x30: {  	s3 =	sld [smem:$0x3FAB]  }
0x31: {  	[smem:$0x3FB4] =	sst s10  }
0x32: {  	s10 =	sld [smem:$0x3FB2];
	_ =	sdelay $0x3  }
0x33: {  	p0 =	seq.s32 s10, $0x1;
	s10 =	sld [smem:$0x3FB4];
	_ =	sdelay $0x3  }
0x34: {  	[smem:$0x3FB4] =	sst s10  }
0x35: {  	s10 =	sld [smem:$0x3FB3];
	_ =	sdelay $0x3  }
0x36: {  	p1 =	seq.s32 s10, $0x1;
	s10 =	sld [smem:$0x3FB4];
	_ =	sdelay $0x3  }
0x37: {  	[smem:$0x3FB4] =	sst s10  }
0x38: {  	s10 =	sld [smem:$0x3FB5]  }
0x39: {  	_ = 	snop;
	(pc) =	sbr.ind lr, $3  }
0x3a: {  	_ = 	snop  }
0x3b: {  	_ = 	snop  }
0x3c: {  	p2 =	seq.s32 s10, $0x1;
	s10 =	sld [smem:$0x3FB4]  }
0x3d: {  	_ =	shalt  }
0x3e: {  	_ =	shalt  }
0x3f: {  	_ =	shalt  }
0x40: {  	_ =	shalt  }
0x41: {  	_ =	shalt  }
0x42: {  	_ =	shalt  }
0x43: {  	_ =	shalt  }
0x44: {  	_ =	shalt  }
0x45: {  	_ =	shalt  }
0x46: {  	_ =	shalt  }
0x47: {  	_ =	shalt  }
0x48: {  	_ =	shalt  }
0x49: {  	_ =	shalt  }
0x4a: {  	_ =	shalt  }
0x4b: {  	_ =	shalt  }
0x4c: {  	_ =	shalt  }
0x4d: {  	_ =	shalt  }
0x4e: {  	_ =	shalt  }
0x4f: {  	_ =	shalt  }
0x50: {  	_ =	shalt  }
0x51: {  	_ =	shalt  }
0x52: {  	_ =	shalt  }
0x53: {  	_ =	shalt  }
0x54: {  	_ =	shalt  }
0x55: {  	_ =	shalt  }
0x56: {  	_ =	shalt  }
0x57: {  	_ =	shalt  }
0x58: {  	_ =	shalt  }
0x59: {  	_ =	shalt  }
0x5a: {  	_ =	shalt  }
0x5b: {  	_ =	shalt  }
0x5c: {  	_ =	shalt  }
0x5d: {  	_ =	shalt  }
0x5e: {  	_ =	shalt  }
0x5f: {  	_ =	shalt  }
0x60: {  	_ =	shalt  }
0x61: {  	_ =	shalt  }
0x62: {  	_ =	shalt  }
0x63: {  	_ =	shalt  }
0x64: {  	_ =	shalt  }
0x65: {  	_ =	shalt  }
0x66: {  	_ =	shalt  }
0x67: {  	_ =	shalt  }
0x68: {  	_ =	shalt  }
0x69: {  	_ =	shalt  }
0x6a: {  	_ =	shalt  }
0x6b: {  	_ =	shalt  }
0x6c: {  	_ =	shalt  }
0x6d: {  	_ =	shalt  }
0x6e: {  	_ =	shalt  }
0x6f: {  	_ =	shalt  }
0x70: {  	_ =	shalt  }
0x71: {  	_ =	shalt  }
0x72: {  	_ =	shalt  }
0x73: {  	_ =	shalt  }
0x74: {  	_ =	shalt  }
0x75: {  	_ =	shalt  }
0x76: {  	_ =	shalt  }
0x77: {  	_ =	shalt  }
0x78: {  	_ =	shalt  }
0x79: {  	_ =	shalt  }
0x7a: {  	_ =	shalt  }
0x7b: {  	_ =	shalt  }
0x7c: {  	_ =	shalt  }
0x7d: {  	_ =	shalt  }
0x7e: {  	_ =	shalt  }
0x7f: {  	_ =	shalt  }
0x80: {  	_ =	shalt  }
0x81: {  	_ =	shalt  }
0x82: {  	_ =	shalt  }
0x83: {  	_ =	shalt  }
0x84: {  	_ =	shalt  }
0x85: {  	_ =	shalt  }
0x86: {  	_ =	shalt  }
0x87: {  	_ =	shalt  }
.Lfunc_end0:
.L_simem_size_0:
called_computation.1_lowered:
.L_overlay_start_0:
0x88: {  	s2 =	sld [smem:$0x3FD9]  }
0x89: {  	s3 =	sld [smem:$0x3FFE];
	_ =	sdelay $0x1  }
0x8a: {  	s1 =	srdreg.scid  }
0x8b: {  	s0 =	sand.u32 $0x1, s1  }
0x8c: {  	s17 =	sshll.u32 s0, $0xA;
	s2 =	sadd.s32 s3, s2  }
0x8d: {  	s2 =	sadd.s32 s2, s17  }
0x8e: {  	[smem:$0x3FC0] =	sst s2  }
0x8f: {  	_ = 	snop  }
0x90: {  	s2 =	sld [smem:$0x3FD0];
	(tm) =	ssettm $0x1  }
0x91: {  	s18 =	sld [smem:$0x3FFB];
	_ =	sdelay $0x3  }
0x92: {  	_ =	strace s18  }
0x93: {  	s3 =	sld [smem:$0x3FFC];
	_ =	sdelay $0x3  }
0x94: {  	_ =	strace s3  }
0x95: {  	s3 =	sld [smem:$0x3FFD];
	_ =	sdelay $0x3  }
0x96: {  	_ =	strace s3  }
0x97: {  	_ =	strace $0x8FFFFFFF  }
0x98: {  	s19 =	sld [smem:$0x3FDB];
	_ =	sdelay $0x1  }
0x99: {  	s4 =	simm.s32 $_scs_section_size  }
0x9a: {  	s5 =	simm.s32 $_size__tile_overlayer_lowered;
	s6 =	simm.s32 $_tile_overlayer_lowered  }
0x9b: {  	s22 =	simm.s32 $0x1BFF;
	s21 =	sshll.u32 s6, $0x1;
	s3 =	sadd.s32 s4, s19  }
0x9c: {  	s7 =	simm.s32 $0x0;
	s20 =	sshll.u32 s5, $0x1;
	s5 =	sadd.s32 s21, s3  }
0x9d: {  	[timem:s7], [sflag:s22] =	dma.local [hbm:s5], s20  }
0x9e: {  	_ =	swait.ge [sflag:s22], s20  }
0x9f: {  	s4 =	ssub.s32 $0x0, s20;
	[sflag:s22] =	ssyncset.done $0x0  }
0xa0: {  	[sflag:s22] =	ssyncadd.s32 s4;
	_ =	sdelay $0x1  }
0xa1: {  	s23 =	simm.s32 $0x1B8B  }
0xa2: {  	_ =	swait.ge [sflag:s23], $0x1  }
0xa3: {  	[sflag:s23] =	ssyncset.done $0x0  }
0xa4: {  	s25 =	simm.s32 $0x1B8E;
	s24 =	sld [smem:$0x3FFE];
	[sflag:s23] =	ssyncadd.s32 $0xFFFFFFFF  }
0xa5: {  	s26 =	simm.s32 $execute0_lowered;
	[smem:$0x3FD2] =	sst s25  }
0xa6: {  	s5 =	sshll.u32 s26, $0x1;
	_ =	strace $0x80000049;
	[dreg:$0x1] =	wrdreg $0xFFFFFFFF  }
0xa7: {  	s28 =	simm.s32 $_size_execute0_lowered;
	s3 =	sadd.s32 s3, s5;
	[dreg:$0x0] =	wrdreg $0x0  }
0xa8: {  	s5 =	sshll.u32 s28, $0x1;
	[dreg:$0x2] =	wrdreg s3  }
0xa9: {  	[dreg:$0x3] =	wrdreg s5  }
0xaa: {  	[dreg:$0x4] =	wrdreg $0xC0  }
0xab: {  	_ =	task [dreg:s7], $0x5FFFF  }
0xac: {  	[dreg:$0x1] =	wrdreg $0xFFFFFFFF  }
0xad: {  	[dreg:$0x0] =	wrdreg $0x60  }
0xae: {  	[dreg:$0x2] =	wrdreg s24  }
0xaf: {  	[dreg:$0x3] =	wrdreg s2  }
0xb0: {  	[dreg:$0x4] =	wrdreg $0x90000  }
0xb1: {  	[dreg:$0x5] =	wrdreg $0x9  }
0xb2: {  	_ =	task.clear_ibuf [dreg:s7], $0x6FFFF;
	_ =	strace $0x90000049  }
0xb3: {  	s29 =	simm.s32 $0x9;
	_ =	strace $0x8000004B  }
0xb4: {  	_ =	swait.ge [sflag:s29], $0x1  }
0xb5: {  	[sflag:s29] =	ssyncadd.s32 $0xFFFFFFFF  }
0xb6: {  	_ =	strace $0x9000004B  }
0xb7: {  	_ =	sfence  }
0xb8: {  	s30 =	sld [smem:$0x0];
	_ =	sdelay $0x2  }
0xb9: {  	s31 =	sshll.u32 s1, $0xD;
	s1 =	sshrl.u32 s1, $0x2  }
0xba: {  	s3 =	sand.u32 $0x4000, s31;
	s1 =	sadd.s32 s1, s30  }
0xbb: {  	s0 =	sor.u32 s3, s0;
	s1 =	sshll.u32 s1, $0x11  }
0xbc: {  	s0 =	sor.u32 s1, s0  }
0xbd: {  	s0 =	sadd.s32 $0x8F2B, s0  }
0xbe: {  	[sflag:s0] =	ssyncadd.remote.s32 $0x1  }
0xbf: {  	_ =	sfence.sel $0xFFFF  }
0xc0: {  	[dreg:$0x0] =	wrdreg $0xFFFFFFFF;
	(pc) =	sbr.abs _section_cstart, $3  }
0xc1: {  	[dreg:$0x1] =	wrdreg $0xFFFFFFFF  }
0xc2: {  	_ =	task.clear_ibuf [dreg:s7], $0x2FFFF;
	_ =	strace $0x9FFFFFFF  }
0xc3: {  	(tm) =	ssettm $0x7FFFFFFF  }
tec
execute0_lowered:
.L_overlay_start_1:
0x0: {  	(tag) =	ssettag $0x1  }
0x1: {  	s0 =	rddreg [dreg:$0x0]  }
0x2: {  	s2 =	rddreg [dreg:$0x1]  }
0x3: {  	s3 =	rddreg [dreg:$0x2]  }
0x4: {  	s1 =	srdreg.scid;
	s10 =	stileid.u32  }
0x5: {  	s17 =	simm.s32 $0x1000;
	s31 =	simm.s32 $0x780;
	s1 =	sand.u32 $0x1, s1  }
0x6: {  	s4 =	sshll.u32 s10, $0x1;
	s18 =	sshll.u32 s10, $0x3;
	s8 =	smul.u32 $0x280, s10  }
0x7: {  	s10 =	smul.u32 $0x50000, s10;
	s6 =	sor.u32 s1, s4;
	s5 =	sshll.u32 s1, $0x2  }
0x8: {  	s4 =	simm.s32 $0x0;
	s19 =	smul.u32 $0x2800, s1;
	s1 =	ssub.s32 $0x2, s1  }
0x9: {  	s5 =	sor.u32 s5, s18;
	s7 =	smin.u32 s6, $0x1D;
	[smem:$0x7FF] =	sst s4  }
0xa: {  	s20 =	sshrl.u32 s10, $0x2;
	s21 =	sshrl.u32 s1, $0x1;
	p0 =	slt.u32 s6, $0x1D  }
0xb: {  	s6 =	simm.s32 $0x5;
	s18 =	simm.s32 $0x3;
	s5 =	sadd.s32 s7, s5  }
0xc: {  	_ =	strace $0x8000004A;
	s7 =	sadd.s32 s8, s19;
	s8 =	sadd.s32 s20, s3  }
0xd: {  	s1 =	ssub.s32 s1, s21;
	s6 =	simm.s32 @!p0 $0x4;
	[dreg:$0x4] =	wrdreg s8  }
0xe: {  	s9 =	sshll.u32 s5, $0x8;
	s22 =	sadd.s32 $0x4000, s8;
	[dreg:$0x7] =	wrdreg s6  }
0xf: {  	s5 =	sadd.s32 $0x16400, s0;
	s23 =	sadd.s32 $0x8000, s8;
	[dreg:$0x5] =	wrdreg s22  }
0x10: {  	s7 =	sshll.u32 s7, $0x4;
	s24 =	sadd.s32 $0xC000, s8;
	[dreg:$0x6] =	wrdreg s23  }
0x11: {  	s25 =	sadd.s32 $0x10000, s8;
	s28 =	smax.u32 s1, $0x1;
	[dreg:$0x8] =	wrdreg s24  }
0x12: {  	s9 =	sadd.s32 s9, s0;
	s0 =	sadd.s32 s7, s0;
	[dreg:$0x9] =	wrdreg s25  }
0x13: {  	s19 =	simm.s32 $0x800;
	[dreg:$0xc] =	wrdreg s28;
	s26 =	sadd.s32 $0xB6400, s0  }
0x14: {  	s20 =	simm.s32 $0x80;
	s0 =	sadd.s32 $0x106400, s0;
	[dreg:$0xa] =	wrdreg s26  }
0x15: {  	s21 =	simm.s32 $0x1;
	s29 =	sadd.s32 $0x2800, s9;
	[dreg:$0xb] =	wrdreg s0  }
0x16: {  	s22 =	simm.s32 $0x5000;
	s30 =	sadd.s32 $0xC600, s9;
	[dreg:$0xd] =	wrdreg s29  }
0x17: {  	v0 =	vimm.f32 $0.0e+00;
	s23 =	simm.s32 $0x2;
	[dreg:$0xe] =	wrdreg s30;
	s0 =	simm.s32 $0x0  }
.LBB2_1:
0x18: {  	s12 =	sand.u32 $0xFE00, s4  }
0x19: {  	[dreg:$0xf] =	wrdreg s0;
	s13 =	sand.u32 $0x70, s4;
	s14 =	sshrl.u32 s12, $0x2  }
0x1a: {  	s12 =	simm.s32 $0x40;
	s14 =	sor.u32 s13, s14;
	s13 =	simm.s32 $0x0  }
.LBB2_2:
0x1b: {  	p0 =	sne.s32 s12, $0xFFC0  }
0x1c: {  	[tilespmem:s14+$0x1000] =	vst v0;
	s13 =	sadd.s32 $0x10, s13;
	s14 =	smov.u32 s12;
	s12 =	sadd.s32 $0x40, s12  }
.Ltmp0:
0x1d: {  	(pc) =	sbr.rel @p0 .LBB2_2-.Ltmp0, $4  }
0x1e: {  	_ = 	snop  }
0x1f: {  	s14 =	sand.u32 $0xFE00, s14  }
0x20: {  	s7 =	sand.u32 $0x70, s13;
	s14 =	sshrl.u32 s14, $0x2  }
0x21: {  	s14 =	sor.u32 s7, s14  }
0x22: {  	[tilespmem:s14+$0x1000] =	vst v0;
	s7 =	rddreg [dreg:$0x4]  }
0x23: {  	[spmem:s7] =	stream.linear.scatter [tilespmem:s17], [sflag:$0x3], $0x4000, $0x38;
	[tilespmem:$0x1D000] =	vst v63  }
0x24: {  	_ =	swait.ge [sflag:s18], $0x4000  }
0x25: {  	[sflag:s18] =	ssyncset.done $0x0  }
0x26: {  	s25 =	rddreg [dreg:$0x5];
	[sflag:s18] =	ssyncadd.s32 $0xFFFFC000  }
0x27: {  	[spmem:s25] =	stream.linear.scatter [tilespmem:s17], [sflag:$0x3], $0x4000, $0x38;
	[tilespmem:$0x1D000] =	vst v63  }
0x28: {  	_ =	swait.ge [sflag:s18], $0x4000  }
0x29: {  	[sflag:s18] =	ssyncset.done $0x0  }
0x2a: {  	s26 =	rddreg [dreg:$0x6];
	[sflag:s18] =	ssyncadd.s32 $0xFFFFC000  }
0x2b: {  	[spmem:s26] =	stream.linear.scatter [tilespmem:s17], [sflag:$0x3], $0x4000, $0x38;
	[tilespmem:$0x1D000] =	vst v63  }
0x2c: {  	_ =	swait.ge [sflag:s18], $0x4000  }
0x2d: {  	[sflag:s18] =	ssyncset.done $0x0  }
0x2e: {  	s30 =	rddreg [dreg:$0x8];
	[sflag:s18] =	ssyncadd.s32 $0xFFFFC000  }
0x2f: {  	[spmem:s30] =	stream.linear.scatter [tilespmem:s17], [sflag:$0x3], $0x4000, $0x38;
	[tilespmem:$0x1D000] =	vst v63  }
0x30: {  	_ =	swait.ge [sflag:s18], $0x4000  }
0x31: {  	[sflag:s18] =	ssyncset.done $0x0  }
0x32: {  	s0 =	rddreg [dreg:$0x9];
	[sflag:s18] =	ssyncadd.s32 $0xFFFFC000  }
0x33: {  	[spmem:s0] =	stream.linear.scatter [tilespmem:s17], [sflag:$0x3], $0x4000, $0x38;
	[tilespmem:$0x1D000] =	vst v63  }
0x34: {  	_ =	swait.ge [sflag:s18], $0x4000  }
0x35: {  	[sflag:s18] =	ssyncset.done $0x0  }
0x36: {  	[sflag:s18] =	ssyncadd.s32 $0xFFFFC000  }
0x37: {  	[bflag:$0x0] =	sbarrier.arrive $0xFFFF  }
0x38: {  	s13 =	rddreg [dreg:$0xd]  }
0x39: {  	[tilespmem:s4], [sflag:$0x3] =	stream.linear.gather [hbm4b:s13+s4], $0x800, $0x38;
	[tilespmem:$0x1D000] =	vst v63  }
0x3a: {  	_ =	swait.ge [sflag:s18], $0x800  }
0x3b: {  	[sflag:s18] =	ssyncset.done $0x0  }
0x3c: {  	s14 =	rddreg [dreg:$0xe];
	[sflag:s18] =	ssyncadd.s32 $0xFFFFF800  }
0x3d: {  	[tilespmem:s19], [sflag:$0x3] =	stream.linear.gather [hbm4b:s14+s4], $0x800, $0x38;
	[tilespmem:$0x1D000] =	vst v63  }
0x3e: {  	_ =	swait.ge [sflag:s18], $0x800  }
0x3f: {  	[sflag:s18] =	ssyncset.done $0x0  }
0x40: {  	[sflag:s18] =	ssyncadd.s32 $0xFFFFF800  }
0x41: {  	[tilespmem:s17], [sflag:$0x1] =	stream.indirect.gather [hbm4b:s5+s20], $0x80, s4, s20, $0xb8;
	[tilespmem:$0x1D000] =	vst v63  }
0x42: {  	_ =	swait.ge [sflag:s21], $0x4000  }
0x43: {  	[sflag:s21] =	ssyncset.done $0x0  }
0x44: {  	[sflag:s21] =	ssyncadd.s32 $0xFFFFC000  }
0x45: {  	[tilespmem:s22], [sflag:$0x2] =	stream.indirect.gather [hbm4b:s5+s20], $0x80, s20, s20, $0xb8;
	[tilespmem:$0x1D000] =	vst v63  }
0x46: {  	_ = 	snop  }
0x47: {  	[spmem:s3] =	stream.indirect.scatter.add.f32 [tilespmem:s17], [sflag:$0x3], $0x80, s19, s20, $0xb8;
	[tilespmem:$0x1D000] =	vst v63  }
0x48: {  	_ =	swait.ge [sflag:s18], $0x4000  }
0x49: {  	[sflag:s18] =	ssyncset.done $0x0  }
0x4a: {  	[sflag:s18] =	ssyncadd.s32 $0xFFFFC000  }
0x4b: {  	_ =	swait.ge [sflag:s23], $0x4000  }
0x4c: {  	[sflag:s23] =	ssyncset.done $0x0  }
0x4d: {  	s1 =	simm.s32 $0x100;
	[sflag:s23] =	ssyncadd.s32 $0xFFFFC000  }
0x4e: {  	[tilespmem:s17], [sflag:$0x1] =	stream.indirect.gather [hbm4b:s5+s20], $0x80, s1, s20, $0xb8;
	[tilespmem:$0x1D000] =	vst v63  }
0x4f: {  	s0 =	simm.s32 $0x880  }
0x50: {  	[spmem:s3] =	stream.indirect.scatter.add.f32 [tilespmem:s22], [sflag:$0x3], $0x80, s0, s20, $0xb8;
	[tilespmem:$0x1D000] =	vst v63  }
0x51: {  	_ =	swait.ge [sflag:s18], $0x4000  }
0x52: {  	[sflag:s18] =	ssyncset.done $0x0  }
0x53: {  	[sflag:s18] =	ssyncadd.s32 $0xFFFFC000  }
0x54: {  	_ =	swait.ge [sflag:s21], $0x4000  }
0x55: {  	[sflag:s21] =	ssyncset.done $0x0  }
0x56: {  	s6 =	simm.s32 $0x180;
	[sflag:s21] =	ssyncadd.s32 $0xFFFFC000  }
0x57: {  	[tilespmem:s22], [sflag:$0x2] =	stream.indirect.gather [hbm4b:s5+s20], $0x80, s6, s20, $0xb8;
	[tilespmem:$0x1D000] =	vst v63  }
0x58: {  	s7 =	simm.s32 $0x900  }
0x59: {  	[spmem:s3] =	stream.indirect.scatter.add.f32 [tilespmem:s17], [sflag:$0x3], $0x80, s7, s20, $0xb8;
	[tilespmem:$0x1D000] =	vst v63  }
0x5a: {  	_ =	swait.ge [sflag:s18], $0x4000  }
0x5b: {  	[sflag:s18] =	ssyncset.done $0x0  }
0x5c: {  	[sflag:s18] =	ssyncadd.s32 $0xFFFFC000  }
0x5d: {  	_ =	swait.ge [sflag:s23], $0x4000  }
0x5e: {  	[sflag:s23] =	ssyncset.done $0x0  }
0x5f: {  	s8 =	simm.s32 $0x200;
	[sflag:s23] =	ssyncadd.s32 $0xFFFFC000  }
0x60: {  	[tilespmem:s17], [sflag:$0x1] =	stream.indirect.gather [hbm4b:s5+s20], $0x80, s8, s20, $0xb8;
	[tilespmem:$0x1D000] =	vst v63  }
0x61: {  	s9 =	simm.s32 $0x980  }
0x62: {  	[spmem:s3] =	stream.indirect.scatter.add.f32 [tilespmem:s22], [sflag:$0x3], $0x80, s9, s20, $0xb8;
	[tilespmem:$0x1D000] =	vst v63  }
0x63: {  	_ =	swait.ge [sflag:s18], $0x4000  }
0x64: {  	[sflag:s18] =	ssyncset.done $0x0  }
0x65: {  	[sflag:s18] =	ssyncadd.s32 $0xFFFFC000  }
0x66: {  	_ =	swait.ge [sflag:s21], $0x4000  }
0x67: {  	[sflag:s21] =	ssyncset.done $0x0  }
0x68: {  	s10 =	simm.s32 $0x280;
	[sflag:s21] =	ssyncadd.s32 $0xFFFFC000  }
0x69: {  	[tilespmem:s22], [sflag:$0x2] =	stream.indirect.gather [hbm4b:s5+s20], $0x80, s10, s20, $0xb8;
	[tilespmem:$0x1D000] =	vst v63  }
0x6a: {  	s11 =	simm.s32 $0xA00  }
0x6b: {  	[spmem:s3] =	stream.indirect.scatter.add.f32 [tilespmem:s17], [sflag:$0x3], $0x80, s11, s20, $0xb8;
	[tilespmem:$0x1D000] =	vst v63  }
0x6c: {  	_ =	swait.ge [sflag:s18], $0x4000  }
0x6d: {  	[sflag:s18] =	ssyncset.done $0x0  }
0x6e: {  	[sflag:s18] =	ssyncadd.s32 $0xFFFFC000  }
0x6f: {  	_ =	swait.ge [sflag:s23], $0x4000  }
0x70: {  	[sflag:s23] =	ssyncset.done $0x0  }
0x71: {  	s12 =	simm.s32 $0x300;
	[sflag:s23] =	ssyncadd.s32 $0xFFFFC000  }
0x72: {  	[tilespmem:s17], [sflag:$0x1] =	stream.indirect.gather [hbm4b:s5+s20], $0x80, s12, s20, $0xb8;
	[tilespmem:$0x1D000] =	vst v63  }
0x73: {  	s15 =	simm.s32 $0xA80  }
0x74: {  	[spmem:s3] =	stream.indirect.scatter.add.f32 [tilespmem:s22], [sflag:$0x3], $0x80, s15, s20, $0xb8;
	[tilespmem:$0x1D000] =	vst v63  }
0x75: {  	_ =	swait.ge [sflag:s18], $0x4000  }
0x76: {  	[sflag:s18] =	ssyncset.done $0x0  }
0x77: {  	[sflag:s18] =	ssyncadd.s32 $0xFFFFC000  }
0x78: {  	_ =	swait.ge [sflag:s21], $0x4000  }
0x79: {  	[sflag:s21] =	ssyncset.done $0x0  }
0x7a: {  	s16 =	simm.s32 $0x380;
	[sflag:s21] =	ssyncadd.s32 $0xFFFFC000  }
0x7b: {  	[tilespmem:s22], [sflag:$0x2] =	stream.indirect.gather [hbm4b:s5+s20], $0x80, s16, s20, $0xb8;
	[tilespmem:$0x1D000] =	vst v63  }
0x7c: {  	s24 =	simm.s32 $0xB00  }
0x7d: {  	[spmem:s3] =	stream.indirect.scatter.add.f32 [tilespmem:s17], [sflag:$0x3], $0x80, s24, s20, $0xb8;
	[tilespmem:$0x1D000] =	vst v63  }
0x7e: {  	_ =	swait.ge [sflag:s18], $0x4000  }
0x7f: {  	[sflag:s18] =	ssyncset.done $0x0  }
0x80: {  	[sflag:s18] =	ssyncadd.s32 $0xFFFFC000  }
0x81: {  	_ =	swait.ge [sflag:s23], $0x4000  }
0x82: {  	[sflag:s23] =	ssyncset.done $0x0  }
0x83: {  	s25 =	simm.s32 $0x400;
	[sflag:s23] =	ssyncadd.s32 $0xFFFFC000  }
0x84: {  	[tilespmem:s17], [sflag:$0x1] =	stream.indirect.gather [hbm4b:s5+s20], $0x80, s25, s20, $0xb8;
	[tilespmem:$0x1D000] =	vst v63  }
0x85: {  	s26 =	simm.s32 $0xB80  }
0x86: {  	[spmem:s3] =	stream.indirect.scatter.add.f32 [tilespmem:s22], [sflag:$0x3], $0x80, s26, s20, $0xb8;
	[tilespmem:$0x1D000] =	vst v63  }
0x87: {  	_ =	swait.ge [sflag:s18], $0x4000  }
0x88: {  	[sflag:s18] =	ssyncset.done $0x0  }
0x89: {  	[sflag:s18] =	ssyncadd.s32 $0xFFFFC000  }
0x8a: {  	_ =	swait.ge [sflag:s21], $0x4000  }
0x8b: {  	[sflag:s21] =	ssyncset.done $0x0  }
0x8c: {  	s0 =	simm.s32 $0x480;
	[sflag:s21] =	ssyncadd.s32 $0xFFFFC000  }
0x8d: {  	[tilespmem:s22], [sflag:$0x2] =	stream.indirect.gather [hbm4b:s5+s20], $0x80, s0, s20, $0xb8;
	[tilespmem:$0x1D000] =	vst v63  }
0x8e: {  	s1 =	simm.s32 $0xC00  }
0x8f: {  	[spmem:s3] =	stream.indirect.scatter.add.f32 [tilespmem:s17], [sflag:$0x3], $0x80, s1, s20, $0xb8;
	[tilespmem:$0x1D000] =	vst v63  }
0x90: {  	_ =	swait.ge [sflag:s18], $0x4000  }
0x91: {  	[sflag:s18] =	ssyncset.done $0x0  }
0x92: {  	[sflag:s18] =	ssyncadd.s32 $0xFFFFC000  }
0x93: {  	_ =	swait.ge [sflag:s23], $0x4000  }
0x94: {  	[sflag:s23] =	ssyncset.done $0x0  }
0x95: {  	s8 =	simm.s32 $0x500;
	[sflag:s23] =	ssyncadd.s32 $0xFFFFC000  }
0x96: {  	[tilespmem:s17], [sflag:$0x1] =	stream.indirect.gather [hbm4b:s5+s20], $0x80, s8, s20, $0xb8;
	[tilespmem:$0x1D000] =	vst v63  }
0x97: {  	s10 =	simm.s32 $0xC80  }
0x98: {  	[spmem:s3] =	stream.indirect.scatter.add.f32 [tilespmem:s22], [sflag:$0x3], $0x80, s10, s20, $0xb8;
	[tilespmem:$0x1D000] =	vst v63  }
0x99: {  	_ =	swait.ge [sflag:s18], $0x4000  }
0x9a: {  	[sflag:s18] =	ssyncset.done $0x0  }
0x9b: {  	[sflag:s18] =	ssyncadd.s32 $0xFFFFC000  }
0x9c: {  	_ =	swait.ge [sflag:s21], $0x4000  }
0x9d: {  	[sflag:s21] =	ssyncset.done $0x0  }
0x9e: {  	s11 =	simm.s32 $0x580;
	[sflag:s21] =	ssyncadd.s32 $0xFFFFC000  }
0x9f: {  	[tilespmem:s22], [sflag:$0x2] =	stream.indirect.gather [hbm4b:s5+s20], $0x80, s11, s20, $0xb8;
	[tilespmem:$0x1D000] =	vst v63  }
0xa0: {  	s9 =	simm.s32 $0xD00  }
0xa1: {  	[spmem:s3] =	stream.indirect.scatter.add.f32 [tilespmem:s17], [sflag:$0x3], $0x80, s9, s20, $0xb8;
	[tilespmem:$0x1D000] =	vst v63  }
0xa2: {  	_ =	swait.ge [sflag:s18], $0x4000  }
0xa3: {  	[sflag:s18] =	ssyncset.done $0x0  }
0xa4: {  	[sflag:s18] =	ssyncadd.s32 $0xFFFFC000  }
0xa5: {  	_ =	swait.ge [sflag:s23], $0x4000  }
0xa6: {  	[sflag:s23] =	ssyncset.done $0x0  }
0xa7: {  	s6 =	simm.s32 $0x600;
	[sflag:s23] =	ssyncadd.s32 $0xFFFFC000  }
0xa8: {  	[tilespmem:s17], [sflag:$0x1] =	stream.indirect.gather [hbm4b:s5+s20], $0x80, s6, s20, $0xb8;
	[tilespmem:$0x1D000] =	vst v63  }
0xa9: {  	s15 =	simm.s32 $0xD80  }
0xaa: {  	[spmem:s3] =	stream.indirect.scatter.add.f32 [tilespmem:s22], [sflag:$0x3], $0x80, s15, s20, $0xb8;
	[tilespmem:$0x1D000] =	vst v63  }
0xab: {  	_ =	swait.ge [sflag:s18], $0x4000  }
0xac: {  	[sflag:s18] =	ssyncset.done $0x0  }
0xad: {  	[sflag:s18] =	ssyncadd.s32 $0xFFFFC000  }
0xae: {  	_ =	swait.ge [sflag:s21], $0x4000  }
0xaf: {  	[sflag:s21] =	ssyncset.done $0x0  }
0xb0: {  	s16 =	simm.s32 $0x680;
	[sflag:s21] =	ssyncadd.s32 $0xFFFFC000  }
0xb1: {  	[tilespmem:s22], [sflag:$0x2] =	stream.indirect.gather [hbm4b:s5+s20], $0x80, s16, s20, $0xb8;
	[tilespmem:$0x1D000] =	vst v63  }
0xb2: {  	s24 =	simm.s32 $0xE00  }
0xb3: {  	[spmem:s3] =	stream.indirect.scatter.add.f32 [tilespmem:s17], [sflag:$0x3], $0x80, s24, s20, $0xb8;
	[tilespmem:$0x1D000] =	vst v63  }
0xb4: {  	_ =	swait.ge [sflag:s18], $0x4000  }
0xb5: {  	[sflag:s18] =	ssyncset.done $0x0  }
0xb6: {  	[sflag:s18] =	ssyncadd.s32 $0xFFFFC000  }
0xb7: {  	_ =	swait.ge [sflag:s23], $0x4000  }
0xb8: {  	[sflag:s23] =	ssyncset.done $0x0  }
0xb9: {  	s25 =	simm.s32 $0x700;
	[sflag:s23] =	ssyncadd.s32 $0xFFFFC000  }
0xba: {  	[tilespmem:s17], [sflag:$0x1] =	stream.indirect.gather [hbm4b:s5+s20], $0x80, s25, s20, $0xb8;
	[tilespmem:$0x1D000] =	vst v63  }
0xbb: {  	s26 =	simm.s32 $0xE80  }
0xbc: {  	[spmem:s3] =	stream.indirect.scatter.add.f32 [tilespmem:s22], [sflag:$0x3], $0x80, s26, s20, $0xb8;
	[tilespmem:$0x1D000] =	vst v63  }
0xbd: {  	_ =	swait.ge [sflag:s18], $0x4000  }
0xbe: {  	[sflag:s18] =	ssyncset.done $0x0  }
0xbf: {  	[sflag:s18] =	ssyncadd.s32 $0xFFFFC000  }
0xc0: {  	_ =	swait.ge [sflag:s21], $0x4000  }
0xc1: {  	[sflag:s21] =	ssyncset.done $0x0  }
0xc2: {  	[sflag:s21] =	ssyncadd.s32 $0xFFFFC000  }
0xc3: {  	[tilespmem:s22], [sflag:$0x2] =	stream.indirect.gather [hbm4b:s5+s20], $0x80, s31, s20, $0xb8;
	[tilespmem:$0x1D000] =	vst v63  }
0xc4: {  	s28 =	simm.s32 $0xF00  }
0xc5: {  	[spmem:s3] =	stream.indirect.scatter.add.f32 [tilespmem:s17], [sflag:$0x3], $0x80, s28, s20, $0xb8;
	[tilespmem:$0x1D000] =	vst v63  }
0xc6: {  	_ =	swait.ge [sflag:s18], $0x4000  }
0xc7: {  	[sflag:s18] =	ssyncset.done $0x0  }
0xc8: {  	[sflag:s18] =	ssyncadd.s32 $0xFFFFC000  }
0xc9: {  	_ =	swait.ge [sflag:s23], $0x4000  }
0xca: {  	[sflag:s23] =	ssyncset.done $0x0  }
0xcb: {  	[sflag:s23] =	ssyncadd.s32 $0xFFFFC000  }
0xcc: {  	[tilespmem:s17], [sflag:$0x1] =	stream.indirect.gather [hbm4b:s5+s20], $0x80, s31, s20, $0xb8;
	[tilespmem:$0x1D000] =	vst v63  }
0xcd: {  	s29 =	simm.s32 $0xF80  }
0xce: {  	[spmem:s3] =	stream.indirect.scatter.add.f32 [tilespmem:s22], [sflag:$0x3], $0x80, s29, s20, $0xb8;
	[tilespmem:$0x1D000] =	vst v63  }
0xcf: {  	_ =	swait.ge [sflag:s18], $0x4000  }
0xd0: {  	s30 =	rddreg [dreg:$0x7]  }
0xd1: {  	p0 =	sne.s32 s30, $0x1  }
.Ltmp1:
0xd2: {  	_ = 	snop;
	(pc) =	sbr.rel @!p0 .LBB2_5-.Ltmp1, $4  }
0xd3: {  	[sflag:s18] =	ssyncset.done $0x0  }
0xd4: {  	[sflag:s18] =	ssyncadd.s32 $0xFFFFC000  }
0xd5: {  	_ =	swait.ge [sflag:s21], $0x4000  }
0xd6: {  	s7 =	simm.s32 $0x100;
	s12 =	sadd.s32 $0xFFFFFFFF, s30;
	[sflag:s21] =	ssyncset.done $0x0  }
.LBB2_4:
0xd7: {  	[sflag:s21] =	ssyncadd.s32 $0xFFFFC000;
	s13 =	sadd.s32 $0x100, s13;
	s14 =	sadd.s32 $0x100, s14  }
0xd8: {  	[tilespmem:s4], [sflag:$0x3] =	stream.linear.gather [hbm4b:s13+s4], $0x800, $0x38;
	[tilespmem:$0x1D000] =	vst v63  }
0xd9: {  	p1 =	sne.s32 s12, $0x1;
	s12 =	sadd.s32 $0xFFFFFFFF, s12;
	_ =	swait.ge [sflag:s18], $0x800  }
0xda: {  	[sflag:s18] =	ssyncset.done $0x0  }
0xdb: {  	[sflag:s18] =	ssyncadd.s32 $0xFFFFF800  }
0xdc: {  	[tilespmem:s19], [sflag:$0x3] =	stream.linear.gather [hbm4b:s14+s4], $0x800, $0x38;
	[tilespmem:$0x1D000] =	vst v63  }
0xdd: {  	_ =	swait.ge [sflag:s18], $0x800  }
0xde: {  	[sflag:s18] =	ssyncset.done $0x0  }
0xdf: {  	[sflag:s18] =	ssyncadd.s32 $0xFFFFF800  }
0xe0: {  	[tilespmem:s17], [sflag:$0x1] =	stream.indirect.gather [hbm4b:s5+s20], $0x80, s4, s20, $0xb8;
	[tilespmem:$0x1D000] =	vst v63  }
0xe1: {  	_ =	swait.ge [sflag:s21], $0x4000  }
0xe2: {  	[sflag:s21] =	ssyncset.done $0x0  }
0xe3: {  	[sflag:s21] =	ssyncadd.s32 $0xFFFFC000  }
0xe4: {  	[tilespmem:s22], [sflag:$0x2] =	stream.indirect.gather [hbm4b:s5+s20], $0x80, s20, s20, $0xb8;
	[tilespmem:$0x1D000] =	vst v63  }
0xe5: {  	_ = 	snop  }
0xe6: {  	[spmem:s3] =	stream.indirect.scatter.add.f32 [tilespmem:s17], [sflag:$0x3], $0x80, s19, s20, $0xb8;
	[tilespmem:$0x1D000] =	vst v63  }
0xe7: {  	_ =	swait.ge [sflag:s18], $0x4000  }
0xe8: {  	[sflag:s18] =	ssyncset.done $0x0  }
0xe9: {  	[sflag:s18] =	ssyncadd.s32 $0xFFFFC000  }
0xea: {  	_ =	swait.ge [sflag:s23], $0x4000  }
0xeb: {  	[sflag:s23] =	ssyncset.done $0x0  }
0xec: {  	[sflag:s23] =	ssyncadd.s32 $0xFFFFC000  }
0xed: {  	[tilespmem:s17], [sflag:$0x1] =	stream.indirect.gather [hbm4b:s5+s20], $0x80, s7, s20, $0xb8;
	[tilespmem:$0x1D000] =	vst v63  }
0xee: {  	s30 =	simm.s32 $0x880  }
0xef: {  	[spmem:s3] =	stream.indirect.scatter.add.f32 [tilespmem:s22], [sflag:$0x3], $0x80, s30, s20, $0xb8;
	[tilespmem:$0x1D000] =	vst v63  }
0xf0: {  	_ =	swait.ge [sflag:s18], $0x4000  }
0xf1: {  	[sflag:s18] =	ssyncset.done $0x0  }
0xf2: {  	[sflag:s18] =	ssyncadd.s32 $0xFFFFC000  }
0xf3: {  	_ =	swait.ge [sflag:s21], $0x4000  }
0xf4: {  	[sflag:s21] =	ssyncset.done $0x0  }
0xf5: {  	s30 =	simm.s32 $0x180;
	[sflag:s21] =	ssyncadd.s32 $0xFFFFC000  }
0xf6: {  	[tilespmem:s22], [sflag:$0x2] =	stream.indirect.gather [hbm4b:s5+s20], $0x80, s30, s20, $0xb8;
	[tilespmem:$0x1D000] =	vst v63  }
0xf7: {  	s30 =	simm.s32 $0x900  }
0xf8: {  	[spmem:s3] =	stream.indirect.scatter.add.f32 [tilespmem:s17], [sflag:$0x3], $0x80, s30, s20, $0xb8;
	[tilespmem:$0x1D000] =	vst v63  }
0xf9: {  	_ =	swait.ge [sflag:s18], $0x4000  }
0xfa: {  	[sflag:s18] =	ssyncset.done $0x0  }
0xfb: {  	[sflag:s18] =	ssyncadd.s32 $0xFFFFC000  }
0xfc: {  	_ =	swait.ge [sflag:s23], $0x4000  }
0xfd: {  	[sflag:s23] =	ssyncset.done $0x0  }
0xfe: {  	s30 =	simm.s32 $0x200;
	[sflag:s23] =	ssyncadd.s32 $0xFFFFC000  }
0xff: {  	[tilespmem:s17], [sflag:$0x1] =	stream.indirect.gather [hbm4b:s5+s20], $0x80, s30, s20, $0xb8;
	[tilespmem:$0x1D000] =	vst v63  }
0x100: {  	s30 =	simm.s32 $0x980  }
0x101: {  	[spmem:s3] =	stream.indirect.scatter.add.f32 [tilespmem:s22], [sflag:$0x3], $0x80, s30, s20, $0xb8;
	[tilespmem:$0x1D000] =	vst v63  }
0x102: {  	_ =	swait.ge [sflag:s18], $0x4000  }
0x103: {  	[sflag:s18] =	ssyncset.done $0x0  }
0x104: {  	[sflag:s18] =	ssyncadd.s32 $0xFFFFC000  }
0x105: {  	_ =	swait.ge [sflag:s21], $0x4000  }
0x106: {  	[sflag:s21] =	ssyncset.done $0x0  }
0x107: {  	s30 =	simm.s32 $0x280;
	[sflag:s21] =	ssyncadd.s32 $0xFFFFC000  }
0x108: {  	[tilespmem:s22], [sflag:$0x2] =	stream.indirect.gather [hbm4b:s5+s20], $0x80, s30, s20, $0xb8;
	[tilespmem:$0x1D000] =	vst v63  }
0x109: {  	s30 =	simm.s32 $0xA00  }
0x10a: {  	[spmem:s3] =	stream.indirect.scatter.add.f32 [tilespmem:s17], [sflag:$0x3], $0x80, s30, s20, $0xb8;
	[tilespmem:$0x1D000] =	vst v63  }
0x10b: {  	_ =	swait.ge [sflag:s18], $0x4000  }
0x10c: {  	[sflag:s18] =	ssyncset.done $0x0  }
0x10d: {  	[sflag:s18] =	ssyncadd.s32 $0xFFFFC000  }
0x10e: {  	_ =	swait.ge [sflag:s23], $0x4000  }
0x10f: {  	[sflag:s23] =	ssyncset.done $0x0  }
0x110: {  	s30 =	simm.s32 $0x300;
	[sflag:s23] =	ssyncadd.s32 $0xFFFFC000  }
0x111: {  	[tilespmem:s17], [sflag:$0x1] =	stream.indirect.gather [hbm4b:s5+s20], $0x80, s30, s20, $0xb8;
	[tilespmem:$0x1D000] =	vst v63  }
0x112: {  	s30 =	simm.s32 $0xA80  }
0x113: {  	[spmem:s3] =	stream.indirect.scatter.add.f32 [tilespmem:s22], [sflag:$0x3], $0x80, s30, s20, $0xb8;
	[tilespmem:$0x1D000] =	vst v63  }
0x114: {  	_ =	swait.ge [sflag:s18], $0x4000  }
0x115: {  	[sflag:s18] =	ssyncset.done $0x0  }
0x116: {  	[sflag:s18] =	ssyncadd.s32 $0xFFFFC000  }
0x117: {  	_ =	swait.ge [sflag:s21], $0x4000  }
0x118: {  	[sflag:s21] =	ssyncset.done $0x0  }
0x119: {  	s30 =	simm.s32 $0x380;
	[sflag:s21] =	ssyncadd.s32 $0xFFFFC000  }
0x11a: {  	[tilespmem:s22], [sflag:$0x2] =	stream.indirect.gather [hbm4b:s5+s20], $0x80, s30, s20, $0xb8;
	[tilespmem:$0x1D000] =	vst v63  }
0x11b: {  	s30 =	simm.s32 $0xB00  }
0x11c: {  	[spmem:s3] =	stream.indirect.scatter.add.f32 [tilespmem:s17], [sflag:$0x3], $0x80, s30, s20, $0xb8;
	[tilespmem:$0x1D000] =	vst v63  }
0x11d: {  	_ =	swait.ge [sflag:s18], $0x4000  }
0x11e: {  	[sflag:s18] =	ssyncset.done $0x0  }
0x11f: {  	[sflag:s18] =	ssyncadd.s32 $0xFFFFC000  }
0x120: {  	_ =	swait.ge [sflag:s23], $0x4000  }
0x121: {  	[sflag:s23] =	ssyncset.done $0x0  }
0x122: {  	s30 =	simm.s32 $0x400;
	[sflag:s23] =	ssyncadd.s32 $0xFFFFC000  }
0x123: {  	[tilespmem:s17], [sflag:$0x1] =	stream.indirect.gather [hbm4b:s5+s20], $0x80, s30, s20, $0xb8;
	[tilespmem:$0x1D000] =	vst v63  }
0x124: {  	s30 =	simm.s32 $0xB80  }
0x125: {  	[spmem:s3] =	stream.indirect.scatter.add.f32 [tilespmem:s22], [sflag:$0x3], $0x80, s30, s20, $0xb8;
	[tilespmem:$0x1D000] =	vst v63  }
0x126: {  	_ =	swait.ge [sflag:s18], $0x4000  }
0x127: {  	[sflag:s18] =	ssyncset.done $0x0  }
0x128: {  	[sflag:s18] =	ssyncadd.s32 $0xFFFFC000  }
0x129: {  	_ =	swait.ge [sflag:s21], $0x4000  }
0x12a: {  	[sflag:s21] =	ssyncset.done $0x0  }
0x12b: {  	[sflag:s21] =	ssyncadd.s32 $0xFFFFC000  }
0x12c: {  	[tilespmem:s22], [sflag:$0x2] =	stream.indirect.gather [hbm4b:s5+s20], $0x80, s0, s20, $0xb8;
	[tilespmem:$0x1D000] =	vst v63  }
0x12d: {  	_ = 	snop  }
0x12e: {  	[spmem:s3] =	stream.indirect.scatter.add.f32 [tilespmem:s17], [sflag:$0x3], $0x80, s1, s20, $0xb8;
	[tilespmem:$0x1D000] =	vst v63  }
0x12f: {  	_ =	swait.ge [sflag:s18], $0x4000  }
0x130: {  	[sflag:s18] =	ssyncset.done $0x0  }
0x131: {  	[sflag:s18] =	ssyncadd.s32 $0xFFFFC000  }
0x132: {  	_ =	swait.ge [sflag:s23], $0x4000  }
0x133: {  	[sflag:s23] =	ssyncset.done $0x0  }
0x134: {  	[sflag:s23] =	ssyncadd.s32 $0xFFFFC000  }
0x135: {  	[tilespmem:s17], [sflag:$0x1] =	stream.indirect.gather [hbm4b:s5+s20], $0x80, s8, s20, $0xb8;
	[tilespmem:$0x1D000] =	vst v63  }
0x136: {  	_ = 	snop  }
0x137: {  	[spmem:s3] =	stream.indirect.scatter.add.f32 [tilespmem:s22], [sflag:$0x3], $0x80, s10, s20, $0xb8;
	[tilespmem:$0x1D000] =	vst v63  }
0x138: {  	_ =	swait.ge [sflag:s18], $0x4000  }
0x139: {  	[sflag:s18] =	ssyncset.done $0x0  }
0x13a: {  	[sflag:s18] =	ssyncadd.s32 $0xFFFFC000  }
0x13b: {  	_ =	swait.ge [sflag:s21], $0x4000  }
0x13c: {  	[sflag:s21] =	ssyncset.done $0x0  }
0x13d: {  	[sflag:s21] =	ssyncadd.s32 $0xFFFFC000  }
0x13e: {  	[tilespmem:s22], [sflag:$0x2] =	stream.indirect.gather [hbm4b:s5+s20], $0x80, s11, s20, $0xb8;
	[tilespmem:$0x1D000] =	vst v63  }
0x13f: {  	_ = 	snop  }
0x140: {  	[spmem:s3] =	stream.indirect.scatter.add.f32 [tilespmem:s17], [sflag:$0x3], $0x80, s9, s20, $0xb8;
	[tilespmem:$0x1D000] =	vst v63  }
0x141: {  	_ =	swait.ge [sflag:s18], $0x4000  }
0x142: {  	[sflag:s18] =	ssyncset.done $0x0  }
0x143: {  	[sflag:s18] =	ssyncadd.s32 $0xFFFFC000  }
0x144: {  	_ =	swait.ge [sflag:s23], $0x4000  }
0x145: {  	[sflag:s23] =	ssyncset.done $0x0  }
0x146: {  	[sflag:s23] =	ssyncadd.s32 $0xFFFFC000  }
0x147: {  	[tilespmem:s17], [sflag:$0x1] =	stream.indirect.gather [hbm4b:s5+s20], $0x80, s6, s20, $0xb8;
	[tilespmem:$0x1D000] =	vst v63  }
0x148: {  	_ = 	snop  }
0x149: {  	[spmem:s3] =	stream.indirect.scatter.add.f32 [tilespmem:s22], [sflag:$0x3], $0x80, s15, s20, $0xb8;
	[tilespmem:$0x1D000] =	vst v63  }
0x14a: {  	_ =	swait.ge [sflag:s18], $0x4000  }
0x14b: {  	[sflag:s18] =	ssyncset.done $0x0  }
0x14c: {  	[sflag:s18] =	ssyncadd.s32 $0xFFFFC000  }
0x14d: {  	_ =	swait.ge [sflag:s21], $0x4000  }
0x14e: {  	[sflag:s21] =	ssyncset.done $0x0  }
0x14f: {  	[sflag:s21] =	ssyncadd.s32 $0xFFFFC000  }
0x150: {  	[tilespmem:s22], [sflag:$0x2] =	stream.indirect.gather [hbm4b:s5+s20], $0x80, s16, s20, $0xb8;
	[tilespmem:$0x1D000] =	vst v63  }
0x151: {  	_ = 	snop  }
0x152: {  	[spmem:s3] =	stream.indirect.scatter.add.f32 [tilespmem:s17], [sflag:$0x3], $0x80, s24, s20, $0xb8;
	[tilespmem:$0x1D000] =	vst v63  }
0x153: {  	_ =	swait.ge [sflag:s18], $0x4000  }
0x154: {  	[sflag:s18] =	ssyncset.done $0x0  }
0x155: {  	[sflag:s18] =	ssyncadd.s32 $0xFFFFC000  }
0x156: {  	_ =	swait.ge [sflag:s23], $0x4000  }
0x157: {  	[sflag:s23] =	ssyncset.done $0x0  }
0x158: {  	[sflag:s23] =	ssyncadd.s32 $0xFFFFC000  }
0x159: {  	[tilespmem:s17], [sflag:$0x1] =	stream.indirect.gather [hbm4b:s5+s20], $0x80, s25, s20, $0xb8;
	[tilespmem:$0x1D000] =	vst v63  }
0x15a: {  	_ = 	snop  }
0x15b: {  	[spmem:s3] =	stream.indirect.scatter.add.f32 [tilespmem:s22], [sflag:$0x3], $0x80, s26, s20, $0xb8;
	[tilespmem:$0x1D000] =	vst v63  }
0x15c: {  	_ =	swait.ge [sflag:s18], $0x4000  }
0x15d: {  	[sflag:s18] =	ssyncset.done $0x0  }
0x15e: {  	[sflag:s18] =	ssyncadd.s32 $0xFFFFC000  }
0x15f: {  	_ =	swait.ge [sflag:s21], $0x4000  }
0x160: {  	[sflag:s21] =	ssyncset.done $0x0  }
0x161: {  	[sflag:s21] =	ssyncadd.s32 $0xFFFFC000  }
0x162: {  	[tilespmem:s22], [sflag:$0x2] =	stream.indirect.gather [hbm4b:s5+s20], $0x80, s31, s20, $0xb8;
	[tilespmem:$0x1D000] =	vst v63  }
0x163: {  	_ = 	snop  }
0x164: {  	[spmem:s3] =	stream.indirect.scatter.add.f32 [tilespmem:s17], [sflag:$0x3], $0x80, s28, s20, $0xb8;
	[tilespmem:$0x1D000] =	vst v63  }
0x165: {  	_ =	swait.ge [sflag:s18], $0x4000  }
0x166: {  	[sflag:s18] =	ssyncset.done $0x0  }
0x167: {  	[sflag:s18] =	ssyncadd.s32 $0xFFFFC000  }
0x168: {  	_ =	swait.ge [sflag:s23], $0x4000  }
0x169: {  	[sflag:s23] =	ssyncset.done $0x0  }
0x16a: {  	[sflag:s23] =	ssyncadd.s32 $0xFFFFC000  }
0x16b: {  	[tilespmem:s17], [sflag:$0x1] =	stream.indirect.gather [hbm4b:s5+s20], $0x80, s31, s20, $0xb8;
	[tilespmem:$0x1D000] =	vst v63  }
0x16c: {  	_ = 	snop  }
0x16d: {  	[spmem:s3] =	stream.indirect.scatter.add.f32 [tilespmem:s22], [sflag:$0x3], $0x80, s29, s20, $0xb8;
	[tilespmem:$0x1D000] =	vst v63  }
.Ltmp2:
0x16e: {  	_ =	swait.ge [sflag:s18], $0x4000;
	(pc) =	sbr.rel @p1 .LBB2_4-.Ltmp2, $4  }
0x16f: {  	[sflag:s18] =	ssyncset.done $0x0  }
0x170: {  	[sflag:s18] =	ssyncadd.s32 $0xFFFFC000  }
0x171: {  	_ =	swait.ge [sflag:s21], $0x4000  }
0x172: {  	[sflag:s21] =	ssyncset.done $0x0  }
.LBB2_5:
0x173: {  	[sflag:s21] =	ssyncadd.s32 $0xFFFFC000  }
0x174: {  	s7 =	stileid.u32;
	[bflag:$0x0] =	sbarrier.arrive $0xFFFF  }
0x175: {  	s7 =	sshll.u32 s7, $0x6;
	s28 =	rddreg [dreg:$0x4]  }
0x176: {  	s0 =	sor.u32 $0x1C03, s7;
	s29 =	rddreg [dreg:$0xa]  }
0x177: {  	s1 =	sshrl.u32 s28, $0x3;
	[dreg:$0x10] =	wrdreg s0  }
0x178: {  	[dreg:$0x11] =	wrdreg s1  }
0x179: {  	[hbm:s29], [sflag:s0] =	dma.local [spmem:s1], $0x2800  }
0x17a: {  	s12 =	simm.s32 $0x0;
	_ =	swait.ge [sflag:s18], $0x2800  }
0x17b: {  	s30 =	sand.u32 $0xFE00, s12;
	[sflag:s18] =	ssyncset.done $0x0  }
0x17c: {  	s14 =	sand.u32 $0x70, s12;
	s7 =	sshrl.u32 s30, $0x2;
	[sflag:s18] =	ssyncadd.s32 $0xFFFFD800  }
0x17d: {  	s13 =	simm.s32 $0x40;
	s14 =	sor.u32 s14, s7;
	[bflag:$0x0] =	sbarrier.arrive $0xFFFF  }
.LBB2_6:
0x17e: {  	p1 =	sne.s32 s13, $0xFFC0  }
0x17f: {  	[tilespmem:s14+$0x1000] =	vst v0;
	s12 =	sadd.s32 $0x10, s12;
	s7 =	smov.u32 s13;
	s13 =	sadd.s32 $0x40, s13  }
.Ltmp3:
0x180: {  	(pc) =	sbr.rel @p1 .LBB2_6-.Ltmp3, $4  }
0x181: {  	_ = 	snop  }
0x182: {  	s7 =	sand.u32 $0xFE00, s7  }
0x183: {  	s14 =	sand.u32 $0x70, s12;
	s7 =	sshrl.u32 s7, $0x2  }
0x184: {  	s14 =	sor.u32 s14, s7  }
0x185: {  	[tilespmem:s14+$0x1000] =	vst v0;
	s7 =	rddreg [dreg:$0x4]  }
0x186: {  	[spmem:s7] =	stream.linear.scatter [tilespmem:s17], [sflag:$0x3], $0x4000, $0x38;
	[tilespmem:$0x1D000] =	vst v63  }
0x187: {  	_ =	swait.ge [sflag:s18], $0x4000  }
0x188: {  	[sflag:s18] =	ssyncset.done $0x0  }
0x189: {  	s25 =	rddreg [dreg:$0x5];
	[sflag:s18] =	ssyncadd.s32 $0xFFFFC000  }
0x18a: {  	[spmem:s25] =	stream.linear.scatter [tilespmem:s17], [sflag:$0x3], $0x4000, $0x38;
	[tilespmem:$0x1D000] =	vst v63  }
0x18b: {  	_ =	swait.ge [sflag:s18], $0x4000  }
0x18c: {  	[sflag:s18] =	ssyncset.done $0x0  }
0x18d: {  	s26 =	rddreg [dreg:$0x6];
	[sflag:s18] =	ssyncadd.s32 $0xFFFFC000  }
0x18e: {  	[spmem:s26] =	stream.linear.scatter [tilespmem:s17], [sflag:$0x3], $0x4000, $0x38;
	[tilespmem:$0x1D000] =	vst v63  }
0x18f: {  	_ =	swait.ge [sflag:s18], $0x4000  }
0x190: {  	[sflag:s18] =	ssyncset.done $0x0  }
0x191: {  	s30 =	rddreg [dreg:$0x8];
	[sflag:s18] =	ssyncadd.s32 $0xFFFFC000  }
0x192: {  	[spmem:s30] =	stream.linear.scatter [tilespmem:s17], [sflag:$0x3], $0x4000, $0x38;
	[tilespmem:$0x1D000] =	vst v63  }
0x193: {  	_ =	swait.ge [sflag:s18], $0x4000  }
0x194: {  	[sflag:s18] =	ssyncset.done $0x0  }
0x195: {  	s0 =	rddreg [dreg:$0x9];
	[sflag:s18] =	ssyncadd.s32 $0xFFFFC000  }
0x196: {  	[spmem:s0] =	stream.linear.scatter [tilespmem:s17], [sflag:$0x3], $0x4000, $0x38;
	[tilespmem:$0x1D000] =	vst v63  }
0x197: {  	_ =	swait.ge [sflag:s18], $0x4000  }
0x198: {  	[sflag:s18] =	ssyncset.done $0x0  }
0x199: {  	[sflag:s18] =	ssyncadd.s32 $0xFFFFC000  }
0x19a: {  	[bflag:$0x0] =	sbarrier.arrive $0xFFFF  }
0x19b: {  	s13 =	rddreg [dreg:$0xd]  }
0x19c: {  	[tilespmem:s4], [sflag:$0x3] =	stream.linear.gather [hbm4b:s13+s4], $0x800, $0x38;
	[tilespmem:$0x1D000] =	vst v63  }
0x19d: {  	_ =	swait.ge [sflag:s18], $0x800  }
0x19e: {  	[sflag:s18] =	ssyncset.done $0x0  }
0x19f: {  	s14 =	rddreg [dreg:$0xe];
	[sflag:s18] =	ssyncadd.s32 $0xFFFFF800  }
0x1a0: {  	[tilespmem:s19], [sflag:$0x3] =	stream.linear.gather [hbm4b:s14+s4], $0x800, $0x38;
	[tilespmem:$0x1D000] =	vst v63  }
0x1a1: {  	_ =	swait.ge [sflag:s18], $0x800  }
0x1a2: {  	[sflag:s18] =	ssyncset.done $0x0  }
0x1a3: {  	[sflag:s18] =	ssyncadd.s32 $0xFFFFF800  }
0x1a4: {  	[tilespmem:s17], [sflag:$0x1] =	stream.indirect.gather [hbm4b:s2+s20], $0x80, s4, s20, $0xb8;
	[tilespmem:$0x1D000] =	vst v63  }
0x1a5: {  	_ =	swait.ge [sflag:s21], $0x4000  }
0x1a6: {  	[sflag:s21] =	ssyncset.done $0x0  }
0x1a7: {  	[sflag:s21] =	ssyncadd.s32 $0xFFFFC000  }
0x1a8: {  	[tilespmem:s22], [sflag:$0x2] =	stream.indirect.gather [hbm4b:s2+s20], $0x80, s20, s20, $0xb8;
	[tilespmem:$0x1D000] =	vst v63  }
0x1a9: {  	_ = 	snop  }
0x1aa: {  	[spmem:s3] =	stream.indirect.scatter.add.f32 [tilespmem:s17], [sflag:$0x3], $0x80, s19, s20, $0xb8;
	[tilespmem:$0x1D000] =	vst v63  }
0x1ab: {  	_ =	swait.ge [sflag:s18], $0x4000  }
0x1ac: {  	[sflag:s18] =	ssyncset.done $0x0  }
0x1ad: {  	[sflag:s18] =	ssyncadd.s32 $0xFFFFC000  }
0x1ae: {  	_ =	swait.ge [sflag:s23], $0x4000  }
0x1af: {  	[sflag:s23] =	ssyncset.done $0x0  }
0x1b0: {  	s1 =	simm.s32 $0x100;
	[sflag:s23] =	ssyncadd.s32 $0xFFFFC000  }
0x1b1: {  	[tilespmem:s17], [sflag:$0x1] =	stream.indirect.gather [hbm4b:s2+s20], $0x80, s1, s20, $0xb8;
	[tilespmem:$0x1D000] =	vst v63  }
0x1b2: {  	s0 =	simm.s32 $0x880  }
0x1b3: {  	[spmem:s3] =	stream.indirect.scatter.add.f32 [tilespmem:s22], [sflag:$0x3], $0x80, s0, s20, $0xb8;
	[tilespmem:$0x1D000] =	vst v63  }
0x1b4: {  	_ =	swait.ge [sflag:s18], $0x4000  }
0x1b5: {  	[sflag:s18] =	ssyncset.done $0x0  }
0x1b6: {  	[sflag:s18] =	ssyncadd.s32 $0xFFFFC000  }
0x1b7: {  	_ =	swait.ge [sflag:s21], $0x4000  }
0x1b8: {  	[sflag:s21] =	ssyncset.done $0x0  }
0x1b9: {  	s6 =	simm.s32 $0x180;
	[sflag:s21] =	ssyncadd.s32 $0xFFFFC000  }
0x1ba: {  	[tilespmem:s22], [sflag:$0x2] =	stream.indirect.gather [hbm4b:s2+s20], $0x80, s6, s20, $0xb8;
	[tilespmem:$0x1D000] =	vst v63  }
0x1bb: {  	s7 =	simm.s32 $0x900  }
0x1bc: {  	[spmem:s3] =	stream.indirect.scatter.add.f32 [tilespmem:s17], [sflag:$0x3], $0x80, s7, s20, $0xb8;
	[tilespmem:$0x1D000] =	vst v63  }
0x1bd: {  	_ =	swait.ge [sflag:s18], $0x4000  }
0x1be: {  	[sflag:s18] =	ssyncset.done $0x0  }
0x1bf: {  	[sflag:s18] =	ssyncadd.s32 $0xFFFFC000  }
0x1c0: {  	_ =	swait.ge [sflag:s23], $0x4000  }
0x1c1: {  	[sflag:s23] =	ssyncset.done $0x0  }
0x1c2: {  	s8 =	simm.s32 $0x200;
	[sflag:s23] =	ssyncadd.s32 $0xFFFFC000  }
0x1c3: {  	[tilespmem:s17], [sflag:$0x1] =	stream.indirect.gather [hbm4b:s2+s20], $0x80, s8, s20, $0xb8;
	[tilespmem:$0x1D000] =	vst v63  }
0x1c4: {  	s9 =	simm.s32 $0x980  }
0x1c5: {  	[spmem:s3] =	stream.indirect.scatter.add.f32 [tilespmem:s22], [sflag:$0x3], $0x80, s9, s20, $0xb8;
	[tilespmem:$0x1D000] =	vst v63  }
0x1c6: {  	_ =	swait.ge [sflag:s18], $0x4000  }
0x1c7: {  	[sflag:s18] =	ssyncset.done $0x0  }
0x1c8: {  	[sflag:s18] =	ssyncadd.s32 $0xFFFFC000  }
0x1c9: {  	_ =	swait.ge [sflag:s21], $0x4000  }
0x1ca: {  	[sflag:s21] =	ssyncset.done $0x0  }
0x1cb: {  	s10 =	simm.s32 $0x280;
	[sflag:s21] =	ssyncadd.s32 $0xFFFFC000  }
0x1cc: {  	[tilespmem:s22], [sflag:$0x2] =	stream.indirect.gather [hbm4b:s2+s20], $0x80, s10, s20, $0xb8;
	[tilespmem:$0x1D000] =	vst v63  }
0x1cd: {  	s11 =	simm.s32 $0xA00  }
0x1ce: {  	[spmem:s3] =	stream.indirect.scatter.add.f32 [tilespmem:s17], [sflag:$0x3], $0x80, s11, s20, $0xb8;
	[tilespmem:$0x1D000] =	vst v63  }
0x1cf: {  	_ =	swait.ge [sflag:s18], $0x4000  }
0x1d0: {  	[sflag:s18] =	ssyncset.done $0x0  }
0x1d1: {  	[sflag:s18] =	ssyncadd.s32 $0xFFFFC000  }
0x1d2: {  	_ =	swait.ge [sflag:s23], $0x4000  }
0x1d3: {  	[sflag:s23] =	ssyncset.done $0x0  }
0x1d4: {  	s12 =	simm.s32 $0x300;
	[sflag:s23] =	ssyncadd.s32 $0xFFFFC000  }
0x1d5: {  	[tilespmem:s17], [sflag:$0x1] =	stream.indirect.gather [hbm4b:s2+s20], $0x80, s12, s20, $0xb8;
	[tilespmem:$0x1D000] =	vst v63  }
0x1d6: {  	s15 =	simm.s32 $0xA80  }
0x1d7: {  	[spmem:s3] =	stream.indirect.scatter.add.f32 [tilespmem:s22], [sflag:$0x3], $0x80, s15, s20, $0xb8;
	[tilespmem:$0x1D000] =	vst v63  }
0x1d8: {  	_ =	swait.ge [sflag:s18], $0x4000  }
0x1d9: {  	[sflag:s18] =	ssyncset.done $0x0  }
0x1da: {  	[sflag:s18] =	ssyncadd.s32 $0xFFFFC000  }
0x1db: {  	_ =	swait.ge [sflag:s21], $0x4000  }
0x1dc: {  	[sflag:s21] =	ssyncset.done $0x0  }
0x1dd: {  	s16 =	simm.s32 $0x380;
	[sflag:s21] =	ssyncadd.s32 $0xFFFFC000  }
0x1de: {  	[tilespmem:s22], [sflag:$0x2] =	stream.indirect.gather [hbm4b:s2+s20], $0x80, s16, s20, $0xb8;
	[tilespmem:$0x1D000] =	vst v63  }
0x1df: {  	s24 =	simm.s32 $0xB00  }
0x1e0: {  	[spmem:s3] =	stream.indirect.scatter.add.f32 [tilespmem:s17], [sflag:$0x3], $0x80, s24, s20, $0xb8;
	[tilespmem:$0x1D000] =	vst v63  }
0x1e1: {  	_ =	swait.ge [sflag:s18], $0x4000  }
0x1e2: {  	[sflag:s18] =	ssyncset.done $0x0  }
0x1e3: {  	[sflag:s18] =	ssyncadd.s32 $0xFFFFC000  }
0x1e4: {  	_ =	swait.ge [sflag:s23], $0x4000  }
0x1e5: {  	[sflag:s23] =	ssyncset.done $0x0  }
0x1e6: {  	s25 =	simm.s32 $0x400;
	[sflag:s23] =	ssyncadd.s32 $0xFFFFC000  }
0x1e7: {  	[tilespmem:s17], [sflag:$0x1] =	stream.indirect.gather [hbm4b:s2+s20], $0x80, s25, s20, $0xb8;
	[tilespmem:$0x1D000] =	vst v63  }
0x1e8: {  	s26 =	simm.s32 $0xB80  }
0x1e9: {  	[spmem:s3] =	stream.indirect.scatter.add.f32 [tilespmem:s22], [sflag:$0x3], $0x80, s26, s20, $0xb8;
	[tilespmem:$0x1D000] =	vst v63  }
0x1ea: {  	_ =	swait.ge [sflag:s18], $0x4000  }
0x1eb: {  	[sflag:s18] =	ssyncset.done $0x0  }
0x1ec: {  	[sflag:s18] =	ssyncadd.s32 $0xFFFFC000  }
0x1ed: {  	_ =	swait.ge [sflag:s21], $0x4000  }
0x1ee: {  	[sflag:s21] =	ssyncset.done $0x0  }
0x1ef: {  	s0 =	simm.s32 $0x480;
	[sflag:s21] =	ssyncadd.s32 $0xFFFFC000  }
0x1f0: {  	[tilespmem:s22], [sflag:$0x2] =	stream.indirect.gather [hbm4b:s2+s20], $0x80, s0, s20, $0xb8;
	[tilespmem:$0x1D000] =	vst v63  }
0x1f1: {  	s1 =	simm.s32 $0xC00  }
0x1f2: {  	[spmem:s3] =	stream.indirect.scatter.add.f32 [tilespmem:s17], [sflag:$0x3], $0x80, s1, s20, $0xb8;
	[tilespmem:$0x1D000] =	vst v63  }
0x1f3: {  	_ =	swait.ge [sflag:s18], $0x4000  }
0x1f4: {  	[sflag:s18] =	ssyncset.done $0x0  }
0x1f5: {  	[sflag:s18] =	ssyncadd.s32 $0xFFFFC000  }
0x1f6: {  	_ =	swait.ge [sflag:s23], $0x4000  }
0x1f7: {  	[sflag:s23] =	ssyncset.done $0x0  }
0x1f8: {  	s8 =	simm.s32 $0x500;
	[sflag:s23] =	ssyncadd.s32 $0xFFFFC000  }
0x1f9: {  	[tilespmem:s17], [sflag:$0x1] =	stream.indirect.gather [hbm4b:s2+s20], $0x80, s8, s20, $0xb8;
	[tilespmem:$0x1D000] =	vst v63  }
0x1fa: {  	s10 =	simm.s32 $0xC80  }
0x1fb: {  	[spmem:s3] =	stream.indirect.scatter.add.f32 [tilespmem:s22], [sflag:$0x3], $0x80, s10, s20, $0xb8;
	[tilespmem:$0x1D000] =	vst v63  }
0x1fc: {  	_ =	swait.ge [sflag:s18], $0x4000  }
0x1fd: {  	[sflag:s18] =	ssyncset.done $0x0  }
0x1fe: {  	[sflag:s18] =	ssyncadd.s32 $0xFFFFC000  }
0x1ff: {  	_ =	swait.ge [sflag:s21], $0x4000  }
0x200: {  	[sflag:s21] =	ssyncset.done $0x0  }
0x201: {  	s11 =	simm.s32 $0x580;
	[sflag:s21] =	ssyncadd.s32 $0xFFFFC000  }
0x202: {  	[tilespmem:s22], [sflag:$0x2] =	stream.indirect.gather [hbm4b:s2+s20], $0x80, s11, s20, $0xb8;
	[tilespmem:$0x1D000] =	vst v63  }
0x203: {  	s9 =	simm.s32 $0xD00  }
0x204: {  	[spmem:s3] =	stream.indirect.scatter.add.f32 [tilespmem:s17], [sflag:$0x3], $0x80, s9, s20, $0xb8;
	[tilespmem:$0x1D000] =	vst v63  }
0x205: {  	_ =	swait.ge [sflag:s18], $0x4000  }
0x206: {  	[sflag:s18] =	ssyncset.done $0x0  }
0x207: {  	[sflag:s18] =	ssyncadd.s32 $0xFFFFC000  }
0x208: {  	_ =	swait.ge [sflag:s23], $0x4000  }
0x209: {  	[sflag:s23] =	ssyncset.done $0x0  }
0x20a: {  	s6 =	simm.s32 $0x600;
	[sflag:s23] =	ssyncadd.s32 $0xFFFFC000  }
0x20b: {  	[tilespmem:s17], [sflag:$0x1] =	stream.indirect.gather [hbm4b:s2+s20], $0x80, s6, s20, $0xb8;
	[tilespmem:$0x1D000] =	vst v63  }
0x20c: {  	s15 =	simm.s32 $0xD80  }
0x20d: {  	[spmem:s3] =	stream.indirect.scatter.add.f32 [tilespmem:s22], [sflag:$0x3], $0x80, s15, s20, $0xb8;
	[tilespmem:$0x1D000] =	vst v63  }
0x20e: {  	_ =	swait.ge [sflag:s18], $0x4000  }
0x20f: {  	[sflag:s18] =	ssyncset.done $0x0  }
0x210: {  	[sflag:s18] =	ssyncadd.s32 $0xFFFFC000  }
0x211: {  	_ =	swait.ge [sflag:s21], $0x4000  }
0x212: {  	[sflag:s21] =	ssyncset.done $0x0  }
0x213: {  	s16 =	simm.s32 $0x680;
	[sflag:s21] =	ssyncadd.s32 $0xFFFFC000  }
0x214: {  	[tilespmem:s22], [sflag:$0x2] =	stream.indirect.gather [hbm4b:s2+s20], $0x80, s16, s20, $0xb8;
	[tilespmem:$0x1D000] =	vst v63  }
0x215: {  	s24 =	simm.s32 $0xE00  }
0x216: {  	[spmem:s3] =	stream.indirect.scatter.add.f32 [tilespmem:s17], [sflag:$0x3], $0x80, s24, s20, $0xb8;
	[tilespmem:$0x1D000] =	vst v63  }
0x217: {  	_ =	swait.ge [sflag:s18], $0x4000  }
0x218: {  	[sflag:s18] =	ssyncset.done $0x0  }
0x219: {  	[sflag:s18] =	ssyncadd.s32 $0xFFFFC000  }
0x21a: {  	_ =	swait.ge [sflag:s23], $0x4000  }
0x21b: {  	[sflag:s23] =	ssyncset.done $0x0  }
0x21c: {  	s25 =	simm.s32 $0x700;
	[sflag:s23] =	ssyncadd.s32 $0xFFFFC000  }
0x21d: {  	[tilespmem:s17], [sflag:$0x1] =	stream.indirect.gather [hbm4b:s2+s20], $0x80, s25, s20, $0xb8;
	[tilespmem:$0x1D000] =	vst v63  }
0x21e: {  	s26 =	simm.s32 $0xE80  }
0x21f: {  	[spmem:s3] =	stream.indirect.scatter.add.f32 [tilespmem:s22], [sflag:$0x3], $0x80, s26, s20, $0xb8;
	[tilespmem:$0x1D000] =	vst v63  }
0x220: {  	_ =	swait.ge [sflag:s18], $0x4000  }
0x221: {  	[sflag:s18] =	ssyncset.done $0x0  }
0x222: {  	[sflag:s18] =	ssyncadd.s32 $0xFFFFC000  }
0x223: {  	_ =	swait.ge [sflag:s21], $0x4000  }
0x224: {  	[sflag:s21] =	ssyncset.done $0x0  }
0x225: {  	[sflag:s21] =	ssyncadd.s32 $0xFFFFC000  }
0x226: {  	[tilespmem:s22], [sflag:$0x2] =	stream.indirect.gather [hbm4b:s2+s20], $0x80, s31, s20, $0xb8;
	[tilespmem:$0x1D000] =	vst v63  }
0x227: {  	s28 =	simm.s32 $0xF00  }
0x228: {  	[spmem:s3] =	stream.indirect.scatter.add.f32 [tilespmem:s17], [sflag:$0x3], $0x80, s28, s20, $0xb8;
	[tilespmem:$0x1D000] =	vst v63  }
0x229: {  	_ =	swait.ge [sflag:s18], $0x4000  }
0x22a: {  	[sflag:s18] =	ssyncset.done $0x0  }
0x22b: {  	[sflag:s18] =	ssyncadd.s32 $0xFFFFC000  }
0x22c: {  	_ =	swait.ge [sflag:s23], $0x4000  }
0x22d: {  	[sflag:s23] =	ssyncset.done $0x0  }
0x22e: {  	[sflag:s23] =	ssyncadd.s32 $0xFFFFC000  }
0x22f: {  	[tilespmem:s17], [sflag:$0x1] =	stream.indirect.gather [hbm4b:s2+s20], $0x80, s31, s20, $0xb8;
	[tilespmem:$0x1D000] =	vst v63  }
0x230: {  	s29 =	simm.s32 $0xF80  }
0x231: {  	[spmem:s3] =	stream.indirect.scatter.add.f32 [tilespmem:s22], [sflag:$0x3], $0x80, s29, s20, $0xb8;
	[tilespmem:$0x1D000] =	vst v63  }
0x232: {  	_ =	swait.ge [sflag:s18], $0x4000  }
.Ltmp4:
0x233: {  	[sflag:s18] =	ssyncset.done $0x0;
	(pc) =	sbr.rel @!p0 .LBB2_9-.Ltmp4, $4  }
0x234: {  	[sflag:s18] =	ssyncadd.s32 $0xFFFFC000  }
0x235: {  	_ =	swait.ge [sflag:s21], $0x4000  }
0x236: {  	s30 =	rddreg [dreg:$0x7]  }
0x237: {  	s7 =	simm.s32 $0x100;
	[sflag:s21] =	ssyncset.done $0x0;
	s12 =	sadd.s32 $0xFFFFFFFF, s30  }
.LBB2_8:
0x238: {  	[sflag:s21] =	ssyncadd.s32 $0xFFFFC000;
	s13 =	sadd.s32 $0x100, s13;
	s14 =	sadd.s32 $0x100, s14  }
0x239: {  	[tilespmem:s4], [sflag:$0x3] =	stream.linear.gather [hbm4b:s13+s4], $0x800, $0x38;
	[tilespmem:$0x1D000] =	vst v63  }
0x23a: {  	p0 =	sne.s32 s12, $0x1;
	s12 =	sadd.s32 $0xFFFFFFFF, s12;
	_ =	swait.ge [sflag:s18], $0x800  }
0x23b: {  	[sflag:s18] =	ssyncset.done $0x0  }
0x23c: {  	[sflag:s18] =	ssyncadd.s32 $0xFFFFF800  }
0x23d: {  	[tilespmem:s19], [sflag:$0x3] =	stream.linear.gather [hbm4b:s14+s4], $0x800, $0x38;
	[tilespmem:$0x1D000] =	vst v63  }
0x23e: {  	_ =	swait.ge [sflag:s18], $0x800  }
0x23f: {  	[sflag:s18] =	ssyncset.done $0x0  }
0x240: {  	[sflag:s18] =	ssyncadd.s32 $0xFFFFF800  }
0x241: {  	[tilespmem:s17], [sflag:$0x1] =	stream.indirect.gather [hbm4b:s2+s20], $0x80, s4, s20, $0xb8;
	[tilespmem:$0x1D000] =	vst v63  }
0x242: {  	_ =	swait.ge [sflag:s21], $0x4000  }
0x243: {  	[sflag:s21] =	ssyncset.done $0x0  }
0x244: {  	[sflag:s21] =	ssyncadd.s32 $0xFFFFC000  }
0x245: {  	[tilespmem:s22], [sflag:$0x2] =	stream.indirect.gather [hbm4b:s2+s20], $0x80, s20, s20, $0xb8;
	[tilespmem:$0x1D000] =	vst v63  }
0x246: {  	_ = 	snop  }
0x247: {  	[spmem:s3] =	stream.indirect.scatter.add.f32 [tilespmem:s17], [sflag:$0x3], $0x80, s19, s20, $0xb8;
	[tilespmem:$0x1D000] =	vst v63  }
0x248: {  	_ =	swait.ge [sflag:s18], $0x4000  }
0x249: {  	[sflag:s18] =	ssyncset.done $0x0  }
0x24a: {  	[sflag:s18] =	ssyncadd.s32 $0xFFFFC000  }
0x24b: {  	_ =	swait.ge [sflag:s23], $0x4000  }
0x24c: {  	[sflag:s23] =	ssyncset.done $0x0  }
0x24d: {  	[sflag:s23] =	ssyncadd.s32 $0xFFFFC000  }
0x24e: {  	[tilespmem:s17], [sflag:$0x1] =	stream.indirect.gather [hbm4b:s2+s20], $0x80, s7, s20, $0xb8;
	[tilespmem:$0x1D000] =	vst v63  }
0x24f: {  	s30 =	simm.s32 $0x880  }
0x250: {  	[spmem:s3] =	stream.indirect.scatter.add.f32 [tilespmem:s22], [sflag:$0x3], $0x80, s30, s20, $0xb8;
	[tilespmem:$0x1D000] =	vst v63  }
0x251: {  	_ =	swait.ge [sflag:s18], $0x4000  }
0x252: {  	[sflag:s18] =	ssyncset.done $0x0  }
0x253: {  	[sflag:s18] =	ssyncadd.s32 $0xFFFFC000  }
0x254: {  	_ =	swait.ge [sflag:s21], $0x4000  }
0x255: {  	[sflag:s21] =	ssyncset.done $0x0  }
0x256: {  	s30 =	simm.s32 $0x180;
	[sflag:s21] =	ssyncadd.s32 $0xFFFFC000  }
0x257: {  	[tilespmem:s22], [sflag:$0x2] =	stream.indirect.gather [hbm4b:s2+s20], $0x80, s30, s20, $0xb8;
	[tilespmem:$0x1D000] =	vst v63  }
0x258: {  	s30 =	simm.s32 $0x900  }
0x259: {  	[spmem:s3] =	stream.indirect.scatter.add.f32 [tilespmem:s17], [sflag:$0x3], $0x80, s30, s20, $0xb8;
	[tilespmem:$0x1D000] =	vst v63  }
0x25a: {  	_ =	swait.ge [sflag:s18], $0x4000  }
0x25b: {  	[sflag:s18] =	ssyncset.done $0x0  }
0x25c: {  	[sflag:s18] =	ssyncadd.s32 $0xFFFFC000  }
0x25d: {  	_ =	swait.ge [sflag:s23], $0x4000  }
0x25e: {  	[sflag:s23] =	ssyncset.done $0x0  }
0x25f: {  	s30 =	simm.s32 $0x200;
	[sflag:s23] =	ssyncadd.s32 $0xFFFFC000  }
0x260: {  	[tilespmem:s17], [sflag:$0x1] =	stream.indirect.gather [hbm4b:s2+s20], $0x80, s30, s20, $0xb8;
	[tilespmem:$0x1D000] =	vst v63  }
0x261: {  	s30 =	simm.s32 $0x980  }
0x262: {  	[spmem:s3] =	stream.indirect.scatter.add.f32 [tilespmem:s22], [sflag:$0x3], $0x80, s30, s20, $0xb8;
	[tilespmem:$0x1D000] =	vst v63  }
0x263: {  	_ =	swait.ge [sflag:s18], $0x4000  }
0x264: {  	[sflag:s18] =	ssyncset.done $0x0  }
0x265: {  	[sflag:s18] =	ssyncadd.s32 $0xFFFFC000  }
0x266: {  	_ =	swait.ge [sflag:s21], $0x4000  }
0x267: {  	[sflag:s21] =	ssyncset.done $0x0  }
0x268: {  	s30 =	simm.s32 $0x280;
	[sflag:s21] =	ssyncadd.s32 $0xFFFFC000  }
0x269: {  	[tilespmem:s22], [sflag:$0x2] =	stream.indirect.gather [hbm4b:s2+s20], $0x80, s30, s20, $0xb8;
	[tilespmem:$0x1D000] =	vst v63  }
0x26a: {  	s30 =	simm.s32 $0xA00  }
0x26b: {  	[spmem:s3] =	stream.indirect.scatter.add.f32 [tilespmem:s17], [sflag:$0x3], $0x80, s30, s20, $0xb8;
	[tilespmem:$0x1D000] =	vst v63  }
0x26c: {  	_ =	swait.ge [sflag:s18], $0x4000  }
0x26d: {  	[sflag:s18] =	ssyncset.done $0x0  }
0x26e: {  	[sflag:s18] =	ssyncadd.s32 $0xFFFFC000  }
0x26f: {  	_ =	swait.ge [sflag:s23], $0x4000  }
0x270: {  	[sflag:s23] =	ssyncset.done $0x0  }
0x271: {  	s30 =	simm.s32 $0x300;
	[sflag:s23] =	ssyncadd.s32 $0xFFFFC000  }
0x272: {  	[tilespmem:s17], [sflag:$0x1] =	stream.indirect.gather [hbm4b:s2+s20], $0x80, s30, s20, $0xb8;
	[tilespmem:$0x1D000] =	vst v63  }
0x273: {  	s30 =	simm.s32 $0xA80  }
0x274: {  	[spmem:s3] =	stream.indirect.scatter.add.f32 [tilespmem:s22], [sflag:$0x3], $0x80, s30, s20, $0xb8;
	[tilespmem:$0x1D000] =	vst v63  }
0x275: {  	_ =	swait.ge [sflag:s18], $0x4000  }
0x276: {  	[sflag:s18] =	ssyncset.done $0x0  }
0x277: {  	[sflag:s18] =	ssyncadd.s32 $0xFFFFC000  }
0x278: {  	_ =	swait.ge [sflag:s21], $0x4000  }
0x279: {  	[sflag:s21] =	ssyncset.done $0x0  }
0x27a: {  	s30 =	simm.s32 $0x380;
	[sflag:s21] =	ssyncadd.s32 $0xFFFFC000  }
0x27b: {  	[tilespmem:s22], [sflag:$0x2] =	stream.indirect.gather [hbm4b:s2+s20], $0x80, s30, s20, $0xb8;
	[tilespmem:$0x1D000] =	vst v63  }
0x27c: {  	s30 =	simm.s32 $0xB00  }
0x27d: {  	[spmem:s3] =	stream.indirect.scatter.add.f32 [tilespmem:s17], [sflag:$0x3], $0x80, s30, s20, $0xb8;
	[tilespmem:$0x1D000] =	vst v63  }
0x27e: {  	_ =	swait.ge [sflag:s18], $0x4000  }
0x27f: {  	[sflag:s18] =	ssyncset.done $0x0  }
0x280: {  	[sflag:s18] =	ssyncadd.s32 $0xFFFFC000  }
0x281: {  	_ =	swait.ge [sflag:s23], $0x4000  }
0x282: {  	[sflag:s23] =	ssyncset.done $0x0  }
0x283: {  	s30 =	simm.s32 $0x400;
	[sflag:s23] =	ssyncadd.s32 $0xFFFFC000  }
0x284: {  	[tilespmem:s17], [sflag:$0x1] =	stream.indirect.gather [hbm4b:s2+s20], $0x80, s30, s20, $0xb8;
	[tilespmem:$0x1D000] =	vst v63  }
0x285: {  	s30 =	simm.s32 $0xB80  }
0x286: {  	[spmem:s3] =	stream.indirect.scatter.add.f32 [tilespmem:s22], [sflag:$0x3], $0x80, s30, s20, $0xb8;
	[tilespmem:$0x1D000] =	vst v63  }
0x287: {  	_ =	swait.ge [sflag:s18], $0x4000  }
0x288: {  	[sflag:s18] =	ssyncset.done $0x0  }
0x289: {  	[sflag:s18] =	ssyncadd.s32 $0xFFFFC000  }
0x28a: {  	_ =	swait.ge [sflag:s21], $0x4000  }
0x28b: {  	[sflag:s21] =	ssyncset.done $0x0  }
0x28c: {  	[sflag:s21] =	ssyncadd.s32 $0xFFFFC000  }
0x28d: {  	[tilespmem:s22], [sflag:$0x2] =	stream.indirect.gather [hbm4b:s2+s20], $0x80, s0, s20, $0xb8;
	[tilespmem:$0x1D000] =	vst v63  }
0x28e: {  	_ = 	snop  }
0x28f: {  	[spmem:s3] =	stream.indirect.scatter.add.f32 [tilespmem:s17], [sflag:$0x3], $0x80, s1, s20, $0xb8;
	[tilespmem:$0x1D000] =	vst v63  }
0x290: {  	_ =	swait.ge [sflag:s18], $0x4000  }
0x291: {  	[sflag:s18] =	ssyncset.done $0x0  }
0x292: {  	[sflag:s18] =	ssyncadd.s32 $0xFFFFC000  }
0x293: {  	_ =	swait.ge [sflag:s23], $0x4000  }
0x294: {  	[sflag:s23] =	ssyncset.done $0x0  }
0x295: {  	[sflag:s23] =	ssyncadd.s32 $0xFFFFC000  }
0x296: {  	[tilespmem:s17], [sflag:$0x1] =	stream.indirect.gather [hbm4b:s2+s20], $0x80, s8, s20, $0xb8;
	[tilespmem:$0x1D000] =	vst v63  }
0x297: {  	_ = 	snop  }
0x298: {  	[spmem:s3] =	stream.indirect.scatter.add.f32 [tilespmem:s22], [sflag:$0x3], $0x80, s10, s20, $0xb8;
	[tilespmem:$0x1D000] =	vst v63  }
0x299: {  	_ =	swait.ge [sflag:s18], $0x4000  }
0x29a: {  	[sflag:s18] =	ssyncset.done $0x0  }
0x29b: {  	[sflag:s18] =	ssyncadd.s32 $0xFFFFC000  }
0x29c: {  	_ =	swait.ge [sflag:s21], $0x4000  }
0x29d: {  	[sflag:s21] =	ssyncset.done $0x0  }
0x29e: {  	[sflag:s21] =	ssyncadd.s32 $0xFFFFC000  }
0x29f: {  	[tilespmem:s22], [sflag:$0x2] =	stream.indirect.gather [hbm4b:s2+s20], $0x80, s11, s20, $0xb8;
	[tilespmem:$0x1D000] =	vst v63  }
0x2a0: {  	_ = 	snop  }
0x2a1: {  	[spmem:s3] =	stream.indirect.scatter.add.f32 [tilespmem:s17], [sflag:$0x3], $0x80, s9, s20, $0xb8;
	[tilespmem:$0x1D000] =	vst v63  }
0x2a2: {  	_ =	swait.ge [sflag:s18], $0x4000  }
0x2a3: {  	[sflag:s18] =	ssyncset.done $0x0  }
0x2a4: {  	[sflag:s18] =	ssyncadd.s32 $0xFFFFC000  }
0x2a5: {  	_ =	swait.ge [sflag:s23], $0x4000  }
0x2a6: {  	[sflag:s23] =	ssyncset.done $0x0  }
0x2a7: {  	[sflag:s23] =	ssyncadd.s32 $0xFFFFC000  }
0x2a8: {  	[tilespmem:s17], [sflag:$0x1] =	stream.indirect.gather [hbm4b:s2+s20], $0x80, s6, s20, $0xb8;
	[tilespmem:$0x1D000] =	vst v63  }
0x2a9: {  	_ = 	snop  }
0x2aa: {  	[spmem:s3] =	stream.indirect.scatter.add.f32 [tilespmem:s22], [sflag:$0x3], $0x80, s15, s20, $0xb8;
	[tilespmem:$0x1D000] =	vst v63  }
0x2ab: {  	_ =	swait.ge [sflag:s18], $0x4000  }
0x2ac: {  	[sflag:s18] =	ssyncset.done $0x0  }
0x2ad: {  	[sflag:s18] =	ssyncadd.s32 $0xFFFFC000  }
0x2ae: {  	_ =	swait.ge [sflag:s21], $0x4000  }
0x2af: {  	[sflag:s21] =	ssyncset.done $0x0  }
0x2b0: {  	[sflag:s21] =	ssyncadd.s32 $0xFFFFC000  }
0x2b1: {  	[tilespmem:s22], [sflag:$0x2] =	stream.indirect.gather [hbm4b:s2+s20], $0x80, s16, s20, $0xb8;
	[tilespmem:$0x1D000] =	vst v63  }
0x2b2: {  	_ = 	snop  }
0x2b3: {  	[spmem:s3] =	stream.indirect.scatter.add.f32 [tilespmem:s17], [sflag:$0x3], $0x80, s24, s20, $0xb8;
	[tilespmem:$0x1D000] =	vst v63  }
0x2b4: {  	_ =	swait.ge [sflag:s18], $0x4000  }
0x2b5: {  	[sflag:s18] =	ssyncset.done $0x0  }
0x2b6: {  	[sflag:s18] =	ssyncadd.s32 $0xFFFFC000  }
0x2b7: {  	_ =	swait.ge [sflag:s23], $0x4000  }
0x2b8: {  	[sflag:s23] =	ssyncset.done $0x0  }
0x2b9: {  	[sflag:s23] =	ssyncadd.s32 $0xFFFFC000  }
0x2ba: {  	[tilespmem:s17], [sflag:$0x1] =	stream.indirect.gather [hbm4b:s2+s20], $0x80, s25, s20, $0xb8;
	[tilespmem:$0x1D000] =	vst v63  }
0x2bb: {  	_ = 	snop  }
0x2bc: {  	[spmem:s3] =	stream.indirect.scatter.add.f32 [tilespmem:s22], [sflag:$0x3], $0x80, s26, s20, $0xb8;
	[tilespmem:$0x1D000] =	vst v63  }
0x2bd: {  	_ =	swait.ge [sflag:s18], $0x4000  }
0x2be: {  	[sflag:s18] =	ssyncset.done $0x0  }
0x2bf: {  	[sflag:s18] =	ssyncadd.s32 $0xFFFFC000  }
0x2c0: {  	_ =	swait.ge [sflag:s21], $0x4000  }
0x2c1: {  	[sflag:s21] =	ssyncset.done $0x0  }
0x2c2: {  	[sflag:s21] =	ssyncadd.s32 $0xFFFFC000  }
0x2c3: {  	[tilespmem:s22], [sflag:$0x2] =	stream.indirect.gather [hbm4b:s2+s20], $0x80, s31, s20, $0xb8;
	[tilespmem:$0x1D000] =	vst v63  }
0x2c4: {  	_ = 	snop  }
0x2c5: {  	[spmem:s3] =	stream.indirect.scatter.add.f32 [tilespmem:s17], [sflag:$0x3], $0x80, s28, s20, $0xb8;
	[tilespmem:$0x1D000] =	vst v63  }
0x2c6: {  	_ =	swait.ge [sflag:s18], $0x4000  }
0x2c7: {  	[sflag:s18] =	ssyncset.done $0x0  }
0x2c8: {  	[sflag:s18] =	ssyncadd.s32 $0xFFFFC000  }
0x2c9: {  	_ =	swait.ge [sflag:s23], $0x4000  }
0x2ca: {  	[sflag:s23] =	ssyncset.done $0x0  }
0x2cb: {  	[sflag:s23] =	ssyncadd.s32 $0xFFFFC000  }
0x2cc: {  	[tilespmem:s17], [sflag:$0x1] =	stream.indirect.gather [hbm4b:s2+s20], $0x80, s31, s20, $0xb8;
	[tilespmem:$0x1D000] =	vst v63  }
0x2cd: {  	_ = 	snop  }
0x2ce: {  	[spmem:s3] =	stream.indirect.scatter.add.f32 [tilespmem:s22], [sflag:$0x3], $0x80, s29, s20, $0xb8;
	[tilespmem:$0x1D000] =	vst v63  }
.Ltmp5:
0x2cf: {  	_ =	swait.ge [sflag:s18], $0x4000;
	(pc) =	sbr.rel @p0 .LBB2_8-.Ltmp5, $4  }
0x2d0: {  	[sflag:s18] =	ssyncset.done $0x0  }
0x2d1: {  	[sflag:s18] =	ssyncadd.s32 $0xFFFFC000  }
0x2d2: {  	_ =	swait.ge [sflag:s21], $0x4000  }
0x2d3: {  	[sflag:s21] =	ssyncset.done $0x0  }
.LBB2_9:
0x2d4: {  	[sflag:s21] =	ssyncadd.s32 $0xFFFFC000  }
0x2d5: {  	[bflag:$0x0] =	sbarrier.arrive $0xFFFF  }
0x2d6: {  	s7 =	rddreg [dreg:$0xb]  }
0x2d7: {  	s0 =	rddreg [dreg:$0x10]  }
0x2d8: {  	s1 =	rddreg [dreg:$0x11]  }
0x2d9: {  	[hbm:s7], [sflag:s0] =	dma.local [spmem:s1], $0x2800  }
0x2da: {  	_ =	swait.ge [sflag:s18], $0x2800  }
0x2db: {  	s29 =	rddreg [dreg:$0xf]  }
0x2dc: {  	s30 =	rddreg [dreg:$0xc];
	s0 =	sadd.s32 $0x1, s29  }
0x2dd: {  	p0 =	sne.s32 s0, s30  }
.Ltmp6:
0x2de: {  	_ = 	snop;
	(pc) =	sbr.rel @p0 .LBB2_1-.Ltmp6, $3  }
0x2df: {  	[sflag:s18] =	ssyncset.done $0x0  }
0x2e0: {  	[sflag:s18] =	ssyncadd.s32 $0xFFFFD800  }
0x2e1: {  	[bflag:$0x0] =	sbarrier.arrive $0xFFFF;
	_ =	sdelay $0x1  }
0x2e2: {  	_ =	sfence.sel $0x180000  }
0x2e3: {  	[bflag:$0x0] =	sbarrier.arrive $0xFFFF  }
0x2e4: {  	_ =	strace $0x9000004A  }
0x2e5: {  	s0 =	stileid.u32;
	[bflag:$0x2] =	sbarrier.arrive $0xFFFF  }
0x2e6: {  	p0 =	sne.s32 s0, $0x0;
	s0 =	rddreg [dreg:$0x3]  }
0x2e7: {  	s0 =	sadd.s32 @!p0 $0x100000, s0  }
0x2e8: {  	[sflag:s0] =	ssyncadd.tile.s32 @!p0 $0x1;
	_ =	shalt  }
.Lfunc_end2:
_tile_overlayer_lowered:
.L_overlay_start_2:
0x2e9: {  	(tag) =	ssettag $0x2  }
0x2ea: {  	s0 =	rddreg [dreg:$0x0];
	s2 =	stileid.u32  }
0x2eb: {  	s1 =	rddreg [dreg:$0x1];
	p0 =	sne.s32 s2, $0x0  }
0x2ec: {  	s3 =	rddreg [dreg:$0x2];
	[bflag:$0x3] =	sbarrier.arrive $0xFFFF;
	s2 =	simm.s32 @!p0 $0x1C03  }
0x2ed: {  	[timem:s3], [sflag:s2] =	dma.local @!p0 [hbm:s0], s1  }
0x2ee: {  	s0 =	simm.s32 @!p0 $0x3  }
0x2ef: {  	_ =	swait.ge @!p0 [sflag:s0], s1  }
0x2f0: {  	s1 =	ssub.s32 @!p0 $0x0, s1;
	[sflag:s0] =	ssyncset.done @!p0 $0x0  }
0x2f1: {  	[sflag:s0] =	ssyncadd.s32 @!p0 s1  }
0x2f2: {  	[bflag:$0x3] =	sbarrier.arrive $0xFFFF  }
0x2f3: {  	_ =	shalt  }

</sc_bundles>
